<compile_context>
chip_gen: v7x
topology: tpu7x:2x2x1
jax: 0.10.2.dev20260603
libtpu: 0.0.44.dev20260713+nightly
codegen_flags: <defaults>
</compile_context>

<pallas_src>
import jax
import jax.numpy as jnp
from jax import lax
from jax.experimental import pallas as pl
from jax.experimental.pallas import tpu as pltpu
from jax.experimental.pallas import tpu_sc as plsc

N = 10000
K = 32
DIN = 128
DOUT = 128
H = DOUT // 2
EPS = 1e-5
XD = 16
TD = DOUT + 2 * H

E = N * K
NC = 2
NS = 16
NW = NC * NS
CHUNK = 80
NSLOT = 4

SLICES = 5
NSL = N // SLICES
ESL = NSL * K

R = 200

_SQRT_2_OVER_PI = 0.7978845608028654


def _table_body(x_ref, xyzp_ref, wp_ref, w1p_ref, w2_ref, o_ref, ob_ref):
    xp = lax.dot_general(x_ref[...], wp_ref[...], (((1,), (1,)), ((), ())),
                         preferred_element_type=jnp.float32)
    q = lax.dot_general(xyzp_ref[...], w1p_ref[...], (((1,), (0,)), ((), ())),
                        preferred_element_type=jnp.float32)
    r = lax.dot_general(q, w2_ref[...], (((1,), (1,)), ((), ())),
                        preferred_element_type=jnp.float32)
    o_ref[...] = jnp.concatenate([xp, q, r], axis=1)
    xb = lax.bitcast_convert_type(xp.astype(jnp.bfloat16), jnp.uint16)
    qrb = lax.bitcast_convert_type(
        jnp.concatenate([q, r], axis=1).astype(jnp.bfloat16), jnp.uint16)
    ob_ref[...] = (qrb.astype(jnp.uint32) << 16) | xb.astype(jnp.uint32)


def _sc_gather_body(tab_hbm, idx_hbm, g_hbm, idx_all,
                    r0, r1, r2, r3, sga, sgb, sgc, sgd, soa, sob, soc, sod):
    rows = (r0, r1, r2, r3)
    sg = (sga, sgb, sgc, sgd)
    so = (soa, sob, soc, sod)
    epw = ESL // NW
    nfull = epw // CHUNK
    assert nfull * CHUNK == epw and nfull >= NSLOT
    wid = lax.axis_index("s") * NC + lax.axis_index("c")
    base = wid * epw

    def out_off(c):
        return pl.multiple_of(base + c * CHUNK, 8)

    def idx_slice(c):
        return idx_all.at[pl.ds(pl.multiple_of(c * CHUNK, 8), CHUNK)]

    def issue_gather(c, p):
        pltpu.async_copy(tab_hbm.at[idx_slice(c)], rows[p], sg[p])

    def wait_gather(p):
        pltpu.make_async_copy(tab_hbm.at[idx_slice(0)], rows[p], sg[p]).wait()

    def issue_out(c, p):
        pltpu.async_copy(rows[p], g_hbm.at[pl.ds(out_off(c), CHUNK)], so[p])

    def wait_out(p):
        pltpu.make_async_copy(rows[p], g_hbm.at[pl.ds(0, CHUNK)], so[p]).wait()

    pltpu.sync_copy(idx_hbm.at[pl.ds(base, epw)], idx_all)
    issue_gather(0, 0)
    issue_gather(1, 1)

    LA = NSLOT - 2

    def step(c, p):
        c = jnp.asarray(c, jnp.int32)
        wait_gather(p)
        issue_out(c, p)
        cn = c + LA
        @pl.when(cn < nfull)
        def _():
            pn = (p + LA) % NSLOT
            @pl.when(c >= NSLOT - LA)
            def _():
                wait_out(pn)
            issue_gather(cn, pn)

    nbody = nfull // NSLOT

    def body(t, carry):
        for j in range(NSLOT):
            step(NSLOT * t + j, j)
        return carry

    lax.fori_loop(0, nbody, body, 0)
    for c in range(nbody * NSLOT, nfull):
        step(c, c % NSLOT)
    for c in range(nfull - NSLOT, nfull):
        wait_out(c % NSLOT)


def _fused_body(g_ref, t_ref, b1_ref, w2_ref, b2_ref, w3a_ref, b3a_ref,
                w128_ref, w3b_ref, o_ref):
    gu = g_ref[...]
    tn = t_ref[...]
    xg = lax.bitcast_convert_type(gu << 16, jnp.float32)
    qr = lax.bitcast_convert_type(gu, jnp.float32)
    qrm = jnp.max(qr, axis=0)
    q_n = tn[:, DOUT:DOUT + H]
    b1 = b1_ref[...]
    w3a = w3a_ref[...]
    plocal = qrm[:, :H] - q_n + b1
    cterm = lax.dot_general(b1 - q_n, w2_ref[...], (((1,), (1,)), ((), ())),
                            preferred_element_type=jnp.float32) + b2_ref[...]
    tc_n = (lax.dot_general(plocal, w3a[:, H:], (((1,), (1,)), ((), ())),
                            preferred_element_type=jnp.float32) +
            lax.dot_general(cterm, w3a[:, :H], (((1,), (1,)), ((), ())),
                            preferred_element_type=jnp.float32) + b3a_ref[...])
    t = (lax.dot_general(qr.reshape(K * R, DOUT), w128_ref[...],
                         (((1,), (0,)), ((), ())),
                         preferred_element_type=jnp.float32).reshape(K, R, DOUT)
         + tc_n[None, :, :])
    ht = 0.5 * t
    h = ht + ht * jnp.tanh(_SQRT_2_OVER_PI * t)
    logits = lax.dot_general(h.reshape(K * R, DOUT), w3b_ref[...],
                             (((1,), (1,)), ((), ())),
                             preferred_element_type=jnp.float32)
    s = xg + logits.reshape(K, R, DOUT)
    o_ref[...] = jnp.max(s, axis=0) - tn[:, :DOUT]


def _bn_body(*refs):
    part_refs, g_ref, b_ref, o_ref = refs[:SLICES], refs[-3], refs[-2], refs[-1]
    x = jnp.concatenate([p[...] for p in part_refs], axis=0)
    mean = jnp.mean(x, axis=0, keepdims=True)
    d = x - mean
    var = jnp.mean(d * d, axis=0, keepdims=True)
    o_ref[...] = g_ref[...] * (d * lax.rsqrt(var + EPS)) + b_ref[...]


def _make_sc_gather():
    mesh = plsc.VectorSubcoreMesh(core_axis_name="c", subcore_axis_name="s",
                                  num_cores=NC, num_subcores=NS)
    return pl.kernel(
        _sc_gather_body,
        out_type=jax.ShapeDtypeStruct((ESL, 128), jnp.uint32),
        mesh=mesh,
        scratch_types=(
            [pltpu.VMEM((ESL // NW,), jnp.int32)] +
            [pltpu.VMEM((CHUNK, 128), jnp.uint32) for _ in range(NSLOT)] +
            [pltpu.SemaphoreType.DMA for _ in range(2 * NSLOT)]
        ),
    )


def kernel(xyz, x, knn, W_proj, w1, b1, w2, b2, w3a, b3a, w3b, b3b, gamma, beta):
    xyzp = jnp.pad(xyz, ((0, 0), (0, XD - 3)))
    w1p = jnp.zeros((XD, H), jnp.float32).at[:3, :].set(w1.T)

    tab, tab_b = pl.pallas_call(
        _table_body,
        grid=(10,),
        in_specs=[pl.BlockSpec((N // 10, DIN), lambda i: (i, 0)),
                  pl.BlockSpec((N // 10, XD), lambda i: (i, 0)),
                  pl.BlockSpec((DOUT, DIN), lambda i: (0, 0)),
                  pl.BlockSpec((XD, H), lambda i: (0, 0)),
                  pl.BlockSpec((H, H), lambda i: (0, 0))],
        out_specs=[pl.BlockSpec((N // 10, TD), lambda i: (i, 0)),
                   pl.BlockSpec((N // 10, DOUT), lambda i: (i, 0))],
        out_shape=[jax.ShapeDtypeStruct((N, TD), jnp.float32),
                   jax.ShapeDtypeStruct((N, DOUT), jnp.uint32)],
    )(x, xyzp, W_proj, w1p, w2)

    idx_sl = (knn.T.reshape(K, SLICES, NSL).swapaxes(0, 1)
              .reshape(SLICES, ESL).astype(jnp.int32))

    b1r = b1.reshape(1, H)
    b2r = b2.reshape(1, H)
    b3ar = b3a.reshape(1, DOUT)
    w128 = jnp.concatenate([jnp.zeros((H, DOUT), jnp.float32),
                            w3a[:, :H].T], axis=0)

    sc_gather = _make_sc_gather()
    nb = NSL // R
    parts = []
    for s in range(SLICES):
        g = sc_gather(tab_b, idx_sl[s])
        g3 = g.reshape(K, NSL, DOUT)
        parts.append(pl.pallas_call(
            _fused_body,
            grid=(nb,),
            in_specs=[
                pl.BlockSpec((K, R, DOUT), lambda i: (0, i, 0)),
                pl.BlockSpec((R, TD), lambda i, s=s: (i + s * nb, 0)),
                pl.BlockSpec((1, H), lambda i: (0, 0)),
                pl.BlockSpec((H, H), lambda i: (0, 0)),
                pl.BlockSpec((1, H), lambda i: (0, 0)),
                pl.BlockSpec((DOUT, DOUT), lambda i: (0, 0)),
                pl.BlockSpec((1, DOUT), lambda i: (0, 0)),
                pl.BlockSpec((DOUT, DOUT), lambda i: (0, 0)),
                pl.BlockSpec((DOUT, DOUT), lambda i: (0, 0)),
            ],
            out_specs=pl.BlockSpec((R, DOUT), lambda i: (i, 0)),
            out_shape=jax.ShapeDtypeStruct((NSL, DOUT), jnp.float32),
        )(g3, tab, b1r, w2, b2r, w3a, b3ar, w128, w3b))

    out = pl.pallas_call(
        _bn_body,
        grid=(1,),
        in_specs=[pl.BlockSpec((NSL, DOUT), lambda i: (0, 0))
                  for _ in range(SLICES)] +
                 [pl.BlockSpec((1, DOUT), lambda i: (0, 0)),
                  pl.BlockSpec((1, DOUT), lambda i: (0, 0))],
        out_specs=pl.BlockSpec((N, DOUT), lambda i: (0, 0)),
        out_shape=jax.ShapeDtypeStruct((N, DOUT), jnp.float32),
    )(*parts, gamma.reshape(1, DOUT), beta.reshape(1, DOUT))
    return out

# --- scband reference (transcript-rebuilt; emitter-appended) ---
"""Pipeline reference for scband-lfa-55250459296222 (READ-ONLY COPY).

The authoritative reference and input builder live on the scoring server;
editing this copy changes nothing except your own understanding.
"""

import jax, jax.numpy as jnp
import numpy as np

N = 10000
K = 32
DIN = 128
DOUT = 128
H = DOUT // 2
EPS = 1e-5


def setup_inputs(seed: int = 0) -> dict:
    key = jax.random.key(seed)
    ks = jax.random.split(key, 13)
    xyz = jax.random.normal(ks[0], (N, 3), dtype=jnp.float32)
    x = jax.random.normal(ks[1], (N, DIN), dtype=jnp.float32)
    knn = jax.random.randint(ks[2], (N, K), 0, N, dtype=jnp.int32)
    W_proj = 0.02 * jax.random.normal(ks[3], (DOUT, DIN), dtype=jnp.float32)
    w1 = 0.02 * jax.random.normal(ks[4], (H, 3), dtype=jnp.float32)
    b1 = jnp.zeros((H,), dtype=jnp.float32)
    w2 = 0.02 * jax.random.normal(ks[5], (H, H), dtype=jnp.float32)
    b2 = jnp.zeros((H,), dtype=jnp.float32)
    w3a = 0.02 * jax.random.normal(ks[6], (DOUT, DOUT), dtype=jnp.float32)
    b3a = jnp.zeros((DOUT,), dtype=jnp.float32)
    w3b = 0.02 * jax.random.normal(ks[7], (DOUT, DOUT), dtype=jnp.float32)
    b3b = jnp.zeros((DOUT,), dtype=jnp.float32)
    gamma = jnp.ones((DOUT,), dtype=jnp.float32)  # bn.weight init=1.0
    beta = jnp.zeros((DOUT,), dtype=jnp.float32)
    return {"xyz": xyz, "x": x, "knn": knn, "W_proj": W_proj,
            "w1": w1, "b1": b1, "w2": w2, "b2": b2,
            "w3a": w3a, "b3a": b3a, "w3b": w3b, "b3b": b3b,
            "gamma": gamma, "beta": beta}


def _nca(xyzs, w1, b1, w2, b2, w3a, b3a, w3b, b3b):
    # xyzs: [N, K, 3]
    p_feat0 = xyzs @ w1.T + b1                 # [N, K, H]
    p_local = jnp.max(p_feat0, axis=1)          # [N, H]
    p_feat1 = p_feat0 @ w2.T + b2               # [N, K, H]
    p_local_exp = jnp.broadcast_to(p_local[:, None, :], p_feat1.shape)
    p_feat2 = jnp.concatenate([p_feat1, p_local_exp], axis=-1)  # [N, K, DOUT]
    h = p_feat2 @ w3a.T + b3a
    h = jax.nn.gelu(h, approximate=False)
    mlp_logits = h @ w3b.T + b3b                # [N, K, DOUT]
    return mlp_logits


def reference(xyz, x, knn, W_proj, w1, b1, w2, b2, w3a, b3a, w3b, b3b, gamma, beta):
    x = x @ W_proj.T                            # [N, DOUT]
    xs = jnp.take(x, knn, axis=0) - x[:, None, :]       # [N, K, DOUT]
    xyzs = jnp.take(xyz, knn, axis=0) - xyz[:, None, :] # [N, K, 3]
    xyz_pe = _nca(xyzs, w1, b1, w2, b2, w3a, b3a, w3b, b3b)
    xs = xs + xyz_pe
    xs_max = jnp.max(xs, axis=1)                # [N, DOUT]
    # BatchNorm1d in training mode (batch statistics, biased variance)
    mean = jnp.mean(xs_max, axis=0)
    var = jnp.var(xs_max, axis=0)
    out = gamma * (xs_max - mean) / jnp.sqrt(var + EPS) + beta
    return out

if __name__ == "__main__":
    import jax
    _d = setup_inputs()
    print(jax.jit(kernel)(*tuple(_d.values())))

</pallas_src>

<mosaic_0001>
#map = affine_map<(d0, d1) -> (0, 0)>
#map1 = affine_map<(d0, d1) -> (0)>
module attributes {stable_mosaic.version = 14 : i64} {
  func.func @_sc_gather_body(%arg0: i32, %arg1: i32, %arg2: memref<10000x128xi32, #tpu.memory_space<hbm>>, %arg3: memref<64000xi32, #tpu.memory_space<hbm>>, %arg4: memref<64000x128xi32, #tpu.memory_space<hbm>>, %arg5: memref<2000xi32, #tpu.memory_space<vmem>>, %arg6: memref<80x128xi32, #tpu.memory_space<vmem>>, %arg7: memref<80x128xi32, #tpu.memory_space<vmem>>, %arg8: memref<80x128xi32, #tpu.memory_space<vmem>>, %arg9: memref<80x128xi32, #tpu.memory_space<vmem>>, %arg10: memref<!tpu.dma_semaphore, #tpu.memory_space<semaphore_mem>>, %arg11: memref<!tpu.dma_semaphore, #tpu.memory_space<semaphore_mem>>, %arg12: memref<!tpu.dma_semaphore, #tpu.memory_space<semaphore_mem>>, %arg13: memref<!tpu.dma_semaphore, #tpu.memory_space<semaphore_mem>>, %arg14: memref<!tpu.dma_semaphore, #tpu.memory_space<semaphore_mem>>, %arg15: memref<!tpu.dma_semaphore, #tpu.memory_space<semaphore_mem>>, %arg16: memref<!tpu.dma_semaphore, #tpu.memory_space<semaphore_mem>>, %arg17: memref<!tpu.dma_semaphore, #tpu.memory_space<semaphore_mem>>) attributes {dimension_semantics = [#tpu.dimension_semantics<core_parallel>, #tpu.dimension_semantics<subcore_parallel>], iteration_bounds = array<i64: 2, 16>, scalar_prefetch = 0 : i64, scratch_operands = 13 : i64, tpu.core_type = #tpu.core_type<sc_vector_subcore>, window_params = [{transform_indices = #map}, {transform_indices = #map1}, {transform_indices = #map}]} {
    %mul3A = arith.constant 2 : i32
    %mul3A_0 = arith.muli %arg1, %mul3A : i32
    %add3A = arith.addi %mul3A_0, %arg0 : i32
    %mul3A_1 = arith.constant 2000 : i32
    %mul3A_2 = arith.muli %add3A, %mul3A_1 : i32
    "tpu.region"() ({
      %run_scoped3A = tpu.sem_alloc : memref<!tpu.dma_semaphore, #tpu.memory_space<semaphore_mem>>
      %dma_start3A_62 = tpu.memref_slice %arg3[%mul3A_2] : memref<64000xi32, #tpu.memory_space<hbm>> -> memref<2000xi32, #tpu.memory_space<hbm>>
      %dma_start3A_63 = tpu.memref_slice %arg3[%mul3A_2] : memref<64000xi32, #tpu.memory_space<hbm>> -> memref<2000xi32, #tpu.memory_space<hbm>>
      tpu.enqueue_dma source(%dma_start3A_63 : memref<2000xi32, #tpu.memory_space<hbm>>) target(%arg5 : memref<2000xi32, #tpu.memory_space<vmem>>) target_semaphore(%run_scoped3A : memref<!tpu.dma_semaphore, #tpu.memory_space<semaphore_mem>>)
      %dma_wait3A_64 = tpu.memref_slice %arg3[%mul3A_2] : memref<64000xi32, #tpu.memory_space<hbm>> -> memref<2000xi32, #tpu.memory_space<hbm>>
      %dma_wait3A_65 = tpu.memref_slice %arg3[%mul3A_2] : memref<64000xi32, #tpu.memory_space<hbm>> -> memref<2000xi32, #tpu.memory_space<hbm>>
      tpu.wait_dma2 semaphore(%run_scoped3A : memref<!tpu.dma_semaphore, #tpu.memory_space<semaphore_mem>>) src(%dma_wait3A_65 : memref<2000xi32, #tpu.memory_space<hbm>>) dst(%arg5 : memref<2000xi32, #tpu.memory_space<vmem>>)
      tpu.yield
    }) : () -> ()
    %multiple_of3A = arith.constant 0 : i32
    %multiple_of3A_3 = tpu.assume_multiple %multiple_of3A, 8 : i32
    %dma_start3A = tpu.memref_slice %arg5[%multiple_of3A_3] : memref<2000xi32, #tpu.memory_space<vmem>> -> memref<80xi32, #tpu.memory_space<vmem>>
    %dma_start3A_4 = arith.constant 0 : i32
    %dma_start3A_5 = arith.constant 0 : i32
    %dma_start3A_6 = tpu.memref_slice %arg2[%dma_start3A_4, %dma_start3A_5] : memref<10000x128xi32, #tpu.memory_space<hbm>> -> memref<10000x128xi32, #tpu.memory_space<hbm>>
    tpu.enqueue_indirect_dma source(%dma_start3A_6 : memref<10000x128xi32, #tpu.memory_space<hbm>>) target(%arg6 : memref<80x128xi32, #tpu.memory_space<vmem>>) offsets(%dma_start3A : memref<80xi32, #tpu.memory_space<vmem>>) semaphore(%arg10 : memref<!tpu.dma_semaphore, #tpu.memory_space<semaphore_mem>>)
    %multiple_of3A_7 = arith.constant 80 : i32
    %multiple_of3A_8 = tpu.assume_multiple %multiple_of3A_7, 8 : i32
    %dma_start3A_9 = tpu.memref_slice %arg5[%multiple_of3A_8] : memref<2000xi32, #tpu.memory_space<vmem>> -> memref<80xi32, #tpu.memory_space<vmem>>
    %dma_start3A_10 = arith.constant 0 : i32
    %dma_start3A_11 = arith.constant 0 : i32
    %dma_start3A_12 = tpu.memref_slice %arg2[%dma_start3A_10, %dma_start3A_11] : memref<10000x128xi32, #tpu.memory_space<hbm>> -> memref<10000x128xi32, #tpu.memory_space<hbm>>
    tpu.enqueue_indirect_dma source(%dma_start3A_12 : memref<10000x128xi32, #tpu.memory_space<hbm>>) target(%arg7 : memref<80x128xi32, #tpu.memory_space<vmem>>) offsets(%dma_start3A_9 : memref<80xi32, #tpu.memory_space<vmem>>) semaphore(%arg11 : memref<!tpu.dma_semaphore, #tpu.memory_space<semaphore_mem>>)
    %scan3A = arith.constant 0 : i32
    %scan3A_13 = arith.constant 0 : i32
    %scan3A_14 = arith.constant 6 : i32
    %scan3A_15 = arith.addi %scan3A_13, %scan3A_14 : i32
    %scan3A_16 = arith.constant 1 : i32
    scf.for %scan3A_62 = %scan3A_13 to %scan3A_15 step %scan3A_16  : i32 {
      %mul3A_63 = arith.constant 4 : i32
      %mul3A_64 = arith.muli %mul3A_63, %scan3A_62 : i32
      %add3A_65 = arith.constant 0 : i32
      %add3A_66 = arith.addi %mul3A_64, %add3A_65 : i32
      %multiple_of3A_67 = arith.constant 0 : i32
      %multiple_of3A_68 = tpu.assume_multiple %multiple_of3A_67, 8 : i32
      %dma_wait3A_69 = tpu.memref_slice %arg5[%multiple_of3A_68] : memref<2000xi32, #tpu.memory_space<vmem>> -> memref<80xi32, #tpu.memory_space<vmem>>
      %dma_wait3A_70 = arith.constant 0 : i32
      %dma_wait3A_71 = arith.constant 0 : i32
      %dma_wait3A_72 = tpu.memref_slice %arg2[%dma_wait3A_70, %dma_wait3A_71] : memref<10000x128xi32, #tpu.memory_space<hbm>> -> memref<10000x128xi32, #tpu.memory_space<hbm>>
      tpu.wait_indirect_dma semaphore(%arg10 : memref<!tpu.dma_semaphore, #tpu.memory_space<semaphore_mem>>) src(%dma_wait3A_72 : memref<10000x128xi32, #tpu.memory_space<hbm>>) dst(%arg6 : memref<80x128xi32, #tpu.memory_space<vmem>>)
      %mul3A_73 = arith.constant 80 : i32
      %mul3A_74 = arith.muli %add3A_66, %mul3A_73 : i32
      %add3A_75 = arith.addi %mul3A_2, %mul3A_74 : i32
      %multiple_of3A_76 = tpu.assume_multiple %add3A_75, 8 : i32
      %dma_start3A_77 = arith.constant 0 : i32
      %dma_start3A_78 = tpu.memref_slice %arg4[%multiple_of3A_76, %dma_start3A_77] : memref<64000x128xi32, #tpu.memory_space<hbm>> -> memref<80x128xi32, #tpu.memory_space<hbm>>
      %dma_start3A_79 = arith.constant 0 : i32
      %dma_start3A_80 = tpu.memref_slice %arg4[%multiple_of3A_76, %dma_start3A_79] : memref<64000x128xi32, #tpu.memory_space<hbm>> -> memref<80x128xi32, #tpu.memory_space<hbm>>
      tpu.enqueue_dma source(%arg6 : memref<80x128xi32, #tpu.memory_space<vmem>>) target(%dma_start3A_80 : memref<80x128xi32, #tpu.memory_space<hbm>>) target_semaphore(%arg14 : memref<!tpu.dma_semaphore, #tpu.memory_space<semaphore_mem>>)
      %add3A_81 = arith.constant 2 : i32
      %add3A_82 = arith.addi %add3A_66, %add3A_81 : i32
      %lt3A_83 = arith.constant 25 : i32
      %lt3A_84 = arith.cmpi slt, %add3A_82, %lt3A_83 : i32
      %convert_element_type3A_85 = arith.extui %lt3A_84 : i1 to i32
      %cond3A_86 = arith.constant 0 : i32
      %cond3A_87 = arith.cmpi ne, %convert_element_type3A_85, %cond3A_86 : i32
      scf.if %cond3A_87 {
        %ge3A = arith.constant 2 : i32
        %ge3A_163 = arith.cmpi sge, %add3A_66, %ge3A : i32
        %convert_element_type3A_164 = arith.extui %ge3A_163 : i1 to i32
        %cond3A_165 = arith.constant 0 : i32
        %cond3A_166 = arith.cmpi ne, %convert_element_type3A_164, %cond3A_165 : i32
        scf.if %cond3A_166 {
          %dma_wait3A_174 = arith.constant 0 : i32
          %dma_wait3A_175 = arith.constant 0 : i32
          %dma_wait3A_176 = tpu.memref_slice %arg4[%dma_wait3A_174, %dma_wait3A_175] : memref<64000x128xi32, #tpu.memory_space<hbm>> -> memref<80x128xi32, #tpu.memory_space<hbm>>
          %dma_wait3A_177 = arith.constant 0 : i32
          %dma_wait3A_178 = arith.constant 0 : i32
          %dma_wait3A_179 = tpu.memref_slice %arg4[%dma_wait3A_177, %dma_wait3A_178] : memref<64000x128xi32, #tpu.memory_space<hbm>> -> memref<80x128xi32, #tpu.memory_space<hbm>>
          tpu.wait_dma2 semaphore(%arg16 : memref<!tpu.dma_semaphore, #tpu.memory_space<semaphore_mem>>) src(%arg8 : memref<80x128xi32, #tpu.memory_space<vmem>>) dst(%dma_wait3A_179 : memref<80x128xi32, #tpu.memory_space<hbm>>)
        } else {
        }
        %mul3A_167 = arith.constant 80 : i32
        %mul3A_168 = arith.muli %add3A_82, %mul3A_167 : i32
        %multiple_of3A_169 = tpu.assume_multiple %mul3A_168, 8 : i32
        %dma_start3A_170 = tpu.memref_slice %arg5[%multiple_of3A_169] : memref<2000xi32, #tpu.memory_space<vmem>> -> memref<80xi32, #tpu.memory_space<vmem>>
        %dma_start3A_171 = arith.constant 0 : i32
        %dma_start3A_172 = arith.constant 0 : i32
        %dma_start3A_173 = tpu.memref_slice %arg2[%dma_start3A_171, %dma_start3A_172] : memref<10000x128xi32, #tpu.memory_space<hbm>> -> memref<10000x128xi32, #tpu.memory_space<hbm>>
        tpu.enqueue_indirect_dma source(%dma_start3A_173 : memref<10000x128xi32, #tpu.memory_space<hbm>>) target(%arg8 : memref<80x128xi32, #tpu.memory_space<vmem>>) offsets(%dma_start3A_170 : memref<80xi32, #tpu.memory_space<vmem>>) semaphore(%arg12 : memref<!tpu.dma_semaphore, #tpu.memory_space<semaphore_mem>>)
      } else {
      }
      %mul3A_88 = arith.constant 4 : i32
      %mul3A_89 = arith.muli %mul3A_88, %scan3A_62 : i32
      %add3A_90 = arith.constant 1 : i32
      %add3A_91 = arith.addi %mul3A_89, %add3A_90 : i32
      %multiple_of3A_92 = arith.constant 0 : i32
      %multiple_of3A_93 = tpu.assume_multiple %multiple_of3A_92, 8 : i32
      %dma_wait3A_94 = tpu.memref_slice %arg5[%multiple_of3A_93] : memref<2000xi32, #tpu.memory_space<vmem>> -> memref<80xi32, #tpu.memory_space<vmem>>
      %dma_wait3A_95 = arith.constant 0 : i32
      %dma_wait3A_96 = arith.constant 0 : i32
      %dma_wait3A_97 = tpu.memref_slice %arg2[%dma_wait3A_95, %dma_wait3A_96] : memref<10000x128xi32, #tpu.memory_space<hbm>> -> memref<10000x128xi32, #tpu.memory_space<hbm>>
      tpu.wait_indirect_dma semaphore(%arg11 : memref<!tpu.dma_semaphore, #tpu.memory_space<semaphore_mem>>) src(%dma_wait3A_97 : memref<10000x128xi32, #tpu.memory_space<hbm>>) dst(%arg7 : memref<80x128xi32, #tpu.memory_space<vmem>>)
      %mul3A_98 = arith.constant 80 : i32
      %mul3A_99 = arith.muli %add3A_91, %mul3A_98 : i32
      %add3A_100 = arith.addi %mul3A_2, %mul3A_99 : i32
      %multiple_of3A_101 = tpu.assume_multiple %add3A_100, 8 : i32
      %dma_start3A_102 = arith.constant 0 : i32
      %dma_start3A_103 = tpu.memref_slice %arg4[%multiple_of3A_101, %dma_start3A_102] : memref<64000x128xi32, #tpu.memory_space<hbm>> -> memref<80x128xi32, #tpu.memory_space<hbm>>
      %dma_start3A_104 = arith.constant 0 : i32
      %dma_start3A_105 = tpu.memref_slice %arg4[%multiple_of3A_101, %dma_start3A_104] : memref<64000x128xi32, #tpu.memory_space<hbm>> -> memref<80x128xi32, #tpu.memory_space<hbm>>
      tpu.enqueue_dma source(%arg7 : memref<80x128xi32, #tpu.memory_space<vmem>>) target(%dma_start3A_105 : memref<80x128xi32, #tpu.memory_space<hbm>>) target_semaphore(%arg15 : memref<!tpu.dma_semaphore, #tpu.memory_space<semaphore_mem>>)
      %add3A_106 = arith.constant 2 : i32
      %add3A_107 = arith.addi %add3A_91, %add3A_106 : i32
      %lt3A_108 = arith.constant 25 : i32
      %lt3A_109 = arith.cmpi slt, %add3A_107, %lt3A_108 : i32
      %convert_element_type3A_110 = arith.extui %lt3A_109 : i1 to i32
      %cond3A_111 = arith.constant 0 : i32
      %cond3A_112 = arith.cmpi ne, %convert_element_type3A_110, %cond3A_111 : i32
      scf.if %cond3A_112 {
        %ge3A = arith.constant 2 : i32
        %ge3A_163 = arith.cmpi sge, %add3A_91, %ge3A : i32
        %convert_element_type3A_164 = arith.extui %ge3A_163 : i1 to i32
        %cond3A_165 = arith.constant 0 : i32
        %cond3A_166 = arith.cmpi ne, %convert_element_type3A_164, %cond3A_165 : i32
        scf.if %cond3A_166 {
          %dma_wait3A_174 = arith.constant 0 : i32
          %dma_wait3A_175 = arith.constant 0 : i32
          %dma_wait3A_176 = tpu.memref_slice %arg4[%dma_wait3A_174, %dma_wait3A_175] : memref<64000x128xi32, #tpu.memory_space<hbm>> -> memref<80x128xi32, #tpu.memory_space<hbm>>
          %dma_wait3A_177 = arith.constant 0 : i32
          %dma_wait3A_178 = arith.constant 0 : i32
          %dma_wait3A_179 = tpu.memref_slice %arg4[%dma_wait3A_177, %dma_wait3A_178] : memref<64000x128xi32, #tpu.memory_space<hbm>> -> memref<80x128xi32, #tpu.memory_space<hbm>>
          tpu.wait_dma2 semaphore(%arg17 : memref<!tpu.dma_semaphore, #tpu.memory_space<semaphore_mem>>) src(%arg9 : memref<80x128xi32, #tpu.memory_space<vmem>>) dst(%dma_wait3A_179 : memref<80x128xi32, #tpu.memory_space<hbm>>)
        } else {
        }
        %mul3A_167 = arith.constant 80 : i32
        %mul3A_168 = arith.muli %add3A_107, %mul3A_167 : i32
        %multiple_of3A_169 = tpu.assume_multiple %mul3A_168, 8 : i32
        %dma_start3A_170 = tpu.memref_slice %arg5[%multiple_of3A_169] : memref<2000xi32, #tpu.memory_space<vmem>> -> memref<80xi32, #tpu.memory_space<vmem>>
        %dma_start3A_171 = arith.constant 0 : i32
        %dma_start3A_172 = arith.constant 0 : i32
        %dma_start3A_173 = tpu.memref_slice %arg2[%dma_start3A_171, %dma_start3A_172] : memref<10000x128xi32, #tpu.memory_space<hbm>> -> memref<10000x128xi32, #tpu.memory_space<hbm>>
        tpu.enqueue_indirect_dma source(%dma_start3A_173 : memref<10000x128xi32, #tpu.memory_space<hbm>>) target(%arg9 : memref<80x128xi32, #tpu.memory_space<vmem>>) offsets(%dma_start3A_170 : memref<80xi32, #tpu.memory_space<vmem>>) semaphore(%arg13 : memref<!tpu.dma_semaphore, #tpu.memory_space<semaphore_mem>>)
      } else {
      }
      %mul3A_113 = arith.constant 4 : i32
      %mul3A_114 = arith.muli %mul3A_113, %scan3A_62 : i32
      %add3A_115 = arith.constant 2 : i32
      %add3A_116 = arith.addi %mul3A_114, %add3A_115 : i32
      %multiple_of3A_117 = arith.constant 0 : i32
      %multiple_of3A_118 = tpu.assume_multiple %multiple_of3A_117, 8 : i32
      %dma_wait3A_119 = tpu.memref_slice %arg5[%multiple_of3A_118] : memref<2000xi32, #tpu.memory_space<vmem>> -> memref<80xi32, #tpu.memory_space<vmem>>
      %dma_wait3A_120 = arith.constant 0 : i32
      %dma_wait3A_121 = arith.constant 0 : i32
      %dma_wait3A_122 = tpu.memref_slice %arg2[%dma_wait3A_120, %dma_wait3A_121] : memref<10000x128xi32, #tpu.memory_space<hbm>> -> memref<10000x128xi32, #tpu.memory_space<hbm>>
      tpu.wait_indirect_dma semaphore(%arg12 : memref<!tpu.dma_semaphore, #tpu.memory_space<semaphore_mem>>) src(%dma_wait3A_122 : memref<10000x128xi32, #tpu.memory_space<hbm>>) dst(%arg8 : memref<80x128xi32, #tpu.memory_space<vmem>>)
      %mul3A_123 = arith.constant 80 : i32
      %mul3A_124 = arith.muli %add3A_116, %mul3A_123 : i32
      %add3A_125 = arith.addi %mul3A_2, %mul3A_124 : i32
      %multiple_of3A_126 = tpu.assume_multiple %add3A_125, 8 : i32
      %dma_start3A_127 = arith.constant 0 : i32
      %dma_start3A_128 = tpu.memref_slice %arg4[%multiple_of3A_126, %dma_start3A_127] : memref<64000x128xi32, #tpu.memory_space<hbm>> -> memref<80x128xi32, #tpu.memory_space<hbm>>
      %dma_start3A_129 = arith.constant 0 : i32
      %dma_start3A_130 = tpu.memref_slice %arg4[%multiple_of3A_126, %dma_start3A_129] : memref<64000x128xi32, #tpu.memory_space<hbm>> -> memref<80x128xi32, #tpu.memory_space<hbm>>
      tpu.enqueue_dma source(%arg8 : memref<80x128xi32, #tpu.memory_space<vmem>>) target(%dma_start3A_130 : memref<80x128xi32, #tpu.memory_space<hbm>>) target_semaphore(%arg16 : memref<!tpu.dma_semaphore, #tpu.memory_space<semaphore_mem>>)
      %add3A_131 = arith.constant 2 : i32
      %add3A_132 = arith.addi %add3A_116, %add3A_131 : i32
      %lt3A_133 = arith.constant 25 : i32
      %lt3A_134 = arith.cmpi slt, %add3A_132, %lt3A_133 : i32
      %convert_element_type3A_135 = arith.extui %lt3A_134 : i1 to i32
      %cond3A_136 = arith.constant 0 : i32
      %cond3A_137 = arith.cmpi ne, %convert_element_type3A_135, %cond3A_136 : i32
      scf.if %cond3A_137 {
        %ge3A = arith.constant 2 : i32
        %ge3A_163 = arith.cmpi sge, %add3A_116, %ge3A : i32
        %convert_element_type3A_164 = arith.extui %ge3A_163 : i1 to i32
        %cond3A_165 = arith.constant 0 : i32
        %cond3A_166 = arith.cmpi ne, %convert_element_type3A_164, %cond3A_165 : i32
        scf.if %cond3A_166 {
          %dma_wait3A_174 = arith.constant 0 : i32
          %dma_wait3A_175 = arith.constant 0 : i32
          %dma_wait3A_176 = tpu.memref_slice %arg4[%dma_wait3A_174, %dma_wait3A_175] : memref<64000x128xi32, #tpu.memory_space<hbm>> -> memref<80x128xi32, #tpu.memory_space<hbm>>
          %dma_wait3A_177 = arith.constant 0 : i32
          %dma_wait3A_178 = arith.constant 0 : i32
          %dma_wait3A_179 = tpu.memref_slice %arg4[%dma_wait3A_177, %dma_wait3A_178] : memref<64000x128xi32, #tpu.memory_space<hbm>> -> memref<80x128xi32, #tpu.memory_space<hbm>>
          tpu.wait_dma2 semaphore(%arg14 : memref<!tpu.dma_semaphore, #tpu.memory_space<semaphore_mem>>) src(%arg6 : memref<80x128xi32, #tpu.memory_space<vmem>>) dst(%dma_wait3A_179 : memref<80x128xi32, #tpu.memory_space<hbm>>)
        } else {
        }
        %mul3A_167 = arith.constant 80 : i32
        %mul3A_168 = arith.muli %add3A_132, %mul3A_167 : i32
        %multiple_of3A_169 = tpu.assume_multiple %mul3A_168, 8 : i32
        %dma_start3A_170 = tpu.memref_slice %arg5[%multiple_of3A_169] : memref<2000xi32, #tpu.memory_space<vmem>> -> memref<80xi32, #tpu.memory_space<vmem>>
        %dma_start3A_171 = arith.constant 0 : i32
        %dma_start3A_172 = arith.constant 0 : i32
        %dma_start3A_173 = tpu.memref_slice %arg2[%dma_start3A_171, %dma_start3A_172] : memref<10000x128xi32, #tpu.memory_space<hbm>> -> memref<10000x128xi32, #tpu.memory_space<hbm>>
        tpu.enqueue_indirect_dma source(%dma_start3A_173 : memref<10000x128xi32, #tpu.memory_space<hbm>>) target(%arg6 : memref<80x128xi32, #tpu.memory_space<vmem>>) offsets(%dma_start3A_170 : memref<80xi32, #tpu.memory_space<vmem>>) semaphore(%arg10 : memref<!tpu.dma_semaphore, #tpu.memory_space<semaphore_mem>>)
      } else {
      }
      %mul3A_138 = arith.constant 4 : i32
      %mul3A_139 = arith.muli %mul3A_138, %scan3A_62 : i32
      %add3A_140 = arith.constant 3 : i32
      %add3A_141 = arith.addi %mul3A_139, %add3A_140 : i32
      %multiple_of3A_142 = arith.constant 0 : i32
      %multiple_of3A_143 = tpu.assume_multiple %multiple_of3A_142, 8 : i32
      %dma_wait3A_144 = tpu.memref_slice %arg5[%multiple_of3A_143] : memref<2000xi32, #tpu.memory_space<vmem>> -> memref<80xi32, #tpu.memory_space<vmem>>
      %dma_wait3A_145 = arith.constant 0 : i32
      %dma_wait3A_146 = arith.constant 0 : i32
      %dma_wait3A_147 = tpu.memref_slice %arg2[%dma_wait3A_145, %dma_wait3A_146] : memref<10000x128xi32, #tpu.memory_space<hbm>> -> memref<10000x128xi32, #tpu.memory_space<hbm>>
      tpu.wait_indirect_dma semaphore(%arg13 : memref<!tpu.dma_semaphore, #tpu.memory_space<semaphore_mem>>) src(%dma_wait3A_147 : memref<10000x128xi32, #tpu.memory_space<hbm>>) dst(%arg9 : memref<80x128xi32, #tpu.memory_space<vmem>>)
      %mul3A_148 = arith.constant 80 : i32
      %mul3A_149 = arith.muli %add3A_141, %mul3A_148 : i32
      %add3A_150 = arith.addi %mul3A_2, %mul3A_149 : i32
      %multiple_of3A_151 = tpu.assume_multiple %add3A_150, 8 : i32
      %dma_start3A_152 = arith.constant 0 : i32
      %dma_start3A_153 = tpu.memref_slice %arg4[%multiple_of3A_151, %dma_start3A_152] : memref<64000x128xi32, #tpu.memory_space<hbm>> -> memref<80x128xi32, #tpu.memory_space<hbm>>
      %dma_start3A_154 = arith.constant 0 : i32
      %dma_start3A_155 = tpu.memref_slice %arg4[%multiple_of3A_151, %dma_start3A_154] : memref<64000x128xi32, #tpu.memory_space<hbm>> -> memref<80x128xi32, #tpu.memory_space<hbm>>
      tpu.enqueue_dma source(%arg9 : memref<80x128xi32, #tpu.memory_space<vmem>>) target(%dma_start3A_155 : memref<80x128xi32, #tpu.memory_space<hbm>>) target_semaphore(%arg17 : memref<!tpu.dma_semaphore, #tpu.memory_space<semaphore_mem>>)
      %add3A_156 = arith.constant 2 : i32
      %add3A_157 = arith.addi %add3A_141, %add3A_156 : i32
      %lt3A_158 = arith.constant 25 : i32
      %lt3A_159 = arith.cmpi slt, %add3A_157, %lt3A_158 : i32
      %convert_element_type3A_160 = arith.extui %lt3A_159 : i1 to i32
      %cond3A_161 = arith.constant 0 : i32
      %cond3A_162 = arith.cmpi ne, %convert_element_type3A_160, %cond3A_161 : i32
      scf.if %cond3A_162 {
        %ge3A = arith.constant 2 : i32
        %ge3A_163 = arith.cmpi sge, %add3A_141, %ge3A : i32
        %convert_element_type3A_164 = arith.extui %ge3A_163 : i1 to i32
        %cond3A_165 = arith.constant 0 : i32
        %cond3A_166 = arith.cmpi ne, %convert_element_type3A_164, %cond3A_165 : i32
        scf.if %cond3A_166 {
          %dma_wait3A_174 = arith.constant 0 : i32
          %dma_wait3A_175 = arith.constant 0 : i32
          %dma_wait3A_176 = tpu.memref_slice %arg4[%dma_wait3A_174, %dma_wait3A_175] : memref<64000x128xi32, #tpu.memory_space<hbm>> -> memref<80x128xi32, #tpu.memory_space<hbm>>
          %dma_wait3A_177 = arith.constant 0 : i32
          %dma_wait3A_178 = arith.constant 0 : i32
          %dma_wait3A_179 = tpu.memref_slice %arg4[%dma_wait3A_177, %dma_wait3A_178] : memref<64000x128xi32, #tpu.memory_space<hbm>> -> memref<80x128xi32, #tpu.memory_space<hbm>>
          tpu.wait_dma2 semaphore(%arg15 : memref<!tpu.dma_semaphore, #tpu.memory_space<semaphore_mem>>) src(%arg7 : memref<80x128xi32, #tpu.memory_space<vmem>>) dst(%dma_wait3A_179 : memref<80x128xi32, #tpu.memory_space<hbm>>)
        } else {
        }
        %mul3A_167 = arith.constant 80 : i32
        %mul3A_168 = arith.muli %add3A_157, %mul3A_167 : i32
        %multiple_of3A_169 = tpu.assume_multiple %mul3A_168, 8 : i32
        %dma_start3A_170 = tpu.memref_slice %arg5[%multiple_of3A_169] : memref<2000xi32, #tpu.memory_space<vmem>> -> memref<80xi32, #tpu.memory_space<vmem>>
        %dma_start3A_171 = arith.constant 0 : i32
        %dma_start3A_172 = arith.constant 0 : i32
        %dma_start3A_173 = tpu.memref_slice %arg2[%dma_start3A_171, %dma_start3A_172] : memref<10000x128xi32, #tpu.memory_space<hbm>> -> memref<10000x128xi32, #tpu.memory_space<hbm>>
        tpu.enqueue_indirect_dma source(%dma_start3A_173 : memref<10000x128xi32, #tpu.memory_space<hbm>>) target(%arg7 : memref<80x128xi32, #tpu.memory_space<vmem>>) offsets(%dma_start3A_170 : memref<80xi32, #tpu.memory_space<vmem>>) semaphore(%arg11 : memref<!tpu.dma_semaphore, #tpu.memory_space<semaphore_mem>>)
      } else {
      }
    }
    %scan3A_17 = arith.constant 6 : i32
    %multiple_of3A_18 = arith.constant 0 : i32
    %multiple_of3A_19 = tpu.assume_multiple %multiple_of3A_18, 8 : i32
    %dma_wait3A = tpu.memref_slice %arg5[%multiple_of3A_19] : memref<2000xi32, #tpu.memory_space<vmem>> -> memref<80xi32, #tpu.memory_space<vmem>>
    %dma_wait3A_20 = arith.constant 0 : i32
    %dma_wait3A_21 = arith.constant 0 : i32
    %dma_wait3A_22 = tpu.memref_slice %arg2[%dma_wait3A_20, %dma_wait3A_21] : memref<10000x128xi32, #tpu.memory_space<hbm>> -> memref<10000x128xi32, #tpu.memory_space<hbm>>
    tpu.wait_indirect_dma semaphore(%arg10 : memref<!tpu.dma_semaphore, #tpu.memory_space<semaphore_mem>>) src(%dma_wait3A_22 : memref<10000x128xi32, #tpu.memory_space<hbm>>) dst(%arg6 : memref<80x128xi32, #tpu.memory_space<vmem>>)
    %mul3A_23 = arith.constant 24 : i32
    %mul3A_24 = arith.constant 80 : i32
    %mul3A_25 = arith.muli %mul3A_23, %mul3A_24 : i32
    %add3A_26 = arith.addi %mul3A_2, %mul3A_25 : i32
    %multiple_of3A_27 = tpu.assume_multiple %add3A_26, 8 : i32
    %dma_start3A_28 = arith.constant 0 : i32
    %dma_start3A_29 = tpu.memref_slice %arg4[%multiple_of3A_27, %dma_start3A_28] : memref<64000x128xi32, #tpu.memory_space<hbm>> -> memref<80x128xi32, #tpu.memory_space<hbm>>
    %dma_start3A_30 = arith.constant 0 : i32
    %dma_start3A_31 = tpu.memref_slice %arg4[%multiple_of3A_27, %dma_start3A_30] : memref<64000x128xi32, #tpu.memory_space<hbm>> -> memref<80x128xi32, #tpu.memory_space<hbm>>
    tpu.enqueue_dma source(%arg6 : memref<80x128xi32, #tpu.memory_space<vmem>>) target(%dma_start3A_31 : memref<80x128xi32, #tpu.memory_space<hbm>>) target_semaphore(%arg14 : memref<!tpu.dma_semaphore, #tpu.memory_space<semaphore_mem>>)
    %add3A_32 = arith.constant 24 : i32
    %add3A_33 = arith.constant 2 : i32
    %add3A_34 = arith.addi %add3A_32, %add3A_33 : i32
    %lt3A = arith.constant 25 : i32
    %lt3A_35 = arith.cmpi slt, %add3A_34, %lt3A : i32
    %convert_element_type3A = arith.extui %lt3A_35 : i1 to i32
    %cond3A = arith.constant 24 : i32
    %cond3A_36 = arith.constant 0 : i32
    %cond3A_37 = arith.cmpi ne, %convert_element_type3A, %cond3A_36 : i32
    scf.if %cond3A_37 {
      %ge3A = arith.constant 2 : i32
      %ge3A_62 = arith.cmpi sge, %cond3A, %ge3A : i32
      %convert_element_type3A_63 = arith.extui %ge3A_62 : i1 to i32
      %cond3A_64 = arith.constant 0 : i32
      %cond3A_65 = arith.cmpi ne, %convert_element_type3A_63, %cond3A_64 : i32
      scf.if %cond3A_65 {
        %dma_wait3A_73 = arith.constant 0 : i32
        %dma_wait3A_74 = arith.constant 0 : i32
        %dma_wait3A_75 = tpu.memref_slice %arg4[%dma_wait3A_73, %dma_wait3A_74] : memref<64000x128xi32, #tpu.memory_space<hbm>> -> memref<80x128xi32, #tpu.memory_space<hbm>>
        %dma_wait3A_76 = arith.constant 0 : i32
        %dma_wait3A_77 = arith.constant 0 : i32
        %dma_wait3A_78 = tpu.memref_slice %arg4[%dma_wait3A_76, %dma_wait3A_77] : memref<64000x128xi32, #tpu.memory_space<hbm>> -> memref<80x128xi32, #tpu.memory_space<hbm>>
        tpu.wait_dma2 semaphore(%arg16 : memref<!tpu.dma_semaphore, #tpu.memory_space<semaphore_mem>>) src(%arg8 : memref<80x128xi32, #tpu.memory_space<vmem>>) dst(%dma_wait3A_78 : memref<80x128xi32, #tpu.memory_space<hbm>>)
      } else {
      }
      %mul3A_66 = arith.constant 80 : i32
      %mul3A_67 = arith.muli %add3A_34, %mul3A_66 : i32
      %multiple_of3A_68 = tpu.assume_multiple %mul3A_67, 8 : i32
      %dma_start3A_69 = tpu.memref_slice %arg5[%multiple_of3A_68] : memref<2000xi32, #tpu.memory_space<vmem>> -> memref<80xi32, #tpu.memory_space<vmem>>
      %dma_start3A_70 = arith.constant 0 : i32
      %dma_start3A_71 = arith.constant 0 : i32
      %dma_start3A_72 = tpu.memref_slice %arg2[%dma_start3A_70, %dma_start3A_71] : memref<10000x128xi32, #tpu.memory_space<hbm>> -> memref<10000x128xi32, #tpu.memory_space<hbm>>
      tpu.enqueue_indirect_dma source(%dma_start3A_72 : memref<10000x128xi32, #tpu.memory_space<hbm>>) target(%arg8 : memref<80x128xi32, #tpu.memory_space<vmem>>) offsets(%dma_start3A_69 : memref<80xi32, #tpu.memory_space<vmem>>) semaphore(%arg12 : memref<!tpu.dma_semaphore, #tpu.memory_space<semaphore_mem>>)
    } else {
    }
    %dma_wait3A_38 = arith.constant 0 : i32
    %dma_wait3A_39 = arith.constant 0 : i32
    %dma_wait3A_40 = tpu.memref_slice %arg4[%dma_wait3A_38, %dma_wait3A_39] : memref<64000x128xi32, #tpu.memory_space<hbm>> -> memref<80x128xi32, #tpu.memory_space<hbm>>
    %dma_wait3A_41 = arith.constant 0 : i32
    %dma_wait3A_42 = arith.constant 0 : i32
    %dma_wait3A_43 = tpu.memref_slice %arg4[%dma_wait3A_41, %dma_wait3A_42] : memref<64000x128xi32, #tpu.memory_space<hbm>> -> memref<80x128xi32, #tpu.memory_space<hbm>>
    tpu.wait_dma2 semaphore(%arg15 : memref<!tpu.dma_semaphore, #tpu.memory_space<semaphore_mem>>) src(%arg7 : memref<80x128xi32, #tpu.memory_space<vmem>>) dst(%dma_wait3A_43 : memref<80x128xi32, #tpu.memory_space<hbm>>)
    %dma_wait3A_44 = arith.constant 0 : i32
    %dma_wait3A_45 = arith.constant 0 : i32
    %dma_wait3A_46 = tpu.memref_slice %arg4[%dma_wait3A_44, %dma_wait3A_45] : memref<64000x128xi32, #tpu.memory_space<hbm>> -> memref<80x128xi32, #tpu.memory_space<hbm>>
    %dma_wait3A_47 = arith.constant 0 : i32
    %dma_wait3A_48 = arith.constant 0 : i32
    %dma_wait3A_49 = tpu.memref_slice %arg4[%dma_wait3A_47, %dma_wait3A_48] : memref<64000x128xi32, #tpu.memory_space<hbm>> -> memref<80x128xi32, #tpu.memory_space<hbm>>
    tpu.wait_dma2 semaphore(%arg16 : memref<!tpu.dma_semaphore, #tpu.memory_space<semaphore_mem>>) src(%arg8 : memref<80x128xi32, #tpu.memory_space<vmem>>) dst(%dma_wait3A_49 : memref<80x128xi32, #tpu.memory_space<hbm>>)
    %dma_wait3A_50 = arith.constant 0 : i32
    %dma_wait3A_51 = arith.constant 0 : i32
    %dma_wait3A_52 = tpu.memref_slice %arg4[%dma_wait3A_50, %dma_wait3A_51] : memref<64000x128xi32, #tpu.memory_space<hbm>> -> memref<80x128xi32, #tpu.memory_space<hbm>>
    %dma_wait3A_53 = arith.constant 0 : i32
    %dma_wait3A_54 = arith.constant 0 : i32
    %dma_wait3A_55 = tpu.memref_slice %arg4[%dma_wait3A_53, %dma_wait3A_54] : memref<64000x128xi32, #tpu.memory_space<hbm>> -> memref<80x128xi32, #tpu.memory_space<hbm>>
    tpu.wait_dma2 semaphore(%arg17 : memref<!tpu.dma_semaphore, #tpu.memory_space<semaphore_mem>>) src(%arg9 : memref<80x128xi32, #tpu.memory_space<vmem>>) dst(%dma_wait3A_55 : memref<80x128xi32, #tpu.memory_space<hbm>>)
    %dma_wait3A_56 = arith.constant 0 : i32
    %dma_wait3A_57 = arith.constant 0 : i32
    %dma_wait3A_58 = tpu.memref_slice %arg4[%dma_wait3A_56, %dma_wait3A_57] : memref<64000x128xi32, #tpu.memory_space<hbm>> -> memref<80x128xi32, #tpu.memory_space<hbm>>
    %dma_wait3A_59 = arith.constant 0 : i32
    %dma_wait3A_60 = arith.constant 0 : i32
    %dma_wait3A_61 = tpu.memref_slice %arg4[%dma_wait3A_59, %dma_wait3A_60] : memref<64000x128xi32, #tpu.memory_space<hbm>> -> memref<80x128xi32, #tpu.memory_space<hbm>>
    tpu.wait_dma2 semaphore(%arg14 : memref<!tpu.dma_semaphore, #tpu.memory_space<semaphore_mem>>) src(%arg6 : memref<80x128xi32, #tpu.memory_space<vmem>>) dst(%dma_wait3A_61 : memref<80x128xi32, #tpu.memory_space<hbm>>)
    return
  }
}

#map = affine_map<(d0, d1) -> (0, 0)>
#map1 = affine_map<(d0, d1) -> (0)>
module attributes {stable_mosaic.version = 14 : i64} {
  func.func @_sc_gather_body(%arg0: i32, %arg1: i32, %arg2: memref<10000x128xi32, #tpu.memory_space<hbm>>, %arg3: memref<64000xi32, #tpu.memory_space<hbm>>, %arg4: memref<64000x128xi32, #tpu.memory_space<hbm>>, %arg5: memref<2000xi32, #tpu.memory_space<vmem>>, %arg6: memref<80x128xi32, #tpu.memory_space<vmem>>, %arg7: memref<80x128xi32, #tpu.memory_space<vmem>>, %arg8: memref<80x128xi32, #tpu.memory_space<vmem>>, %arg9: memref<80x128xi32, #tpu.memory_space<vmem>>, %arg10: memref<!tpu.dma_semaphore, #tpu.memory_space<semaphore_mem>>, %arg11: memref<!tpu.dma_semaphore, #tpu.memory_space<semaphore_mem>>, %arg12: memref<!tpu.dma_semaphore, #tpu.memory_space<semaphore_mem>>, %arg13: memref<!tpu.dma_semaphore, #tpu.memory_space<semaphore_mem>>, %arg14: memref<!tpu.dma_semaphore, #tpu.memory_space<semaphore_mem>>, %arg15: memref<!tpu.dma_semaphore, #tpu.memory_space<semaphore_mem>>, %arg16: memref<!tpu.dma_semaphore, #tpu.memory_space<semaphore_mem>>, %arg17: memref<!tpu.dma_semaphore, #tpu.memory_space<semaphore_mem>>) attributes {dimension_semantics = [#tpu.dimension_semantics<core_parallel>, #tpu.dimension_semantics<subcore_parallel>], iteration_bounds = array<i64: 2, 16>, scalar_prefetch = 0 : i64, scratch_operands = 13 : i64, tpu.core_type = #tpu.core_type<sc_vector_subcore>, window_params = [{transform_indices = #map}, {transform_indices = #map1}, {transform_indices = #map}]} {
    %mul3A = arith.constant 2 : i32
    %mul3A_0 = arith.muli %arg1, %mul3A : i32
    %add3A = arith.addi %mul3A_0, %arg0 : i32
    %mul3A_1 = arith.constant 2000 : i32
    %mul3A_2 = arith.muli %add3A, %mul3A_1 : i32
    "tpu.region"() ({
      %run_scoped3A = tpu.sem_alloc : memref<!tpu.dma_semaphore, #tpu.memory_space<semaphore_mem>>
      %dma_start3A_62 = tpu.memref_slice %arg3[%mul3A_2] : memref<64000xi32, #tpu.memory_space<hbm>> -> memref<2000xi32, #tpu.memory_space<hbm>>
      %dma_start3A_63 = tpu.memref_slice %arg3[%mul3A_2] : memref<64000xi32, #tpu.memory_space<hbm>> -> memref<2000xi32, #tpu.memory_space<hbm>>
      tpu.enqueue_dma source(%dma_start3A_63 : memref<2000xi32, #tpu.memory_space<hbm>>) target(%arg5 : memref<2000xi32, #tpu.memory_space<vmem>>) target_semaphore(%run_scoped3A : memref<!tpu.dma_semaphore, #tpu.memory_space<semaphore_mem>>)
      %dma_wait3A_64 = tpu.memref_slice %arg3[%mul3A_2] : memref<64000xi32, #tpu.memory_space<hbm>> -> memref<2000xi32, #tpu.memory_space<hbm>>
      %dma_wait3A_65 = tpu.memref_slice %arg3[%mul3A_2] : memref<64000xi32, #tpu.memory_space<hbm>> -> memref<2000xi32, #tpu.memory_space<hbm>>
      tpu.wait_dma2 semaphore(%run_scoped3A : memref<!tpu.dma_semaphore, #tpu.memory_space<semaphore_mem>>) src(%dma_wait3A_65 : memref<2000xi32, #tpu.memory_space<hbm>>) dst(%arg5 : memref<2000xi32, #tpu.memory_space<vmem>>)
      tpu.yield
    }) : () -> ()
    %multiple_of3A = arith.constant 0 : i32
    %multiple_of3A_3 = tpu.assume_multiple %multiple_of3A, 8 : i32
    %dma_start3A = tpu.memref_slice %arg5[%multiple_of3A_3] : memref<2000xi32, #tpu.memory_space<vmem>> -> memref<80xi32, #tpu.memory_space<vmem>>
    %dma_start3A_4 = arith.constant 0 : i32
    %dma_start3A_5 = arith.constant 0 : i32
    %dma_start3A_6 = tpu.memref_slice %arg2[%dma_start3A_4, %dma_start3A_5] : memref<10000x128xi32, #tpu.memory_space<hbm>> -> memref<10000x128xi32, #tpu.memory_space<hbm>>
    tpu.enqueue_indirect_dma source(%dma_start3A_6 : memref<10000x128xi32, #tpu.memory_space<hbm>>) target(%arg6 : memref<80x128xi32, #tpu.memory_space<vmem>>) offsets(%dma_start3A : memref<80xi32, #tpu.memory_space<vmem>>) semaphore(%arg10 : memref<!tpu.dma_semaphore, #tpu.memory_space<semaphore_mem>>)
    %multiple_of3A_7 = arith.constant 80 : i32
    %multiple_of3A_8 = tpu.assume_multiple %multiple_of3A_7, 8 : i32
    %dma_start3A_9 = tpu.memref_slice %arg5[%multiple_of3A_8] : memref<2000xi32, #tpu.memory_space<vmem>> -> memref<80xi32, #tpu.memory_space<vmem>>
    %dma_start3A_10 = arith.constant 0 : i32
    %dma_start3A_11 = arith.constant 0 : i32
    %dma_start3A_12 = tpu.memref_slice %arg2[%dma_start3A_10, %dma_start3A_11] : memref<10000x128xi32, #tpu.memory_space<hbm>> -> memref<10000x128xi32, #tpu.memory_space<hbm>>
    tpu.enqueue_indirect_dma source(%dma_start3A_12 : memref<10000x128xi32, #tpu.memory_space<hbm>>) target(%arg7 : memref<80x128xi32, #tpu.memory_space<vmem>>) offsets(%dma_start3A_9 : memref<80xi32, #tpu.memory_space<vmem>>) semaphore(%arg11 : memref<!tpu.dma_semaphore, #tpu.memory_space<semaphore_mem>>)
    %scan3A = arith.constant 0 : i32
    %scan3A_13 = arith.constant 0 : i32
    %scan3A_14 = arith.constant 6 : i32
    %scan3A_15 = arith.addi %scan3A_13, %scan3A_14 : i32
    %scan3A_16 = arith.constant 1 : i32
    scf.for %scan3A_62 = %scan3A_13 to %scan3A_15 step %scan3A_16  : i32 {
      %mul3A_63 = arith.constant 4 : i32
      %mul3A_64 = arith.muli %mul3A_63, %scan3A_62 : i32
      %add3A_65 = arith.constant 0 : i32
      %add3A_66 = arith.addi %mul3A_64, %add3A_65 : i32
      %multiple_of3A_67 = arith.constant 0 : i32
      %multiple_of3A_68 = tpu.assume_multiple %multiple_of3A_67, 8 : i32
      %dma_wait3A_69 = tpu.memref_slice %arg5[%multiple_of3A_68] : memref<2000xi32, #tpu.memory_space<vmem>> -> memref<80xi32, #tpu.memory_space<vmem>>
      %dma_wait3A_70 = arith.constant 0 : i32
      %dma_wait3A_71 = arith.constant 0 : i32
      %dma_wait3A_72 = tpu.memref_slice %arg2[%dma_wait3A_70, %dma_wait3A_71] : memref<10000x128xi32, #tpu.memory_space<hbm>> -> memref<10000x128xi32, #tpu.memory_space<hbm>>
      tpu.wait_indirect_dma semaphore(%arg10 : memref<!tpu.dma_semaphore, #tpu.memory_space<semaphore_mem>>) src(%dma_wait3A_72 : memref<10000x128xi32, #tpu.memory_space<hbm>>) dst(%arg6 : memref<80x128xi32, #tpu.memory_space<vmem>>)
      %mul3A_73 = arith.constant 80 : i32
      %mul3A_74 = arith.muli %add3A_66, %mul3A_73 : i32
      %add3A_75 = arith.addi %mul3A_2, %mul3A_74 : i32
      %multiple_of3A_76 = tpu.assume_multiple %add3A_75, 8 : i32
      %dma_start3A_77 = arith.constant 0 : i32
      %dma_start3A_78 = tpu.memref_slice %arg4[%multiple_of3A_76, %dma_start3A_77] : memref<64000x128xi32, #tpu.memory_space<hbm>> -> memref<80x128xi32, #tpu.memory_space<hbm>>
      %dma_start3A_79 = arith.constant 0 : i32
      %dma_start3A_80 = tpu.memref_slice %arg4[%multiple_of3A_76, %dma_start3A_79] : memref<64000x128xi32, #tpu.memory_space<hbm>> -> memref<80x128xi32, #tpu.memory_space<hbm>>
      tpu.enqueue_dma source(%arg6 : memref<80x128xi32, #tpu.memory_space<vmem>>) target(%dma_start3A_80 : memref<80x128xi32, #tpu.memory_space<hbm>>) target_semaphore(%arg14 : memref<!tpu.dma_semaphore, #tpu.memory_space<semaphore_mem>>)
      %add3A_81 = arith.constant 2 : i32
      %add3A_82 = arith.addi %add3A_66, %add3A_81 : i32
      %lt3A_83 = arith.constant 25 : i32
      %lt3A_84 = arith.cmpi slt, %add3A_82, %lt3A_83 : i32
      %convert_element_type3A_85 = arith.extui %lt3A_84 : i1 to i32
      %cond3A_86 = arith.constant 0 : i32
      %cond3A_87 = arith.cmpi ne, %convert_element_type3A_85, %cond3A_86 : i32
      scf.if %cond3A_87 {
        %ge3A = arith.constant 2 : i32
        %ge3A_163 = arith.cmpi sge, %add3A_66, %ge3A : i32
        %convert_element_type3A_164 = arith.extui %ge3A_163 : i1 to i32
        %cond3A_165 = arith.constant 0 : i32
        %cond3A_166 = arith.cmpi ne, %convert_element_type3A_164, %cond3A_165 : i32
        scf.if %cond3A_166 {
          %dma_wait3A_174 = arith.constant 0 : i32
          %dma_wait3A_175 = arith.constant 0 : i32
          %dma_wait3A_176 = tpu.memref_slice %arg4[%dma_wait3A_174, %dma_wait3A_175] : memref<64000x128xi32, #tpu.memory_space<hbm>> -> memref<80x128xi32, #tpu.memory_space<hbm>>
          %dma_wait3A_177 = arith.constant 0 : i32
          %dma_wait3A_178 = arith.constant 0 : i32
          %dma_wait3A_179 = tpu.memref_slice %arg4[%dma_wait3A_177, %dma_wait3A_178] : memref<64000x128xi32, #tpu.memory_space<hbm>> -> memref<80x128xi32, #tpu.memory_space<hbm>>
          tpu.wait_dma2 semaphore(%arg16 : memref<!tpu.dma_semaphore, #tpu.memory_space<semaphore_mem>>) src(%arg8 : memref<80x128xi32, #tpu.memory_space<vmem>>) dst(%dma_wait3A_179 : memref<80x128xi32, #tpu.memory_space<hbm>>)
        } else {
        }
        %mul3A_167 = arith.constant 80 : i32
        %mul3A_168 = arith.muli %add3A_82, %mul3A_167 : i32
        %multiple_of3A_169 = tpu.assume_multiple %mul3A_168, 8 : i32
        %dma_start3A_170 = tpu.memref_slice %arg5[%multiple_of3A_169] : memref<2000xi32, #tpu.memory_space<vmem>> -> memref<80xi32, #tpu.memory_space<vmem>>
        %dma_start3A_171 = arith.constant 0 : i32
        %dma_start3A_172 = arith.constant 0 : i32
        %dma_start3A_173 = tpu.memref_slice %arg2[%dma_start3A_171, %dma_start3A_172] : memref<10000x128xi32, #tpu.memory_space<hbm>> -> memref<10000x128xi32, #tpu.memory_space<hbm>>
        tpu.enqueue_indirect_dma source(%dma_start3A_173 : memref<10000x128xi32, #tpu.memory_space<hbm>>) target(%arg8 : memref<80x128xi32, #tpu.memory_space<vmem>>) offsets(%dma_start3A_170 : memref<80xi32, #tpu.memory_space<vmem>>) semaphore(%arg12 : memref<!tpu.dma_semaphore, #tpu.memory_space<semaphore_mem>>)
      } else {
      }
      %mul3A_88 = arith.constant 4 : i32
      %mul3A_89 = arith.muli %mul3A_88, %scan3A_62 : i32
      %add3A_90 = arith.constant 1 : i32
      %add3A_91 = arith.addi %mul3A_89, %add3A_90 : i32
      %multiple_of3A_92 = arith.constant 0 : i32
      %multiple_of3A_93 = tpu.assume_multiple %multiple_of3A_92, 8 : i32
      %dma_wait3A_94 = tpu.memref_slice %arg5[%multiple_of3A_93] : memref<2000xi32, #tpu.memory_space<vmem>> -> memref<80xi32, #tpu.memory_space<vmem>>
      %dma_wait3A_95 = arith.constant 0 : i32
      %dma_wait3A_96 = arith.constant 0 : i32
      %dma_wait3A_97 = tpu.memref_slice %arg2[%dma_wait3A_95, %dma_wait3A_96] : memref<10000x128xi32, #tpu.memory_space<hbm>> -> memref<10000x128xi32, #tpu.memory_space<hbm>>
      tpu.wait_indirect_dma semaphore(%arg11 : memref<!tpu.dma_semaphore, #tpu.memory_space<semaphore_mem>>) src(%dma_wait3A_97 : memref<10000x128xi32, #tpu.memory_space<hbm>>) dst(%arg7 : memref<80x128xi32, #tpu.memory_space<vmem>>)
      %mul3A_98 = arith.constant 80 : i32
      %mul3A_99 = arith.muli %add3A_91, %mul3A_98 : i32
      %add3A_100 = arith.addi %mul3A_2, %mul3A_99 : i32
      %multiple_of3A_101 = tpu.assume_multiple %add3A_100, 8 : i32
      %dma_start3A_102 = arith.constant 0 : i32
      %dma_start3A_103 = tpu.memref_slice %arg4[%multiple_of3A_101, %dma_start3A_102] : memref<64000x128xi32, #tpu.memory_space<hbm>> -> memref<80x128xi32, #tpu.memory_space<hbm>>
      %dma_start3A_104 = arith.constant 0 : i32
      %dma_start3A_105 = tpu.memref_slice %arg4[%multiple_of3A_101, %dma_start3A_104] : memref<64000x128xi32, #tpu.memory_space<hbm>> -> memref<80x128xi32, #tpu.memory_space<hbm>>
      tpu.enqueue_dma source(%arg7 : memref<80x128xi32, #tpu.memory_space<vmem>>) target(%dma_start3A_105 : memref<80x128xi32, #tpu.memory_space<hbm>>) target_semaphore(%arg15 : memref<!tpu.dma_semaphore, #tpu.memory_space<semaphore_mem>>)
      %add3A_106 = arith.constant 2 : i32
      %add3A_107 = arith.addi %add3A_91, %add3A_106 : i32
      %lt3A_108 = arith.constant 25 : i32
      %lt3A_109 = arith.cmpi slt, %add3A_107, %lt3A_108 : i32
      %convert_element_type3A_110 = arith.extui %lt3A_109 : i1 to i32
      %cond3A_111 = arith.constant 0 : i32
      %cond3A_112 = arith.cmpi ne, %convert_element_type3A_110, %cond3A_111 : i32
      scf.if %cond3A_112 {
        %ge3A = arith.constant 2 : i32
        %ge3A_163 = arith.cmpi sge, %add3A_91, %ge3A : i32
        %convert_element_type3A_164 = arith.extui %ge3A_163 : i1 to i32
        %cond3A_165 = arith.constant 0 : i32
        %cond3A_166 = arith.cmpi ne, %convert_element_type3A_164, %cond3A_165 : i32
        scf.if %cond3A_166 {
          %dma_wait3A_174 = arith.constant 0 : i32
          %dma_wait3A_175 = arith.constant 0 : i32
          %dma_wait3A_176 = tpu.memref_slice %arg4[%dma_wait3A_174, %dma_wait3A_175] : memref<64000x128xi32, #tpu.memory_space<hbm>> -> memref<80x128xi32, #tpu.memory_space<hbm>>
          %dma_wait3A_177 = arith.constant 0 : i32
          %dma_wait3A_178 = arith.constant 0 : i32
          %dma_wait3A_179 = tpu.memref_slice %arg4[%dma_wait3A_177, %dma_wait3A_178] : memref<64000x128xi32, #tpu.memory_space<hbm>> -> memref<80x128xi32, #tpu.memory_space<hbm>>
          tpu.wait_dma2 semaphore(%arg17 : memref<!tpu.dma_semaphore, #tpu.memory_space<semaphore_mem>>) src(%arg9 : memref<80x128xi32, #tpu.memory_space<vmem>>) dst(%dma_wait3A_179 : memref<80x128xi32, #tpu.memory_space<hbm>>)
        } else {
        }
        %mul3A_167 = arith.constant 80 : i32
        %mul3A_168 = arith.muli %add3A_107, %mul3A_167 : i32
        %multiple_of3A_169 = tpu.assume_multiple %mul3A_168, 8 : i32
        %dma_start3A_170 = tpu.memref_slice %arg5[%multiple_of3A_169] : memref<2000xi32, #tpu.memory_space<vmem>> -> memref<80xi32, #tpu.memory_space<vmem>>
        %dma_start3A_171 = arith.constant 0 : i32
        %dma_start3A_172 = arith.constant 0 : i32
        %dma_start3A_173 = tpu.memref_slice %arg2[%dma_start3A_171, %dma_start3A_172] : memref<10000x128xi32, #tpu.memory_space<hbm>> -> memref<10000x128xi32, #tpu.memory_space<hbm>>
        tpu.enqueue_indirect_dma source(%dma_start3A_173 : memref<10000x128xi32, #tpu.memory_space<hbm>>) target(%arg9 : memref<80x128xi32, #tpu.memory_space<vmem>>) offsets(%dma_start3A_170 : memref<80xi32, #tpu.memory_space<vmem>>) semaphore(%arg13 : memref<!tpu.dma_semaphore, #tpu.memory_space<semaphore_mem>>)
      } else {
      }
      %mul3A_113 = arith.constant 4 : i32
      %mul3A_114 = arith.muli %mul3A_113, %scan3A_62 : i32
      %add3A_115 = arith.constant 2 : i32
      %add3A_116 = arith.addi %mul3A_114, %add3A_115 : i32
      %multiple_of3A_117 = arith.constant 0 : i32
      %multiple_of3A_118 = tpu.assume_multiple %multiple_of3A_117, 8 : i32
      %dma_wait3A_119 = tpu.memref_slice %arg5[%multiple_of3A_118] : memref<2000xi32, #tpu.memory_space<vmem>> -> memref<80xi32, #tpu.memory_space<vmem>>
      %dma_wait3A_120 = arith.constant 0 : i32
      %dma_wait3A_121 = arith.constant 0 : i32
      %dma_wait3A_122 = tpu.memref_slice %arg2[%dma_wait3A_120, %dma_wait3A_121] : memref<10000x128xi32, #tpu.memory_space<hbm>> -> memref<10000x128xi32, #tpu.memory_space<hbm>>
      tpu.wait_indirect_dma semaphore(%arg12 : memref<!tpu.dma_semaphore, #tpu.memory_space<semaphore_mem>>) src(%dma_wait3A_122 : memref<10000x128xi32, #tpu.memory_space<hbm>>) dst(%arg8 : memref<80x128xi32, #tpu.memory_space<vmem>>)
      %mul3A_123 = arith.constant 80 : i32
      %mul3A_124 = arith.muli %add3A_116, %mul3A_123 : i32
      %add3A_125 = arith.addi %mul3A_2, %mul3A_124 : i32
      %multiple_of3A_126 = tpu.assume_multiple %add3A_125, 8 : i32
      %dma_start3A_127 = arith.constant 0 : i32
      %dma_start3A_128 = tpu.memref_slice %arg4[%multiple_of3A_126, %dma_start3A_127] : memref<64000x128xi32, #tpu.memory_space<hbm>> -> memref<80x128xi32, #tpu.memory_space<hbm>>
      %dma_start3A_129 = arith.constant 0 : i32
      %dma_start3A_130 = tpu.memref_slice %arg4[%multiple_of3A_126, %dma_start3A_129] : memref<64000x128xi32, #tpu.memory_space<hbm>> -> memref<80x128xi32, #tpu.memory_space<hbm>>
      tpu.enqueue_dma source(%arg8 : memref<80x128xi32, #tpu.memory_space<vmem>>) target(%dma_start3A_130 : memref<80x128xi32, #tpu.memory_space<hbm>>) target_semaphore(%arg16 : memref<!tpu.dma_semaphore, #tpu.memory_space<semaphore_mem>>)
      %add3A_131 = arith.constant 2 : i32
      %add3A_132 = arith.addi %add3A_116, %add3A_131 : i32
      %lt3A_133 = arith.constant 25 : i32
      %lt3A_134 = arith.cmpi slt, %add3A_132, %lt3A_133 : i32
      %convert_element_type3A_135 = arith.extui %lt3A_134 : i1 to i32
      %cond3A_136 = arith.constant 0 : i32
      %cond3A_137 = arith.cmpi ne, %convert_element_type3A_135, %cond3A_136 : i32
      scf.if %cond3A_137 {
        %ge3A = arith.constant 2 : i32
        %ge3A_163 = arith.cmpi sge, %add3A_116, %ge3A : i32
        %convert_element_type3A_164 = arith.extui %ge3A_163 : i1 to i32
        %cond3A_165 = arith.constant 0 : i32
        %cond3A_166 = arith.cmpi ne, %convert_element_type3A_164, %cond3A_165 : i32
        scf.if %cond3A_166 {
          %dma_wait3A_174 = arith.constant 0 : i32
          %dma_wait3A_175 = arith.constant 0 : i32
          %dma_wait3A_176 = tpu.memref_slice %arg4[%dma_wait3A_174, %dma_wait3A_175] : memref<64000x128xi32, #tpu.memory_space<hbm>> -> memref<80x128xi32, #tpu.memory_space<hbm>>
          %dma_wait3A_177 = arith.constant 0 : i32
          %dma_wait3A_178 = arith.constant 0 : i32
          %dma_wait3A_179 = tpu.memref_slice %arg4[%dma_wait3A_177, %dma_wait3A_178] : memref<64000x128xi32, #tpu.memory_space<hbm>> -> memref<80x128xi32, #tpu.memory_space<hbm>>
          tpu.wait_dma2 semaphore(%arg14 : memref<!tpu.dma_semaphore, #tpu.memory_space<semaphore_mem>>) src(%arg6 : memref<80x128xi32, #tpu.memory_space<vmem>>) dst(%dma_wait3A_179 : memref<80x128xi32, #tpu.memory_space<hbm>>)
        } else {
        }
        %mul3A_167 = arith.constant 80 : i32
        %mul3A_168 = arith.muli %add3A_132, %mul3A_167 : i32
        %multiple_of3A_169 = tpu.assume_multiple %mul3A_168, 8 : i32
        %dma_start3A_170 = tpu.memref_slice %arg5[%multiple_of3A_169] : memref<2000xi32, #tpu.memory_space<vmem>> -> memref<80xi32, #tpu.memory_space<vmem>>
        %dma_start3A_171 = arith.constant 0 : i32
        %dma_start3A_172 = arith.constant 0 : i32
        %dma_start3A_173 = tpu.memref_slice %arg2[%dma_start3A_171, %dma_start3A_172] : memref<10000x128xi32, #tpu.memory_space<hbm>> -> memref<10000x128xi32, #tpu.memory_space<hbm>>
        tpu.enqueue_indirect_dma source(%dma_start3A_173 : memref<10000x128xi32, #tpu.memory_space<hbm>>) target(%arg6 : memref<80x128xi32, #tpu.memory_space<vmem>>) offsets(%dma_start3A_170 : memref<80xi32, #tpu.memory_space<vmem>>) semaphore(%arg10 : memref<!tpu.dma_semaphore, #tpu.memory_space<semaphore_mem>>)
      } else {
      }
      %mul3A_138 = arith.constant 4 : i32
      %mul3A_139 = arith.muli %mul3A_138, %scan3A_62 : i32
      %add3A_140 = arith.constant 3 : i32
      %add3A_141 = arith.addi %mul3A_139, %add3A_140 : i32
      %multiple_of3A_142 = arith.constant 0 : i32
      %multiple_of3A_143 = tpu.assume_multiple %multiple_of3A_142, 8 : i32
      %dma_wait3A_144 = tpu.memref_slice %arg5[%multiple_of3A_143] : memref<2000xi32, #tpu.memory_space<vmem>> -> memref<80xi32, #tpu.memory_space<vmem>>
      %dma_wait3A_145 = arith.constant 0 : i32
      %dma_wait3A_146 = arith.constant 0 : i32
      %dma_wait3A_147 = tpu.memref_slice %arg2[%dma_wait3A_145, %dma_wait3A_146] : memref<10000x128xi32, #tpu.memory_space<hbm>> -> memref<10000x128xi32, #tpu.memory_space<hbm>>
      tpu.wait_indirect_dma semaphore(%arg13 : memref<!tpu.dma_semaphore, #tpu.memory_space<semaphore_mem>>) src(%dma_wait3A_147 : memref<10000x128xi32, #tpu.memory_space<hbm>>) dst(%arg9 : memref<80x128xi32, #tpu.memory_space<vmem>>)
      %mul3A_148 = arith.constant 80 : i32
      %mul3A_149 = arith.muli %add3A_141, %mul3A_148 : i32
      %add3A_150 = arith.addi %mul3A_2, %mul3A_149 : i32
      %multiple_of3A_151 = tpu.assume_multiple %add3A_150, 8 : i32
      %dma_start3A_152 = arith.constant 0 : i32
      %dma_start3A_153 = tpu.memref_slice %arg4[%multiple_of3A_151, %dma_start3A_152] : memref<64000x128xi32, #tpu.memory_space<hbm>> -> memref<80x128xi32, #tpu.memory_space<hbm>>
      %dma_start3A_154 = arith.constant 0 : i32
      %dma_start3A_155 = tpu.memref_slice %arg4[%multiple_of3A_151, %dma_start3A_154] : memref<64000x128xi32, #tpu.memory_space<hbm>> -> memref<80x128xi32, #tpu.memory_space<hbm>>
      tpu.enqueue_dma source(%arg9 : memref<80x128xi32, #tpu.memory_space<vmem>>) target(%dma_start3A_155 : memref<80x128xi32, #tpu.memory_space<hbm>>) target_semaphore(%arg17 : memref<!tpu.dma_semaphore, #tpu.memory_space<semaphore_mem>>)
      %add3A_156 = arith.constant 2 : i32
      %add3A_157 = arith.addi %add3A_141, %add3A_156 : i32
      %lt3A_158 = arith.constant 25 : i32
      %lt3A_159 = arith.cmpi slt, %add3A_157, %lt3A_158 : i32
      %convert_element_type3A_160 = arith.extui %lt3A_159 : i1 to i32
      %cond3A_161 = arith.constant 0 : i32
      %cond3A_162 = arith.cmpi ne, %convert_element_type3A_160, %cond3A_161 : i32
      scf.if %cond3A_162 {
        %ge3A = arith.constant 2 : i32
        %ge3A_163 = arith.cmpi sge, %add3A_141, %ge3A : i32
        %convert_element_type3A_164 = arith.extui %ge3A_163 : i1 to i32
        %cond3A_165 = arith.constant 0 : i32
        %cond3A_166 = arith.cmpi ne, %convert_element_type3A_164, %cond3A_165 : i32
        scf.if %cond3A_166 {
          %dma_wait3A_174 = arith.constant 0 : i32
          %dma_wait3A_175 = arith.constant 0 : i32
          %dma_wait3A_176 = tpu.memref_slice %arg4[%dma_wait3A_174, %dma_wait3A_175] : memref<64000x128xi32, #tpu.memory_space<hbm>> -> memref<80x128xi32, #tpu.memory_space<hbm>>
          %dma_wait3A_177 = arith.constant 0 : i32
          %dma_wait3A_178 = arith.constant 0 : i32
          %dma_wait3A_179 = tpu.memref_slice %arg4[%dma_wait3A_177, %dma_wait3A_178] : memref<64000x128xi32, #tpu.memory_space<hbm>> -> memref<80x128xi32, #tpu.memory_space<hbm>>
          tpu.wait_dma2 semaphore(%arg15 : memref<!tpu.dma_semaphore, #tpu.memory_space<semaphore_mem>>) src(%arg7 : memref<80x128xi32, #tpu.memory_space<vmem>>) dst(%dma_wait3A_179 : memref<80x128xi32, #tpu.memory_space<hbm>>)
        } else {
        }
        %mul3A_167 = arith.constant 80 : i32
        %mul3A_168 = arith.muli %add3A_157, %mul3A_167 : i32
        %multiple_of3A_169 = tpu.assume_multiple %mul3A_168, 8 : i32
        %dma_start3A_170 = tpu.memref_slice %arg5[%multiple_of3A_169] : memref<2000xi32, #tpu.memory_space<vmem>> -> memref<80xi32, #tpu.memory_space<vmem>>
        %dma_start3A_171 = arith.constant 0 : i32
        %dma_start3A_172 = arith.constant 0 : i32
        %dma_start3A_173 = tpu.memref_slice %arg2[%dma_start3A_171, %dma_start3A_172] : memref<10000x128xi32, #tpu.memory_space<hbm>> -> memref<10000x128xi32, #tpu.memory_space<hbm>>
        tpu.enqueue_indirect_dma source(%dma_start3A_173 : memref<10000x128xi32, #tpu.memory_space<hbm>>) target(%arg7 : memref<80x128xi32, #tpu.memory_space<vmem>>) offsets(%dma_start3A_170 : memref<80xi32, #tpu.memory_space<vmem>>) semaphore(%arg11 : memref<!tpu.dma_semaphore, #tpu.memory_space<semaphore_mem>>)
      } else {
      }
    }
    %scan3A_17 = arith.constant 6 : i32
    %multiple_of3A_18 = arith.constant 0 : i32
    %multiple_of3A_19 = tpu.assume_multiple %multiple_of3A_18, 8 : i32
    %dma_wait3A = tpu.memref_slice %arg5[%multiple_of3A_19] : memref<2000xi32, #tpu.memory_space<vmem>> -> memref<80xi32, #tpu.memory_space<vmem>>
    %dma_wait3A_20 = arith.constant 0 : i32
    %dma_wait3A_21 = arith.constant 0 : i32
    %dma_wait3A_22 = tpu.memref_slice %arg2[%dma_wait3A_20, %dma_wait3A_21] : memref<10000x128xi32, #tpu.memory_space<hbm>> -> memref<10000x128xi32, #tpu.memory_space<hbm>>
    tpu.wait_indirect_dma semaphore(%arg10 : memref<!tpu.dma_semaphore, #tpu.memory_space<semaphore_mem>>) src(%dma_wait3A_22 : memref<10000x128xi32, #tpu.memory_space<hbm>>) dst(%arg6 : memref<80x128xi32, #tpu.memory_space<vmem>>)
    %mul3A_23 = arith.constant 24 : i32
    %mul3A_24 = arith.constant 80 : i32
    %mul3A_25 = arith.muli %mul3A_23, %mul3A_24 : i32
    %add3A_26 = arith.addi %mul3A_2, %mul3A_25 : i32
    %multiple_of3A_27 = tpu.assume_multiple %add3A_26, 8 : i32
    %dma_start3A_28 = arith.constant 0 : i32
    %dma_start3A_29 = tpu.memref_slice %arg4[%multiple_of3A_27, %dma_start3A_28] : memref<64000x128xi32, #tpu.memory_space<hbm>> -> memref<80x128xi32, #tpu.memory_space<hbm>>
    %dma_start3A_30 = arith.constant 0 : i32
    %dma_start3A_31 = tpu.memref_slice %arg4[%multiple_of3A_27, %dma_start3A_30] : memref<64000x128xi32, #tpu.memory_space<hbm>> -> memref<80x128xi32, #tpu.memory_space<hbm>>
    tpu.enqueue_dma source(%arg6 : memref<80x128xi32, #tpu.memory_space<vmem>>) target(%dma_start3A_31 : memref<80x128xi32, #tpu.memory_space<hbm>>) target_semaphore(%arg14 : memref<!tpu.dma_semaphore, #tpu.memory_space<semaphore_mem>>)
    %add3A_32 = arith.constant 24 : i32
    %add3A_33 = arith.constant 2 : i32
    %add3A_34 = arith.addi %add3A_32, %add3A_33 : i32
    %lt3A = arith.constant 25 : i32
    %lt3A_35 = arith.cmpi slt, %add3A_34, %lt3A : i32
    %convert_element_type3A = arith.extui %lt3A_35 : i1 to i32
    %cond3A = arith.constant 24 : i32
    %cond3A_36 = arith.constant 0 : i32
    %cond3A_37 = arith.cmpi ne, %convert_element_type3A, %cond3A_36 : i32
    scf.if %cond3A_37 {
      %ge3A = arith.constant 2 : i32
      %ge3A_62 = arith.cmpi sge, %cond3A, %ge3A : i32
      %convert_element_type3A_63 = arith.extui %ge3A_62 : i1 to i32
      %cond3A_64 = arith.constant 0 : i32
      %cond3A_65 = arith.cmpi ne, %convert_element_type3A_63, %cond3A_64 : i32
      scf.if %cond3A_65 {
        %dma_wait3A_73 = arith.constant 0 : i32
        %dma_wait3A_74 = arith.constant 0 : i32
        %dma_wait3A_75 = tpu.memref_slice %arg4[%dma_wait3A_73, %dma_wait3A_74] : memref<64000x128xi32, #tpu.memory_space<hbm>> -> memref<80x128xi32, #tpu.memory_space<hbm>>
        %dma_wait3A_76 = arith.constant 0 : i32
        %dma_wait3A_77 = arith.constant 0 : i32
        %dma_wait3A_78 = tpu.memref_slice %arg4[%dma_wait3A_76, %dma_wait3A_77] : memref<64000x128xi32, #tpu.memory_space<hbm>> -> memref<80x128xi32, #tpu.memory_space<hbm>>
        tpu.wait_dma2 semaphore(%arg16 : memref<!tpu.dma_semaphore, #tpu.memory_space<semaphore_mem>>) src(%arg8 : memref<80x128xi32, #tpu.memory_space<vmem>>) dst(%dma_wait3A_78 : memref<80x128xi32, #tpu.memory_space<hbm>>)
      } else {
      }
      %mul3A_66 = arith.constant 80 : i32
      %mul3A_67 = arith.muli %add3A_34, %mul3A_66 : i32
      %multiple_of3A_68 = tpu.assume_multiple %mul3A_67, 8 : i32
      %dma_start3A_69 = tpu.memref_slice %arg5[%multiple_of3A_68] : memref<2000xi32, #tpu.memory_space<vmem>> -> memref<80xi32, #tpu.memory_space<vmem>>
      %dma_start3A_70 = arith.constant 0 : i32
      %dma_start3A_71 = arith.constant 0 : i32
      %dma_start3A_72 = tpu.memref_slice %arg2[%dma_start3A_70, %dma_start3A_71] : memref<10000x128xi32, #tpu.memory_space<hbm>> -> memref<10000x128xi32, #tpu.memory_space<hbm>>
      tpu.enqueue_indirect_dma source(%dma_start3A_72 : memref<10000x128xi32, #tpu.memory_space<hbm>>) target(%arg8 : memref<80x128xi32, #tpu.memory_space<vmem>>) offsets(%dma_start3A_69 : memref<80xi32, #tpu.memory_space<vmem>>) semaphore(%arg12 : memref<!tpu.dma_semaphore, #tpu.memory_space<semaphore_mem>>)
    } else {
    }
    %dma_wait3A_38 = arith.constant 0 : i32
    %dma_wait3A_39 = arith.constant 0 : i32
    %dma_wait3A_40 = tpu.memref_slice %arg4[%dma_wait3A_38, %dma_wait3A_39] : memref<64000x128xi32, #tpu.memory_space<hbm>> -> memref<80x128xi32, #tpu.memory_space<hbm>>
    %dma_wait3A_41 = arith.constant 0 : i32
    %dma_wait3A_42 = arith.constant 0 : i32
    %dma_wait3A_43 = tpu.memref_slice %arg4[%dma_wait3A_41, %dma_wait3A_42] : memref<64000x128xi32, #tpu.memory_space<hbm>> -> memref<80x128xi32, #tpu.memory_space<hbm>>
    tpu.wait_dma2 semaphore(%arg15 : memref<!tpu.dma_semaphore, #tpu.memory_space<semaphore_mem>>) src(%arg7 : memref<80x128xi32, #tpu.memory_space<vmem>>) dst(%dma_wait3A_43 : memref<80x128xi32, #tpu.memory_space<hbm>>)
    %dma_wait3A_44 = arith.constant 0 : i32
    %dma_wait3A_45 = arith.constant 0 : i32
    %dma_wait3A_46 = tpu.memref_slice %arg4[%dma_wait3A_44, %dma_wait3A_45] : memref<64000x128xi32, #tpu.memory_space<hbm>> -> memref<80x128xi32, #tpu.memory_space<hbm>>
    %dma_wait3A_47 = arith.constant 0 : i32
    %dma_wait3A_48 = arith.constant 0 : i32
    %dma_wait3A_49 = tpu.memref_slice %arg4[%dma_wait3A_47, %dma_wait3A_48] : memref<64000x128xi32, #tpu.memory_space<hbm>> -> memref<80x128xi32, #tpu.memory_space<hbm>>
    tpu.wait_dma2 semaphore(%arg16 : memref<!tpu.dma_semaphore, #tpu.memory_space<semaphore_mem>>) src(%arg8 : memref<80x128xi32, #tpu.memory_space<vmem>>) dst(%dma_wait3A_49 : memref<80x128xi32, #tpu.memory_space<hbm>>)
    %dma_wait3A_50 = arith.constant 0 : i32
    %dma_wait3A_51 = arith.constant 0 : i32
    %dma_wait3A_52 = tpu.memref_slice %arg4[%dma_wait3A_50, %dma_wait3A_51] : memref<64000x128xi32, #tpu.memory_space<hbm>> -> memref<80x128xi32, #tpu.memory_space<hbm>>
    %dma_wait3A_53 = arith.constant 0 : i32
    %dma_wait3A_54 = arith.constant 0 : i32
    %dma_wait3A_55 = tpu.memref_slice %arg4[%dma_wait3A_53, %dma_wait3A_54] : memref<64000x128xi32, #tpu.memory_space<hbm>> -> memref<80x128xi32, #tpu.memory_space<hbm>>
    tpu.wait_dma2 semaphore(%arg17 : memref<!tpu.dma_semaphore, #tpu.memory_space<semaphore_mem>>) src(%arg9 : memref<80x128xi32, #tpu.memory_space<vmem>>) dst(%dma_wait3A_55 : memref<80x128xi32, #tpu.memory_space<hbm>>)
    %dma_wait3A_56 = arith.constant 0 : i32
    %dma_wait3A_57 = arith.constant 0 : i32
    %dma_wait3A_58 = tpu.memref_slice %arg4[%dma_wait3A_56, %dma_wait3A_57] : memref<64000x128xi32, #tpu.memory_space<hbm>> -> memref<80x128xi32, #tpu.memory_space<hbm>>
    %dma_wait3A_59 = arith.constant 0 : i32
    %dma_wait3A_60 = arith.constant 0 : i32
    %dma_wait3A_61 = tpu.memref_slice %arg4[%dma_wait3A_59, %dma_wait3A_60] : memref<64000x128xi32, #tpu.memory_space<hbm>> -> memref<80x128xi32, #tpu.memory_space<hbm>>
    tpu.wait_dma2 semaphore(%arg14 : memref<!tpu.dma_semaphore, #tpu.memory_space<semaphore_mem>>) src(%arg6 : memref<80x128xi32, #tpu.memory_space<vmem>>) dst(%dma_wait3A_61 : memref<80x128xi32, #tpu.memory_space<hbm>>)
    return
  }
}

#map = affine_map<(d0, d1) -> (0, 0)>
#map1 = affine_map<(d0, d1) -> (0)>
module attributes {stable_mosaic.version = 14 : i64} {
  func.func @_sc_gather_body(%arg0: i32, %arg1: i32, %arg2: memref<10000x128xi32, #tpu.memory_space<hbm>>, %arg3: memref<64000xi32, #tpu.memory_space<hbm>>, %arg4: memref<64000x128xi32, #tpu.memory_space<hbm>>, %arg5: memref<2000xi32, #tpu.memory_space<vmem>>, %arg6: memref<80x128xi32, #tpu.memory_space<vmem>>, %arg7: memref<80x128xi32, #tpu.memory_space<vmem>>, %arg8: memref<80x128xi32, #tpu.memory_space<vmem>>, %arg9: memref<80x128xi32, #tpu.memory_space<vmem>>, %arg10: memref<!tpu.dma_semaphore, #tpu.memory_space<semaphore_mem>>, %arg11: memref<!tpu.dma_semaphore, #tpu.memory_space<semaphore_mem>>, %arg12: memref<!tpu.dma_semaphore, #tpu.memory_space<semaphore_mem>>, %arg13: memref<!tpu.dma_semaphore, #tpu.memory_space<semaphore_mem>>, %arg14: memref<!tpu.dma_semaphore, #tpu.memory_space<semaphore_mem>>, %arg15: memref<!tpu.dma_semaphore, #tpu.memory_space<semaphore_mem>>, %arg16: memref<!tpu.dma_semaphore, #tpu.memory_space<semaphore_mem>>, %arg17: memref<!tpu.dma_semaphore, #tpu.memory_space<semaphore_mem>>) attributes {dimension_semantics = [#tpu.dimension_semantics<core_parallel>, #tpu.dimension_semantics<subcore_parallel>], iteration_bounds = array<i64: 2, 16>, scalar_prefetch = 0 : i64, scratch_operands = 13 : i64, tpu.core_type = #tpu.core_type<sc_vector_subcore>, window_params = [{transform_indices = #map}, {transform_indices = #map1}, {transform_indices = #map}]} {
    %mul3A = arith.constant 2 : i32
    %mul3A_0 = arith.muli %arg1, %mul3A : i32
    %add3A = arith.addi %mul3A_0, %arg0 : i32
    %mul3A_1 = arith.constant 2000 : i32
    %mul3A_2 = arith.muli %add3A, %mul3A_1 : i32
    "tpu.region"() ({
      %run_scoped3A = tpu.sem_alloc : memref<!tpu.dma_semaphore, #tpu.memory_space<semaphore_mem>>
      %dma_start3A_62 = tpu.memref_slice %arg3[%mul3A_2] : memref<64000xi32, #tpu.memory_space<hbm>> -> memref<2000xi32, #tpu.memory_space<hbm>>
      %dma_start3A_63 = tpu.memref_slice %arg3[%mul3A_2] : memref<64000xi32, #tpu.memory_space<hbm>> -> memref<2000xi32, #tpu.memory_space<hbm>>
      tpu.enqueue_dma source(%dma_start3A_63 : memref<2000xi32, #tpu.memory_space<hbm>>) target(%arg5 : memref<2000xi32, #tpu.memory_space<vmem>>) target_semaphore(%run_scoped3A : memref<!tpu.dma_semaphore, #tpu.memory_space<semaphore_mem>>)
      %dma_wait3A_64 = tpu.memref_slice %arg3[%mul3A_2] : memref<64000xi32, #tpu.memory_space<hbm>> -> memref<2000xi32, #tpu.memory_space<hbm>>
      %dma_wait3A_65 = tpu.memref_slice %arg3[%mul3A_2] : memref<64000xi32, #tpu.memory_space<hbm>> -> memref<2000xi32, #tpu.memory_space<hbm>>
      tpu.wait_dma2 semaphore(%run_scoped3A : memref<!tpu.dma_semaphore, #tpu.memory_space<semaphore_mem>>) src(%dma_wait3A_65 : memref<2000xi32, #tpu.memory_space<hbm>>) dst(%arg5 : memref<2000xi32, #tpu.memory_space<vmem>>)
      tpu.yield
    }) : () -> ()
    %multiple_of3A = arith.constant 0 : i32
    %multiple_of3A_3 = tpu.assume_multiple %multiple_of3A, 8 : i32
    %dma_start3A = tpu.memref_slice %arg5[%multiple_of3A_3] : memref<2000xi32, #tpu.memory_space<vmem>> -> memref<80xi32, #tpu.memory_space<vmem>>
    %dma_start3A_4 = arith.constant 0 : i32
    %dma_start3A_5 = arith.constant 0 : i32
    %dma_start3A_6 = tpu.memref_slice %arg2[%dma_start3A_4, %dma_start3A_5] : memref<10000x128xi32, #tpu.memory_space<hbm>> -> memref<10000x128xi32, #tpu.memory_space<hbm>>
    tpu.enqueue_indirect_dma source(%dma_start3A_6 : memref<10000x128xi32, #tpu.memory_space<hbm>>) target(%arg6 : memref<80x128xi32, #tpu.memory_space<vmem>>) offsets(%dma_start3A : memref<80xi32, #tpu.memory_space<vmem>>) semaphore(%arg10 : memref<!tpu.dma_semaphore, #tpu.memory_space<semaphore_mem>>)
    %multiple_of3A_7 = arith.constant 80 : i32
    %multiple_of3A_8 = tpu.assume_multiple %multiple_of3A_7, 8 : i32
    %dma_start3A_9 = tpu.memref_slice %arg5[%multiple_of3A_8] : memref<2000xi32, #tpu.memory_space<vmem>> -> memref<80xi32, #tpu.memory_space<vmem>>
    %dma_start3A_10 = arith.constant 0 : i32
    %dma_start3A_11 = arith.constant 0 : i32
    %dma_start3A_12 = tpu.memref_slice %arg2[%dma_start3A_10, %dma_start3A_11] : memref<10000x128xi32, #tpu.memory_space<hbm>> -> memref<10000x128xi32, #tpu.memory_space<hbm>>
    tpu.enqueue_indirect_dma source(%dma_start3A_12 : memref<10000x128xi32, #tpu.memory_space<hbm>>) target(%arg7 : memref<80x128xi32, #tpu.memory_space<vmem>>) offsets(%dma_start3A_9 : memref<80xi32, #tpu.memory_space<vmem>>) semaphore(%arg11 : memref<!tpu.dma_semaphore, #tpu.memory_space<semaphore_mem>>)
    %scan3A = arith.constant 0 : i32
    %scan3A_13 = arith.constant 0 : i32
    %scan3A_14 = arith.constant 6 : i32
    %scan3A_15 = arith.addi %scan3A_13, %scan3A_14 : i32
    %scan3A_16 = arith.constant 1 : i32
    scf.for %scan3A_62 = %scan3A_13 to %scan3A_15 step %scan3A_16  : i32 {
      %mul3A_63 = arith.constant 4 : i32
      %mul3A_64 = arith.muli %mul3A_63, %scan3A_62 : i32
      %add3A_65 = arith.constant 0 : i32
      %add3A_66 = arith.addi %mul3A_64, %add3A_65 : i32
      %multiple_of3A_67 = arith.constant 0 : i32
      %multiple_of3A_68 = tpu.assume_multiple %multiple_of3A_67, 8 : i32
      %dma_wait3A_69 = tpu.memref_slice %arg5[%multiple_of3A_68] : memref<2000xi32, #tpu.memory_space<vmem>> -> memref<80xi32, #tpu.memory_space<vmem>>
      %dma_wait3A_70 = arith.constant 0 : i32
      %dma_wait3A_71 = arith.constant 0 : i32
      %dma_wait3A_72 = tpu.memref_slice %arg2[%dma_wait3A_70, %dma_wait3A_71] : memref<10000x128xi32, #tpu.memory_space<hbm>> -> memref<10000x128xi32, #tpu.memory_space<hbm>>
      tpu.wait_indirect_dma semaphore(%arg10 : memref<!tpu.dma_semaphore, #tpu.memory_space<semaphore_mem>>) src(%dma_wait3A_72 : memref<10000x128xi32, #tpu.memory_space<hbm>>) dst(%arg6 : memref<80x128xi32, #tpu.memory_space<vmem>>)
      %mul3A_73 = arith.constant 80 : i32
      %mul3A_74 = arith.muli %add3A_66, %mul3A_73 : i32
      %add3A_75 = arith.addi %mul3A_2, %mul3A_74 : i32
      %multiple_of3A_76 = tpu.assume_multiple %add3A_75, 8 : i32
      %dma_start3A_77 = arith.constant 0 : i32
      %dma_start3A_78 = tpu.memref_slice %arg4[%multiple_of3A_76, %dma_start3A_77] : memref<64000x128xi32, #tpu.memory_space<hbm>> -> memref<80x128xi32, #tpu.memory_space<hbm>>
      %dma_start3A_79 = arith.constant 0 : i32
      %dma_start3A_80 = tpu.memref_slice %arg4[%multiple_of3A_76, %dma_start3A_79] : memref<64000x128xi32, #tpu.memory_space<hbm>> -> memref<80x128xi32, #tpu.memory_space<hbm>>
      tpu.enqueue_dma source(%arg6 : memref<80x128xi32, #tpu.memory_space<vmem>>) target(%dma_start3A_80 : memref<80x128xi32, #tpu.memory_space<hbm>>) target_semaphore(%arg14 : memref<!tpu.dma_semaphore, #tpu.memory_space<semaphore_mem>>)
      %add3A_81 = arith.constant 2 : i32
      %add3A_82 = arith.addi %add3A_66, %add3A_81 : i32
      %lt3A_83 = arith.constant 25 : i32
      %lt3A_84 = arith.cmpi slt, %add3A_82, %lt3A_83 : i32
      %convert_element_type3A_85 = arith.extui %lt3A_84 : i1 to i32
      %cond3A_86 = arith.constant 0 : i32
      %cond3A_87 = arith.cmpi ne, %convert_element_type3A_85, %cond3A_86 : i32
      scf.if %cond3A_87 {
        %ge3A = arith.constant 2 : i32
        %ge3A_163 = arith.cmpi sge, %add3A_66, %ge3A : i32
        %convert_element_type3A_164 = arith.extui %ge3A_163 : i1 to i32
        %cond3A_165 = arith.constant 0 : i32
        %cond3A_166 = arith.cmpi ne, %convert_element_type3A_164, %cond3A_165 : i32
        scf.if %cond3A_166 {
          %dma_wait3A_174 = arith.constant 0 : i32
          %dma_wait3A_175 = arith.constant 0 : i32
          %dma_wait3A_176 = tpu.memref_slice %arg4[%dma_wait3A_174, %dma_wait3A_175] : memref<64000x128xi32, #tpu.memory_space<hbm>> -> memref<80x128xi32, #tpu.memory_space<hbm>>
          %dma_wait3A_177 = arith.constant 0 : i32
          %dma_wait3A_178 = arith.constant 0 : i32
          %dma_wait3A_179 = tpu.memref_slice %arg4[%dma_wait3A_177, %dma_wait3A_178] : memref<64000x128xi32, #tpu.memory_space<hbm>> -> memref<80x128xi32, #tpu.memory_space<hbm>>
          tpu.wait_dma2 semaphore(%arg16 : memref<!tpu.dma_semaphore, #tpu.memory_space<semaphore_mem>>) src(%arg8 : memref<80x128xi32, #tpu.memory_space<vmem>>) dst(%dma_wait3A_179 : memref<80x128xi32, #tpu.memory_space<hbm>>)
        } else {
        }
        %mul3A_167 = arith.constant 80 : i32
        %mul3A_168 = arith.muli %add3A_82, %mul3A_167 : i32
        %multiple_of3A_169 = tpu.assume_multiple %mul3A_168, 8 : i32
        %dma_start3A_170 = tpu.memref_slice %arg5[%multiple_of3A_169] : memref<2000xi32, #tpu.memory_space<vmem>> -> memref<80xi32, #tpu.memory_space<vmem>>
        %dma_start3A_171 = arith.constant 0 : i32
        %dma_start3A_172 = arith.constant 0 : i32
        %dma_start3A_173 = tpu.memref_slice %arg2[%dma_start3A_171, %dma_start3A_172] : memref<10000x128xi32, #tpu.memory_space<hbm>> -> memref<10000x128xi32, #tpu.memory_space<hbm>>
        tpu.enqueue_indirect_dma source(%dma_start3A_173 : memref<10000x128xi32, #tpu.memory_space<hbm>>) target(%arg8 : memref<80x128xi32, #tpu.memory_space<vmem>>) offsets(%dma_start3A_170 : memref<80xi32, #tpu.memory_space<vmem>>) semaphore(%arg12 : memref<!tpu.dma_semaphore, #tpu.memory_space<semaphore_mem>>)
      } else {
      }
      %mul3A_88 = arith.constant 4 : i32
      %mul3A_89 = arith.muli %mul3A_88, %scan3A_62 : i32
      %add3A_90 = arith.constant 1 : i32
      %add3A_91 = arith.addi %mul3A_89, %add3A_90 : i32
      %multiple_of3A_92 = arith.constant 0 : i32
      %multiple_of3A_93 = tpu.assume_multiple %multiple_of3A_92, 8 : i32
      %dma_wait3A_94 = tpu.memref_slice %arg5[%multiple_of3A_93] : memref<2000xi32, #tpu.memory_space<vmem>> -> memref<80xi32, #tpu.memory_space<vmem>>
      %dma_wait3A_95 = arith.constant 0 : i32
      %dma_wait3A_96 = arith.constant 0 : i32
      %dma_wait3A_97 = tpu.memref_slice %arg2[%dma_wait3A_95, %dma_wait3A_96] : memref<10000x128xi32, #tpu.memory_space<hbm>> -> memref<10000x128xi32, #tpu.memory_space<hbm>>
      tpu.wait_indirect_dma semaphore(%arg11 : memref<!tpu.dma_semaphore, #tpu.memory_space<semaphore_mem>>) src(%dma_wait3A_97 : memref<10000x128xi32, #tpu.memory_space<hbm>>) dst(%arg7 : memref<80x128xi32, #tpu.memory_space<vmem>>)
      %mul3A_98 = arith.constant 80 : i32
      %mul3A_99 = arith.muli %add3A_91, %mul3A_98 : i32
      %add3A_100 = arith.addi %mul3A_2, %mul3A_99 : i32
      %multiple_of3A_101 = tpu.assume_multiple %add3A_100, 8 : i32
      %dma_start3A_102 = arith.constant 0 : i32
      %dma_start3A_103 = tpu.memref_slice %arg4[%multiple_of3A_101, %dma_start3A_102] : memref<64000x128xi32, #tpu.memory_space<hbm>> -> memref<80x128xi32, #tpu.memory_space<hbm>>
      %dma_start3A_104 = arith.constant 0 : i32
      %dma_start3A_105 = tpu.memref_slice %arg4[%multiple_of3A_101, %dma_start3A_104] : memref<64000x128xi32, #tpu.memory_space<hbm>> -> memref<80x128xi32, #tpu.memory_space<hbm>>
      tpu.enqueue_dma source(%arg7 : memref<80x128xi32, #tpu.memory_space<vmem>>) target(%dma_start3A_105 : memref<80x128xi32, #tpu.memory_space<hbm>>) target_semaphore(%arg15 : memref<!tpu.dma_semaphore, #tpu.memory_space<semaphore_mem>>)
      %add3A_106 = arith.constant 2 : i32
      %add3A_107 = arith.addi %add3A_91, %add3A_106 : i32
      %lt3A_108 = arith.constant 25 : i32
      %lt3A_109 = arith.cmpi slt, %add3A_107, %lt3A_108 : i32
      %convert_element_type3A_110 = arith.extui %lt3A_109 : i1 to i32
      %cond3A_111 = arith.constant 0 : i32
      %cond3A_112 = arith.cmpi ne, %convert_element_type3A_110, %cond3A_111 : i32
      scf.if %cond3A_112 {
        %ge3A = arith.constant 2 : i32
        %ge3A_163 = arith.cmpi sge, %add3A_91, %ge3A : i32
        %convert_element_type3A_164 = arith.extui %ge3A_163 : i1 to i32
        %cond3A_165 = arith.constant 0 : i32
        %cond3A_166 = arith.cmpi ne, %convert_element_type3A_164, %cond3A_165 : i32
        scf.if %cond3A_166 {
          %dma_wait3A_174 = arith.constant 0 : i32
          %dma_wait3A_175 = arith.constant 0 : i32
          %dma_wait3A_176 = tpu.memref_slice %arg4[%dma_wait3A_174, %dma_wait3A_175] : memref<64000x128xi32, #tpu.memory_space<hbm>> -> memref<80x128xi32, #tpu.memory_space<hbm>>
          %dma_wait3A_177 = arith.constant 0 : i32
          %dma_wait3A_178 = arith.constant 0 : i32
          %dma_wait3A_179 = tpu.memref_slice %arg4[%dma_wait3A_177, %dma_wait3A_178] : memref<64000x128xi32, #tpu.memory_space<hbm>> -> memref<80x128xi32, #tpu.memory_space<hbm>>
          tpu.wait_dma2 semaphore(%arg17 : memref<!tpu.dma_semaphore, #tpu.memory_space<semaphore_mem>>) src(%arg9 : memref<80x128xi32, #tpu.memory_space<vmem>>) dst(%dma_wait3A_179 : memref<80x128xi32, #tpu.memory_space<hbm>>)
        } else {
        }
        %mul3A_167 = arith.constant 80 : i32
        %mul3A_168 = arith.muli %add3A_107, %mul3A_167 : i32
        %multiple_of3A_169 = tpu.assume_multiple %mul3A_168, 8 : i32
        %dma_start3A_170 = tpu.memref_slice %arg5[%multiple_of3A_169] : memref<2000xi32, #tpu.memory_space<vmem>> -> memref<80xi32, #tpu.memory_space<vmem>>
        %dma_start3A_171 = arith.constant 0 : i32
        %dma_start3A_172 = arith.constant 0 : i32
        %dma_start3A_173 = tpu.memref_slice %arg2[%dma_start3A_171, %dma_start3A_172] : memref<10000x128xi32, #tpu.memory_space<hbm>> -> memref<10000x128xi32, #tpu.memory_space<hbm>>
        tpu.enqueue_indirect_dma source(%dma_start3A_173 : memref<10000x128xi32, #tpu.memory_space<hbm>>) target(%arg9 : memref<80x128xi32, #tpu.memory_space<vmem>>) offsets(%dma_start3A_170 : memref<80xi32, #tpu.memory_space<vmem>>) semaphore(%arg13 : memref<!tpu.dma_semaphore, #tpu.memory_space<semaphore_mem>>)
      } else {
      }
      %mul3A_113 = arith.constant 4 : i32
      %mul3A_114 = arith.muli %mul3A_113, %scan3A_62 : i32
      %add3A_115 = arith.constant 2 : i32
      %add3A_116 = arith.addi %mul3A_114, %add3A_115 : i32
      %multiple_of3A_117 = arith.constant 0 : i32
      %multiple_of3A_118 = tpu.assume_multiple %multiple_of3A_117, 8 : i32
      %dma_wait3A_119 = tpu.memref_slice %arg5[%multiple_of3A_118] : memref<2000xi32, #tpu.memory_space<vmem>> -> memref<80xi32, #tpu.memory_space<vmem>>
      %dma_wait3A_120 = arith.constant 0 : i32
      %dma_wait3A_121 = arith.constant 0 : i32
      %dma_wait3A_122 = tpu.memref_slice %arg2[%dma_wait3A_120, %dma_wait3A_121] : memref<10000x128xi32, #tpu.memory_space<hbm>> -> memref<10000x128xi32, #tpu.memory_space<hbm>>
      tpu.wait_indirect_dma semaphore(%arg12 : memref<!tpu.dma_semaphore, #tpu.memory_space<semaphore_mem>>) src(%dma_wait3A_122 : memref<10000x128xi32, #tpu.memory_space<hbm>>) dst(%arg8 : memref<80x128xi32, #tpu.memory_space<vmem>>)
      %mul3A_123 = arith.constant 80 : i32
      %mul3A_124 = arith.muli %add3A_116, %mul3A_123 : i32
      %add3A_125 = arith.addi %mul3A_2, %mul3A_124 : i32
      %multiple_of3A_126 = tpu.assume_multiple %add3A_125, 8 : i32
      %dma_start3A_127 = arith.constant 0 : i32
      %dma_start3A_128 = tpu.memref_slice %arg4[%multiple_of3A_126, %dma_start3A_127] : memref<64000x128xi32, #tpu.memory_space<hbm>> -> memref<80x128xi32, #tpu.memory_space<hbm>>
      %dma_start3A_129 = arith.constant 0 : i32
      %dma_start3A_130 = tpu.memref_slice %arg4[%multiple_of3A_126, %dma_start3A_129] : memref<64000x128xi32, #tpu.memory_space<hbm>> -> memref<80x128xi32, #tpu.memory_space<hbm>>
      tpu.enqueue_dma source(%arg8 : memref<80x128xi32, #tpu.memory_space<vmem>>) target(%dma_start3A_130 : memref<80x128xi32, #tpu.memory_space<hbm>>) target_semaphore(%arg16 : memref<!tpu.dma_semaphore, #tpu.memory_space<semaphore_mem>>)
      %add3A_131 = arith.constant 2 : i32
      %add3A_132 = arith.addi %add3A_116, %add3A_131 : i32
      %lt3A_133 = arith.constant 25 : i32
      %lt3A_134 = arith.cmpi slt, %add3A_132, %lt3A_133 : i32
      %convert_element_type3A_135 = arith.extui %lt3A_134 : i1 to i32
      %cond3A_136 = arith.constant 0 : i32
      %cond3A_137 = arith.cmpi ne, %convert_element_type3A_135, %cond3A_136 : i32
      scf.if %cond3A_137 {
        %ge3A = arith.constant 2 : i32
        %ge3A_163 = arith.cmpi sge, %add3A_116, %ge3A : i32
        %convert_element_type3A_164 = arith.extui %ge3A_163 : i1 to i32
        %cond3A_165 = arith.constant 0 : i32
        %cond3A_166 = arith.cmpi ne, %convert_element_type3A_164, %cond3A_165 : i32
        scf.if %cond3A_166 {
          %dma_wait3A_174 = arith.constant 0 : i32
          %dma_wait3A_175 = arith.constant 0 : i32
          %dma_wait3A_176 = tpu.memref_slice %arg4[%dma_wait3A_174, %dma_wait3A_175] : memref<64000x128xi32, #tpu.memory_space<hbm>> -> memref<80x128xi32, #tpu.memory_space<hbm>>
          %dma_wait3A_177 = arith.constant 0 : i32
          %dma_wait3A_178 = arith.constant 0 : i32
          %dma_wait3A_179 = tpu.memref_slice %arg4[%dma_wait3A_177, %dma_wait3A_178] : memref<64000x128xi32, #tpu.memory_space<hbm>> -> memref<80x128xi32, #tpu.memory_space<hbm>>
          tpu.wait_dma2 semaphore(%arg14 : memref<!tpu.dma_semaphore, #tpu.memory_space<semaphore_mem>>) src(%arg6 : memref<80x128xi32, #tpu.memory_space<vmem>>) dst(%dma_wait3A_179 : memref<80x128xi32, #tpu.memory_space<hbm>>)
        } else {
        }
        %mul3A_167 = arith.constant 80 : i32
        %mul3A_168 = arith.muli %add3A_132, %mul3A_167 : i32
        %multiple_of3A_169 = tpu.assume_multiple %mul3A_168, 8 : i32
        %dma_start3A_170 = tpu.memref_slice %arg5[%multiple_of3A_169] : memref<2000xi32, #tpu.memory_space<vmem>> -> memref<80xi32, #tpu.memory_space<vmem>>
        %dma_start3A_171 = arith.constant 0 : i32
        %dma_start3A_172 = arith.constant 0 : i32
        %dma_start3A_173 = tpu.memref_slice %arg2[%dma_start3A_171, %dma_start3A_172] : memref<10000x128xi32, #tpu.memory_space<hbm>> -> memref<10000x128xi32, #tpu.memory_space<hbm>>
        tpu.enqueue_indirect_dma source(%dma_start3A_173 : memref<10000x128xi32, #tpu.memory_space<hbm>>) target(%arg6 : memref<80x128xi32, #tpu.memory_space<vmem>>) offsets(%dma_start3A_170 : memref<80xi32, #tpu.memory_space<vmem>>) semaphore(%arg10 : memref<!tpu.dma_semaphore, #tpu.memory_space<semaphore_mem>>)
      } else {
      }
      %mul3A_138 = arith.constant 4 : i32
      %mul3A_139 = arith.muli %mul3A_138, %scan3A_62 : i32
      %add3A_140 = arith.constant 3 : i32
      %add3A_141 = arith.addi %mul3A_139, %add3A_140 : i32
      %multiple_of3A_142 = arith.constant 0 : i32
      %multiple_of3A_143 = tpu.assume_multiple %multiple_of3A_142, 8 : i32
      %dma_wait3A_144 = tpu.memref_slice %arg5[%multiple_of3A_143] : memref<2000xi32, #tpu.memory_space<vmem>> -> memref<80xi32, #tpu.memory_space<vmem>>
      %dma_wait3A_145 = arith.constant 0 : i32
      %dma_wait3A_146 = arith.constant 0 : i32
      %dma_wait3A_147 = tpu.memref_slice %arg2[%dma_wait3A_145, %dma_wait3A_146] : memref<10000x128xi32, #tpu.memory_space<hbm>> -> memref<10000x128xi32, #tpu.memory_space<hbm>>
      tpu.wait_indirect_dma semaphore(%arg13 : memref<!tpu.dma_semaphore, #tpu.memory_space<semaphore_mem>>) src(%dma_wait3A_147 : memref<10000x128xi32, #tpu.memory_space<hbm>>) dst(%arg9 : memref<80x128xi32, #tpu.memory_space<vmem>>)
      %mul3A_148 = arith.constant 80 : i32
      %mul3A_149 = arith.muli %add3A_141, %mul3A_148 : i32
      %add3A_150 = arith.addi %mul3A_2, %mul3A_149 : i32
      %multiple_of3A_151 = tpu.assume_multiple %add3A_150, 8 : i32
      %dma_start3A_152 = arith.constant 0 : i32
      %dma_start3A_153 = tpu.memref_slice %arg4[%multiple_of3A_151, %dma_start3A_152] : memref<64000x128xi32, #tpu.memory_space<hbm>> -> memref<80x128xi32, #tpu.memory_space<hbm>>
      %dma_start3A_154 = arith.constant 0 : i32
      %dma_start3A_155 = tpu.memref_slice %arg4[%multiple_of3A_151, %dma_start3A_154] : memref<64000x128xi32, #tpu.memory_space<hbm>> -> memref<80x128xi32, #tpu.memory_space<hbm>>
      tpu.enqueue_dma source(%arg9 : memref<80x128xi32, #tpu.memory_space<vmem>>) target(%dma_start3A_155 : memref<80x128xi32, #tpu.memory_space<hbm>>) target_semaphore(%arg17 : memref<!tpu.dma_semaphore, #tpu.memory_space<semaphore_mem>>)
      %add3A_156 = arith.constant 2 : i32
      %add3A_157 = arith.addi %add3A_141, %add3A_156 : i32
      %lt3A_158 = arith.constant 25 : i32
      %lt3A_159 = arith.cmpi slt, %add3A_157, %lt3A_158 : i32
      %convert_element_type3A_160 = arith.extui %lt3A_159 : i1 to i32
      %cond3A_161 = arith.constant 0 : i32
      %cond3A_162 = arith.cmpi ne, %convert_element_type3A_160, %cond3A_161 : i32
      scf.if %cond3A_162 {
        %ge3A = arith.constant 2 : i32
        %ge3A_163 = arith.cmpi sge, %add3A_141, %ge3A : i32
        %convert_element_type3A_164 = arith.extui %ge3A_163 : i1 to i32
        %cond3A_165 = arith.constant 0 : i32
        %cond3A_166 = arith.cmpi ne, %convert_element_type3A_164, %cond3A_165 : i32
        scf.if %cond3A_166 {
          %dma_wait3A_174 = arith.constant 0 : i32
          %dma_wait3A_175 = arith.constant 0 : i32
          %dma_wait3A_176 = tpu.memref_slice %arg4[%dma_wait3A_174, %dma_wait3A_175] : memref<64000x128xi32, #tpu.memory_space<hbm>> -> memref<80x128xi32, #tpu.memory_space<hbm>>
          %dma_wait3A_177 = arith.constant 0 : i32
          %dma_wait3A_178 = arith.constant 0 : i32
          %dma_wait3A_179 = tpu.memref_slice %arg4[%dma_wait3A_177, %dma_wait3A_178] : memref<64000x128xi32, #tpu.memory_space<hbm>> -> memref<80x128xi32, #tpu.memory_space<hbm>>
          tpu.wait_dma2 semaphore(%arg15 : memref<!tpu.dma_semaphore, #tpu.memory_space<semaphore_mem>>) src(%arg7 : memref<80x128xi32, #tpu.memory_space<vmem>>) dst(%dma_wait3A_179 : memref<80x128xi32, #tpu.memory_space<hbm>>)
        } else {
        }
        %mul3A_167 = arith.constant 80 : i32
        %mul3A_168 = arith.muli %add3A_157, %mul3A_167 : i32
        %multiple_of3A_169 = tpu.assume_multiple %mul3A_168, 8 : i32
        %dma_start3A_170 = tpu.memref_slice %arg5[%multiple_of3A_169] : memref<2000xi32, #tpu.memory_space<vmem>> -> memref<80xi32, #tpu.memory_space<vmem>>
        %dma_start3A_171 = arith.constant 0 : i32
        %dma_start3A_172 = arith.constant 0 : i32
        %dma_start3A_173 = tpu.memref_slice %arg2[%dma_start3A_171, %dma_start3A_172] : memref<10000x128xi32, #tpu.memory_space<hbm>> -> memref<10000x128xi32, #tpu.memory_space<hbm>>
        tpu.enqueue_indirect_dma source(%dma_start3A_173 : memref<10000x128xi32, #tpu.memory_space<hbm>>) target(%arg7 : memref<80x128xi32, #tpu.memory_space<vmem>>) offsets(%dma_start3A_170 : memref<80xi32, #tpu.memory_space<vmem>>) semaphore(%arg11 : memref<!tpu.dma_semaphore, #tpu.memory_space<semaphore_mem>>)
      } else {
      }
    }
    %scan3A_17 = arith.constant 6 : i32
    %multiple_of3A_18 = arith.constant 0 : i32
    %multiple_of3A_19 = tpu.assume_multiple %multiple_of3A_18, 8 : i32
    %dma_wait3A = tpu.memref_slice %arg5[%multiple_of3A_19] : memref<2000xi32, #tpu.memory_space<vmem>> -> memref<80xi32, #tpu.memory_space<vmem>>
    %dma_wait3A_20 = arith.constant 0 : i32
    %dma_wait3A_21 = arith.constant 0 : i32
    %dma_wait3A_22 = tpu.memref_slice %arg2[%dma_wait3A_20, %dma_wait3A_21] : memref<10000x128xi32, #tpu.memory_space<hbm>> -> memref<10000x128xi32, #tpu.memory_space<hbm>>
    tpu.wait_indirect_dma semaphore(%arg10 : memref<!tpu.dma_semaphore, #tpu.memory_space<semaphore_mem>>) src(%dma_wait3A_22 : memref<10000x128xi32, #tpu.memory_space<hbm>>) dst(%arg6 : memref<80x128xi32, #tpu.memory_space<vmem>>)
    %mul3A_23 = arith.constant 24 : i32
    %mul3A_24 = arith.constant 80 : i32
    %mul3A_25 = arith.muli %mul3A_23, %mul3A_24 : i32
    %add3A_26 = arith.addi %mul3A_2, %mul3A_25 : i32
    %multiple_of3A_27 = tpu.assume_multiple %add3A_26, 8 : i32
    %dma_start3A_28 = arith.constant 0 : i32
    %dma_start3A_29 = tpu.memref_slice %arg4[%multiple_of3A_27, %dma_start3A_28] : memref<64000x128xi32, #tpu.memory_space<hbm>> -> memref<80x128xi32, #tpu.memory_space<hbm>>
    %dma_start3A_30 = arith.constant 0 : i32
    %dma_start3A_31 = tpu.memref_slice %arg4[%multiple_of3A_27, %dma_start3A_30] : memref<64000x128xi32, #tpu.memory_space<hbm>> -> memref<80x128xi32, #tpu.memory_space<hbm>>
    tpu.enqueue_dma source(%arg6 : memref<80x128xi32, #tpu.memory_space<vmem>>) target(%dma_start3A_31 : memref<80x128xi32, #tpu.memory_space<hbm>>) target_semaphore(%arg14 : memref<!tpu.dma_semaphore, #tpu.memory_space<semaphore_mem>>)
    %add3A_32 = arith.constant 24 : i32
    %add3A_33 = arith.constant 2 : i32
    %add3A_34 = arith.addi %add3A_32, %add3A_33 : i32
    %lt3A = arith.constant 25 : i32
    %lt3A_35 = arith.cmpi slt, %add3A_34, %lt3A : i32
    %convert_element_type3A = arith.extui %lt3A_35 : i1 to i32
    %cond3A = arith.constant 24 : i32
    %cond3A_36 = arith.constant 0 : i32
    %cond3A_37 = arith.cmpi ne, %convert_element_type3A, %cond3A_36 : i32
    scf.if %cond3A_37 {
      %ge3A = arith.constant 2 : i32
      %ge3A_62 = arith.cmpi sge, %cond3A, %ge3A : i32
      %convert_element_type3A_63 = arith.extui %ge3A_62 : i1 to i32
      %cond3A_64 = arith.constant 0 : i32
      %cond3A_65 = arith.cmpi ne, %convert_element_type3A_63, %cond3A_64 : i32
      scf.if %cond3A_65 {
        %dma_wait3A_73 = arith.constant 0 : i32
        %dma_wait3A_74 = arith.constant 0 : i32
        %dma_wait3A_75 = tpu.memref_slice %arg4[%dma_wait3A_73, %dma_wait3A_74] : memref<64000x128xi32, #tpu.memory_space<hbm>> -> memref<80x128xi32, #tpu.memory_space<hbm>>
        %dma_wait3A_76 = arith.constant 0 : i32
        %dma_wait3A_77 = arith.constant 0 : i32
        %dma_wait3A_78 = tpu.memref_slice %arg4[%dma_wait3A_76, %dma_wait3A_77] : memref<64000x128xi32, #tpu.memory_space<hbm>> -> memref<80x128xi32, #tpu.memory_space<hbm>>
        tpu.wait_dma2 semaphore(%arg16 : memref<!tpu.dma_semaphore, #tpu.memory_space<semaphore_mem>>) src(%arg8 : memref<80x128xi32, #tpu.memory_space<vmem>>) dst(%dma_wait3A_78 : memref<80x128xi32, #tpu.memory_space<hbm>>)
      } else {
      }
      %mul3A_66 = arith.constant 80 : i32
      %mul3A_67 = arith.muli %add3A_34, %mul3A_66 : i32
      %multiple_of3A_68 = tpu.assume_multiple %mul3A_67, 8 : i32
      %dma_start3A_69 = tpu.memref_slice %arg5[%multiple_of3A_68] : memref<2000xi32, #tpu.memory_space<vmem>> -> memref<80xi32, #tpu.memory_space<vmem>>
      %dma_start3A_70 = arith.constant 0 : i32
      %dma_start3A_71 = arith.constant 0 : i32
      %dma_start3A_72 = tpu.memref_slice %arg2[%dma_start3A_70, %dma_start3A_71] : memref<10000x128xi32, #tpu.memory_space<hbm>> -> memref<10000x128xi32, #tpu.memory_space<hbm>>
      tpu.enqueue_indirect_dma source(%dma_start3A_72 : memref<10000x128xi32, #tpu.memory_space<hbm>>) target(%arg8 : memref<80x128xi32, #tpu.memory_space<vmem>>) offsets(%dma_start3A_69 : memref<80xi32, #tpu.memory_space<vmem>>) semaphore(%arg12 : memref<!tpu.dma_semaphore, #tpu.memory_space<semaphore_mem>>)
    } else {
    }
    %dma_wait3A_38 = arith.constant 0 : i32
    %dma_wait3A_39 = arith.constant 0 : i32
    %dma_wait3A_40 = tpu.memref_slice %arg4[%dma_wait3A_38, %dma_wait3A_39] : memref<64000x128xi32, #tpu.memory_space<hbm>> -> memref<80x128xi32, #tpu.memory_space<hbm>>
    %dma_wait3A_41 = arith.constant 0 : i32
    %dma_wait3A_42 = arith.constant 0 : i32
    %dma_wait3A_43 = tpu.memref_slice %arg4[%dma_wait3A_41, %dma_wait3A_42] : memref<64000x128xi32, #tpu.memory_space<hbm>> -> memref<80x128xi32, #tpu.memory_space<hbm>>
    tpu.wait_dma2 semaphore(%arg15 : memref<!tpu.dma_semaphore, #tpu.memory_space<semaphore_mem>>) src(%arg7 : memref<80x128xi32, #tpu.memory_space<vmem>>) dst(%dma_wait3A_43 : memref<80x128xi32, #tpu.memory_space<hbm>>)
    %dma_wait3A_44 = arith.constant 0 : i32
    %dma_wait3A_45 = arith.constant 0 : i32
    %dma_wait3A_46 = tpu.memref_slice %arg4[%dma_wait3A_44, %dma_wait3A_45] : memref<64000x128xi32, #tpu.memory_space<hbm>> -> memref<80x128xi32, #tpu.memory_space<hbm>>
    %dma_wait3A_47 = arith.constant 0 : i32
    %dma_wait3A_48 = arith.constant 0 : i32
    %dma_wait3A_49 = tpu.memref_slice %arg4[%dma_wait3A_47, %dma_wait3A_48] : memref<64000x128xi32, #tpu.memory_space<hbm>> -> memref<80x128xi32, #tpu.memory_space<hbm>>
    tpu.wait_dma2 semaphore(%arg16 : memref<!tpu.dma_semaphore, #tpu.memory_space<semaphore_mem>>) src(%arg8 : memref<80x128xi32, #tpu.memory_space<vmem>>) dst(%dma_wait3A_49 : memref<80x128xi32, #tpu.memory_space<hbm>>)
    %dma_wait3A_50 = arith.constant 0 : i32
    %dma_wait3A_51 = arith.constant 0 : i32
    %dma_wait3A_52 = tpu.memref_slice %arg4[%dma_wait3A_50, %dma_wait3A_51] : memref<64000x128xi32, #tpu.memory_space<hbm>> -> memref<80x128xi32, #tpu.memory_space<hbm>>
    %dma_wait3A_53 = arith.constant 0 : i32
    %dma_wait3A_54 = arith.constant 0 : i32
    %dma_wait3A_55 = tpu.memref_slice %arg4[%dma_wait3A_53, %dma_wait3A_54] : memref<64000x128xi32, #tpu.memory_space<hbm>> -> memref<80x128xi32, #tpu.memory_space<hbm>>
    tpu.wait_dma2 semaphore(%arg17 : memref<!tpu.dma_semaphore, #tpu.memory_space<semaphore_mem>>) src(%arg9 : memref<80x128xi32, #tpu.memory_space<vmem>>) dst(%dma_wait3A_55 : memref<80x128xi32, #tpu.memory_space<hbm>>)
    %dma_wait3A_56 = arith.constant 0 : i32
    %dma_wait3A_57 = arith.constant 0 : i32
    %dma_wait3A_58 = tpu.memref_slice %arg4[%dma_wait3A_56, %dma_wait3A_57] : memref<64000x128xi32, #tpu.memory_space<hbm>> -> memref<80x128xi32, #tpu.memory_space<hbm>>
    %dma_wait3A_59 = arith.constant 0 : i32
    %dma_wait3A_60 = arith.constant 0 : i32
    %dma_wait3A_61 = tpu.memref_slice %arg4[%dma_wait3A_59, %dma_wait3A_60] : memref<64000x128xi32, #tpu.memory_space<hbm>> -> memref<80x128xi32, #tpu.memory_space<hbm>>
    tpu.wait_dma2 semaphore(%arg14 : memref<!tpu.dma_semaphore, #tpu.memory_space<semaphore_mem>>) src(%arg6 : memref<80x128xi32, #tpu.memory_space<vmem>>) dst(%dma_wait3A_61 : memref<80x128xi32, #tpu.memory_space<hbm>>)
    return
  }
}

#map = affine_map<(d0, d1) -> (0, 0)>
#map1 = affine_map<(d0, d1) -> (0)>
module attributes {stable_mosaic.version = 14 : i64} {
  func.func @_sc_gather_body(%arg0: i32, %arg1: i32, %arg2: memref<10000x128xi32, #tpu.memory_space<hbm>>, %arg3: memref<64000xi32, #tpu.memory_space<hbm>>, %arg4: memref<64000x128xi32, #tpu.memory_space<hbm>>, %arg5: memref<2000xi32, #tpu.memory_space<vmem>>, %arg6: memref<80x128xi32, #tpu.memory_space<vmem>>, %arg7: memref<80x128xi32, #tpu.memory_space<vmem>>, %arg8: memref<80x128xi32, #tpu.memory_space<vmem>>, %arg9: memref<80x128xi32, #tpu.memory_space<vmem>>, %arg10: memref<!tpu.dma_semaphore, #tpu.memory_space<semaphore_mem>>, %arg11: memref<!tpu.dma_semaphore, #tpu.memory_space<semaphore_mem>>, %arg12: memref<!tpu.dma_semaphore, #tpu.memory_space<semaphore_mem>>, %arg13: memref<!tpu.dma_semaphore, #tpu.memory_space<semaphore_mem>>, %arg14: memref<!tpu.dma_semaphore, #tpu.memory_space<semaphore_mem>>, %arg15: memref<!tpu.dma_semaphore, #tpu.memory_space<semaphore_mem>>, %arg16: memref<!tpu.dma_semaphore, #tpu.memory_space<semaphore_mem>>, %arg17: memref<!tpu.dma_semaphore, #tpu.memory_space<semaphore_mem>>) attributes {dimension_semantics = [#tpu.dimension_semantics<core_parallel>, #tpu.dimension_semantics<subcore_parallel>], iteration_bounds = array<i64: 2, 16>, scalar_prefetch = 0 : i64, scratch_operands = 13 : i64, tpu.core_type = #tpu.core_type<sc_vector_subcore>, window_params = [{transform_indices = #map}, {transform_indices = #map1}, {transform_indices = #map}]} {
    %mul3A = arith.constant 2 : i32
    %mul3A_0 = arith.muli %arg1, %mul3A : i32
    %add3A = arith.addi %mul3A_0, %arg0 : i32
    %mul3A_1 = arith.constant 2000 : i32
    %mul3A_2 = arith.muli %add3A, %mul3A_1 : i32
    "tpu.region"() ({
      %run_scoped3A = tpu.sem_alloc : memref<!tpu.dma_semaphore, #tpu.memory_space<semaphore_mem>>
      %dma_start3A_62 = tpu.memref_slice %arg3[%mul3A_2] : memref<64000xi32, #tpu.memory_space<hbm>> -> memref<2000xi32, #tpu.memory_space<hbm>>
      %dma_start3A_63 = tpu.memref_slice %arg3[%mul3A_2] : memref<64000xi32, #tpu.memory_space<hbm>> -> memref<2000xi32, #tpu.memory_space<hbm>>
      tpu.enqueue_dma source(%dma_start3A_63 : memref<2000xi32, #tpu.memory_space<hbm>>) target(%arg5 : memref<2000xi32, #tpu.memory_space<vmem>>) target_semaphore(%run_scoped3A : memref<!tpu.dma_semaphore, #tpu.memory_space<semaphore_mem>>)
      %dma_wait3A_64 = tpu.memref_slice %arg3[%mul3A_2] : memref<64000xi32, #tpu.memory_space<hbm>> -> memref<2000xi32, #tpu.memory_space<hbm>>
      %dma_wait3A_65 = tpu.memref_slice %arg3[%mul3A_2] : memref<64000xi32, #tpu.memory_space<hbm>> -> memref<2000xi32, #tpu.memory_space<hbm>>
      tpu.wait_dma2 semaphore(%run_scoped3A : memref<!tpu.dma_semaphore, #tpu.memory_space<semaphore_mem>>) src(%dma_wait3A_65 : memref<2000xi32, #tpu.memory_space<hbm>>) dst(%arg5 : memref<2000xi32, #tpu.memory_space<vmem>>)
      tpu.yield
    }) : () -> ()
    %multiple_of3A = arith.constant 0 : i32
    %multiple_of3A_3 = tpu.assume_multiple %multiple_of3A, 8 : i32
    %dma_start3A = tpu.memref_slice %arg5[%multiple_of3A_3] : memref<2000xi32, #tpu.memory_space<vmem>> -> memref<80xi32, #tpu.memory_space<vmem>>
    %dma_start3A_4 = arith.constant 0 : i32
    %dma_start3A_5 = arith.constant 0 : i32
    %dma_start3A_6 = tpu.memref_slice %arg2[%dma_start3A_4, %dma_start3A_5] : memref<10000x128xi32, #tpu.memory_space<hbm>> -> memref<10000x128xi32, #tpu.memory_space<hbm>>
    tpu.enqueue_indirect_dma source(%dma_start3A_6 : memref<10000x128xi32, #tpu.memory_space<hbm>>) target(%arg6 : memref<80x128xi32, #tpu.memory_space<vmem>>) offsets(%dma_start3A : memref<80xi32, #tpu.memory_space<vmem>>) semaphore(%arg10 : memref<!tpu.dma_semaphore, #tpu.memory_space<semaphore_mem>>)
    %multiple_of3A_7 = arith.constant 80 : i32
    %multiple_of3A_8 = tpu.assume_multiple %multiple_of3A_7, 8 : i32
    %dma_start3A_9 = tpu.memref_slice %arg5[%multiple_of3A_8] : memref<2000xi32, #tpu.memory_space<vmem>> -> memref<80xi32, #tpu.memory_space<vmem>>
    %dma_start3A_10 = arith.constant 0 : i32
    %dma_start3A_11 = arith.constant 0 : i32
    %dma_start3A_12 = tpu.memref_slice %arg2[%dma_start3A_10, %dma_start3A_11] : memref<10000x128xi32, #tpu.memory_space<hbm>> -> memref<10000x128xi32, #tpu.memory_space<hbm>>
    tpu.enqueue_indirect_dma source(%dma_start3A_12 : memref<10000x128xi32, #tpu.memory_space<hbm>>) target(%arg7 : memref<80x128xi32, #tpu.memory_space<vmem>>) offsets(%dma_start3A_9 : memref<80xi32, #tpu.memory_space<vmem>>) semaphore(%arg11 : memref<!tpu.dma_semaphore, #tpu.memory_space<semaphore_mem>>)
    %scan3A = arith.constant 0 : i32
    %scan3A_13 = arith.constant 0 : i32
    %scan3A_14 = arith.constant 6 : i32
    %scan3A_15 = arith.addi %scan3A_13, %scan3A_14 : i32
    %scan3A_16 = arith.constant 1 : i32
    scf.for %scan3A_62 = %scan3A_13 to %scan3A_15 step %scan3A_16  : i32 {
      %mul3A_63 = arith.constant 4 : i32
      %mul3A_64 = arith.muli %mul3A_63, %scan3A_62 : i32
      %add3A_65 = arith.constant 0 : i32
      %add3A_66 = arith.addi %mul3A_64, %add3A_65 : i32
      %multiple_of3A_67 = arith.constant 0 : i32
      %multiple_of3A_68 = tpu.assume_multiple %multiple_of3A_67, 8 : i32
      %dma_wait3A_69 = tpu.memref_slice %arg5[%multiple_of3A_68] : memref<2000xi32, #tpu.memory_space<vmem>> -> memref<80xi32, #tpu.memory_space<vmem>>
      %dma_wait3A_70 = arith.constant 0 : i32
      %dma_wait3A_71 = arith.constant 0 : i32
      %dma_wait3A_72 = tpu.memref_slice %arg2[%dma_wait3A_70, %dma_wait3A_71] : memref<10000x128xi32, #tpu.memory_space<hbm>> -> memref<10000x128xi32, #tpu.memory_space<hbm>>
      tpu.wait_indirect_dma semaphore(%arg10 : memref<!tpu.dma_semaphore, #tpu.memory_space<semaphore_mem>>) src(%dma_wait3A_72 : memref<10000x128xi32, #tpu.memory_space<hbm>>) dst(%arg6 : memref<80x128xi32, #tpu.memory_space<vmem>>)
      %mul3A_73 = arith.constant 80 : i32
      %mul3A_74 = arith.muli %add3A_66, %mul3A_73 : i32
      %add3A_75 = arith.addi %mul3A_2, %mul3A_74 : i32
      %multiple_of3A_76 = tpu.assume_multiple %add3A_75, 8 : i32
      %dma_start3A_77 = arith.constant 0 : i32
      %dma_start3A_78 = tpu.memref_slice %arg4[%multiple_of3A_76, %dma_start3A_77] : memref<64000x128xi32, #tpu.memory_space<hbm>> -> memref<80x128xi32, #tpu.memory_space<hbm>>
      %dma_start3A_79 = arith.constant 0 : i32
      %dma_start3A_80 = tpu.memref_slice %arg4[%multiple_of3A_76, %dma_start3A_79] : memref<64000x128xi32, #tpu.memory_space<hbm>> -> memref<80x128xi32, #tpu.memory_space<hbm>>
      tpu.enqueue_dma source(%arg6 : memref<80x128xi32, #tpu.memory_space<vmem>>) target(%dma_start3A_80 : memref<80x128xi32, #tpu.memory_space<hbm>>) target_semaphore(%arg14 : memref<!tpu.dma_semaphore, #tpu.memory_space<semaphore_mem>>)
      %add3A_81 = arith.constant 2 : i32
      %add3A_82 = arith.addi %add3A_66, %add3A_81 : i32
      %lt3A_83 = arith.constant 25 : i32
      %lt3A_84 = arith.cmpi slt, %add3A_82, %lt3A_83 : i32
      %convert_element_type3A_85 = arith.extui %lt3A_84 : i1 to i32
      %cond3A_86 = arith.constant 0 : i32
      %cond3A_87 = arith.cmpi ne, %convert_element_type3A_85, %cond3A_86 : i32
      scf.if %cond3A_87 {
        %ge3A = arith.constant 2 : i32
        %ge3A_163 = arith.cmpi sge, %add3A_66, %ge3A : i32
        %convert_element_type3A_164 = arith.extui %ge3A_163 : i1 to i32
        %cond3A_165 = arith.constant 0 : i32
        %cond3A_166 = arith.cmpi ne, %convert_element_type3A_164, %cond3A_165 : i32
        scf.if %cond3A_166 {
          %dma_wait3A_174 = arith.constant 0 : i32
          %dma_wait3A_175 = arith.constant 0 : i32
          %dma_wait3A_176 = tpu.memref_slice %arg4[%dma_wait3A_174, %dma_wait3A_175] : memref<64000x128xi32, #tpu.memory_space<hbm>> -> memref<80x128xi32, #tpu.memory_space<hbm>>
          %dma_wait3A_177 = arith.constant 0 : i32
          %dma_wait3A_178 = arith.constant 0 : i32
          %dma_wait3A_179 = tpu.memref_slice %arg4[%dma_wait3A_177, %dma_wait3A_178] : memref<64000x128xi32, #tpu.memory_space<hbm>> -> memref<80x128xi32, #tpu.memory_space<hbm>>
          tpu.wait_dma2 semaphore(%arg16 : memref<!tpu.dma_semaphore, #tpu.memory_space<semaphore_mem>>) src(%arg8 : memref<80x128xi32, #tpu.memory_space<vmem>>) dst(%dma_wait3A_179 : memref<80x128xi32, #tpu.memory_space<hbm>>)
        } else {
        }
        %mul3A_167 = arith.constant 80 : i32
        %mul3A_168 = arith.muli %add3A_82, %mul3A_167 : i32
        %multiple_of3A_169 = tpu.assume_multiple %mul3A_168, 8 : i32
        %dma_start3A_170 = tpu.memref_slice %arg5[%multiple_of3A_169] : memref<2000xi32, #tpu.memory_space<vmem>> -> memref<80xi32, #tpu.memory_space<vmem>>
        %dma_start3A_171 = arith.constant 0 : i32
        %dma_start3A_172 = arith.constant 0 : i32
        %dma_start3A_173 = tpu.memref_slice %arg2[%dma_start3A_171, %dma_start3A_172] : memref<10000x128xi32, #tpu.memory_space<hbm>> -> memref<10000x128xi32, #tpu.memory_space<hbm>>
        tpu.enqueue_indirect_dma source(%dma_start3A_173 : memref<10000x128xi32, #tpu.memory_space<hbm>>) target(%arg8 : memref<80x128xi32, #tpu.memory_space<vmem>>) offsets(%dma_start3A_170 : memref<80xi32, #tpu.memory_space<vmem>>) semaphore(%arg12 : memref<!tpu.dma_semaphore, #tpu.memory_space<semaphore_mem>>)
      } else {
      }
      %mul3A_88 = arith.constant 4 : i32
      %mul3A_89 = arith.muli %mul3A_88, %scan3A_62 : i32
      %add3A_90 = arith.constant 1 : i32
      %add3A_91 = arith.addi %mul3A_89, %add3A_90 : i32
      %multiple_of3A_92 = arith.constant 0 : i32
      %multiple_of3A_93 = tpu.assume_multiple %multiple_of3A_92, 8 : i32
      %dma_wait3A_94 = tpu.memref_slice %arg5[%multiple_of3A_93] : memref<2000xi32, #tpu.memory_space<vmem>> -> memref<80xi32, #tpu.memory_space<vmem>>
      %dma_wait3A_95 = arith.constant 0 : i32
      %dma_wait3A_96 = arith.constant 0 : i32
      %dma_wait3A_97 = tpu.memref_slice %arg2[%dma_wait3A_95, %dma_wait3A_96] : memref<10000x128xi32, #tpu.memory_space<hbm>> -> memref<10000x128xi32, #tpu.memory_space<hbm>>
      tpu.wait_indirect_dma semaphore(%arg11 : memref<!tpu.dma_semaphore, #tpu.memory_space<semaphore_mem>>) src(%dma_wait3A_97 : memref<10000x128xi32, #tpu.memory_space<hbm>>) dst(%arg7 : memref<80x128xi32, #tpu.memory_space<vmem>>)
      %mul3A_98 = arith.constant 80 : i32
      %mul3A_99 = arith.muli %add3A_91, %mul3A_98 : i32
      %add3A_100 = arith.addi %mul3A_2, %mul3A_99 : i32
      %multiple_of3A_101 = tpu.assume_multiple %add3A_100, 8 : i32
      %dma_start3A_102 = arith.constant 0 : i32
      %dma_start3A_103 = tpu.memref_slice %arg4[%multiple_of3A_101, %dma_start3A_102] : memref<64000x128xi32, #tpu.memory_space<hbm>> -> memref<80x128xi32, #tpu.memory_space<hbm>>
      %dma_start3A_104 = arith.constant 0 : i32
      %dma_start3A_105 = tpu.memref_slice %arg4[%multiple_of3A_101, %dma_start3A_104] : memref<64000x128xi32, #tpu.memory_space<hbm>> -> memref<80x128xi32, #tpu.memory_space<hbm>>
      tpu.enqueue_dma source(%arg7 : memref<80x128xi32, #tpu.memory_space<vmem>>) target(%dma_start3A_105 : memref<80x128xi32, #tpu.memory_space<hbm>>) target_semaphore(%arg15 : memref<!tpu.dma_semaphore, #tpu.memory_space<semaphore_mem>>)
      %add3A_106 = arith.constant 2 : i32
      %add3A_107 = arith.addi %add3A_91, %add3A_106 : i32
      %lt3A_108 = arith.constant 25 : i32
      %lt3A_109 = arith.cmpi slt, %add3A_107, %lt3A_108 : i32
      %convert_element_type3A_110 = arith.extui %lt3A_109 : i1 to i32
      %cond3A_111 = arith.constant 0 : i32
      %cond3A_112 = arith.cmpi ne, %convert_element_type3A_110, %cond3A_111 : i32
      scf.if %cond3A_112 {
        %ge3A = arith.constant 2 : i32
        %ge3A_163 = arith.cmpi sge, %add3A_91, %ge3A : i32
        %convert_element_type3A_164 = arith.extui %ge3A_163 : i1 to i32
        %cond3A_165 = arith.constant 0 : i32
        %cond3A_166 = arith.cmpi ne, %convert_element_type3A_164, %cond3A_165 : i32
        scf.if %cond3A_166 {
          %dma_wait3A_174 = arith.constant 0 : i32
          %dma_wait3A_175 = arith.constant 0 : i32
          %dma_wait3A_176 = tpu.memref_slice %arg4[%dma_wait3A_174, %dma_wait3A_175] : memref<64000x128xi32, #tpu.memory_space<hbm>> -> memref<80x128xi32, #tpu.memory_space<hbm>>
          %dma_wait3A_177 = arith.constant 0 : i32
          %dma_wait3A_178 = arith.constant 0 : i32
          %dma_wait3A_179 = tpu.memref_slice %arg4[%dma_wait3A_177, %dma_wait3A_178] : memref<64000x128xi32, #tpu.memory_space<hbm>> -> memref<80x128xi32, #tpu.memory_space<hbm>>
          tpu.wait_dma2 semaphore(%arg17 : memref<!tpu.dma_semaphore, #tpu.memory_space<semaphore_mem>>) src(%arg9 : memref<80x128xi32, #tpu.memory_space<vmem>>) dst(%dma_wait3A_179 : memref<80x128xi32, #tpu.memory_space<hbm>>)
        } else {
        }
        %mul3A_167 = arith.constant 80 : i32
        %mul3A_168 = arith.muli %add3A_107, %mul3A_167 : i32
        %multiple_of3A_169 = tpu.assume_multiple %mul3A_168, 8 : i32
        %dma_start3A_170 = tpu.memref_slice %arg5[%multiple_of3A_169] : memref<2000xi32, #tpu.memory_space<vmem>> -> memref<80xi32, #tpu.memory_space<vmem>>
        %dma_start3A_171 = arith.constant 0 : i32
        %dma_start3A_172 = arith.constant 0 : i32
        %dma_start3A_173 = tpu.memref_slice %arg2[%dma_start3A_171, %dma_start3A_172] : memref<10000x128xi32, #tpu.memory_space<hbm>> -> memref<10000x128xi32, #tpu.memory_space<hbm>>
        tpu.enqueue_indirect_dma source(%dma_start3A_173 : memref<10000x128xi32, #tpu.memory_space<hbm>>) target(%arg9 : memref<80x128xi32, #tpu.memory_space<vmem>>) offsets(%dma_start3A_170 : memref<80xi32, #tpu.memory_space<vmem>>) semaphore(%arg13 : memref<!tpu.dma_semaphore, #tpu.memory_space<semaphore_mem>>)
      } else {
      }
      %mul3A_113 = arith.constant 4 : i32
      %mul3A_114 = arith.muli %mul3A_113, %scan3A_62 : i32
      %add3A_115 = arith.constant 2 : i32
      %add3A_116 = arith.addi %mul3A_114, %add3A_115 : i32
      %multiple_of3A_117 = arith.constant 0 : i32
      %multiple_of3A_118 = tpu.assume_multiple %multiple_of3A_117, 8 : i32
      %dma_wait3A_119 = tpu.memref_slice %arg5[%multiple_of3A_118] : memref<2000xi32, #tpu.memory_space<vmem>> -> memref<80xi32, #tpu.memory_space<vmem>>
      %dma_wait3A_120 = arith.constant 0 : i32
      %dma_wait3A_121 = arith.constant 0 : i32
      %dma_wait3A_122 = tpu.memref_slice %arg2[%dma_wait3A_120, %dma_wait3A_121] : memref<10000x128xi32, #tpu.memory_space<hbm>> -> memref<10000x128xi32, #tpu.memory_space<hbm>>
      tpu.wait_indirect_dma semaphore(%arg12 : memref<!tpu.dma_semaphore, #tpu.memory_space<semaphore_mem>>) src(%dma_wait3A_122 : memref<10000x128xi32, #tpu.memory_space<hbm>>) dst(%arg8 : memref<80x128xi32, #tpu.memory_space<vmem>>)
      %mul3A_123 = arith.constant 80 : i32
      %mul3A_124 = arith.muli %add3A_116, %mul3A_123 : i32
      %add3A_125 = arith.addi %mul3A_2, %mul3A_124 : i32
      %multiple_of3A_126 = tpu.assume_multiple %add3A_125, 8 : i32
      %dma_start3A_127 = arith.constant 0 : i32
      %dma_start3A_128 = tpu.memref_slice %arg4[%multiple_of3A_126, %dma_start3A_127] : memref<64000x128xi32, #tpu.memory_space<hbm>> -> memref<80x128xi32, #tpu.memory_space<hbm>>
      %dma_start3A_129 = arith.constant 0 : i32
      %dma_start3A_130 = tpu.memref_slice %arg4[%multiple_of3A_126, %dma_start3A_129] : memref<64000x128xi32, #tpu.memory_space<hbm>> -> memref<80x128xi32, #tpu.memory_space<hbm>>
      tpu.enqueue_dma source(%arg8 : memref<80x128xi32, #tpu.memory_space<vmem>>) target(%dma_start3A_130 : memref<80x128xi32, #tpu.memory_space<hbm>>) target_semaphore(%arg16 : memref<!tpu.dma_semaphore, #tpu.memory_space<semaphore_mem>>)
      %add3A_131 = arith.constant 2 : i32
      %add3A_132 = arith.addi %add3A_116, %add3A_131 : i32
      %lt3A_133 = arith.constant 25 : i32
      %lt3A_134 = arith.cmpi slt, %add3A_132, %lt3A_133 : i32
      %convert_element_type3A_135 = arith.extui %lt3A_134 : i1 to i32
      %cond3A_136 = arith.constant 0 : i32
      %cond3A_137 = arith.cmpi ne, %convert_element_type3A_135, %cond3A_136 : i32
      scf.if %cond3A_137 {
        %ge3A = arith.constant 2 : i32
        %ge3A_163 = arith.cmpi sge, %add3A_116, %ge3A : i32
        %convert_element_type3A_164 = arith.extui %ge3A_163 : i1 to i32
        %cond3A_165 = arith.constant 0 : i32
        %cond3A_166 = arith.cmpi ne, %convert_element_type3A_164, %cond3A_165 : i32
        scf.if %cond3A_166 {
          %dma_wait3A_174 = arith.constant 0 : i32
          %dma_wait3A_175 = arith.constant 0 : i32
          %dma_wait3A_176 = tpu.memref_slice %arg4[%dma_wait3A_174, %dma_wait3A_175] : memref<64000x128xi32, #tpu.memory_space<hbm>> -> memref<80x128xi32, #tpu.memory_space<hbm>>
          %dma_wait3A_177 = arith.constant 0 : i32
          %dma_wait3A_178 = arith.constant 0 : i32
          %dma_wait3A_179 = tpu.memref_slice %arg4[%dma_wait3A_177, %dma_wait3A_178] : memref<64000x128xi32, #tpu.memory_space<hbm>> -> memref<80x128xi32, #tpu.memory_space<hbm>>
          tpu.wait_dma2 semaphore(%arg14 : memref<!tpu.dma_semaphore, #tpu.memory_space<semaphore_mem>>) src(%arg6 : memref<80x128xi32, #tpu.memory_space<vmem>>) dst(%dma_wait3A_179 : memref<80x128xi32, #tpu.memory_space<hbm>>)
        } else {
        }
        %mul3A_167 = arith.constant 80 : i32
        %mul3A_168 = arith.muli %add3A_132, %mul3A_167 : i32
        %multiple_of3A_169 = tpu.assume_multiple %mul3A_168, 8 : i32
        %dma_start3A_170 = tpu.memref_slice %arg5[%multiple_of3A_169] : memref<2000xi32, #tpu.memory_space<vmem>> -> memref<80xi32, #tpu.memory_space<vmem>>
        %dma_start3A_171 = arith.constant 0 : i32
        %dma_start3A_172 = arith.constant 0 : i32
        %dma_start3A_173 = tpu.memref_slice %arg2[%dma_start3A_171, %dma_start3A_172] : memref<10000x128xi32, #tpu.memory_space<hbm>> -> memref<10000x128xi32, #tpu.memory_space<hbm>>
        tpu.enqueue_indirect_dma source(%dma_start3A_173 : memref<10000x128xi32, #tpu.memory_space<hbm>>) target(%arg6 : memref<80x128xi32, #tpu.memory_space<vmem>>) offsets(%dma_start3A_170 : memref<80xi32, #tpu.memory_space<vmem>>) semaphore(%arg10 : memref<!tpu.dma_semaphore, #tpu.memory_space<semaphore_mem>>)
      } else {
      }
      %mul3A_138 = arith.constant 4 : i32
      %mul3A_139 = arith.muli %mul3A_138, %scan3A_62 : i32
      %add3A_140 = arith.constant 3 : i32
      %add3A_141 = arith.addi %mul3A_139, %add3A_140 : i32
      %multiple_of3A_142 = arith.constant 0 : i32
      %multiple_of3A_143 = tpu.assume_multiple %multiple_of3A_142, 8 : i32
      %dma_wait3A_144 = tpu.memref_slice %arg5[%multiple_of3A_143] : memref<2000xi32, #tpu.memory_space<vmem>> -> memref<80xi32, #tpu.memory_space<vmem>>
      %dma_wait3A_145 = arith.constant 0 : i32
      %dma_wait3A_146 = arith.constant 0 : i32
      %dma_wait3A_147 = tpu.memref_slice %arg2[%dma_wait3A_145, %dma_wait3A_146] : memref<10000x128xi32, #tpu.memory_space<hbm>> -> memref<10000x128xi32, #tpu.memory_space<hbm>>
      tpu.wait_indirect_dma semaphore(%arg13 : memref<!tpu.dma_semaphore, #tpu.memory_space<semaphore_mem>>) src(%dma_wait3A_147 : memref<10000x128xi32, #tpu.memory_space<hbm>>) dst(%arg9 : memref<80x128xi32, #tpu.memory_space<vmem>>)
      %mul3A_148 = arith.constant 80 : i32
      %mul3A_149 = arith.muli %add3A_141, %mul3A_148 : i32
      %add3A_150 = arith.addi %mul3A_2, %mul3A_149 : i32
      %multiple_of3A_151 = tpu.assume_multiple %add3A_150, 8 : i32
      %dma_start3A_152 = arith.constant 0 : i32
      %dma_start3A_153 = tpu.memref_slice %arg4[%multiple_of3A_151, %dma_start3A_152] : memref<64000x128xi32, #tpu.memory_space<hbm>> -> memref<80x128xi32, #tpu.memory_space<hbm>>
      %dma_start3A_154 = arith.constant 0 : i32
      %dma_start3A_155 = tpu.memref_slice %arg4[%multiple_of3A_151, %dma_start3A_154] : memref<64000x128xi32, #tpu.memory_space<hbm>> -> memref<80x128xi32, #tpu.memory_space<hbm>>
      tpu.enqueue_dma source(%arg9 : memref<80x128xi32, #tpu.memory_space<vmem>>) target(%dma_start3A_155 : memref<80x128xi32, #tpu.memory_space<hbm>>) target_semaphore(%arg17 : memref<!tpu.dma_semaphore, #tpu.memory_space<semaphore_mem>>)
      %add3A_156 = arith.constant 2 : i32
      %add3A_157 = arith.addi %add3A_141, %add3A_156 : i32
      %lt3A_158 = arith.constant 25 : i32
      %lt3A_159 = arith.cmpi slt, %add3A_157, %lt3A_158 : i32
      %convert_element_type3A_160 = arith.extui %lt3A_159 : i1 to i32
      %cond3A_161 = arith.constant 0 : i32
      %cond3A_162 = arith.cmpi ne, %convert_element_type3A_160, %cond3A_161 : i32
      scf.if %cond3A_162 {
        %ge3A = arith.constant 2 : i32
        %ge3A_163 = arith.cmpi sge, %add3A_141, %ge3A : i32
        %convert_element_type3A_164 = arith.extui %ge3A_163 : i1 to i32
        %cond3A_165 = arith.constant 0 : i32
        %cond3A_166 = arith.cmpi ne, %convert_element_type3A_164, %cond3A_165 : i32
        scf.if %cond3A_166 {
          %dma_wait3A_174 = arith.constant 0 : i32
          %dma_wait3A_175 = arith.constant 0 : i32
          %dma_wait3A_176 = tpu.memref_slice %arg4[%dma_wait3A_174, %dma_wait3A_175] : memref<64000x128xi32, #tpu.memory_space<hbm>> -> memref<80x128xi32, #tpu.memory_space<hbm>>
          %dma_wait3A_177 = arith.constant 0 : i32
          %dma_wait3A_178 = arith.constant 0 : i32
          %dma_wait3A_179 = tpu.memref_slice %arg4[%dma_wait3A_177, %dma_wait3A_178] : memref<64000x128xi32, #tpu.memory_space<hbm>> -> memref<80x128xi32, #tpu.memory_space<hbm>>
          tpu.wait_dma2 semaphore(%arg15 : memref<!tpu.dma_semaphore, #tpu.memory_space<semaphore_mem>>) src(%arg7 : memref<80x128xi32, #tpu.memory_space<vmem>>) dst(%dma_wait3A_179 : memref<80x128xi32, #tpu.memory_space<hbm>>)
        } else {
        }
        %mul3A_167 = arith.constant 80 : i32
        %mul3A_168 = arith.muli %add3A_157, %mul3A_167 : i32
        %multiple_of3A_169 = tpu.assume_multiple %mul3A_168, 8 : i32
        %dma_start3A_170 = tpu.memref_slice %arg5[%multiple_of3A_169] : memref<2000xi32, #tpu.memory_space<vmem>> -> memref<80xi32, #tpu.memory_space<vmem>>
        %dma_start3A_171 = arith.constant 0 : i32
        %dma_start3A_172 = arith.constant 0 : i32
        %dma_start3A_173 = tpu.memref_slice %arg2[%dma_start3A_171, %dma_start3A_172] : memref<10000x128xi32, #tpu.memory_space<hbm>> -> memref<10000x128xi32, #tpu.memory_space<hbm>>
        tpu.enqueue_indirect_dma source(%dma_start3A_173 : memref<10000x128xi32, #tpu.memory_space<hbm>>) target(%arg7 : memref<80x128xi32, #tpu.memory_space<vmem>>) offsets(%dma_start3A_170 : memref<80xi32, #tpu.memory_space<vmem>>) semaphore(%arg11 : memref<!tpu.dma_semaphore, #tpu.memory_space<semaphore_mem>>)
      } else {
      }
    }
    %scan3A_17 = arith.constant 6 : i32
    %multiple_of3A_18 = arith.constant 0 : i32
    %multiple_of3A_19 = tpu.assume_multiple %multiple_of3A_18, 8 : i32
    %dma_wait3A = tpu.memref_slice %arg5[%multiple_of3A_19] : memref<2000xi32, #tpu.memory_space<vmem>> -> memref<80xi32, #tpu.memory_space<vmem>>
    %dma_wait3A_20 = arith.constant 0 : i32
    %dma_wait3A_21 = arith.constant 0 : i32
    %dma_wait3A_22 = tpu.memref_slice %arg2[%dma_wait3A_20, %dma_wait3A_21] : memref<10000x128xi32, #tpu.memory_space<hbm>> -> memref<10000x128xi32, #tpu.memory_space<hbm>>
    tpu.wait_indirect_dma semaphore(%arg10 : memref<!tpu.dma_semaphore, #tpu.memory_space<semaphore_mem>>) src(%dma_wait3A_22 : memref<10000x128xi32, #tpu.memory_space<hbm>>) dst(%arg6 : memref<80x128xi32, #tpu.memory_space<vmem>>)
    %mul3A_23 = arith.constant 24 : i32
    %mul3A_24 = arith.constant 80 : i32
    %mul3A_25 = arith.muli %mul3A_23, %mul3A_24 : i32
    %add3A_26 = arith.addi %mul3A_2, %mul3A_25 : i32
    %multiple_of3A_27 = tpu.assume_multiple %add3A_26, 8 : i32
    %dma_start3A_28 = arith.constant 0 : i32
    %dma_start3A_29 = tpu.memref_slice %arg4[%multiple_of3A_27, %dma_start3A_28] : memref<64000x128xi32, #tpu.memory_space<hbm>> -> memref<80x128xi32, #tpu.memory_space<hbm>>
    %dma_start3A_30 = arith.constant 0 : i32
    %dma_start3A_31 = tpu.memref_slice %arg4[%multiple_of3A_27, %dma_start3A_30] : memref<64000x128xi32, #tpu.memory_space<hbm>> -> memref<80x128xi32, #tpu.memory_space<hbm>>
    tpu.enqueue_dma source(%arg6 : memref<80x128xi32, #tpu.memory_space<vmem>>) target(%dma_start3A_31 : memref<80x128xi32, #tpu.memory_space<hbm>>) target_semaphore(%arg14 : memref<!tpu.dma_semaphore, #tpu.memory_space<semaphore_mem>>)
    %add3A_32 = arith.constant 24 : i32
    %add3A_33 = arith.constant 2 : i32
    %add3A_34 = arith.addi %add3A_32, %add3A_33 : i32
    %lt3A = arith.constant 25 : i32
    %lt3A_35 = arith.cmpi slt, %add3A_34, %lt3A : i32
    %convert_element_type3A = arith.extui %lt3A_35 : i1 to i32
    %cond3A = arith.constant 24 : i32
    %cond3A_36 = arith.constant 0 : i32
    %cond3A_37 = arith.cmpi ne, %convert_element_type3A, %cond3A_36 : i32
    scf.if %cond3A_37 {
      %ge3A = arith.constant 2 : i32
      %ge3A_62 = arith.cmpi sge, %cond3A, %ge3A : i32
      %convert_element_type3A_63 = arith.extui %ge3A_62 : i1 to i32
      %cond3A_64 = arith.constant 0 : i32
      %cond3A_65 = arith.cmpi ne, %convert_element_type3A_63, %cond3A_64 : i32
      scf.if %cond3A_65 {
        %dma_wait3A_73 = arith.constant 0 : i32
        %dma_wait3A_74 = arith.constant 0 : i32
        %dma_wait3A_75 = tpu.memref_slice %arg4[%dma_wait3A_73, %dma_wait3A_74] : memref<64000x128xi32, #tpu.memory_space<hbm>> -> memref<80x128xi32, #tpu.memory_space<hbm>>
        %dma_wait3A_76 = arith.constant 0 : i32
        %dma_wait3A_77 = arith.constant 0 : i32
        %dma_wait3A_78 = tpu.memref_slice %arg4[%dma_wait3A_76, %dma_wait3A_77] : memref<64000x128xi32, #tpu.memory_space<hbm>> -> memref<80x128xi32, #tpu.memory_space<hbm>>
        tpu.wait_dma2 semaphore(%arg16 : memref<!tpu.dma_semaphore, #tpu.memory_space<semaphore_mem>>) src(%arg8 : memref<80x128xi32, #tpu.memory_space<vmem>>) dst(%dma_wait3A_78 : memref<80x128xi32, #tpu.memory_space<hbm>>)
      } else {
      }
      %mul3A_66 = arith.constant 80 : i32
      %mul3A_67 = arith.muli %add3A_34, %mul3A_66 : i32
      %multiple_of3A_68 = tpu.assume_multiple %mul3A_67, 8 : i32
      %dma_start3A_69 = tpu.memref_slice %arg5[%multiple_of3A_68] : memref<2000xi32, #tpu.memory_space<vmem>> -> memref<80xi32, #tpu.memory_space<vmem>>
      %dma_start3A_70 = arith.constant 0 : i32
      %dma_start3A_71 = arith.constant 0 : i32
      %dma_start3A_72 = tpu.memref_slice %arg2[%dma_start3A_70, %dma_start3A_71] : memref<10000x128xi32, #tpu.memory_space<hbm>> -> memref<10000x128xi32, #tpu.memory_space<hbm>>
      tpu.enqueue_indirect_dma source(%dma_start3A_72 : memref<10000x128xi32, #tpu.memory_space<hbm>>) target(%arg8 : memref<80x128xi32, #tpu.memory_space<vmem>>) offsets(%dma_start3A_69 : memref<80xi32, #tpu.memory_space<vmem>>) semaphore(%arg12 : memref<!tpu.dma_semaphore, #tpu.memory_space<semaphore_mem>>)
    } else {
    }
    %dma_wait3A_38 = arith.constant 0 : i32
    %dma_wait3A_39 = arith.constant 0 : i32
    %dma_wait3A_40 = tpu.memref_slice %arg4[%dma_wait3A_38, %dma_wait3A_39] : memref<64000x128xi32, #tpu.memory_space<hbm>> -> memref<80x128xi32, #tpu.memory_space<hbm>>
    %dma_wait3A_41 = arith.constant 0 : i32
    %dma_wait3A_42 = arith.constant 0 : i32
    %dma_wait3A_43 = tpu.memref_slice %arg4[%dma_wait3A_41, %dma_wait3A_42] : memref<64000x128xi32, #tpu.memory_space<hbm>> -> memref<80x128xi32, #tpu.memory_space<hbm>>
    tpu.wait_dma2 semaphore(%arg15 : memref<!tpu.dma_semaphore, #tpu.memory_space<semaphore_mem>>) src(%arg7 : memref<80x128xi32, #tpu.memory_space<vmem>>) dst(%dma_wait3A_43 : memref<80x128xi32, #tpu.memory_space<hbm>>)
    %dma_wait3A_44 = arith.constant 0 : i32
    %dma_wait3A_45 = arith.constant 0 : i32
    %dma_wait3A_46 = tpu.memref_slice %arg4[%dma_wait3A_44, %dma_wait3A_45] : memref<64000x128xi32, #tpu.memory_space<hbm>> -> memref<80x128xi32, #tpu.memory_space<hbm>>
    %dma_wait3A_47 = arith.constant 0 : i32
    %dma_wait3A_48 = arith.constant 0 : i32
    %dma_wait3A_49 = tpu.memref_slice %arg4[%dma_wait3A_47, %dma_wait3A_48] : memref<64000x128xi32, #tpu.memory_space<hbm>> -> memref<80x128xi32, #tpu.memory_space<hbm>>
    tpu.wait_dma2 semaphore(%arg16 : memref<!tpu.dma_semaphore, #tpu.memory_space<semaphore_mem>>) src(%arg8 : memref<80x128xi32, #tpu.memory_space<vmem>>) dst(%dma_wait3A_49 : memref<80x128xi32, #tpu.memory_space<hbm>>)
    %dma_wait3A_50 = arith.constant 0 : i32
    %dma_wait3A_51 = arith.constant 0 : i32
    %dma_wait3A_52 = tpu.memref_slice %arg4[%dma_wait3A_50, %dma_wait3A_51] : memref<64000x128xi32, #tpu.memory_space<hbm>> -> memref<80x128xi32, #tpu.memory_space<hbm>>
    %dma_wait3A_53 = arith.constant 0 : i32
    %dma_wait3A_54 = arith.constant 0 : i32
    %dma_wait3A_55 = tpu.memref_slice %arg4[%dma_wait3A_53, %dma_wait3A_54] : memref<64000x128xi32, #tpu.memory_space<hbm>> -> memref<80x128xi32, #tpu.memory_space<hbm>>
    tpu.wait_dma2 semaphore(%arg17 : memref<!tpu.dma_semaphore, #tpu.memory_space<semaphore_mem>>) src(%arg9 : memref<80x128xi32, #tpu.memory_space<vmem>>) dst(%dma_wait3A_55 : memref<80x128xi32, #tpu.memory_space<hbm>>)
    %dma_wait3A_56 = arith.constant 0 : i32
    %dma_wait3A_57 = arith.constant 0 : i32
    %dma_wait3A_58 = tpu.memref_slice %arg4[%dma_wait3A_56, %dma_wait3A_57] : memref<64000x128xi32, #tpu.memory_space<hbm>> -> memref<80x128xi32, #tpu.memory_space<hbm>>
    %dma_wait3A_59 = arith.constant 0 : i32
    %dma_wait3A_60 = arith.constant 0 : i32
    %dma_wait3A_61 = tpu.memref_slice %arg4[%dma_wait3A_59, %dma_wait3A_60] : memref<64000x128xi32, #tpu.memory_space<hbm>> -> memref<80x128xi32, #tpu.memory_space<hbm>>
    tpu.wait_dma2 semaphore(%arg14 : memref<!tpu.dma_semaphore, #tpu.memory_space<semaphore_mem>>) src(%arg6 : memref<80x128xi32, #tpu.memory_space<vmem>>) dst(%dma_wait3A_61 : memref<80x128xi32, #tpu.memory_space<hbm>>)
    return
  }
}

#map = affine_map<(d0, d1) -> (0, 0)>
#map1 = affine_map<(d0, d1) -> (0)>
module attributes {stable_mosaic.version = 14 : i64} {
  func.func @_sc_gather_body(%arg0: i32, %arg1: i32, %arg2: memref<10000x128xi32, #tpu.memory_space<hbm>>, %arg3: memref<64000xi32, #tpu.memory_space<hbm>>, %arg4: memref<64000x128xi32, #tpu.memory_space<hbm>>, %arg5: memref<2000xi32, #tpu.memory_space<vmem>>, %arg6: memref<80x128xi32, #tpu.memory_space<vmem>>, %arg7: memref<80x128xi32, #tpu.memory_space<vmem>>, %arg8: memref<80x128xi32, #tpu.memory_space<vmem>>, %arg9: memref<80x128xi32, #tpu.memory_space<vmem>>, %arg10: memref<!tpu.dma_semaphore, #tpu.memory_space<semaphore_mem>>, %arg11: memref<!tpu.dma_semaphore, #tpu.memory_space<semaphore_mem>>, %arg12: memref<!tpu.dma_semaphore, #tpu.memory_space<semaphore_mem>>, %arg13: memref<!tpu.dma_semaphore, #tpu.memory_space<semaphore_mem>>, %arg14: memref<!tpu.dma_semaphore, #tpu.memory_space<semaphore_mem>>, %arg15: memref<!tpu.dma_semaphore, #tpu.memory_space<semaphore_mem>>, %arg16: memref<!tpu.dma_semaphore, #tpu.memory_space<semaphore_mem>>, %arg17: memref<!tpu.dma_semaphore, #tpu.memory_space<semaphore_mem>>) attributes {dimension_semantics = [#tpu.dimension_semantics<core_parallel>, #tpu.dimension_semantics<subcore_parallel>], iteration_bounds = array<i64: 2, 16>, scalar_prefetch = 0 : i64, scratch_operands = 13 : i64, tpu.core_type = #tpu.core_type<sc_vector_subcore>, window_params = [{transform_indices = #map}, {transform_indices = #map1}, {transform_indices = #map}]} {
    %mul3A = arith.constant 2 : i32
    %mul3A_0 = arith.muli %arg1, %mul3A : i32
    %add3A = arith.addi %mul3A_0, %arg0 : i32
    %mul3A_1 = arith.constant 2000 : i32
    %mul3A_2 = arith.muli %add3A, %mul3A_1 : i32
    "tpu.region"() ({
      %run_scoped3A = tpu.sem_alloc : memref<!tpu.dma_semaphore, #tpu.memory_space<semaphore_mem>>
      %dma_start3A_62 = tpu.memref_slice %arg3[%mul3A_2] : memref<64000xi32, #tpu.memory_space<hbm>> -> memref<2000xi32, #tpu.memory_space<hbm>>
      %dma_start3A_63 = tpu.memref_slice %arg3[%mul3A_2] : memref<64000xi32, #tpu.memory_space<hbm>> -> memref<2000xi32, #tpu.memory_space<hbm>>
      tpu.enqueue_dma source(%dma_start3A_63 : memref<2000xi32, #tpu.memory_space<hbm>>) target(%arg5 : memref<2000xi32, #tpu.memory_space<vmem>>) target_semaphore(%run_scoped3A : memref<!tpu.dma_semaphore, #tpu.memory_space<semaphore_mem>>)
      %dma_wait3A_64 = tpu.memref_slice %arg3[%mul3A_2] : memref<64000xi32, #tpu.memory_space<hbm>> -> memref<2000xi32, #tpu.memory_space<hbm>>
      %dma_wait3A_65 = tpu.memref_slice %arg3[%mul3A_2] : memref<64000xi32, #tpu.memory_space<hbm>> -> memref<2000xi32, #tpu.memory_space<hbm>>
      tpu.wait_dma2 semaphore(%run_scoped3A : memref<!tpu.dma_semaphore, #tpu.memory_space<semaphore_mem>>) src(%dma_wait3A_65 : memref<2000xi32, #tpu.memory_space<hbm>>) dst(%arg5 : memref<2000xi32, #tpu.memory_space<vmem>>)
      tpu.yield
    }) : () -> ()
    %multiple_of3A = arith.constant 0 : i32
    %multiple_of3A_3 = tpu.assume_multiple %multiple_of3A, 8 : i32
    %dma_start3A = tpu.memref_slice %arg5[%multiple_of3A_3] : memref<2000xi32, #tpu.memory_space<vmem>> -> memref<80xi32, #tpu.memory_space<vmem>>
    %dma_start3A_4 = arith.constant 0 : i32
    %dma_start3A_5 = arith.constant 0 : i32
    %dma_start3A_6 = tpu.memref_slice %arg2[%dma_start3A_4, %dma_start3A_5] : memref<10000x128xi32, #tpu.memory_space<hbm>> -> memref<10000x128xi32, #tpu.memory_space<hbm>>
    tpu.enqueue_indirect_dma source(%dma_start3A_6 : memref<10000x128xi32, #tpu.memory_space<hbm>>) target(%arg6 : memref<80x128xi32, #tpu.memory_space<vmem>>) offsets(%dma_start3A : memref<80xi32, #tpu.memory_space<vmem>>) semaphore(%arg10 : memref<!tpu.dma_semaphore, #tpu.memory_space<semaphore_mem>>)
    %multiple_of3A_7 = arith.constant 80 : i32
    %multiple_of3A_8 = tpu.assume_multiple %multiple_of3A_7, 8 : i32
    %dma_start3A_9 = tpu.memref_slice %arg5[%multiple_of3A_8] : memref<2000xi32, #tpu.memory_space<vmem>> -> memref<80xi32, #tpu.memory_space<vmem>>
    %dma_start3A_10 = arith.constant 0 : i32
    %dma_start3A_11 = arith.constant 0 : i32
    %dma_start3A_12 = tpu.memref_slice %arg2[%dma_start3A_10, %dma_start3A_11] : memref<10000x128xi32, #tpu.memory_space<hbm>> -> memref<10000x128xi32, #tpu.memory_space<hbm>>
    tpu.enqueue_indirect_dma source(%dma_start3A_12 : memref<10000x128xi32, #tpu.memory_space<hbm>>) target(%arg7 : memref<80x128xi32, #tpu.memory_space<vmem>>) offsets(%dma_start3A_9 : memref<80xi32, #tpu.memory_space<vmem>>) semaphore(%arg11 : memref<!tpu.dma_semaphore, #tpu.memory_space<semaphore_mem>>)
    %scan3A = arith.constant 0 : i32
    %scan3A_13 = arith.constant 0 : i32
    %scan3A_14 = arith.constant 6 : i32
    %scan3A_15 = arith.addi %scan3A_13, %scan3A_14 : i32
    %scan3A_16 = arith.constant 1 : i32
    scf.for %scan3A_62 = %scan3A_13 to %scan3A_15 step %scan3A_16  : i32 {
      %mul3A_63 = arith.constant 4 : i32
      %mul3A_64 = arith.muli %mul3A_63, %scan3A_62 : i32
      %add3A_65 = arith.constant 0 : i32
      %add3A_66 = arith.addi %mul3A_64, %add3A_65 : i32
      %multiple_of3A_67 = arith.constant 0 : i32
      %multiple_of3A_68 = tpu.assume_multiple %multiple_of3A_67, 8 : i32
      %dma_wait3A_69 = tpu.memref_slice %arg5[%multiple_of3A_68] : memref<2000xi32, #tpu.memory_space<vmem>> -> memref<80xi32, #tpu.memory_space<vmem>>
      %dma_wait3A_70 = arith.constant 0 : i32
      %dma_wait3A_71 = arith.constant 0 : i32
      %dma_wait3A_72 = tpu.memref_slice %arg2[%dma_wait3A_70, %dma_wait3A_71] : memref<10000x128xi32, #tpu.memory_space<hbm>> -> memref<10000x128xi32, #tpu.memory_space<hbm>>
      tpu.wait_indirect_dma semaphore(%arg10 : memref<!tpu.dma_semaphore, #tpu.memory_space<semaphore_mem>>) src(%dma_wait3A_72 : memref<10000x128xi32, #tpu.memory_space<hbm>>) dst(%arg6 : memref<80x128xi32, #tpu.memory_space<vmem>>)
      %mul3A_73 = arith.constant 80 : i32
      %mul3A_74 = arith.muli %add3A_66, %mul3A_73 : i32
      %add3A_75 = arith.addi %mul3A_2, %mul3A_74 : i32
      %multiple_of3A_76 = tpu.assume_multiple %add3A_75, 8 : i32
      %dma_start3A_77 = arith.constant 0 : i32
      %dma_start3A_78 = tpu.memref_slice %arg4[%multiple_of3A_76, %dma_start3A_77] : memref<64000x128xi32, #tpu.memory_space<hbm>> -> memref<80x128xi32, #tpu.memory_space<hbm>>
      %dma_start3A_79 = arith.constant 0 : i32
      %dma_start3A_80 = tpu.memref_slice %arg4[%multiple_of3A_76, %dma_start3A_79] : memref<64000x128xi32, #tpu.memory_space<hbm>> -> memref<80x128xi32, #tpu.memory_space<hbm>>
      tpu.enqueue_dma source(%arg6 : memref<80x128xi32, #tpu.memory_space<vmem>>) target(%dma_start3A_80 : memref<80x128xi32, #tpu.memory_space<hbm>>) target_semaphore(%arg14 : memref<!tpu.dma_semaphore, #tpu.memory_space<semaphore_mem>>)
      %add3A_81 = arith.constant 2 : i32
      %add3A_82 = arith.addi %add3A_66, %add3A_81 : i32
      %lt3A_83 = arith.constant 25 : i32
      %lt3A_84 = arith.cmpi slt, %add3A_82, %lt3A_83 : i32
      %convert_element_type3A_85 = arith.extui %lt3A_84 : i1 to i32
      %cond3A_86 = arith.constant 0 : i32
      %cond3A_87 = arith.cmpi ne, %convert_element_type3A_85, %cond3A_86 : i32
      scf.if %cond3A_87 {
        %ge3A = arith.constant 2 : i32
        %ge3A_163 = arith.cmpi sge, %add3A_66, %ge3A : i32
        %convert_element_type3A_164 = arith.extui %ge3A_163 : i1 to i32
        %cond3A_165 = arith.constant 0 : i32
        %cond3A_166 = arith.cmpi ne, %convert_element_type3A_164, %cond3A_165 : i32
        scf.if %cond3A_166 {
          %dma_wait3A_174 = arith.constant 0 : i32
          %dma_wait3A_175 = arith.constant 0 : i32
          %dma_wait3A_176 = tpu.memref_slice %arg4[%dma_wait3A_174, %dma_wait3A_175] : memref<64000x128xi32, #tpu.memory_space<hbm>> -> memref<80x128xi32, #tpu.memory_space<hbm>>
          %dma_wait3A_177 = arith.constant 0 : i32
          %dma_wait3A_178 = arith.constant 0 : i32
          %dma_wait3A_179 = tpu.memref_slice %arg4[%dma_wait3A_177, %dma_wait3A_178] : memref<64000x128xi32, #tpu.memory_space<hbm>> -> memref<80x128xi32, #tpu.memory_space<hbm>>
          tpu.wait_dma2 semaphore(%arg16 : memref<!tpu.dma_semaphore, #tpu.memory_space<semaphore_mem>>) src(%arg8 : memref<80x128xi32, #tpu.memory_space<vmem>>) dst(%dma_wait3A_179 : memref<80x128xi32, #tpu.memory_space<hbm>>)
        } else {
        }
        %mul3A_167 = arith.constant 80 : i32
        %mul3A_168 = arith.muli %add3A_82, %mul3A_167 : i32
        %multiple_of3A_169 = tpu.assume_multiple %mul3A_168, 8 : i32
        %dma_start3A_170 = tpu.memref_slice %arg5[%multiple_of3A_169] : memref<2000xi32, #tpu.memory_space<vmem>> -> memref<80xi32, #tpu.memory_space<vmem>>
        %dma_start3A_171 = arith.constant 0 : i32
        %dma_start3A_172 = arith.constant 0 : i32
        %dma_start3A_173 = tpu.memref_slice %arg2[%dma_start3A_171, %dma_start3A_172] : memref<10000x128xi32, #tpu.memory_space<hbm>> -> memref<10000x128xi32, #tpu.memory_space<hbm>>
        tpu.enqueue_indirect_dma source(%dma_start3A_173 : memref<10000x128xi32, #tpu.memory_space<hbm>>) target(%arg8 : memref<80x128xi32, #tpu.memory_space<vmem>>) offsets(%dma_start3A_170 : memref<80xi32, #tpu.memory_space<vmem>>) semaphore(%arg12 : memref<!tpu.dma_semaphore, #tpu.memory_space<semaphore_mem>>)
      } else {
      }
      %mul3A_88 = arith.constant 4 : i32
      %mul3A_89 = arith.muli %mul3A_88, %scan3A_62 : i32
      %add3A_90 = arith.constant 1 : i32
      %add3A_91 = arith.addi %mul3A_89, %add3A_90 : i32
      %multiple_of3A_92 = arith.constant 0 : i32
      %multiple_of3A_93 = tpu.assume_multiple %multiple_of3A_92, 8 : i32
      %dma_wait3A_94 = tpu.memref_slice %arg5[%multiple_of3A_93] : memref<2000xi32, #tpu.memory_space<vmem>> -> memref<80xi32, #tpu.memory_space<vmem>>
      %dma_wait3A_95 = arith.constant 0 : i32
      %dma_wait3A_96 = arith.constant 0 : i32
      %dma_wait3A_97 = tpu.memref_slice %arg2[%dma_wait3A_95, %dma_wait3A_96] : memref<10000x128xi32, #tpu.memory_space<hbm>> -> memref<10000x128xi32, #tpu.memory_space<hbm>>
      tpu.wait_indirect_dma semaphore(%arg11 : memref<!tpu.dma_semaphore, #tpu.memory_space<semaphore_mem>>) src(%dma_wait3A_97 : memref<10000x128xi32, #tpu.memory_space<hbm>>) dst(%arg7 : memref<80x128xi32, #tpu.memory_space<vmem>>)
      %mul3A_98 = arith.constant 80 : i32
      %mul3A_99 = arith.muli %add3A_91, %mul3A_98 : i32
      %add3A_100 = arith.addi %mul3A_2, %mul3A_99 : i32
      %multiple_of3A_101 = tpu.assume_multiple %add3A_100, 8 : i32
      %dma_start3A_102 = arith.constant 0 : i32
      %dma_start3A_103 = tpu.memref_slice %arg4[%multiple_of3A_101, %dma_start3A_102] : memref<64000x128xi32, #tpu.memory_space<hbm>> -> memref<80x128xi32, #tpu.memory_space<hbm>>
      %dma_start3A_104 = arith.constant 0 : i32
      %dma_start3A_105 = tpu.memref_slice %arg4[%multiple_of3A_101, %dma_start3A_104] : memref<64000x128xi32, #tpu.memory_space<hbm>> -> memref<80x128xi32, #tpu.memory_space<hbm>>
      tpu.enqueue_dma source(%arg7 : memref<80x128xi32, #tpu.memory_space<vmem>>) target(%dma_start3A_105 : memref<80x128xi32, #tpu.memory_space<hbm>>) target_semaphore(%arg15 : memref<!tpu.dma_semaphore, #tpu.memory_space<semaphore_mem>>)
      %add3A_106 = arith.constant 2 : i32
      %add3A_107 = arith.addi %add3A_91, %add3A_106 : i32
      %lt3A_108 = arith.constant 25 : i32
      %lt3A_109 = arith.cmpi slt, %add3A_107, %lt3A_108 : i32
      %convert_element_type3A_110 = arith.extui %lt3A_109 : i1 to i32
      %cond3A_111 = arith.constant 0 : i32
      %cond3A_112 = arith.cmpi ne, %convert_element_type3A_110, %cond3A_111 : i32
      scf.if %cond3A_112 {
        %ge3A = arith.constant 2 : i32
        %ge3A_163 = arith.cmpi sge, %add3A_91, %ge3A : i32
        %convert_element_type3A_164 = arith.extui %ge3A_163 : i1 to i32
        %cond3A_165 = arith.constant 0 : i32
        %cond3A_166 = arith.cmpi ne, %convert_element_type3A_164, %cond3A_165 : i32
        scf.if %cond3A_166 {
          %dma_wait3A_174 = arith.constant 0 : i32
          %dma_wait3A_175 = arith.constant 0 : i32
          %dma_wait3A_176 = tpu.memref_slice %arg4[%dma_wait3A_174, %dma_wait3A_175] : memref<64000x128xi32, #tpu.memory_space<hbm>> -> memref<80x128xi32, #tpu.memory_space<hbm>>
          %dma_wait3A_177 = arith.constant 0 : i32
          %dma_wait3A_178 = arith.constant 0 : i32
          %dma_wait3A_179 = tpu.memref_slice %arg4[%dma_wait3A_177, %dma_wait3A_178] : memref<64000x128xi32, #tpu.memory_space<hbm>> -> memref<80x128xi32, #tpu.memory_space<hbm>>
          tpu.wait_dma2 semaphore(%arg17 : memref<!tpu.dma_semaphore, #tpu.memory_space<semaphore_mem>>) src(%arg9 : memref<80x128xi32, #tpu.memory_space<vmem>>) dst(%dma_wait3A_179 : memref<80x128xi32, #tpu.memory_space<hbm>>)
        } else {
        }
        %mul3A_167 = arith.constant 80 : i32
        %mul3A_168 = arith.muli %add3A_107, %mul3A_167 : i32
        %multiple_of3A_169 = tpu.assume_multiple %mul3A_168, 8 : i32
        %dma_start3A_170 = tpu.memref_slice %arg5[%multiple_of3A_169] : memref<2000xi32, #tpu.memory_space<vmem>> -> memref<80xi32, #tpu.memory_space<vmem>>
        %dma_start3A_171 = arith.constant 0 : i32
        %dma_start3A_172 = arith.constant 0 : i32
        %dma_start3A_173 = tpu.memref_slice %arg2[%dma_start3A_171, %dma_start3A_172] : memref<10000x128xi32, #tpu.memory_space<hbm>> -> memref<10000x128xi32, #tpu.memory_space<hbm>>
        tpu.enqueue_indirect_dma source(%dma_start3A_173 : memref<10000x128xi32, #tpu.memory_space<hbm>>) target(%arg9 : memref<80x128xi32, #tpu.memory_space<vmem>>) offsets(%dma_start3A_170 : memref<80xi32, #tpu.memory_space<vmem>>) semaphore(%arg13 : memref<!tpu.dma_semaphore, #tpu.memory_space<semaphore_mem>>)
      } else {
      }
      %mul3A_113 = arith.constant 4 : i32
      %mul3A_114 = arith.muli %mul3A_113, %scan3A_62 : i32
      %add3A_115 = arith.constant 2 : i32
      %add3A_116 = arith.addi %mul3A_114, %add3A_115 : i32
      %multiple_of3A_117 = arith.constant 0 : i32
      %multiple_of3A_118 = tpu.assume_multiple %multiple_of3A_117, 8 : i32
      %dma_wait3A_119 = tpu.memref_slice %arg5[%multiple_of3A_118] : memref<2000xi32, #tpu.memory_space<vmem>> -> memref<80xi32, #tpu.memory_space<vmem>>
      %dma_wait3A_120 = arith.constant 0 : i32
      %dma_wait3A_121 = arith.constant 0 : i32
      %dma_wait3A_122 = tpu.memref_slice %arg2[%dma_wait3A_120, %dma_wait3A_121] : memref<10000x128xi32, #tpu.memory_space<hbm>> -> memref<10000x128xi32, #tpu.memory_space<hbm>>
      tpu.wait_indirect_dma semaphore(%arg12 : memref<!tpu.dma_semaphore, #tpu.memory_space<semaphore_mem>>) src(%dma_wait3A_122 : memref<10000x128xi32, #tpu.memory_space<hbm>>) dst(%arg8 : memref<80x128xi32, #tpu.memory_space<vmem>>)
      %mul3A_123 = arith.constant 80 : i32
      %mul3A_124 = arith.muli %add3A_116, %mul3A_123 : i32
      %add3A_125 = arith.addi %mul3A_2, %mul3A_124 : i32
      %multiple_of3A_126 = tpu.assume_multiple %add3A_125, 8 : i32
      %dma_start3A_127 = arith.constant 0 : i32
      %dma_start3A_128 = tpu.memref_slice %arg4[%multiple_of3A_126, %dma_start3A_127] : memref<64000x128xi32, #tpu.memory_space<hbm>> -> memref<80x128xi32, #tpu.memory_space<hbm>>
      %dma_start3A_129 = arith.constant 0 : i32
      %dma_start3A_130 = tpu.memref_slice %arg4[%multiple_of3A_126, %dma_start3A_129] : memref<64000x128xi32, #tpu.memory_space<hbm>> -> memref<80x128xi32, #tpu.memory_space<hbm>>
      tpu.enqueue_dma source(%arg8 : memref<80x128xi32, #tpu.memory_space<vmem>>) target(%dma_start3A_130 : memref<80x128xi32, #tpu.memory_space<hbm>>) target_semaphore(%arg16 : memref<!tpu.dma_semaphore, #tpu.memory_space<semaphore_mem>>)
      %add3A_131 = arith.constant 2 : i32
      %add3A_132 = arith.addi %add3A_116, %add3A_131 : i32
      %lt3A_133 = arith.constant 25 : i32
      %lt3A_134 = arith.cmpi slt, %add3A_132, %lt3A_133 : i32
      %convert_element_type3A_135 = arith.extui %lt3A_134 : i1 to i32
      %cond3A_136 = arith.constant 0 : i32
      %cond3A_137 = arith.cmpi ne, %convert_element_type3A_135, %cond3A_136 : i32
      scf.if %cond3A_137 {
        %ge3A = arith.constant 2 : i32
        %ge3A_163 = arith.cmpi sge, %add3A_116, %ge3A : i32
        %convert_element_type3A_164 = arith.extui %ge3A_163 : i1 to i32
        %cond3A_165 = arith.constant 0 : i32
        %cond3A_166 = arith.cmpi ne, %convert_element_type3A_164, %cond3A_165 : i32
        scf.if %cond3A_166 {
          %dma_wait3A_174 = arith.constant 0 : i32
          %dma_wait3A_175 = arith.constant 0 : i32
          %dma_wait3A_176 = tpu.memref_slice %arg4[%dma_wait3A_174, %dma_wait3A_175] : memref<64000x128xi32, #tpu.memory_space<hbm>> -> memref<80x128xi32, #tpu.memory_space<hbm>>
          %dma_wait3A_177 = arith.constant 0 : i32
          %dma_wait3A_178 = arith.constant 0 : i32
          %dma_wait3A_179 = tpu.memref_slice %arg4[%dma_wait3A_177, %dma_wait3A_178] : memref<64000x128xi32, #tpu.memory_space<hbm>> -> memref<80x128xi32, #tpu.memory_space<hbm>>
          tpu.wait_dma2 semaphore(%arg14 : memref<!tpu.dma_semaphore, #tpu.memory_space<semaphore_mem>>) src(%arg6 : memref<80x128xi32, #tpu.memory_space<vmem>>) dst(%dma_wait3A_179 : memref<80x128xi32, #tpu.memory_space<hbm>>)
        } else {
        }
        %mul3A_167 = arith.constant 80 : i32
        %mul3A_168 = arith.muli %add3A_132, %mul3A_167 : i32
        %multiple_of3A_169 = tpu.assume_multiple %mul3A_168, 8 : i32
        %dma_start3A_170 = tpu.memref_slice %arg5[%multiple_of3A_169] : memref<2000xi32, #tpu.memory_space<vmem>> -> memref<80xi32, #tpu.memory_space<vmem>>
        %dma_start3A_171 = arith.constant 0 : i32
        %dma_start3A_172 = arith.constant 0 : i32
        %dma_start3A_173 = tpu.memref_slice %arg2[%dma_start3A_171, %dma_start3A_172] : memref<10000x128xi32, #tpu.memory_space<hbm>> -> memref<10000x128xi32, #tpu.memory_space<hbm>>
        tpu.enqueue_indirect_dma source(%dma_start3A_173 : memref<10000x128xi32, #tpu.memory_space<hbm>>) target(%arg6 : memref<80x128xi32, #tpu.memory_space<vmem>>) offsets(%dma_start3A_170 : memref<80xi32, #tpu.memory_space<vmem>>) semaphore(%arg10 : memref<!tpu.dma_semaphore, #tpu.memory_space<semaphore_mem>>)
      } else {
      }
      %mul3A_138 = arith.constant 4 : i32
      %mul3A_139 = arith.muli %mul3A_138, %scan3A_62 : i32
      %add3A_140 = arith.constant 3 : i32
      %add3A_141 = arith.addi %mul3A_139, %add3A_140 : i32
      %multiple_of3A_142 = arith.constant 0 : i32
      %multiple_of3A_143 = tpu.assume_multiple %multiple_of3A_142, 8 : i32
      %dma_wait3A_144 = tpu.memref_slice %arg5[%multiple_of3A_143] : memref<2000xi32, #tpu.memory_space<vmem>> -> memref<80xi32, #tpu.memory_space<vmem>>
      %dma_wait3A_145 = arith.constant 0 : i32
      %dma_wait3A_146 = arith.constant 0 : i32
      %dma_wait3A_147 = tpu.memref_slice %arg2[%dma_wait3A_145, %dma_wait3A_146] : memref<10000x128xi32, #tpu.memory_space<hbm>> -> memref<10000x128xi32, #tpu.memory_space<hbm>>
      tpu.wait_indirect_dma semaphore(%arg13 : memref<!tpu.dma_semaphore, #tpu.memory_space<semaphore_mem>>) src(%dma_wait3A_147 : memref<10000x128xi32, #tpu.memory_space<hbm>>) dst(%arg9 : memref<80x128xi32, #tpu.memory_space<vmem>>)
      %mul3A_148 = arith.constant 80 : i32
      %mul3A_149 = arith.muli %add3A_141, %mul3A_148 : i32
      %add3A_150 = arith.addi %mul3A_2, %mul3A_149 : i32
      %multiple_of3A_151 = tpu.assume_multiple %add3A_150, 8 : i32
      %dma_start3A_152 = arith.constant 0 : i32
      %dma_start3A_153 = tpu.memref_slice %arg4[%multiple_of3A_151, %dma_start3A_152] : memref<64000x128xi32, #tpu.memory_space<hbm>> -> memref<80x128xi32, #tpu.memory_space<hbm>>
      %dma_start3A_154 = arith.constant 0 : i32
      %dma_start3A_155 = tpu.memref_slice %arg4[%multiple_of3A_151, %dma_start3A_154] : memref<64000x128xi32, #tpu.memory_space<hbm>> -> memref<80x128xi32, #tpu.memory_space<hbm>>
      tpu.enqueue_dma source(%arg9 : memref<80x128xi32, #tpu.memory_space<vmem>>) target(%dma_start3A_155 : memref<80x128xi32, #tpu.memory_space<hbm>>) target_semaphore(%arg17 : memref<!tpu.dma_semaphore, #tpu.memory_space<semaphore_mem>>)
      %add3A_156 = arith.constant 2 : i32
      %add3A_157 = arith.addi %add3A_141, %add3A_156 : i32
      %lt3A_158 = arith.constant 25 : i32
      %lt3A_159 = arith.cmpi slt, %add3A_157, %lt3A_158 : i32
      %convert_element_type3A_160 = arith.extui %lt3A_159 : i1 to i32
      %cond3A_161 = arith.constant 0 : i32
      %cond3A_162 = arith.cmpi ne, %convert_element_type3A_160, %cond3A_161 : i32
      scf.if %cond3A_162 {
        %ge3A = arith.constant 2 : i32
        %ge3A_163 = arith.cmpi sge, %add3A_141, %ge3A : i32
        %convert_element_type3A_164 = arith.extui %ge3A_163 : i1 to i32
        %cond3A_165 = arith.constant 0 : i32
        %cond3A_166 = arith.cmpi ne, %convert_element_type3A_164, %cond3A_165 : i32
        scf.if %cond3A_166 {
          %dma_wait3A_174 = arith.constant 0 : i32
          %dma_wait3A_175 = arith.constant 0 : i32
          %dma_wait3A_176 = tpu.memref_slice %arg4[%dma_wait3A_174, %dma_wait3A_175] : memref<64000x128xi32, #tpu.memory_space<hbm>> -> memref<80x128xi32, #tpu.memory_space<hbm>>
          %dma_wait3A_177 = arith.constant 0 : i32
          %dma_wait3A_178 = arith.constant 0 : i32
          %dma_wait3A_179 = tpu.memref_slice %arg4[%dma_wait3A_177, %dma_wait3A_178] : memref<64000x128xi32, #tpu.memory_space<hbm>> -> memref<80x128xi32, #tpu.memory_space<hbm>>
          tpu.wait_dma2 semaphore(%arg15 : memref<!tpu.dma_semaphore, #tpu.memory_space<semaphore_mem>>) src(%arg7 : memref<80x128xi32, #tpu.memory_space<vmem>>) dst(%dma_wait3A_179 : memref<80x128xi32, #tpu.memory_space<hbm>>)
        } else {
        }
        %mul3A_167 = arith.constant 80 : i32
        %mul3A_168 = arith.muli %add3A_157, %mul3A_167 : i32
        %multiple_of3A_169 = tpu.assume_multiple %mul3A_168, 8 : i32
        %dma_start3A_170 = tpu.memref_slice %arg5[%multiple_of3A_169] : memref<2000xi32, #tpu.memory_space<vmem>> -> memref<80xi32, #tpu.memory_space<vmem>>
        %dma_start3A_171 = arith.constant 0 : i32
        %dma_start3A_172 = arith.constant 0 : i32
        %dma_start3A_173 = tpu.memref_slice %arg2[%dma_start3A_171, %dma_start3A_172] : memref<10000x128xi32, #tpu.memory_space<hbm>> -> memref<10000x128xi32, #tpu.memory_space<hbm>>
        tpu.enqueue_indirect_dma source(%dma_start3A_173 : memref<10000x128xi32, #tpu.memory_space<hbm>>) target(%arg7 : memref<80x128xi32, #tpu.memory_space<vmem>>) offsets(%dma_start3A_170 : memref<80xi32, #tpu.memory_space<vmem>>) semaphore(%arg11 : memref<!tpu.dma_semaphore, #tpu.memory_space<semaphore_mem>>)
      } else {
      }
    }
    %scan3A_17 = arith.constant 6 : i32
    %multiple_of3A_18 = arith.constant 0 : i32
    %multiple_of3A_19 = tpu.assume_multiple %multiple_of3A_18, 8 : i32
    %dma_wait3A = tpu.memref_slice %arg5[%multiple_of3A_19] : memref<2000xi32, #tpu.memory_space<vmem>> -> memref<80xi32, #tpu.memory_space<vmem>>
    %dma_wait3A_20 = arith.constant 0 : i32
    %dma_wait3A_21 = arith.constant 0 : i32
    %dma_wait3A_22 = tpu.memref_slice %arg2[%dma_wait3A_20, %dma_wait3A_21] : memref<10000x128xi32, #tpu.memory_space<hbm>> -> memref<10000x128xi32, #tpu.memory_space<hbm>>
    tpu.wait_indirect_dma semaphore(%arg10 : memref<!tpu.dma_semaphore, #tpu.memory_space<semaphore_mem>>) src(%dma_wait3A_22 : memref<10000x128xi32, #tpu.memory_space<hbm>>) dst(%arg6 : memref<80x128xi32, #tpu.memory_space<vmem>>)
    %mul3A_23 = arith.constant 24 : i32
    %mul3A_24 = arith.constant 80 : i32
    %mul3A_25 = arith.muli %mul3A_23, %mul3A_24 : i32
    %add3A_26 = arith.addi %mul3A_2, %mul3A_25 : i32
    %multiple_of3A_27 = tpu.assume_multiple %add3A_26, 8 : i32
    %dma_start3A_28 = arith.constant 0 : i32
    %dma_start3A_29 = tpu.memref_slice %arg4[%multiple_of3A_27, %dma_start3A_28] : memref<64000x128xi32, #tpu.memory_space<hbm>> -> memref<80x128xi32, #tpu.memory_space<hbm>>
    %dma_start3A_30 = arith.constant 0 : i32
    %dma_start3A_31 = tpu.memref_slice %arg4[%multiple_of3A_27, %dma_start3A_30] : memref<64000x128xi32, #tpu.memory_space<hbm>> -> memref<80x128xi32, #tpu.memory_space<hbm>>
    tpu.enqueue_dma source(%arg6 : memref<80x128xi32, #tpu.memory_space<vmem>>) target(%dma_start3A_31 : memref<80x128xi32, #tpu.memory_space<hbm>>) target_semaphore(%arg14 : memref<!tpu.dma_semaphore, #tpu.memory_space<semaphore_mem>>)
    %add3A_32 = arith.constant 24 : i32
    %add3A_33 = arith.constant 2 : i32
    %add3A_34 = arith.addi %add3A_32, %add3A_33 : i32
    %lt3A = arith.constant 25 : i32
    %lt3A_35 = arith.cmpi slt, %add3A_34, %lt3A : i32
    %convert_element_type3A = arith.extui %lt3A_35 : i1 to i32
    %cond3A = arith.constant 24 : i32
    %cond3A_36 = arith.constant 0 : i32
    %cond3A_37 = arith.cmpi ne, %convert_element_type3A, %cond3A_36 : i32
    scf.if %cond3A_37 {
      %ge3A = arith.constant 2 : i32
      %ge3A_62 = arith.cmpi sge, %cond3A, %ge3A : i32
      %convert_element_type3A_63 = arith.extui %ge3A_62 : i1 to i32
      %cond3A_64 = arith.constant 0 : i32
      %cond3A_65 = arith.cmpi ne, %convert_element_type3A_63, %cond3A_64 : i32
      scf.if %cond3A_65 {
        %dma_wait3A_73 = arith.constant 0 : i32
        %dma_wait3A_74 = arith.constant 0 : i32
        %dma_wait3A_75 = tpu.memref_slice %arg4[%dma_wait3A_73, %dma_wait3A_74] : memref<64000x128xi32, #tpu.memory_space<hbm>> -> memref<80x128xi32, #tpu.memory_space<hbm>>
        %dma_wait3A_76 = arith.constant 0 : i32
        %dma_wait3A_77 = arith.constant 0 : i32
        %dma_wait3A_78 = tpu.memref_slice %arg4[%dma_wait3A_76, %dma_wait3A_77] : memref<64000x128xi32, #tpu.memory_space<hbm>> -> memref<80x128xi32, #tpu.memory_space<hbm>>
        tpu.wait_dma2 semaphore(%arg16 : memref<!tpu.dma_semaphore, #tpu.memory_space<semaphore_mem>>) src(%arg8 : memref<80x128xi32, #tpu.memory_space<vmem>>) dst(%dma_wait3A_78 : memref<80x128xi32, #tpu.memory_space<hbm>>)
      } else {
      }
      %mul3A_66 = arith.constant 80 : i32
      %mul3A_67 = arith.muli %add3A_34, %mul3A_66 : i32
      %multiple_of3A_68 = tpu.assume_multiple %mul3A_67, 8 : i32
      %dma_start3A_69 = tpu.memref_slice %arg5[%multiple_of3A_68] : memref<2000xi32, #tpu.memory_space<vmem>> -> memref<80xi32, #tpu.memory_space<vmem>>
      %dma_start3A_70 = arith.constant 0 : i32
      %dma_start3A_71 = arith.constant 0 : i32
      %dma_start3A_72 = tpu.memref_slice %arg2[%dma_start3A_70, %dma_start3A_71] : memref<10000x128xi32, #tpu.memory_space<hbm>> -> memref<10000x128xi32, #tpu.memory_space<hbm>>
      tpu.enqueue_indirect_dma source(%dma_start3A_72 : memref<10000x128xi32, #tpu.memory_space<hbm>>) target(%arg8 : memref<80x128xi32, #tpu.memory_space<vmem>>) offsets(%dma_start3A_69 : memref<80xi32, #tpu.memory_space<vmem>>) semaphore(%arg12 : memref<!tpu.dma_semaphore, #tpu.memory_space<semaphore_mem>>)
    } else {
    }
    %dma_wait3A_38 = arith.constant 0 : i32
    %dma_wait3A_39 = arith.constant 0 : i32
    %dma_wait3A_40 = tpu.memref_slice %arg4[%dma_wait3A_38, %dma_wait3A_39] : memref<64000x128xi32, #tpu.memory_space<hbm>> -> memref<80x128xi32, #tpu.memory_space<hbm>>
    %dma_wait3A_41 = arith.constant 0 : i32
    %dma_wait3A_42 = arith.constant 0 : i32
    %dma_wait3A_43 = tpu.memref_slice %arg4[%dma_wait3A_41, %dma_wait3A_42] : memref<64000x128xi32, #tpu.memory_space<hbm>> -> memref<80x128xi32, #tpu.memory_space<hbm>>
    tpu.wait_dma2 semaphore(%arg15 : memref<!tpu.dma_semaphore, #tpu.memory_space<semaphore_mem>>) src(%arg7 : memref<80x128xi32, #tpu.memory_space<vmem>>) dst(%dma_wait3A_43 : memref<80x128xi32, #tpu.memory_space<hbm>>)
    %dma_wait3A_44 = arith.constant 0 : i32
    %dma_wait3A_45 = arith.constant 0 : i32
    %dma_wait3A_46 = tpu.memref_slice %arg4[%dma_wait3A_44, %dma_wait3A_45] : memref<64000x128xi32, #tpu.memory_space<hbm>> -> memref<80x128xi32, #tpu.memory_space<hbm>>
    %dma_wait3A_47 = arith.constant 0 : i32
    %dma_wait3A_48 = arith.constant 0 : i32
    %dma_wait3A_49 = tpu.memref_slice %arg4[%dma_wait3A_47, %dma_wait3A_48] : memref<64000x128xi32, #tpu.memory_space<hbm>> -> memref<80x128xi32, #tpu.memory_space<hbm>>
    tpu.wait_dma2 semaphore(%arg16 : memref<!tpu.dma_semaphore, #tpu.memory_space<semaphore_mem>>) src(%arg8 : memref<80x128xi32, #tpu.memory_space<vmem>>) dst(%dma_wait3A_49 : memref<80x128xi32, #tpu.memory_space<hbm>>)
    %dma_wait3A_50 = arith.constant 0 : i32
    %dma_wait3A_51 = arith.constant 0 : i32
    %dma_wait3A_52 = tpu.memref_slice %arg4[%dma_wait3A_50, %dma_wait3A_51] : memref<64000x128xi32, #tpu.memory_space<hbm>> -> memref<80x128xi32, #tpu.memory_space<hbm>>
    %dma_wait3A_53 = arith.constant 0 : i32
    %dma_wait3A_54 = arith.constant 0 : i32
    %dma_wait3A_55 = tpu.memref_slice %arg4[%dma_wait3A_53, %dma_wait3A_54] : memref<64000x128xi32, #tpu.memory_space<hbm>> -> memref<80x128xi32, #tpu.memory_space<hbm>>
    tpu.wait_dma2 semaphore(%arg17 : memref<!tpu.dma_semaphore, #tpu.memory_space<semaphore_mem>>) src(%arg9 : memref<80x128xi32, #tpu.memory_space<vmem>>) dst(%dma_wait3A_55 : memref<80x128xi32, #tpu.memory_space<hbm>>)
    %dma_wait3A_56 = arith.constant 0 : i32
    %dma_wait3A_57 = arith.constant 0 : i32
    %dma_wait3A_58 = tpu.memref_slice %arg4[%dma_wait3A_56, %dma_wait3A_57] : memref<64000x128xi32, #tpu.memory_space<hbm>> -> memref<80x128xi32, #tpu.memory_space<hbm>>
    %dma_wait3A_59 = arith.constant 0 : i32
    %dma_wait3A_60 = arith.constant 0 : i32
    %dma_wait3A_61 = tpu.memref_slice %arg4[%dma_wait3A_59, %dma_wait3A_60] : memref<64000x128xi32, #tpu.memory_space<hbm>> -> memref<80x128xi32, #tpu.memory_space<hbm>>
    tpu.wait_dma2 semaphore(%arg14 : memref<!tpu.dma_semaphore, #tpu.memory_space<semaphore_mem>>) src(%arg6 : memref<80x128xi32, #tpu.memory_space<vmem>>) dst(%dma_wait3A_61 : memref<80x128xi32, #tpu.memory_space<hbm>>)
    return
  }
}

module attributes {stable_mosaic.version = 14 : i64} {
  func.func @_table_body(%arg0: i32, %arg1: memref<1000x128xf32, #tpu.memory_space<vmem>>, %arg2: memref<1000x16xf32, #tpu.memory_space<vmem>>, %arg3: memref<128x128xf32, #tpu.memory_space<vmem>>, %arg4: memref<16x64xf32, #tpu.memory_space<vmem>>, %arg5: memref<64x64xf32, #tpu.memory_space<vmem>>, %arg6: memref<1000x256xf32, #tpu.memory_space<vmem>>, %arg7: memref<1000x128xi32, #tpu.memory_space<vmem>>) attributes {dimension_semantics = [#tpu.dimension_semantics<arbitrary>], iteration_bounds = array<i64: 10>, scalar_prefetch = 0 : i64, scratch_operands = 0 : i64, tpu.core_type = #tpu.core_type<tc>, window_params = [{transform_indices = @transform_0, window_bounds = array<i64: 1000, 128>}, {transform_indices = @transform_1, window_bounds = array<i64: 1000, 16>}, {pipeline_mode = #tpu.pipeline_mode<synchronous>, transform_indices = @transform_2, window_bounds = array<i64: 128, 128>}, {pipeline_mode = #tpu.pipeline_mode<synchronous>, transform_indices = @transform_3, window_bounds = array<i64: 16, 64>}, {pipeline_mode = #tpu.pipeline_mode<synchronous>, transform_indices = @transform_4, window_bounds = array<i64: 64, 64>}, {transform_indices = @transform_5, window_bounds = array<i64: 1000, 256>}, {transform_indices = @transform_6, window_bounds = array<i64: 1000, 128>}]} {
    %get3A = arith.constant 0 : index
    %get3A_0 = arith.constant 0 : index
    %get3A_1 = vector.load %arg1[%get3A, %get3A_0] : memref<1000x128xf32, #tpu.memory_space<vmem>>, vector<1000x128xf32>
    %get3A_2 = arith.constant 0 : index
    %get3A_3 = arith.constant 0 : index
    %get3A_4 = vector.load %arg3[%get3A_2, %get3A_3] : memref<128x128xf32, #tpu.memory_space<vmem>>, vector<128x128xf32>
    %dot_general3A = arith.constant dense<0.000000e+00> : vector<1000x128xf32>
    %dot_general3A_5 = tpu.matmul %get3A_1, %get3A_4, %dot_general3A {dimension_numbers = #tpu.dot_dimension_numbers<[1], [1], [0], [0], [0, 0, 1, 0], [], []>, transpose_lhs_hint = false} : vector<1000x128xf32>, vector<128x128xf32>, vector<1000x128xf32> -> vector<1000x128xf32>
    %get3A_6 = arith.constant 0 : index
    %get3A_7 = arith.constant 0 : index
    %get3A_8 = vector.load %arg2[%get3A_6, %get3A_7] : memref<1000x16xf32, #tpu.memory_space<vmem>>, vector<1000x16xf32>
    %get3A_9 = arith.constant 0 : index
    %get3A_10 = arith.constant 0 : index
    %get3A_11 = vector.load %arg4[%get3A_9, %get3A_10] : memref<16x64xf32, #tpu.memory_space<vmem>>, vector<16x64xf32>
    %dot_general3A_12 = arith.constant dense<0.000000e+00> : vector<1000x64xf32>
    %dot_general3A_13 = tpu.matmul %get3A_8, %get3A_11, %dot_general3A_12 {dimension_numbers = #tpu.dot_dimension_numbers<[1], [0], [0], [1], [0, 0, 1, 1], [], []>, transpose_lhs_hint = false} : vector<1000x16xf32>, vector<16x64xf32>, vector<1000x64xf32> -> vector<1000x64xf32>
    %get3A_14 = arith.constant 0 : index
    %get3A_15 = arith.constant 0 : index
    %get3A_16 = vector.load %arg5[%get3A_14, %get3A_15] : memref<64x64xf32, #tpu.memory_space<vmem>>, vector<64x64xf32>
    %dot_general3A_17 = arith.constant dense<0.000000e+00> : vector<1000x64xf32>
    %dot_general3A_18 = tpu.matmul %dot_general3A_13, %get3A_16, %dot_general3A_17 {dimension_numbers = #tpu.dot_dimension_numbers<[1], [1], [0], [0], [0, 0, 1, 0], [], []>, transpose_lhs_hint = false} : vector<1000x64xf32>, vector<64x64xf32>, vector<1000x64xf32> -> vector<1000x64xf32>
    %concatenate3A = tpu.concatenate %dot_general3A_5, %dot_general3A_13, %dot_general3A_18 in 1 : vector<1000x128xf32>, vector<1000x64xf32>, vector<1000x64xf32> -> vector<1000x256xf32>
    %swap3A = arith.constant 0 : index
    %swap3A_19 = arith.constant 0 : index
    %swap3A_20 = vector.load %arg6[%swap3A, %swap3A_19] : memref<1000x256xf32, #tpu.memory_space<vmem>>, vector<1000x256xf32>
    tpu.vector_store %arg6[%swap3A, %swap3A_19], %concatenate3A {strides = array<i32>} : memref<1000x256xf32, #tpu.memory_space<vmem>>, vector<1000x256xf32>,
    %convert_element_type3A = arith.truncf %dot_general3A_5 : vector<1000x128xf32> to vector<1000x128xbf16>
    %bitcast_convert_type3A = tpu.bitcast %convert_element_type3A : vector<1000x128xbf16> -> vector<1000x128xi16>
    %concatenate3A_21 = tpu.concatenate %dot_general3A_13, %dot_general3A_18 in 1 : vector<1000x64xf32>, vector<1000x64xf32> -> vector<1000x128xf32>
    %convert_element_type3A_22 = arith.truncf %concatenate3A_21 : vector<1000x128xf32> to vector<1000x128xbf16>
    %bitcast_convert_type3A_23 = tpu.bitcast %convert_element_type3A_22 : vector<1000x128xbf16> -> vector<1000x128xi16>
    %convert_element_type3A_24 = arith.extui %bitcast_convert_type3A_23 : vector<1000x128xi16> to vector<1000x128xi32>
    %shift_left3A = arith.constant 16 : i32
    %shift_left3A_25 = vector.broadcast %shift_left3A : i32 to vector<1000x128xi32>
    %shift_left3A_26 = arith.shli %convert_element_type3A_24, %shift_left3A_25 : vector<1000x128xi32>
    %convert_element_type3A_27 = arith.extui %bitcast_convert_type3A : vector<1000x128xi16> to vector<1000x128xi32>
    %or3A = arith.ori %shift_left3A_26, %convert_element_type3A_27 : vector<1000x128xi32>
    %swap3A_28 = arith.constant 0 : index
    %swap3A_29 = arith.constant 0 : index
    %swap3A_30 = vector.load %arg7[%swap3A_28, %swap3A_29] : memref<1000x128xi32, #tpu.memory_space<vmem>>, vector<1000x128xi32>
    tpu.vector_store %arg7[%swap3A_28, %swap3A_29], %or3A {strides = array<i32>} : memref<1000x128xi32, #tpu.memory_space<vmem>>, vector<1000x128xi32>,
    return
  }
  func.func @transform_0(%arg0: i32) -> (i32, i32) {
    %c0_i32 = arith.constant 0 : i32
    %c0_i32_0 = arith.constant 0 : i32
    return %arg0, %c0_i32 : i32, i32
  }
  func.func @transform_1(%arg0: i32) -> (i32, i32) {
    %c0_i32 = arith.constant 0 : i32
    %c0_i32_0 = arith.constant 0 : i32
    return %arg0, %c0_i32 : i32, i32
  }
  func.func @transform_2(%arg0: i32) -> (i32, i32) {
    %c0_i32 = arith.constant 0 : i32
    %c0_i32_0 = arith.constant 0 : i32
    %c0_i32_1 = arith.constant 0 : i32
    return %c0_i32, %c0_i32_0 : i32, i32
  }
  func.func @transform_3(%arg0: i32) -> (i32, i32) {
    %c0_i32 = arith.constant 0 : i32
    %c0_i32_0 = arith.constant 0 : i32
    %c0_i32_1 = arith.constant 0 : i32
    return %c0_i32, %c0_i32_0 : i32, i32
  }
  func.func @transform_4(%arg0: i32) -> (i32, i32) {
    %c0_i32 = arith.constant 0 : i32
    %c0_i32_0 = arith.constant 0 : i32
    %c0_i32_1 = arith.constant 0 : i32
    return %c0_i32, %c0_i32_0 : i32, i32
  }
  func.func @transform_5(%arg0: i32) -> (i32, i32) {
    %c0_i32 = arith.constant 0 : i32
    %c0_i32_0 = arith.constant 0 : i32
    return %arg0, %c0_i32 : i32, i32
  }
  func.func @transform_6(%arg0: i32) -> (i32, i32) {
    %c0_i32 = arith.constant 0 : i32
    %c0_i32_0 = arith.constant 0 : i32
    return %arg0, %c0_i32 : i32, i32
  }
}

module attributes {stable_mosaic.version = 14 : i64} {
  func.func @_fused_body(%arg0: i32, %arg1: memref<32x200x128xi32, #tpu.memory_space<vmem>>, %arg2: memref<200x256xf32, #tpu.memory_space<vmem>>, %arg3: memref<1x64xf32, #tpu.memory_space<vmem>>, %arg4: memref<64x64xf32, #tpu.memory_space<vmem>>, %arg5: memref<1x64xf32, #tpu.memory_space<vmem>>, %arg6: memref<128x128xf32, #tpu.memory_space<vmem>>, %arg7: memref<1x128xf32, #tpu.memory_space<vmem>>, %arg8: memref<128x128xf32, #tpu.memory_space<vmem>>, %arg9: memref<128x128xf32, #tpu.memory_space<vmem>>, %arg10: memref<200x128xf32, #tpu.memory_space<vmem>>) attributes {dimension_semantics = [#tpu.dimension_semantics<arbitrary>], iteration_bounds = array<i64: 10>, scalar_prefetch = 0 : i64, scratch_operands = 0 : i64, tpu.core_type = #tpu.core_type<tc>, window_params = [{transform_indices = @transform_0, window_bounds = array<i64: 32, 200, 128>}, {transform_indices = @transform_1, window_bounds = array<i64: 200, 256>}, {pipeline_mode = #tpu.pipeline_mode<synchronous>, transform_indices = @transform_2, window_bounds = array<i64: 1, 64>}, {pipeline_mode = #tpu.pipeline_mode<synchronous>, transform_indices = @transform_3, window_bounds = array<i64: 64, 64>}, {pipeline_mode = #tpu.pipeline_mode<synchronous>, transform_indices = @transform_4, window_bounds = array<i64: 1, 64>}, {pipeline_mode = #tpu.pipeline_mode<synchronous>, transform_indices = @transform_5, window_bounds = array<i64: 128, 128>}, {pipeline_mode = #tpu.pipeline_mode<synchronous>, transform_indices = @transform_6, window_bounds = array<i64: 1, 128>}, {pipeline_mode = #tpu.pipeline_mode<synchronous>, transform_indices = @transform_7, window_bounds = array<i64: 128, 128>}, {pipeline_mode = #tpu.pipeline_mode<synchronous>, transform_indices = @transform_8, window_bounds = array<i64: 128, 128>}, {transform_indices = @transform_9, window_bounds = array<i64: 200, 128>}]} {
    %get3A = arith.constant 0 : index
    %get3A_0 = arith.constant 0 : index
    %get3A_1 = arith.constant 0 : index
    %get3A_2 = vector.load %arg1[%get3A, %get3A_0, %get3A_1] : memref<32x200x128xi32, #tpu.memory_space<vmem>>, vector<32x200x128xi32>
    %get3A_3 = arith.constant 0 : index
    %get3A_4 = arith.constant 0 : index
    %get3A_5 = vector.load %arg2[%get3A_3, %get3A_4] : memref<200x256xf32, #tpu.memory_space<vmem>>, vector<200x256xf32>
    %shift_left3A = arith.constant 16 : i32
    %shift_left3A_6 = vector.broadcast %shift_left3A : i32 to vector<32x200x128xi32>
    %shift_left3A_7 = arith.shli %get3A_2, %shift_left3A_6 : vector<32x200x128xi32>
    %bitcast_convert_type3A = tpu.bitcast %shift_left3A_7 : vector<32x200x128xi32> -> vector<32x200x128xf32>
    %bitcast_convert_type3A_8 = tpu.bitcast %get3A_2 : vector<32x200x128xi32> -> vector<32x200x128xf32>
    %reduce_max3A = arith.constant dense<0xFF800000> : vector<200x128xf32>
    %reduce_max3A_9 = vector.multi_reduction <maximumf>, %bitcast_convert_type3A_8, %reduce_max3A [0] : vector<32x200x128xf32> to vector<200x128xf32>
    %slice3A = vector.extract_strided_slice %get3A_5 {offsets = [0, 128], sizes = [200, 64], strides = [1, 1]} : vector<200x256xf32> to vector<200x64xf32>
    %get3A_10 = arith.constant 0 : index
    %get3A_11 = arith.constant 0 : index
    %get3A_12 = vector.load %arg3[%get3A_10, %get3A_11] : memref<1x64xf32, #tpu.memory_space<vmem>>, vector<1x64xf32>
    %get3A_13 = arith.constant 0 : index
    %get3A_14 = arith.constant 0 : index
    %get3A_15 = vector.load %arg6[%get3A_13, %get3A_14] : memref<128x128xf32, #tpu.memory_space<vmem>>, vector<128x128xf32>
    %slice3A_16 = vector.extract_strided_slice %reduce_max3A_9 {offsets = [0, 0], sizes = [200, 64], strides = [1, 1]} : vector<200x128xf32> to vector<200x64xf32>
    %sub3A = arith.subf %slice3A_16, %slice3A : vector<200x64xf32>
    %add3A = vector.broadcast %get3A_12 : vector<1x64xf32> to vector<200x64xf32>
    %add3A_17 = arith.addf %sub3A, %add3A : vector<200x64xf32>
    %sub3A_18 = vector.broadcast %get3A_12 : vector<1x64xf32> to vector<200x64xf32>
    %sub3A_19 = arith.subf %sub3A_18, %slice3A : vector<200x64xf32>
    %get3A_20 = arith.constant 0 : index
    %get3A_21 = arith.constant 0 : index
    %get3A_22 = vector.load %arg4[%get3A_20, %get3A_21] : memref<64x64xf32, #tpu.memory_space<vmem>>, vector<64x64xf32>
    %dot_general3A = arith.constant dense<0.000000e+00> : vector<200x64xf32>
    %dot_general3A_23 = tpu.matmul %sub3A_19, %get3A_22, %dot_general3A {dimension_numbers = #tpu.dot_dimension_numbers<[1], [1], [0], [0], [0, 0, 1, 0], [], []>, transpose_lhs_hint = false} : vector<200x64xf32>, vector<64x64xf32>, vector<200x64xf32> -> vector<200x64xf32>
    %get3A_24 = arith.constant 0 : index
    %get3A_25 = arith.constant 0 : index
    %get3A_26 = vector.load %arg5[%get3A_24, %get3A_25] : memref<1x64xf32, #tpu.memory_space<vmem>>, vector<1x64xf32>
    %add3A_27 = vector.broadcast %get3A_26 : vector<1x64xf32> to vector<200x64xf32>
    %add3A_28 = arith.addf %dot_general3A_23, %add3A_27 : vector<200x64xf32>
    %slice3A_29 = vector.extract_strided_slice %get3A_15 {offsets = [0, 64], sizes = [128, 64], strides = [1, 1]} : vector<128x128xf32> to vector<128x64xf32>
    %dot_general3A_30 = arith.constant dense<0.000000e+00> : vector<200x128xf32>
    %dot_general3A_31 = tpu.matmul %add3A_17, %slice3A_29, %dot_general3A_30 {dimension_numbers = #tpu.dot_dimension_numbers<[1], [1], [0], [0], [0, 0, 1, 0], [], []>, transpose_lhs_hint = false} : vector<200x64xf32>, vector<128x64xf32>, vector<200x128xf32> -> vector<200x128xf32>
    %slice3A_32 = vector.extract_strided_slice %get3A_15 {offsets = [0, 0], sizes = [128, 64], strides = [1, 1]} : vector<128x128xf32> to vector<128x64xf32>
    %dot_general3A_33 = arith.constant dense<0.000000e+00> : vector<200x128xf32>
    %dot_general3A_34 = tpu.matmul %add3A_28, %slice3A_32, %dot_general3A_33 {dimension_numbers = #tpu.dot_dimension_numbers<[1], [1], [0], [0], [0, 0, 1, 0], [], []>, transpose_lhs_hint = false} : vector<200x64xf32>, vector<128x64xf32>, vector<200x128xf32> -> vector<200x128xf32>
    %add3A_35 = arith.addf %dot_general3A_31, %dot_general3A_34 : vector<200x128xf32>
    %get3A_36 = arith.constant 0 : index
    %get3A_37 = arith.constant 0 : index
    %get3A_38 = vector.load %arg7[%get3A_36, %get3A_37] : memref<1x128xf32, #tpu.memory_space<vmem>>, vector<1x128xf32>
    %add3A_39 = vector.broadcast %get3A_38 : vector<1x128xf32> to vector<200x128xf32>
    %add3A_40 = arith.addf %add3A_35, %add3A_39 : vector<200x128xf32>
    %reshape3A = vector.shape_cast %bitcast_convert_type3A_8 : vector<32x200x128xf32> to vector<6400x128xf32>
    %get3A_41 = arith.constant 0 : index
    %get3A_42 = arith.constant 0 : index
    %get3A_43 = vector.load %arg8[%get3A_41, %get3A_42] : memref<128x128xf32, #tpu.memory_space<vmem>>, vector<128x128xf32>
    %dot_general3A_44 = arith.constant dense<0.000000e+00> : vector<6400x128xf32>
    %dot_general3A_45 = tpu.matmul %reshape3A, %get3A_43, %dot_general3A_44 {dimension_numbers = #tpu.dot_dimension_numbers<[1], [0], [0], [1], [0, 0, 1, 1], [], []>, transpose_lhs_hint = false} : vector<6400x128xf32>, vector<128x128xf32>, vector<6400x128xf32> -> vector<6400x128xf32>
    %reshape3A_46 = vector.shape_cast %dot_general3A_45 : vector<6400x128xf32> to vector<32x200x128xf32>
    %broadcast_in_dim3A = vector.shape_cast %add3A_40 : vector<200x128xf32> to vector<1x200x128xf32>
    %add3A_47 = vector.broadcast %broadcast_in_dim3A : vector<1x200x128xf32> to vector<32x200x128xf32>
    %add3A_48 = arith.addf %reshape3A_46, %add3A_47 : vector<32x200x128xf32>
    %mul3A = arith.constant 5.000000e-01 : f32
    %mul3A_49 = vector.broadcast %mul3A : f32 to vector<32x200x128xf32>
    %mul3A_50 = arith.mulf %mul3A_49, %add3A_48 : vector<32x200x128xf32>
    %mul3A_51 = arith.constant 0.797884583 : f32
    %mul3A_52 = vector.broadcast %mul3A_51 : f32 to vector<32x200x128xf32>
    %mul3A_53 = arith.mulf %mul3A_52, %add3A_48 : vector<32x200x128xf32>
    %tanh3A = math.tanh %mul3A_53 : vector<32x200x128xf32>
    %mul3A_54 = arith.mulf %mul3A_50, %tanh3A : vector<32x200x128xf32>
    %add3A_55 = arith.addf %mul3A_50, %mul3A_54 : vector<32x200x128xf32>
    %reshape3A_56 = vector.shape_cast %add3A_55 : vector<32x200x128xf32> to vector<6400x128xf32>
    %get3A_57 = arith.constant 0 : index
    %get3A_58 = arith.constant 0 : index
    %get3A_59 = vector.load %arg9[%get3A_57, %get3A_58] : memref<128x128xf32, #tpu.memory_space<vmem>>, vector<128x128xf32>
    %dot_general3A_60 = arith.constant dense<0.000000e+00> : vector<6400x128xf32>
    %dot_general3A_61 = tpu.matmul %reshape3A_56, %get3A_59, %dot_general3A_60 {dimension_numbers = #tpu.dot_dimension_numbers<[1], [1], [0], [0], [0, 0, 1, 0], [], []>, transpose_lhs_hint = false} : vector<6400x128xf32>, vector<128x128xf32>, vector<6400x128xf32> -> vector<6400x128xf32>
    %reshape3A_62 = vector.shape_cast %dot_general3A_61 : vector<6400x128xf32> to vector<32x200x128xf32>
    %add3A_63 = arith.addf %bitcast_convert_type3A, %reshape3A_62 : vector<32x200x128xf32>
    %reduce_max3A_64 = arith.constant dense<0xFF800000> : vector<200x128xf32>
    %reduce_max3A_65 = vector.multi_reduction <maximumf>, %add3A_63, %reduce_max3A_64 [0] : vector<32x200x128xf32> to vector<200x128xf32>
    %slice3A_66 = vector.extract_strided_slice %get3A_5 {offsets = [0, 0], sizes = [200, 128], strides = [1, 1]} : vector<200x256xf32> to vector<200x128xf32>
    %sub3A_67 = arith.subf %reduce_max3A_65, %slice3A_66 : vector<200x128xf32>
    %swap3A = arith.constant 0 : index
    %swap3A_68 = arith.constant 0 : index
    %swap3A_69 = vector.load %arg10[%swap3A, %swap3A_68] : memref<200x128xf32, #tpu.memory_space<vmem>>, vector<200x128xf32>
    tpu.vector_store %arg10[%swap3A, %swap3A_68], %sub3A_67 {strides = array<i32>} : memref<200x128xf32, #tpu.memory_space<vmem>>, vector<200x128xf32>,
    return
  }
  func.func @transform_0(%arg0: i32) -> (i32, i32, i32) {
    %c0_i32 = arith.constant 0 : i32
    %c0_i32_0 = arith.constant 0 : i32
    %c0_i32_1 = arith.constant 0 : i32
    return %c0_i32, %arg0, %c0_i32_0 : i32, i32, i32
  }
  func.func @transform_1(%arg0: i32) -> (i32, i32) {
    %add3A = arith.constant 40 : i32
    %add3A_0 = arith.addi %arg0, %add3A : i32
    %c0_i32 = arith.constant 0 : i32
    %c0_i32_1 = arith.constant 0 : i32
    return %add3A_0, %c0_i32 : i32, i32
  }
  func.func @transform_2(%arg0: i32) -> (i32, i32) {
    %c0_i32 = arith.constant 0 : i32
    %c0_i32_0 = arith.constant 0 : i32
    %c0_i32_1 = arith.constant 0 : i32
    return %c0_i32, %c0_i32_0 : i32, i32
  }
  func.func @transform_3(%arg0: i32) -> (i32, i32) {
    %c0_i32 = arith.constant 0 : i32
    %c0_i32_0 = arith.constant 0 : i32
    %c0_i32_1 = arith.constant 0 : i32
    return %c0_i32, %c0_i32_0 : i32, i32
  }
  func.func @transform_4(%arg0: i32) -> (i32, i32) {
    %c0_i32 = arith.constant 0 : i32
    %c0_i32_0 = arith.constant 0 : i32
    %c0_i32_1 = arith.constant 0 : i32
    return %c0_i32, %c0_i32_0 : i32, i32
  }
  func.func @transform_5(%arg0: i32) -> (i32, i32) {
    %c0_i32 = arith.constant 0 : i32
    %c0_i32_0 = arith.constant 0 : i32
    %c0_i32_1 = arith.constant 0 : i32
    return %c0_i32, %c0_i32_0 : i32, i32
  }
  func.func @transform_6(%arg0: i32) -> (i32, i32) {
    %c0_i32 = arith.constant 0 : i32
    %c0_i32_0 = arith.constant 0 : i32
    %c0_i32_1 = arith.constant 0 : i32
    return %c0_i32, %c0_i32_0 : i32, i32
  }
  func.func @transform_7(%arg0: i32) -> (i32, i32) {
    %c0_i32 = arith.constant 0 : i32
    %c0_i32_0 = arith.constant 0 : i32
    %c0_i32_1 = arith.constant 0 : i32
    return %c0_i32, %c0_i32_0 : i32, i32
  }
  func.func @transform_8(%arg0: i32) -> (i32, i32) {
    %c0_i32 = arith.constant 0 : i32
    %c0_i32_0 = arith.constant 0 : i32
    %c0_i32_1 = arith.constant 0 : i32
    return %c0_i32, %c0_i32_0 : i32, i32
  }
  func.func @transform_9(%arg0: i32) -> (i32, i32) {
    %c0_i32 = arith.constant 0 : i32
    %c0_i32_0 = arith.constant 0 : i32
    return %arg0, %c0_i32 : i32, i32
  }
}

module attributes {stable_mosaic.version = 14 : i64} {
  func.func @_fused_body(%arg0: i32, %arg1: memref<32x200x128xi32, #tpu.memory_space<vmem>>, %arg2: memref<200x256xf32, #tpu.memory_space<vmem>>, %arg3: memref<1x64xf32, #tpu.memory_space<vmem>>, %arg4: memref<64x64xf32, #tpu.memory_space<vmem>>, %arg5: memref<1x64xf32, #tpu.memory_space<vmem>>, %arg6: memref<128x128xf32, #tpu.memory_space<vmem>>, %arg7: memref<1x128xf32, #tpu.memory_space<vmem>>, %arg8: memref<128x128xf32, #tpu.memory_space<vmem>>, %arg9: memref<128x128xf32, #tpu.memory_space<vmem>>, %arg10: memref<200x128xf32, #tpu.memory_space<vmem>>) attributes {dimension_semantics = [#tpu.dimension_semantics<arbitrary>], iteration_bounds = array<i64: 10>, scalar_prefetch = 0 : i64, scratch_operands = 0 : i64, tpu.core_type = #tpu.core_type<tc>, window_params = [{transform_indices = @transform_0, window_bounds = array<i64: 32, 200, 128>}, {transform_indices = @transform_1, window_bounds = array<i64: 200, 256>}, {pipeline_mode = #tpu.pipeline_mode<synchronous>, transform_indices = @transform_2, window_bounds = array<i64: 1, 64>}, {pipeline_mode = #tpu.pipeline_mode<synchronous>, transform_indices = @transform_3, window_bounds = array<i64: 64, 64>}, {pipeline_mode = #tpu.pipeline_mode<synchronous>, transform_indices = @transform_4, window_bounds = array<i64: 1, 64>}, {pipeline_mode = #tpu.pipeline_mode<synchronous>, transform_indices = @transform_5, window_bounds = array<i64: 128, 128>}, {pipeline_mode = #tpu.pipeline_mode<synchronous>, transform_indices = @transform_6, window_bounds = array<i64: 1, 128>}, {pipeline_mode = #tpu.pipeline_mode<synchronous>, transform_indices = @transform_7, window_bounds = array<i64: 128, 128>}, {pipeline_mode = #tpu.pipeline_mode<synchronous>, transform_indices = @transform_8, window_bounds = array<i64: 128, 128>}, {transform_indices = @transform_9, window_bounds = array<i64: 200, 128>}]} {
    %get3A = arith.constant 0 : index
    %get3A_0 = arith.constant 0 : index
    %get3A_1 = arith.constant 0 : index
    %get3A_2 = vector.load %arg1[%get3A, %get3A_0, %get3A_1] : memref<32x200x128xi32, #tpu.memory_space<vmem>>, vector<32x200x128xi32>
    %get3A_3 = arith.constant 0 : index
    %get3A_4 = arith.constant 0 : index
    %get3A_5 = vector.load %arg2[%get3A_3, %get3A_4] : memref<200x256xf32, #tpu.memory_space<vmem>>, vector<200x256xf32>
    %shift_left3A = arith.constant 16 : i32
    %shift_left3A_6 = vector.broadcast %shift_left3A : i32 to vector<32x200x128xi32>
    %shift_left3A_7 = arith.shli %get3A_2, %shift_left3A_6 : vector<32x200x128xi32>
    %bitcast_convert_type3A = tpu.bitcast %shift_left3A_7 : vector<32x200x128xi32> -> vector<32x200x128xf32>
    %bitcast_convert_type3A_8 = tpu.bitcast %get3A_2 : vector<32x200x128xi32> -> vector<32x200x128xf32>
    %reduce_max3A = arith.constant dense<0xFF800000> : vector<200x128xf32>
    %reduce_max3A_9 = vector.multi_reduction <maximumf>, %bitcast_convert_type3A_8, %reduce_max3A [0] : vector<32x200x128xf32> to vector<200x128xf32>
    %slice3A = vector.extract_strided_slice %get3A_5 {offsets = [0, 128], sizes = [200, 64], strides = [1, 1]} : vector<200x256xf32> to vector<200x64xf32>
    %get3A_10 = arith.constant 0 : index
    %get3A_11 = arith.constant 0 : index
    %get3A_12 = vector.load %arg3[%get3A_10, %get3A_11] : memref<1x64xf32, #tpu.memory_space<vmem>>, vector<1x64xf32>
    %get3A_13 = arith.constant 0 : index
    %get3A_14 = arith.constant 0 : index
    %get3A_15 = vector.load %arg6[%get3A_13, %get3A_14] : memref<128x128xf32, #tpu.memory_space<vmem>>, vector<128x128xf32>
    %slice3A_16 = vector.extract_strided_slice %reduce_max3A_9 {offsets = [0, 0], sizes = [200, 64], strides = [1, 1]} : vector<200x128xf32> to vector<200x64xf32>
    %sub3A = arith.subf %slice3A_16, %slice3A : vector<200x64xf32>
    %add3A = vector.broadcast %get3A_12 : vector<1x64xf32> to vector<200x64xf32>
    %add3A_17 = arith.addf %sub3A, %add3A : vector<200x64xf32>
    %sub3A_18 = vector.broadcast %get3A_12 : vector<1x64xf32> to vector<200x64xf32>
    %sub3A_19 = arith.subf %sub3A_18, %slice3A : vector<200x64xf32>
    %get3A_20 = arith.constant 0 : index
    %get3A_21 = arith.constant 0 : index
    %get3A_22 = vector.load %arg4[%get3A_20, %get3A_21] : memref<64x64xf32, #tpu.memory_space<vmem>>, vector<64x64xf32>
    %dot_general3A = arith.constant dense<0.000000e+00> : vector<200x64xf32>
    %dot_general3A_23 = tpu.matmul %sub3A_19, %get3A_22, %dot_general3A {dimension_numbers = #tpu.dot_dimension_numbers<[1], [1], [0], [0], [0, 0, 1, 0], [], []>, transpose_lhs_hint = false} : vector<200x64xf32>, vector<64x64xf32>, vector<200x64xf32> -> vector<200x64xf32>
    %get3A_24 = arith.constant 0 : index
    %get3A_25 = arith.constant 0 : index
    %get3A_26 = vector.load %arg5[%get3A_24, %get3A_25] : memref<1x64xf32, #tpu.memory_space<vmem>>, vector<1x64xf32>
    %add3A_27 = vector.broadcast %get3A_26 : vector<1x64xf32> to vector<200x64xf32>
    %add3A_28 = arith.addf %dot_general3A_23, %add3A_27 : vector<200x64xf32>
    %slice3A_29 = vector.extract_strided_slice %get3A_15 {offsets = [0, 64], sizes = [128, 64], strides = [1, 1]} : vector<128x128xf32> to vector<128x64xf32>
    %dot_general3A_30 = arith.constant dense<0.000000e+00> : vector<200x128xf32>
    %dot_general3A_31 = tpu.matmul %add3A_17, %slice3A_29, %dot_general3A_30 {dimension_numbers = #tpu.dot_dimension_numbers<[1], [1], [0], [0], [0, 0, 1, 0], [], []>, transpose_lhs_hint = false} : vector<200x64xf32>, vector<128x64xf32>, vector<200x128xf32> -> vector<200x128xf32>
    %slice3A_32 = vector.extract_strided_slice %get3A_15 {offsets = [0, 0], sizes = [128, 64], strides = [1, 1]} : vector<128x128xf32> to vector<128x64xf32>
    %dot_general3A_33 = arith.constant dense<0.000000e+00> : vector<200x128xf32>
    %dot_general3A_34 = tpu.matmul %add3A_28, %slice3A_32, %dot_general3A_33 {dimension_numbers = #tpu.dot_dimension_numbers<[1], [1], [0], [0], [0, 0, 1, 0], [], []>, transpose_lhs_hint = false} : vector<200x64xf32>, vector<128x64xf32>, vector<200x128xf32> -> vector<200x128xf32>
    %add3A_35 = arith.addf %dot_general3A_31, %dot_general3A_34 : vector<200x128xf32>
    %get3A_36 = arith.constant 0 : index
    %get3A_37 = arith.constant 0 : index
    %get3A_38 = vector.load %arg7[%get3A_36, %get3A_37] : memref<1x128xf32, #tpu.memory_space<vmem>>, vector<1x128xf32>
    %add3A_39 = vector.broadcast %get3A_38 : vector<1x128xf32> to vector<200x128xf32>
    %add3A_40 = arith.addf %add3A_35, %add3A_39 : vector<200x128xf32>
    %reshape3A = vector.shape_cast %bitcast_convert_type3A_8 : vector<32x200x128xf32> to vector<6400x128xf32>
    %get3A_41 = arith.constant 0 : index
    %get3A_42 = arith.constant 0 : index
    %get3A_43 = vector.load %arg8[%get3A_41, %get3A_42] : memref<128x128xf32, #tpu.memory_space<vmem>>, vector<128x128xf32>
    %dot_general3A_44 = arith.constant dense<0.000000e+00> : vector<6400x128xf32>
    %dot_general3A_45 = tpu.matmul %reshape3A, %get3A_43, %dot_general3A_44 {dimension_numbers = #tpu.dot_dimension_numbers<[1], [0], [0], [1], [0, 0, 1, 1], [], []>, transpose_lhs_hint = false} : vector<6400x128xf32>, vector<128x128xf32>, vector<6400x128xf32> -> vector<6400x128xf32>
    %reshape3A_46 = vector.shape_cast %dot_general3A_45 : vector<6400x128xf32> to vector<32x200x128xf32>
    %broadcast_in_dim3A = vector.shape_cast %add3A_40 : vector<200x128xf32> to vector<1x200x128xf32>
    %add3A_47 = vector.broadcast %broadcast_in_dim3A : vector<1x200x128xf32> to vector<32x200x128xf32>
    %add3A_48 = arith.addf %reshape3A_46, %add3A_47 : vector<32x200x128xf32>
    %mul3A = arith.constant 5.000000e-01 : f32
    %mul3A_49 = vector.broadcast %mul3A : f32 to vector<32x200x128xf32>
    %mul3A_50 = arith.mulf %mul3A_49, %add3A_48 : vector<32x200x128xf32>
    %mul3A_51 = arith.constant 0.797884583 : f32
    %mul3A_52 = vector.broadcast %mul3A_51 : f32 to vector<32x200x128xf32>
    %mul3A_53 = arith.mulf %mul3A_52, %add3A_48 : vector<32x200x128xf32>
    %tanh3A = math.tanh %mul3A_53 : vector<32x200x128xf32>
    %mul3A_54 = arith.mulf %mul3A_50, %tanh3A : vector<32x200x128xf32>
    %add3A_55 = arith.addf %mul3A_50, %mul3A_54 : vector<32x200x128xf32>
    %reshape3A_56 = vector.shape_cast %add3A_55 : vector<32x200x128xf32> to vector<6400x128xf32>
    %get3A_57 = arith.constant 0 : index
    %get3A_58 = arith.constant 0 : index
    %get3A_59 = vector.load %arg9[%get3A_57, %get3A_58] : memref<128x128xf32, #tpu.memory_space<vmem>>, vector<128x128xf32>
    %dot_general3A_60 = arith.constant dense<0.000000e+00> : vector<6400x128xf32>
    %dot_general3A_61 = tpu.matmul %reshape3A_56, %get3A_59, %dot_general3A_60 {dimension_numbers = #tpu.dot_dimension_numbers<[1], [1], [0], [0], [0, 0, 1, 0], [], []>, transpose_lhs_hint = false} : vector<6400x128xf32>, vector<128x128xf32>, vector<6400x128xf32> -> vector<6400x128xf32>
    %reshape3A_62 = vector.shape_cast %dot_general3A_61 : vector<6400x128xf32> to vector<32x200x128xf32>
    %add3A_63 = arith.addf %bitcast_convert_type3A, %reshape3A_62 : vector<32x200x128xf32>
    %reduce_max3A_64 = arith.constant dense<0xFF800000> : vector<200x128xf32>
    %reduce_max3A_65 = vector.multi_reduction <maximumf>, %add3A_63, %reduce_max3A_64 [0] : vector<32x200x128xf32> to vector<200x128xf32>
    %slice3A_66 = vector.extract_strided_slice %get3A_5 {offsets = [0, 0], sizes = [200, 128], strides = [1, 1]} : vector<200x256xf32> to vector<200x128xf32>
    %sub3A_67 = arith.subf %reduce_max3A_65, %slice3A_66 : vector<200x128xf32>
    %swap3A = arith.constant 0 : index
    %swap3A_68 = arith.constant 0 : index
    %swap3A_69 = vector.load %arg10[%swap3A, %swap3A_68] : memref<200x128xf32, #tpu.memory_space<vmem>>, vector<200x128xf32>
    tpu.vector_store %arg10[%swap3A, %swap3A_68], %sub3A_67 {strides = array<i32>} : memref<200x128xf32, #tpu.memory_space<vmem>>, vector<200x128xf32>,
    return
  }
  func.func @transform_0(%arg0: i32) -> (i32, i32, i32) {
    %c0_i32 = arith.constant 0 : i32
    %c0_i32_0 = arith.constant 0 : i32
    %c0_i32_1 = arith.constant 0 : i32
    return %c0_i32, %arg0, %c0_i32_0 : i32, i32, i32
  }
  func.func @transform_1(%arg0: i32) -> (i32, i32) {
    %add3A = arith.constant 30 : i32
    %add3A_0 = arith.addi %arg0, %add3A : i32
    %c0_i32 = arith.constant 0 : i32
    %c0_i32_1 = arith.constant 0 : i32
    return %add3A_0, %c0_i32 : i32, i32
  }
  func.func @transform_2(%arg0: i32) -> (i32, i32) {
    %c0_i32 = arith.constant 0 : i32
    %c0_i32_0 = arith.constant 0 : i32
    %c0_i32_1 = arith.constant 0 : i32
    return %c0_i32, %c0_i32_0 : i32, i32
  }
  func.func @transform_3(%arg0: i32) -> (i32, i32) {
    %c0_i32 = arith.constant 0 : i32
    %c0_i32_0 = arith.constant 0 : i32
    %c0_i32_1 = arith.constant 0 : i32
    return %c0_i32, %c0_i32_0 : i32, i32
  }
  func.func @transform_4(%arg0: i32) -> (i32, i32) {
    %c0_i32 = arith.constant 0 : i32
    %c0_i32_0 = arith.constant 0 : i32
    %c0_i32_1 = arith.constant 0 : i32
    return %c0_i32, %c0_i32_0 : i32, i32
  }
  func.func @transform_5(%arg0: i32) -> (i32, i32) {
    %c0_i32 = arith.constant 0 : i32
    %c0_i32_0 = arith.constant 0 : i32
    %c0_i32_1 = arith.constant 0 : i32
    return %c0_i32, %c0_i32_0 : i32, i32
  }
  func.func @transform_6(%arg0: i32) -> (i32, i32) {
    %c0_i32 = arith.constant 0 : i32
    %c0_i32_0 = arith.constant 0 : i32
    %c0_i32_1 = arith.constant 0 : i32
    return %c0_i32, %c0_i32_0 : i32, i32
  }
  func.func @transform_7(%arg0: i32) -> (i32, i32) {
    %c0_i32 = arith.constant 0 : i32
    %c0_i32_0 = arith.constant 0 : i32
    %c0_i32_1 = arith.constant 0 : i32
    return %c0_i32, %c0_i32_0 : i32, i32
  }
  func.func @transform_8(%arg0: i32) -> (i32, i32) {
    %c0_i32 = arith.constant 0 : i32
    %c0_i32_0 = arith.constant 0 : i32
    %c0_i32_1 = arith.constant 0 : i32
    return %c0_i32, %c0_i32_0 : i32, i32
  }
  func.func @transform_9(%arg0: i32) -> (i32, i32) {
    %c0_i32 = arith.constant 0 : i32
    %c0_i32_0 = arith.constant 0 : i32
    return %arg0, %c0_i32 : i32, i32
  }
}

module attributes {stable_mosaic.version = 14 : i64} {
  func.func @_fused_body(%arg0: i32, %arg1: memref<32x200x128xi32, #tpu.memory_space<vmem>>, %arg2: memref<200x256xf32, #tpu.memory_space<vmem>>, %arg3: memref<1x64xf32, #tpu.memory_space<vmem>>, %arg4: memref<64x64xf32, #tpu.memory_space<vmem>>, %arg5: memref<1x64xf32, #tpu.memory_space<vmem>>, %arg6: memref<128x128xf32, #tpu.memory_space<vmem>>, %arg7: memref<1x128xf32, #tpu.memory_space<vmem>>, %arg8: memref<128x128xf32, #tpu.memory_space<vmem>>, %arg9: memref<128x128xf32, #tpu.memory_space<vmem>>, %arg10: memref<200x128xf32, #tpu.memory_space<vmem>>) attributes {dimension_semantics = [#tpu.dimension_semantics<arbitrary>], iteration_bounds = array<i64: 10>, scalar_prefetch = 0 : i64, scratch_operands = 0 : i64, tpu.core_type = #tpu.core_type<tc>, window_params = [{transform_indices = @transform_0, window_bounds = array<i64: 32, 200, 128>}, {transform_indices = @transform_1, window_bounds = array<i64: 200, 256>}, {pipeline_mode = #tpu.pipeline_mode<synchronous>, transform_indices = @transform_2, window_bounds = array<i64: 1, 64>}, {pipeline_mode = #tpu.pipeline_mode<synchronous>, transform_indices = @transform_3, window_bounds = array<i64: 64, 64>}, {pipeline_mode = #tpu.pipeline_mode<synchronous>, transform_indices = @transform_4, window_bounds = array<i64: 1, 64>}, {pipeline_mode = #tpu.pipeline_mode<synchronous>, transform_indices = @transform_5, window_bounds = array<i64: 128, 128>}, {pipeline_mode = #tpu.pipeline_mode<synchronous>, transform_indices = @transform_6, window_bounds = array<i64: 1, 128>}, {pipeline_mode = #tpu.pipeline_mode<synchronous>, transform_indices = @transform_7, window_bounds = array<i64: 128, 128>}, {pipeline_mode = #tpu.pipeline_mode<synchronous>, transform_indices = @transform_8, window_bounds = array<i64: 128, 128>}, {transform_indices = @transform_9, window_bounds = array<i64: 200, 128>}]} {
    %get3A = arith.constant 0 : index
    %get3A_0 = arith.constant 0 : index
    %get3A_1 = arith.constant 0 : index
    %get3A_2 = vector.load %arg1[%get3A, %get3A_0, %get3A_1] : memref<32x200x128xi32, #tpu.memory_space<vmem>>, vector<32x200x128xi32>
    %get3A_3 = arith.constant 0 : index
    %get3A_4 = arith.constant 0 : index
    %get3A_5 = vector.load %arg2[%get3A_3, %get3A_4] : memref<200x256xf32, #tpu.memory_space<vmem>>, vector<200x256xf32>
    %shift_left3A = arith.constant 16 : i32
    %shift_left3A_6 = vector.broadcast %shift_left3A : i32 to vector<32x200x128xi32>
    %shift_left3A_7 = arith.shli %get3A_2, %shift_left3A_6 : vector<32x200x128xi32>
    %bitcast_convert_type3A = tpu.bitcast %shift_left3A_7 : vector<32x200x128xi32> -> vector<32x200x128xf32>
    %bitcast_convert_type3A_8 = tpu.bitcast %get3A_2 : vector<32x200x128xi32> -> vector<32x200x128xf32>
    %reduce_max3A = arith.constant dense<0xFF800000> : vector<200x128xf32>
    %reduce_max3A_9 = vector.multi_reduction <maximumf>, %bitcast_convert_type3A_8, %reduce_max3A [0] : vector<32x200x128xf32> to vector<200x128xf32>
    %slice3A = vector.extract_strided_slice %get3A_5 {offsets = [0, 128], sizes = [200, 64], strides = [1, 1]} : vector<200x256xf32> to vector<200x64xf32>
    %get3A_10 = arith.constant 0 : index
    %get3A_11 = arith.constant 0 : index
    %get3A_12 = vector.load %arg3[%get3A_10, %get3A_11] : memref<1x64xf32, #tpu.memory_space<vmem>>, vector<1x64xf32>
    %get3A_13 = arith.constant 0 : index
    %get3A_14 = arith.constant 0 : index
    %get3A_15 = vector.load %arg6[%get3A_13, %get3A_14] : memref<128x128xf32, #tpu.memory_space<vmem>>, vector<128x128xf32>
    %slice3A_16 = vector.extract_strided_slice %reduce_max3A_9 {offsets = [0, 0], sizes = [200, 64], strides = [1, 1]} : vector<200x128xf32> to vector<200x64xf32>
    %sub3A = arith.subf %slice3A_16, %slice3A : vector<200x64xf32>
    %add3A = vector.broadcast %get3A_12 : vector<1x64xf32> to vector<200x64xf32>
    %add3A_17 = arith.addf %sub3A, %add3A : vector<200x64xf32>
    %sub3A_18 = vector.broadcast %get3A_12 : vector<1x64xf32> to vector<200x64xf32>
    %sub3A_19 = arith.subf %sub3A_18, %slice3A : vector<200x64xf32>
    %get3A_20 = arith.constant 0 : index
    %get3A_21 = arith.constant 0 : index
    %get3A_22 = vector.load %arg4[%get3A_20, %get3A_21] : memref<64x64xf32, #tpu.memory_space<vmem>>, vector<64x64xf32>
    %dot_general3A = arith.constant dense<0.000000e+00> : vector<200x64xf32>
    %dot_general3A_23 = tpu.matmul %sub3A_19, %get3A_22, %dot_general3A {dimension_numbers = #tpu.dot_dimension_numbers<[1], [1], [0], [0], [0, 0, 1, 0], [], []>, transpose_lhs_hint = false} : vector<200x64xf32>, vector<64x64xf32>, vector<200x64xf32> -> vector<200x64xf32>
    %get3A_24 = arith.constant 0 : index
    %get3A_25 = arith.constant 0 : index
    %get3A_26 = vector.load %arg5[%get3A_24, %get3A_25] : memref<1x64xf32, #tpu.memory_space<vmem>>, vector<1x64xf32>
    %add3A_27 = vector.broadcast %get3A_26 : vector<1x64xf32> to vector<200x64xf32>
    %add3A_28 = arith.addf %dot_general3A_23, %add3A_27 : vector<200x64xf32>
    %slice3A_29 = vector.extract_strided_slice %get3A_15 {offsets = [0, 64], sizes = [128, 64], strides = [1, 1]} : vector<128x128xf32> to vector<128x64xf32>
    %dot_general3A_30 = arith.constant dense<0.000000e+00> : vector<200x128xf32>
    %dot_general3A_31 = tpu.matmul %add3A_17, %slice3A_29, %dot_general3A_30 {dimension_numbers = #tpu.dot_dimension_numbers<[1], [1], [0], [0], [0, 0, 1, 0], [], []>, transpose_lhs_hint = false} : vector<200x64xf32>, vector<128x64xf32>, vector<200x128xf32> -> vector<200x128xf32>
    %slice3A_32 = vector.extract_strided_slice %get3A_15 {offsets = [0, 0], sizes = [128, 64], strides = [1, 1]} : vector<128x128xf32> to vector<128x64xf32>
    %dot_general3A_33 = arith.constant dense<0.000000e+00> : vector<200x128xf32>
    %dot_general3A_34 = tpu.matmul %add3A_28, %slice3A_32, %dot_general3A_33 {dimension_numbers = #tpu.dot_dimension_numbers<[1], [1], [0], [0], [0, 0, 1, 0], [], []>, transpose_lhs_hint = false} : vector<200x64xf32>, vector<128x64xf32>, vector<200x128xf32> -> vector<200x128xf32>
    %add3A_35 = arith.addf %dot_general3A_31, %dot_general3A_34 : vector<200x128xf32>
    %get3A_36 = arith.constant 0 : index
    %get3A_37 = arith.constant 0 : index
    %get3A_38 = vector.load %arg7[%get3A_36, %get3A_37] : memref<1x128xf32, #tpu.memory_space<vmem>>, vector<1x128xf32>
    %add3A_39 = vector.broadcast %get3A_38 : vector<1x128xf32> to vector<200x128xf32>
    %add3A_40 = arith.addf %add3A_35, %add3A_39 : vector<200x128xf32>
    %reshape3A = vector.shape_cast %bitcast_convert_type3A_8 : vector<32x200x128xf32> to vector<6400x128xf32>
    %get3A_41 = arith.constant 0 : index
    %get3A_42 = arith.constant 0 : index
    %get3A_43 = vector.load %arg8[%get3A_41, %get3A_42] : memref<128x128xf32, #tpu.memory_space<vmem>>, vector<128x128xf32>
    %dot_general3A_44 = arith.constant dense<0.000000e+00> : vector<6400x128xf32>
    %dot_general3A_45 = tpu.matmul %reshape3A, %get3A_43, %dot_general3A_44 {dimension_numbers = #tpu.dot_dimension_numbers<[1], [0], [0], [1], [0, 0, 1, 1], [], []>, transpose_lhs_hint = false} : vector<6400x128xf32>, vector<128x128xf32>, vector<6400x128xf32> -> vector<6400x128xf32>
    %reshape3A_46 = vector.shape_cast %dot_general3A_45 : vector<6400x128xf32> to vector<32x200x128xf32>
    %broadcast_in_dim3A = vector.shape_cast %add3A_40 : vector<200x128xf32> to vector<1x200x128xf32>
    %add3A_47 = vector.broadcast %broadcast_in_dim3A : vector<1x200x128xf32> to vector<32x200x128xf32>
    %add3A_48 = arith.addf %reshape3A_46, %add3A_47 : vector<32x200x128xf32>
    %mul3A = arith.constant 5.000000e-01 : f32
    %mul3A_49 = vector.broadcast %mul3A : f32 to vector<32x200x128xf32>
    %mul3A_50 = arith.mulf %mul3A_49, %add3A_48 : vector<32x200x128xf32>
    %mul3A_51 = arith.constant 0.797884583 : f32
    %mul3A_52 = vector.broadcast %mul3A_51 : f32 to vector<32x200x128xf32>
    %mul3A_53 = arith.mulf %mul3A_52, %add3A_48 : vector<32x200x128xf32>
    %tanh3A = math.tanh %mul3A_53 : vector<32x200x128xf32>
    %mul3A_54 = arith.mulf %mul3A_50, %tanh3A : vector<32x200x128xf32>
    %add3A_55 = arith.addf %mul3A_50, %mul3A_54 : vector<32x200x128xf32>
    %reshape3A_56 = vector.shape_cast %add3A_55 : vector<32x200x128xf32> to vector<6400x128xf32>
    %get3A_57 = arith.constant 0 : index
    %get3A_58 = arith.constant 0 : index
    %get3A_59 = vector.load %arg9[%get3A_57, %get3A_58] : memref<128x128xf32, #tpu.memory_space<vmem>>, vector<128x128xf32>
    %dot_general3A_60 = arith.constant dense<0.000000e+00> : vector<6400x128xf32>
    %dot_general3A_61 = tpu.matmul %reshape3A_56, %get3A_59, %dot_general3A_60 {dimension_numbers = #tpu.dot_dimension_numbers<[1], [1], [0], [0], [0, 0, 1, 0], [], []>, transpose_lhs_hint = false} : vector<6400x128xf32>, vector<128x128xf32>, vector<6400x128xf32> -> vector<6400x128xf32>
    %reshape3A_62 = vector.shape_cast %dot_general3A_61 : vector<6400x128xf32> to vector<32x200x128xf32>
    %add3A_63 = arith.addf %bitcast_convert_type3A, %reshape3A_62 : vector<32x200x128xf32>
    %reduce_max3A_64 = arith.constant dense<0xFF800000> : vector<200x128xf32>
    %reduce_max3A_65 = vector.multi_reduction <maximumf>, %add3A_63, %reduce_max3A_64 [0] : vector<32x200x128xf32> to vector<200x128xf32>
    %slice3A_66 = vector.extract_strided_slice %get3A_5 {offsets = [0, 0], sizes = [200, 128], strides = [1, 1]} : vector<200x256xf32> to vector<200x128xf32>
    %sub3A_67 = arith.subf %reduce_max3A_65, %slice3A_66 : vector<200x128xf32>
    %swap3A = arith.constant 0 : index
    %swap3A_68 = arith.constant 0 : index
    %swap3A_69 = vector.load %arg10[%swap3A, %swap3A_68] : memref<200x128xf32, #tpu.memory_space<vmem>>, vector<200x128xf32>
    tpu.vector_store %arg10[%swap3A, %swap3A_68], %sub3A_67 {strides = array<i32>} : memref<200x128xf32, #tpu.memory_space<vmem>>, vector<200x128xf32>,
    return
  }
  func.func @transform_0(%arg0: i32) -> (i32, i32, i32) {
    %c0_i32 = arith.constant 0 : i32
    %c0_i32_0 = arith.constant 0 : i32
    %c0_i32_1 = arith.constant 0 : i32
    return %c0_i32, %arg0, %c0_i32_0 : i32, i32, i32
  }
  func.func @transform_1(%arg0: i32) -> (i32, i32) {
    %add3A = arith.constant 20 : i32
    %add3A_0 = arith.addi %arg0, %add3A : i32
    %c0_i32 = arith.constant 0 : i32
    %c0_i32_1 = arith.constant 0 : i32
    return %add3A_0, %c0_i32 : i32, i32
  }
  func.func @transform_2(%arg0: i32) -> (i32, i32) {
    %c0_i32 = arith.constant 0 : i32
    %c0_i32_0 = arith.constant 0 : i32
    %c0_i32_1 = arith.constant 0 : i32
    return %c0_i32, %c0_i32_0 : i32, i32
  }
  func.func @transform_3(%arg0: i32) -> (i32, i32) {
    %c0_i32 = arith.constant 0 : i32
    %c0_i32_0 = arith.constant 0 : i32
    %c0_i32_1 = arith.constant 0 : i32
    return %c0_i32, %c0_i32_0 : i32, i32
  }
  func.func @transform_4(%arg0: i32) -> (i32, i32) {
    %c0_i32 = arith.constant 0 : i32
    %c0_i32_0 = arith.constant 0 : i32
    %c0_i32_1 = arith.constant 0 : i32
    return %c0_i32, %c0_i32_0 : i32, i32
  }
  func.func @transform_5(%arg0: i32) -> (i32, i32) {
    %c0_i32 = arith.constant 0 : i32
    %c0_i32_0 = arith.constant 0 : i32
    %c0_i32_1 = arith.constant 0 : i32
    return %c0_i32, %c0_i32_0 : i32, i32
  }
  func.func @transform_6(%arg0: i32) -> (i32, i32) {
    %c0_i32 = arith.constant 0 : i32
    %c0_i32_0 = arith.constant 0 : i32
    %c0_i32_1 = arith.constant 0 : i32
    return %c0_i32, %c0_i32_0 : i32, i32
  }
  func.func @transform_7(%arg0: i32) -> (i32, i32) {
    %c0_i32 = arith.constant 0 : i32
    %c0_i32_0 = arith.constant 0 : i32
    %c0_i32_1 = arith.constant 0 : i32
    return %c0_i32, %c0_i32_0 : i32, i32
  }
  func.func @transform_8(%arg0: i32) -> (i32, i32) {
    %c0_i32 = arith.constant 0 : i32
    %c0_i32_0 = arith.constant 0 : i32
    %c0_i32_1 = arith.constant 0 : i32
    return %c0_i32, %c0_i32_0 : i32, i32
  }
  func.func @transform_9(%arg0: i32) -> (i32, i32) {
    %c0_i32 = arith.constant 0 : i32
    %c0_i32_0 = arith.constant 0 : i32
    return %arg0, %c0_i32 : i32, i32
  }
}

module attributes {stable_mosaic.version = 14 : i64} {
  func.func @_fused_body(%arg0: i32, %arg1: memref<32x200x128xi32, #tpu.memory_space<vmem>>, %arg2: memref<200x256xf32, #tpu.memory_space<vmem>>, %arg3: memref<1x64xf32, #tpu.memory_space<vmem>>, %arg4: memref<64x64xf32, #tpu.memory_space<vmem>>, %arg5: memref<1x64xf32, #tpu.memory_space<vmem>>, %arg6: memref<128x128xf32, #tpu.memory_space<vmem>>, %arg7: memref<1x128xf32, #tpu.memory_space<vmem>>, %arg8: memref<128x128xf32, #tpu.memory_space<vmem>>, %arg9: memref<128x128xf32, #tpu.memory_space<vmem>>, %arg10: memref<200x128xf32, #tpu.memory_space<vmem>>) attributes {dimension_semantics = [#tpu.dimension_semantics<arbitrary>], iteration_bounds = array<i64: 10>, scalar_prefetch = 0 : i64, scratch_operands = 0 : i64, tpu.core_type = #tpu.core_type<tc>, window_params = [{transform_indices = @transform_0, window_bounds = array<i64: 32, 200, 128>}, {transform_indices = @transform_1, window_bounds = array<i64: 200, 256>}, {pipeline_mode = #tpu.pipeline_mode<synchronous>, transform_indices = @transform_2, window_bounds = array<i64: 1, 64>}, {pipeline_mode = #tpu.pipeline_mode<synchronous>, transform_indices = @transform_3, window_bounds = array<i64: 64, 64>}, {pipeline_mode = #tpu.pipeline_mode<synchronous>, transform_indices = @transform_4, window_bounds = array<i64: 1, 64>}, {pipeline_mode = #tpu.pipeline_mode<synchronous>, transform_indices = @transform_5, window_bounds = array<i64: 128, 128>}, {pipeline_mode = #tpu.pipeline_mode<synchronous>, transform_indices = @transform_6, window_bounds = array<i64: 1, 128>}, {pipeline_mode = #tpu.pipeline_mode<synchronous>, transform_indices = @transform_7, window_bounds = array<i64: 128, 128>}, {pipeline_mode = #tpu.pipeline_mode<synchronous>, transform_indices = @transform_8, window_bounds = array<i64: 128, 128>}, {transform_indices = @transform_9, window_bounds = array<i64: 200, 128>}]} {
    %get3A = arith.constant 0 : index
    %get3A_0 = arith.constant 0 : index
    %get3A_1 = arith.constant 0 : index
    %get3A_2 = vector.load %arg1[%get3A, %get3A_0, %get3A_1] : memref<32x200x128xi32, #tpu.memory_space<vmem>>, vector<32x200x128xi32>
    %get3A_3 = arith.constant 0 : index
    %get3A_4 = arith.constant 0 : index
    %get3A_5 = vector.load %arg2[%get3A_3, %get3A_4] : memref<200x256xf32, #tpu.memory_space<vmem>>, vector<200x256xf32>
    %shift_left3A = arith.constant 16 : i32
    %shift_left3A_6 = vector.broadcast %shift_left3A : i32 to vector<32x200x128xi32>
    %shift_left3A_7 = arith.shli %get3A_2, %shift_left3A_6 : vector<32x200x128xi32>
    %bitcast_convert_type3A = tpu.bitcast %shift_left3A_7 : vector<32x200x128xi32> -> vector<32x200x128xf32>
    %bitcast_convert_type3A_8 = tpu.bitcast %get3A_2 : vector<32x200x128xi32> -> vector<32x200x128xf32>
    %reduce_max3A = arith.constant dense<0xFF800000> : vector<200x128xf32>
    %reduce_max3A_9 = vector.multi_reduction <maximumf>, %bitcast_convert_type3A_8, %reduce_max3A [0] : vector<32x200x128xf32> to vector<200x128xf32>
    %slice3A = vector.extract_strided_slice %get3A_5 {offsets = [0, 128], sizes = [200, 64], strides = [1, 1]} : vector<200x256xf32> to vector<200x64xf32>
    %get3A_10 = arith.constant 0 : index
    %get3A_11 = arith.constant 0 : index
    %get3A_12 = vector.load %arg3[%get3A_10, %get3A_11] : memref<1x64xf32, #tpu.memory_space<vmem>>, vector<1x64xf32>
    %get3A_13 = arith.constant 0 : index
    %get3A_14 = arith.constant 0 : index
    %get3A_15 = vector.load %arg6[%get3A_13, %get3A_14] : memref<128x128xf32, #tpu.memory_space<vmem>>, vector<128x128xf32>
    %slice3A_16 = vector.extract_strided_slice %reduce_max3A_9 {offsets = [0, 0], sizes = [200, 64], strides = [1, 1]} : vector<200x128xf32> to vector<200x64xf32>
    %sub3A = arith.subf %slice3A_16, %slice3A : vector<200x64xf32>
    %add3A = vector.broadcast %get3A_12 : vector<1x64xf32> to vector<200x64xf32>
    %add3A_17 = arith.addf %sub3A, %add3A : vector<200x64xf32>
    %sub3A_18 = vector.broadcast %get3A_12 : vector<1x64xf32> to vector<200x64xf32>
    %sub3A_19 = arith.subf %sub3A_18, %slice3A : vector<200x64xf32>
    %get3A_20 = arith.constant 0 : index
    %get3A_21 = arith.constant 0 : index
    %get3A_22 = vector.load %arg4[%get3A_20, %get3A_21] : memref<64x64xf32, #tpu.memory_space<vmem>>, vector<64x64xf32>
    %dot_general3A = arith.constant dense<0.000000e+00> : vector<200x64xf32>
    %dot_general3A_23 = tpu.matmul %sub3A_19, %get3A_22, %dot_general3A {dimension_numbers = #tpu.dot_dimension_numbers<[1], [1], [0], [0], [0, 0, 1, 0], [], []>, transpose_lhs_hint = false} : vector<200x64xf32>, vector<64x64xf32>, vector<200x64xf32> -> vector<200x64xf32>
    %get3A_24 = arith.constant 0 : index
    %get3A_25 = arith.constant 0 : index
    %get3A_26 = vector.load %arg5[%get3A_24, %get3A_25] : memref<1x64xf32, #tpu.memory_space<vmem>>, vector<1x64xf32>
    %add3A_27 = vector.broadcast %get3A_26 : vector<1x64xf32> to vector<200x64xf32>
    %add3A_28 = arith.addf %dot_general3A_23, %add3A_27 : vector<200x64xf32>
    %slice3A_29 = vector.extract_strided_slice %get3A_15 {offsets = [0, 64], sizes = [128, 64], strides = [1, 1]} : vector<128x128xf32> to vector<128x64xf32>
    %dot_general3A_30 = arith.constant dense<0.000000e+00> : vector<200x128xf32>
    %dot_general3A_31 = tpu.matmul %add3A_17, %slice3A_29, %dot_general3A_30 {dimension_numbers = #tpu.dot_dimension_numbers<[1], [1], [0], [0], [0, 0, 1, 0], [], []>, transpose_lhs_hint = false} : vector<200x64xf32>, vector<128x64xf32>, vector<200x128xf32> -> vector<200x128xf32>
    %slice3A_32 = vector.extract_strided_slice %get3A_15 {offsets = [0, 0], sizes = [128, 64], strides = [1, 1]} : vector<128x128xf32> to vector<128x64xf32>
    %dot_general3A_33 = arith.constant dense<0.000000e+00> : vector<200x128xf32>
    %dot_general3A_34 = tpu.matmul %add3A_28, %slice3A_32, %dot_general3A_33 {dimension_numbers = #tpu.dot_dimension_numbers<[1], [1], [0], [0], [0, 0, 1, 0], [], []>, transpose_lhs_hint = false} : vector<200x64xf32>, vector<128x64xf32>, vector<200x128xf32> -> vector<200x128xf32>
    %add3A_35 = arith.addf %dot_general3A_31, %dot_general3A_34 : vector<200x128xf32>
    %get3A_36 = arith.constant 0 : index
    %get3A_37 = arith.constant 0 : index
    %get3A_38 = vector.load %arg7[%get3A_36, %get3A_37] : memref<1x128xf32, #tpu.memory_space<vmem>>, vector<1x128xf32>
    %add3A_39 = vector.broadcast %get3A_38 : vector<1x128xf32> to vector<200x128xf32>
    %add3A_40 = arith.addf %add3A_35, %add3A_39 : vector<200x128xf32>
    %reshape3A = vector.shape_cast %bitcast_convert_type3A_8 : vector<32x200x128xf32> to vector<6400x128xf32>
    %get3A_41 = arith.constant 0 : index
    %get3A_42 = arith.constant 0 : index
    %get3A_43 = vector.load %arg8[%get3A_41, %get3A_42] : memref<128x128xf32, #tpu.memory_space<vmem>>, vector<128x128xf32>
    %dot_general3A_44 = arith.constant dense<0.000000e+00> : vector<6400x128xf32>
    %dot_general3A_45 = tpu.matmul %reshape3A, %get3A_43, %dot_general3A_44 {dimension_numbers = #tpu.dot_dimension_numbers<[1], [0], [0], [1], [0, 0, 1, 1], [], []>, transpose_lhs_hint = false} : vector<6400x128xf32>, vector<128x128xf32>, vector<6400x128xf32> -> vector<6400x128xf32>
    %reshape3A_46 = vector.shape_cast %dot_general3A_45 : vector<6400x128xf32> to vector<32x200x128xf32>
    %broadcast_in_dim3A = vector.shape_cast %add3A_40 : vector<200x128xf32> to vector<1x200x128xf32>
    %add3A_47 = vector.broadcast %broadcast_in_dim3A : vector<1x200x128xf32> to vector<32x200x128xf32>
    %add3A_48 = arith.addf %reshape3A_46, %add3A_47 : vector<32x200x128xf32>
    %mul3A = arith.constant 5.000000e-01 : f32
    %mul3A_49 = vector.broadcast %mul3A : f32 to vector<32x200x128xf32>
    %mul3A_50 = arith.mulf %mul3A_49, %add3A_48 : vector<32x200x128xf32>
    %mul3A_51 = arith.constant 0.797884583 : f32
    %mul3A_52 = vector.broadcast %mul3A_51 : f32 to vector<32x200x128xf32>
    %mul3A_53 = arith.mulf %mul3A_52, %add3A_48 : vector<32x200x128xf32>
    %tanh3A = math.tanh %mul3A_53 : vector<32x200x128xf32>
    %mul3A_54 = arith.mulf %mul3A_50, %tanh3A : vector<32x200x128xf32>
    %add3A_55 = arith.addf %mul3A_50, %mul3A_54 : vector<32x200x128xf32>
    %reshape3A_56 = vector.shape_cast %add3A_55 : vector<32x200x128xf32> to vector<6400x128xf32>
    %get3A_57 = arith.constant 0 : index
    %get3A_58 = arith.constant 0 : index
    %get3A_59 = vector.load %arg9[%get3A_57, %get3A_58] : memref<128x128xf32, #tpu.memory_space<vmem>>, vector<128x128xf32>
    %dot_general3A_60 = arith.constant dense<0.000000e+00> : vector<6400x128xf32>
    %dot_general3A_61 = tpu.matmul %reshape3A_56, %get3A_59, %dot_general3A_60 {dimension_numbers = #tpu.dot_dimension_numbers<[1], [1], [0], [0], [0, 0, 1, 0], [], []>, transpose_lhs_hint = false} : vector<6400x128xf32>, vector<128x128xf32>, vector<6400x128xf32> -> vector<6400x128xf32>
    %reshape3A_62 = vector.shape_cast %dot_general3A_61 : vector<6400x128xf32> to vector<32x200x128xf32>
    %add3A_63 = arith.addf %bitcast_convert_type3A, %reshape3A_62 : vector<32x200x128xf32>
    %reduce_max3A_64 = arith.constant dense<0xFF800000> : vector<200x128xf32>
    %reduce_max3A_65 = vector.multi_reduction <maximumf>, %add3A_63, %reduce_max3A_64 [0] : vector<32x200x128xf32> to vector<200x128xf32>
    %slice3A_66 = vector.extract_strided_slice %get3A_5 {offsets = [0, 0], sizes = [200, 128], strides = [1, 1]} : vector<200x256xf32> to vector<200x128xf32>
    %sub3A_67 = arith.subf %reduce_max3A_65, %slice3A_66 : vector<200x128xf32>
    %swap3A = arith.constant 0 : index
    %swap3A_68 = arith.constant 0 : index
    %swap3A_69 = vector.load %arg10[%swap3A, %swap3A_68] : memref<200x128xf32, #tpu.memory_space<vmem>>, vector<200x128xf32>
    tpu.vector_store %arg10[%swap3A, %swap3A_68], %sub3A_67 {strides = array<i32>} : memref<200x128xf32, #tpu.memory_space<vmem>>, vector<200x128xf32>,
    return
  }
  func.func @transform_0(%arg0: i32) -> (i32, i32, i32) {
    %c0_i32 = arith.constant 0 : i32
    %c0_i32_0 = arith.constant 0 : i32
    %c0_i32_1 = arith.constant 0 : i32
    return %c0_i32, %arg0, %c0_i32_0 : i32, i32, i32
  }
  func.func @transform_1(%arg0: i32) -> (i32, i32) {
    %add3A = arith.constant 10 : i32
    %add3A_0 = arith.addi %arg0, %add3A : i32
    %c0_i32 = arith.constant 0 : i32
    %c0_i32_1 = arith.constant 0 : i32
    return %add3A_0, %c0_i32 : i32, i32
  }
  func.func @transform_2(%arg0: i32) -> (i32, i32) {
    %c0_i32 = arith.constant 0 : i32
    %c0_i32_0 = arith.constant 0 : i32
    %c0_i32_1 = arith.constant 0 : i32
    return %c0_i32, %c0_i32_0 : i32, i32
  }
  func.func @transform_3(%arg0: i32) -> (i32, i32) {
    %c0_i32 = arith.constant 0 : i32
    %c0_i32_0 = arith.constant 0 : i32
    %c0_i32_1 = arith.constant 0 : i32
    return %c0_i32, %c0_i32_0 : i32, i32
  }
  func.func @transform_4(%arg0: i32) -> (i32, i32) {
    %c0_i32 = arith.constant 0 : i32
    %c0_i32_0 = arith.constant 0 : i32
    %c0_i32_1 = arith.constant 0 : i32
    return %c0_i32, %c0_i32_0 : i32, i32
  }
  func.func @transform_5(%arg0: i32) -> (i32, i32) {
    %c0_i32 = arith.constant 0 : i32
    %c0_i32_0 = arith.constant 0 : i32
    %c0_i32_1 = arith.constant 0 : i32
    return %c0_i32, %c0_i32_0 : i32, i32
  }
  func.func @transform_6(%arg0: i32) -> (i32, i32) {
    %c0_i32 = arith.constant 0 : i32
    %c0_i32_0 = arith.constant 0 : i32
    %c0_i32_1 = arith.constant 0 : i32
    return %c0_i32, %c0_i32_0 : i32, i32
  }
  func.func @transform_7(%arg0: i32) -> (i32, i32) {
    %c0_i32 = arith.constant 0 : i32
    %c0_i32_0 = arith.constant 0 : i32
    %c0_i32_1 = arith.constant 0 : i32
    return %c0_i32, %c0_i32_0 : i32, i32
  }
  func.func @transform_8(%arg0: i32) -> (i32, i32) {
    %c0_i32 = arith.constant 0 : i32
    %c0_i32_0 = arith.constant 0 : i32
    %c0_i32_1 = arith.constant 0 : i32
    return %c0_i32, %c0_i32_0 : i32, i32
  }
  func.func @transform_9(%arg0: i32) -> (i32, i32) {
    %c0_i32 = arith.constant 0 : i32
    %c0_i32_0 = arith.constant 0 : i32
    return %arg0, %c0_i32 : i32, i32
  }
}

module attributes {stable_mosaic.version = 14 : i64} {
  func.func @_fused_body(%arg0: i32, %arg1: memref<32x200x128xi32, #tpu.memory_space<vmem>>, %arg2: memref<200x256xf32, #tpu.memory_space<vmem>>, %arg3: memref<1x64xf32, #tpu.memory_space<vmem>>, %arg4: memref<64x64xf32, #tpu.memory_space<vmem>>, %arg5: memref<1x64xf32, #tpu.memory_space<vmem>>, %arg6: memref<128x128xf32, #tpu.memory_space<vmem>>, %arg7: memref<1x128xf32, #tpu.memory_space<vmem>>, %arg8: memref<128x128xf32, #tpu.memory_space<vmem>>, %arg9: memref<128x128xf32, #tpu.memory_space<vmem>>, %arg10: memref<200x128xf32, #tpu.memory_space<vmem>>) attributes {dimension_semantics = [#tpu.dimension_semantics<arbitrary>], iteration_bounds = array<i64: 10>, scalar_prefetch = 0 : i64, scratch_operands = 0 : i64, tpu.core_type = #tpu.core_type<tc>, window_params = [{transform_indices = @transform_0, window_bounds = array<i64: 32, 200, 128>}, {transform_indices = @transform_1, window_bounds = array<i64: 200, 256>}, {pipeline_mode = #tpu.pipeline_mode<synchronous>, transform_indices = @transform_2, window_bounds = array<i64: 1, 64>}, {pipeline_mode = #tpu.pipeline_mode<synchronous>, transform_indices = @transform_3, window_bounds = array<i64: 64, 64>}, {pipeline_mode = #tpu.pipeline_mode<synchronous>, transform_indices = @transform_4, window_bounds = array<i64: 1, 64>}, {pipeline_mode = #tpu.pipeline_mode<synchronous>, transform_indices = @transform_5, window_bounds = array<i64: 128, 128>}, {pipeline_mode = #tpu.pipeline_mode<synchronous>, transform_indices = @transform_6, window_bounds = array<i64: 1, 128>}, {pipeline_mode = #tpu.pipeline_mode<synchronous>, transform_indices = @transform_7, window_bounds = array<i64: 128, 128>}, {pipeline_mode = #tpu.pipeline_mode<synchronous>, transform_indices = @transform_8, window_bounds = array<i64: 128, 128>}, {transform_indices = @transform_9, window_bounds = array<i64: 200, 128>}]} {
    %get3A = arith.constant 0 : index
    %get3A_0 = arith.constant 0 : index
    %get3A_1 = arith.constant 0 : index
    %get3A_2 = vector.load %arg1[%get3A, %get3A_0, %get3A_1] : memref<32x200x128xi32, #tpu.memory_space<vmem>>, vector<32x200x128xi32>
    %get3A_3 = arith.constant 0 : index
    %get3A_4 = arith.constant 0 : index
    %get3A_5 = vector.load %arg2[%get3A_3, %get3A_4] : memref<200x256xf32, #tpu.memory_space<vmem>>, vector<200x256xf32>
    %shift_left3A = arith.constant 16 : i32
    %shift_left3A_6 = vector.broadcast %shift_left3A : i32 to vector<32x200x128xi32>
    %shift_left3A_7 = arith.shli %get3A_2, %shift_left3A_6 : vector<32x200x128xi32>
    %bitcast_convert_type3A = tpu.bitcast %shift_left3A_7 : vector<32x200x128xi32> -> vector<32x200x128xf32>
    %bitcast_convert_type3A_8 = tpu.bitcast %get3A_2 : vector<32x200x128xi32> -> vector<32x200x128xf32>
    %reduce_max3A = arith.constant dense<0xFF800000> : vector<200x128xf32>
    %reduce_max3A_9 = vector.multi_reduction <maximumf>, %bitcast_convert_type3A_8, %reduce_max3A [0] : vector<32x200x128xf32> to vector<200x128xf32>
    %slice3A = vector.extract_strided_slice %get3A_5 {offsets = [0, 128], sizes = [200, 64], strides = [1, 1]} : vector<200x256xf32> to vector<200x64xf32>
    %get3A_10 = arith.constant 0 : index
    %get3A_11 = arith.constant 0 : index
    %get3A_12 = vector.load %arg3[%get3A_10, %get3A_11] : memref<1x64xf32, #tpu.memory_space<vmem>>, vector<1x64xf32>
    %get3A_13 = arith.constant 0 : index
    %get3A_14 = arith.constant 0 : index
    %get3A_15 = vector.load %arg6[%get3A_13, %get3A_14] : memref<128x128xf32, #tpu.memory_space<vmem>>, vector<128x128xf32>
    %slice3A_16 = vector.extract_strided_slice %reduce_max3A_9 {offsets = [0, 0], sizes = [200, 64], strides = [1, 1]} : vector<200x128xf32> to vector<200x64xf32>
    %sub3A = arith.subf %slice3A_16, %slice3A : vector<200x64xf32>
    %add3A = vector.broadcast %get3A_12 : vector<1x64xf32> to vector<200x64xf32>
    %add3A_17 = arith.addf %sub3A, %add3A : vector<200x64xf32>
    %sub3A_18 = vector.broadcast %get3A_12 : vector<1x64xf32> to vector<200x64xf32>
    %sub3A_19 = arith.subf %sub3A_18, %slice3A : vector<200x64xf32>
    %get3A_20 = arith.constant 0 : index
    %get3A_21 = arith.constant 0 : index
    %get3A_22 = vector.load %arg4[%get3A_20, %get3A_21] : memref<64x64xf32, #tpu.memory_space<vmem>>, vector<64x64xf32>
    %dot_general3A = arith.constant dense<0.000000e+00> : vector<200x64xf32>
    %dot_general3A_23 = tpu.matmul %sub3A_19, %get3A_22, %dot_general3A {dimension_numbers = #tpu.dot_dimension_numbers<[1], [1], [0], [0], [0, 0, 1, 0], [], []>, transpose_lhs_hint = false} : vector<200x64xf32>, vector<64x64xf32>, vector<200x64xf32> -> vector<200x64xf32>
    %get3A_24 = arith.constant 0 : index
    %get3A_25 = arith.constant 0 : index
    %get3A_26 = vector.load %arg5[%get3A_24, %get3A_25] : memref<1x64xf32, #tpu.memory_space<vmem>>, vector<1x64xf32>
    %add3A_27 = vector.broadcast %get3A_26 : vector<1x64xf32> to vector<200x64xf32>
    %add3A_28 = arith.addf %dot_general3A_23, %add3A_27 : vector<200x64xf32>
    %slice3A_29 = vector.extract_strided_slice %get3A_15 {offsets = [0, 64], sizes = [128, 64], strides = [1, 1]} : vector<128x128xf32> to vector<128x64xf32>
    %dot_general3A_30 = arith.constant dense<0.000000e+00> : vector<200x128xf32>
    %dot_general3A_31 = tpu.matmul %add3A_17, %slice3A_29, %dot_general3A_30 {dimension_numbers = #tpu.dot_dimension_numbers<[1], [1], [0], [0], [0, 0, 1, 0], [], []>, transpose_lhs_hint = false} : vector<200x64xf32>, vector<128x64xf32>, vector<200x128xf32> -> vector<200x128xf32>
    %slice3A_32 = vector.extract_strided_slice %get3A_15 {offsets = [0, 0], sizes = [128, 64], strides = [1, 1]} : vector<128x128xf32> to vector<128x64xf32>
    %dot_general3A_33 = arith.constant dense<0.000000e+00> : vector<200x128xf32>
    %dot_general3A_34 = tpu.matmul %add3A_28, %slice3A_32, %dot_general3A_33 {dimension_numbers = #tpu.dot_dimension_numbers<[1], [1], [0], [0], [0, 0, 1, 0], [], []>, transpose_lhs_hint = false} : vector<200x64xf32>, vector<128x64xf32>, vector<200x128xf32> -> vector<200x128xf32>
    %add3A_35 = arith.addf %dot_general3A_31, %dot_general3A_34 : vector<200x128xf32>
    %get3A_36 = arith.constant 0 : index
    %get3A_37 = arith.constant 0 : index
    %get3A_38 = vector.load %arg7[%get3A_36, %get3A_37] : memref<1x128xf32, #tpu.memory_space<vmem>>, vector<1x128xf32>
    %add3A_39 = vector.broadcast %get3A_38 : vector<1x128xf32> to vector<200x128xf32>
    %add3A_40 = arith.addf %add3A_35, %add3A_39 : vector<200x128xf32>
    %reshape3A = vector.shape_cast %bitcast_convert_type3A_8 : vector<32x200x128xf32> to vector<6400x128xf32>
    %get3A_41 = arith.constant 0 : index
    %get3A_42 = arith.constant 0 : index
    %get3A_43 = vector.load %arg8[%get3A_41, %get3A_42] : memref<128x128xf32, #tpu.memory_space<vmem>>, vector<128x128xf32>
    %dot_general3A_44 = arith.constant dense<0.000000e+00> : vector<6400x128xf32>
    %dot_general3A_45 = tpu.matmul %reshape3A, %get3A_43, %dot_general3A_44 {dimension_numbers = #tpu.dot_dimension_numbers<[1], [0], [0], [1], [0, 0, 1, 1], [], []>, transpose_lhs_hint = false} : vector<6400x128xf32>, vector<128x128xf32>, vector<6400x128xf32> -> vector<6400x128xf32>
    %reshape3A_46 = vector.shape_cast %dot_general3A_45 : vector<6400x128xf32> to vector<32x200x128xf32>
    %broadcast_in_dim3A = vector.shape_cast %add3A_40 : vector<200x128xf32> to vector<1x200x128xf32>
    %add3A_47 = vector.broadcast %broadcast_in_dim3A : vector<1x200x128xf32> to vector<32x200x128xf32>
    %add3A_48 = arith.addf %reshape3A_46, %add3A_47 : vector<32x200x128xf32>
    %mul3A = arith.constant 5.000000e-01 : f32
    %mul3A_49 = vector.broadcast %mul3A : f32 to vector<32x200x128xf32>
    %mul3A_50 = arith.mulf %mul3A_49, %add3A_48 : vector<32x200x128xf32>
    %mul3A_51 = arith.constant 0.797884583 : f32
    %mul3A_52 = vector.broadcast %mul3A_51 : f32 to vector<32x200x128xf32>
    %mul3A_53 = arith.mulf %mul3A_52, %add3A_48 : vector<32x200x128xf32>
    %tanh3A = math.tanh %mul3A_53 : vector<32x200x128xf32>
    %mul3A_54 = arith.mulf %mul3A_50, %tanh3A : vector<32x200x128xf32>
    %add3A_55 = arith.addf %mul3A_50, %mul3A_54 : vector<32x200x128xf32>
    %reshape3A_56 = vector.shape_cast %add3A_55 : vector<32x200x128xf32> to vector<6400x128xf32>
    %get3A_57 = arith.constant 0 : index
    %get3A_58 = arith.constant 0 : index
    %get3A_59 = vector.load %arg9[%get3A_57, %get3A_58] : memref<128x128xf32, #tpu.memory_space<vmem>>, vector<128x128xf32>
    %dot_general3A_60 = arith.constant dense<0.000000e+00> : vector<6400x128xf32>
    %dot_general3A_61 = tpu.matmul %reshape3A_56, %get3A_59, %dot_general3A_60 {dimension_numbers = #tpu.dot_dimension_numbers<[1], [1], [0], [0], [0, 0, 1, 0], [], []>, transpose_lhs_hint = false} : vector<6400x128xf32>, vector<128x128xf32>, vector<6400x128xf32> -> vector<6400x128xf32>
    %reshape3A_62 = vector.shape_cast %dot_general3A_61 : vector<6400x128xf32> to vector<32x200x128xf32>
    %add3A_63 = arith.addf %bitcast_convert_type3A, %reshape3A_62 : vector<32x200x128xf32>
    %reduce_max3A_64 = arith.constant dense<0xFF800000> : vector<200x128xf32>
    %reduce_max3A_65 = vector.multi_reduction <maximumf>, %add3A_63, %reduce_max3A_64 [0] : vector<32x200x128xf32> to vector<200x128xf32>
    %slice3A_66 = vector.extract_strided_slice %get3A_5 {offsets = [0, 0], sizes = [200, 128], strides = [1, 1]} : vector<200x256xf32> to vector<200x128xf32>
    %sub3A_67 = arith.subf %reduce_max3A_65, %slice3A_66 : vector<200x128xf32>
    %swap3A = arith.constant 0 : index
    %swap3A_68 = arith.constant 0 : index
    %swap3A_69 = vector.load %arg10[%swap3A, %swap3A_68] : memref<200x128xf32, #tpu.memory_space<vmem>>, vector<200x128xf32>
    tpu.vector_store %arg10[%swap3A, %swap3A_68], %sub3A_67 {strides = array<i32>} : memref<200x128xf32, #tpu.memory_space<vmem>>, vector<200x128xf32>,
    return
  }
  func.func @transform_0(%arg0: i32) -> (i32, i32, i32) {
    %c0_i32 = arith.constant 0 : i32
    %c0_i32_0 = arith.constant 0 : i32
    %c0_i32_1 = arith.constant 0 : i32
    return %c0_i32, %arg0, %c0_i32_0 : i32, i32, i32
  }
  func.func @transform_1(%arg0: i32) -> (i32, i32) {
    %add3A = arith.constant 0 : i32
    %add3A_0 = arith.addi %arg0, %add3A : i32
    %c0_i32 = arith.constant 0 : i32
    %c0_i32_1 = arith.constant 0 : i32
    return %add3A_0, %c0_i32 : i32, i32
  }
  func.func @transform_2(%arg0: i32) -> (i32, i32) {
    %c0_i32 = arith.constant 0 : i32
    %c0_i32_0 = arith.constant 0 : i32
    %c0_i32_1 = arith.constant 0 : i32
    return %c0_i32, %c0_i32_0 : i32, i32
  }
  func.func @transform_3(%arg0: i32) -> (i32, i32) {
    %c0_i32 = arith.constant 0 : i32
    %c0_i32_0 = arith.constant 0 : i32
    %c0_i32_1 = arith.constant 0 : i32
    return %c0_i32, %c0_i32_0 : i32, i32
  }
  func.func @transform_4(%arg0: i32) -> (i32, i32) {
    %c0_i32 = arith.constant 0 : i32
    %c0_i32_0 = arith.constant 0 : i32
    %c0_i32_1 = arith.constant 0 : i32
    return %c0_i32, %c0_i32_0 : i32, i32
  }
  func.func @transform_5(%arg0: i32) -> (i32, i32) {
    %c0_i32 = arith.constant 0 : i32
    %c0_i32_0 = arith.constant 0 : i32
    %c0_i32_1 = arith.constant 0 : i32
    return %c0_i32, %c0_i32_0 : i32, i32
  }
  func.func @transform_6(%arg0: i32) -> (i32, i32) {
    %c0_i32 = arith.constant 0 : i32
    %c0_i32_0 = arith.constant 0 : i32
    %c0_i32_1 = arith.constant 0 : i32
    return %c0_i32, %c0_i32_0 : i32, i32
  }
  func.func @transform_7(%arg0: i32) -> (i32, i32) {
    %c0_i32 = arith.constant 0 : i32
    %c0_i32_0 = arith.constant 0 : i32
    %c0_i32_1 = arith.constant 0 : i32
    return %c0_i32, %c0_i32_0 : i32, i32
  }
  func.func @transform_8(%arg0: i32) -> (i32, i32) {
    %c0_i32 = arith.constant 0 : i32
    %c0_i32_0 = arith.constant 0 : i32
    %c0_i32_1 = arith.constant 0 : i32
    return %c0_i32, %c0_i32_0 : i32, i32
  }
  func.func @transform_9(%arg0: i32) -> (i32, i32) {
    %c0_i32 = arith.constant 0 : i32
    %c0_i32_0 = arith.constant 0 : i32
    return %arg0, %c0_i32 : i32, i32
  }
}

module attributes {stable_mosaic.version = 14 : i64} {
  func.func @_bn_body(%arg0: i32, %arg1: memref<2000x128xf32, #tpu.memory_space<vmem>>, %arg2: memref<2000x128xf32, #tpu.memory_space<vmem>>, %arg3: memref<2000x128xf32, #tpu.memory_space<vmem>>, %arg4: memref<2000x128xf32, #tpu.memory_space<vmem>>, %arg5: memref<2000x128xf32, #tpu.memory_space<vmem>>, %arg6: memref<1x128xf32, #tpu.memory_space<vmem>>, %arg7: memref<1x128xf32, #tpu.memory_space<vmem>>, %arg8: memref<10000x128xf32, #tpu.memory_space<vmem>>) attributes {dimension_semantics = [#tpu.dimension_semantics<arbitrary>], iteration_bounds = array<i64: 1>, scalar_prefetch = 0 : i64, scratch_operands = 0 : i64, tpu.core_type = #tpu.core_type<tc>, window_params = [{pipeline_mode = #tpu.pipeline_mode<synchronous>, transform_indices = @transform_0, window_bounds = array<i64: 2000, 128>}, {pipeline_mode = #tpu.pipeline_mode<synchronous>, transform_indices = @transform_1, window_bounds = array<i64: 2000, 128>}, {pipeline_mode = #tpu.pipeline_mode<synchronous>, transform_indices = @transform_2, window_bounds = array<i64: 2000, 128>}, {pipeline_mode = #tpu.pipeline_mode<synchronous>, transform_indices = @transform_3, window_bounds = array<i64: 2000, 128>}, {pipeline_mode = #tpu.pipeline_mode<synchronous>, transform_indices = @transform_4, window_bounds = array<i64: 2000, 128>}, {pipeline_mode = #tpu.pipeline_mode<synchronous>, transform_indices = @transform_5, window_bounds = array<i64: 1, 128>}, {pipeline_mode = #tpu.pipeline_mode<synchronous>, transform_indices = @transform_6, window_bounds = array<i64: 1, 128>}, {pipeline_mode = #tpu.pipeline_mode<synchronous>, transform_indices = @transform_7, window_bounds = array<i64: 10000, 128>}]} {
    %get3A = arith.constant 0 : index
    %get3A_0 = arith.constant 0 : index
    %get3A_1 = vector.load %arg1[%get3A, %get3A_0] : memref<2000x128xf32, #tpu.memory_space<vmem>>, vector<2000x128xf32>
    %get3A_2 = arith.constant 0 : index
    %get3A_3 = arith.constant 0 : index
    %get3A_4 = vector.load %arg2[%get3A_2, %get3A_3] : memref<2000x128xf32, #tpu.memory_space<vmem>>, vector<2000x128xf32>
    %get3A_5 = arith.constant 0 : index
    %get3A_6 = arith.constant 0 : index
    %get3A_7 = vector.load %arg3[%get3A_5, %get3A_6] : memref<2000x128xf32, #tpu.memory_space<vmem>>, vector<2000x128xf32>
    %get3A_8 = arith.constant 0 : index
    %get3A_9 = arith.constant 0 : index
    %get3A_10 = vector.load %arg4[%get3A_8, %get3A_9] : memref<2000x128xf32, #tpu.memory_space<vmem>>, vector<2000x128xf32>
    %get3A_11 = arith.constant 0 : index
    %get3A_12 = arith.constant 0 : index
    %get3A_13 = vector.load %arg5[%get3A_11, %get3A_12] : memref<2000x128xf32, #tpu.memory_space<vmem>>, vector<2000x128xf32>
    %concatenate3A = tpu.concatenate %get3A_1, %get3A_4, %get3A_7, %get3A_10, %get3A_13 in 0 : vector<2000x128xf32>, vector<2000x128xf32>, vector<2000x128xf32>, vector<2000x128xf32>, vector<2000x128xf32> -> vector<10000x128xf32>
    %reduce_sum3A = arith.constant dense<0.000000e+00> : vector<128xf32>
    %reduce_sum3A_14 = vector.multi_reduction <add>, %concatenate3A, %reduce_sum3A [0] : vector<10000x128xf32> to vector<128xf32>
    %broadcast_in_dim3A = vector.shape_cast %reduce_sum3A_14 : vector<128xf32> to vector<1x128xf32>
    %div3A = arith.constant 1.000000e+04 : f32
    %div3A_15 = vector.broadcast %div3A : f32 to vector<1x128xf32>
    %div3A_16 = arith.divf %broadcast_in_dim3A, %div3A_15 : vector<1x128xf32>
    %sub3A = vector.broadcast %div3A_16 : vector<1x128xf32> to vector<10000x128xf32>
    %sub3A_17 = arith.subf %concatenate3A, %sub3A : vector<10000x128xf32>
    %mul3A = arith.mulf %sub3A_17, %sub3A_17 : vector<10000x128xf32>
    %reduce_sum3A_18 = arith.constant dense<0.000000e+00> : vector<128xf32>
    %reduce_sum3A_19 = vector.multi_reduction <add>, %mul3A, %reduce_sum3A_18 [0] : vector<10000x128xf32> to vector<128xf32>
    %broadcast_in_dim3A_20 = vector.shape_cast %reduce_sum3A_19 : vector<128xf32> to vector<1x128xf32>
    %div3A_21 = arith.constant 1.000000e+04 : f32
    %div3A_22 = vector.broadcast %div3A_21 : f32 to vector<1x128xf32>
    %div3A_23 = arith.divf %broadcast_in_dim3A_20, %div3A_22 : vector<1x128xf32>
    %get3A_24 = arith.constant 0 : index
    %get3A_25 = arith.constant 0 : index
    %get3A_26 = vector.load %arg6[%get3A_24, %get3A_25] : memref<1x128xf32, #tpu.memory_space<vmem>>, vector<1x128xf32>
    %add3A = arith.constant 9.99999974E-6 : f32
    %add3A_27 = vector.broadcast %add3A : f32 to vector<1x128xf32>
    %add3A_28 = arith.addf %div3A_23, %add3A_27 : vector<1x128xf32>
    %rsqrt3A = math.rsqrt %add3A_28 : vector<1x128xf32>
    %mul3A_29 = vector.broadcast %rsqrt3A : vector<1x128xf32> to vector<10000x128xf32>
    %mul3A_30 = arith.mulf %sub3A_17, %mul3A_29 : vector<10000x128xf32>
    %mul3A_31 = vector.broadcast %get3A_26 : vector<1x128xf32> to vector<10000x128xf32>
    %mul3A_32 = arith.mulf %mul3A_31, %mul3A_30 : vector<10000x128xf32>
    %get3A_33 = arith.constant 0 : index
    %get3A_34 = arith.constant 0 : index
    %get3A_35 = vector.load %arg7[%get3A_33, %get3A_34] : memref<1x128xf32, #tpu.memory_space<vmem>>, vector<1x128xf32>
    %add3A_36 = vector.broadcast %get3A_35 : vector<1x128xf32> to vector<10000x128xf32>
    %add3A_37 = arith.addf %mul3A_32, %add3A_36 : vector<10000x128xf32>
    %swap3A = arith.constant 0 : index
    %swap3A_38 = arith.constant 0 : index
    %swap3A_39 = vector.load %arg8[%swap3A, %swap3A_38] : memref<10000x128xf32, #tpu.memory_space<vmem>>, vector<10000x128xf32>
    tpu.vector_store %arg8[%swap3A, %swap3A_38], %add3A_37 {strides = array<i32>} : memref<10000x128xf32, #tpu.memory_space<vmem>>, vector<10000x128xf32>,
    return
  }
  func.func @transform_0(%arg0: i32) -> (i32, i32) {
    %c0_i32 = arith.constant 0 : i32
    %c0_i32_0 = arith.constant 0 : i32
    %c0_i32_1 = arith.constant 0 : i32
    return %c0_i32, %c0_i32_0 : i32, i32
  }
  func.func @transform_1(%arg0: i32) -> (i32, i32) {
    %c0_i32 = arith.constant 0 : i32
    %c0_i32_0 = arith.constant 0 : i32
    %c0_i32_1 = arith.constant 0 : i32
    return %c0_i32, %c0_i32_0 : i32, i32
  }
  func.func @transform_2(%arg0: i32) -> (i32, i32) {
    %c0_i32 = arith.constant 0 : i32
    %c0_i32_0 = arith.constant 0 : i32
    %c0_i32_1 = arith.constant 0 : i32
    return %c0_i32, %c0_i32_0 : i32, i32
  }
  func.func @transform_3(%arg0: i32) -> (i32, i32) {
    %c0_i32 = arith.constant 0 : i32
    %c0_i32_0 = arith.constant 0 : i32
    %c0_i32_1 = arith.constant 0 : i32
    return %c0_i32, %c0_i32_0 : i32, i32
  }
  func.func @transform_4(%arg0: i32) -> (i32, i32) {
    %c0_i32 = arith.constant 0 : i32
    %c0_i32_0 = arith.constant 0 : i32
    %c0_i32_1 = arith.constant 0 : i32
    return %c0_i32, %c0_i32_0 : i32, i32
  }
  func.func @transform_5(%arg0: i32) -> (i32, i32) {
    %c0_i32 = arith.constant 0 : i32
    %c0_i32_0 = arith.constant 0 : i32
    %c0_i32_1 = arith.constant 0 : i32
    return %c0_i32, %c0_i32_0 : i32, i32
  }
  func.func @transform_6(%arg0: i32) -> (i32, i32) {
    %c0_i32 = arith.constant 0 : i32
    %c0_i32_0 = arith.constant 0 : i32
    %c0_i32_1 = arith.constant 0 : i32
    return %c0_i32, %c0_i32_0 : i32, i32
  }
  func.func @transform_7(%arg0: i32) -> (i32, i32) {
    %c0_i32 = arith.constant 0 : i32
    %c0_i32_0 = arith.constant 0 : i32
    %c0_i32_1 = arith.constant 0 : i32
    return %c0_i32, %c0_i32_0 : i32, i32
  }
}

</mosaic_0001>

<sc_bundles>
// kernel: kernel.14.cloned.1.call-start
scs
__scs_entry_jumppad:
0x0: {  	(pc) =	sbr.rel $0x88, $3  }
0x1: {  	(tag) =	ssettag $0x0;
	lr =	simm.s32 $0x1  }
0x2: {  	[smem:$0x3F94] =	sst lr;
	_ =	strace $0xD0000000  }
0x3: {  	_ = 	snop  }
0x4: {  	_ = 	snop  }
0x5: {  	_ = 	snop  }
0x6: {  	_ = 	snop  }
0x7: {  	_ = 	snop  }
__scs_overlays_trampoline_lowered:
0x8: {  	[smem:$0x3FA3] =	sst s0  }
0x9: {  	[smem:$0x3FA4] =	sst s1  }
0xa: {  	[smem:$0x3FA5] =	sst s2  }
0xb: {  	[smem:$0x3FA6] =	sst s3  }
0xc: {  	[smem:$0x3FA7] =	sst s4  }
0xd: {  	[smem:$0x3FA8] =	sst s5  }
0xe: {  	[smem:$0x3FA9] =	sst s6  }
0xf: {  	[smem:$0x3FAA] =	sst s7  }
0x10: {  	[smem:$0x3FAB] =	sst s8  }
0x11: {  	[smem:$0x3FAC] =	sst s9;
	s0 =	simm.s32 @!p0 $0x0  }
0x12: {  	s1 =	sld [smem:$0x3F92];
	s0 =	simm.s32 @p0 $0x1  }
0x13: {  	[smem:$0x3FAD] =	sst s0;
	s0 =	simm.s32 @!p1 $0x0  }
0x14: {  	s2 =	sld [smem:$0x3F91];
	s0 =	simm.s32 @p1 $0x1  }
0x15: {  	[smem:$0x3FAE] =	sst s0;
	s0 =	simm.s32 @!p2 $0x0  }
0x16: {  	s3 =	sld [smem:$0x3FDB];
	s0 =	simm.s32 @p2 $0x1  }
0x17: {  	s4 =	simm.s32 $0x1BF5;
	[smem:$0x3FB0] =	sst s0  }
0x18: {  	s0 =	sld [smem:$0x3F93];
	_ =	swait.ge [sflag:s4], $0x0  }
0x19: {  	s7 =	sld [smem:$0x3F94]  }
0x1a: {  	s8 =	sadd.s32 $0xFFFFE003, lr  }
0x1b: {  	s9 =	sadd.s32 $0xFFFFFEF7, lr;
	s5 =	simm.s32 $0xFFFFFFFF;
	p2 =	slt.u32 s8, $0xFFFFF086  }
0x1c: {  	p1 =	slt.u32 s9, $0xF7A;
	s5 =	simm.s32 @!p2 $0x0  }
0x1d: {  	s5 =	simm.s32 @p1 $0x1;
	p0 =	seq.s32 s7, s2  }
0x1e: {  	s7 =	smul.u32 @!p0 $0xF7A, s2;
	p2 =	seq.s32 @!p0 s5, $0x0  }
0x1f: {  	s9 =	smul.u32 $0xF7A, s1;
	s8 =	simm.s32 @!p0 $0x1BF5;
	p2 =	por !p2, p0  }
0x20: {  	[sflag:s8] =	ssyncset.s32 @!p0 $0xFFFFF086;
	s6 =	sadd.s32 @!p0 s3, s7;
	s7 =	simm.s32 @!p0 $0x108  }
0x21: {  	s3 =	sadd.s32 s3, s9;
	s6 =	sadd.s32 @!p0 $0x88, s6;
	s7 =	simm.s32 @p2 $0x1082  }
0x22: {  	[simem:s7], [sflag:s8] =	dma.local @!p0 [hbm:s6], $0xF7A  }
0x23: {  	s9 =	sor.u32 $0xD0000000, s2;
	s6 =	simm.s32 $0x108;
	_ =	swait.ge @!p0 [sflag:s8], $0x0  }
0x24: {  	s3 =	sadd.s32 $0x88, s3;
	s6 =	simm.s32 @!p1 $0x1082;
	[sflag:s4] =	ssyncset.s32 $0xFFFFF086  }
0x25: {  	[simem:s6], [sflag:s4] =	dma.local [hbm:s3], $0xF7A  }
0x26: {  	[smem:$0x3F94] =	sst s1;
	(tag) =	ssettag s2;
	_ =	strace s9  }
0x27: {  	s1 =	sld [smem:$0x3FA4]  }
0x28: {  	s2 =	sld [smem:$0x3FA5]  }
0x29: {  	s4 =	sld [smem:$0x3FA7]  }
0x2a: {  	p0 =	seq.s32 s5, $0x0;
	s5 =	sld [smem:$0x3FA8]  }
0x2b: {  	s6 =	sld [smem:$0x3FA9]  }
0x2c: {  	s7 =	sld [smem:$0x3FAA]  }
0x2d: {  	s3 =	simm.s32 $0x108;
	s8 =	sld [smem:$0x3FAB]  }
0x2e: {  	s3 =	simm.s32 @!p0 $0x1082;
	s9 =	sld [smem:$0x3FAC]  }
0x2f: {  	lr =	sadd.s32 s0, s3;
	s0 =	sld [smem:$0x3FA3]  }
0x30: {  	s3 =	sld [smem:$0x3FA6]  }
0x31: {  	[smem:$0x3FAF] =	sst s10  }
0x32: {  	s10 =	sld [smem:$0x3FAD];
	_ =	sdelay $0x3  }
0x33: {  	p0 =	seq.s32 s10, $0x1;
	s10 =	sld [smem:$0x3FAF];
	_ =	sdelay $0x3  }
0x34: {  	[smem:$0x3FAF] =	sst s10  }
0x35: {  	s10 =	sld [smem:$0x3FAE];
	_ =	sdelay $0x3  }
0x36: {  	p1 =	seq.s32 s10, $0x1;
	s10 =	sld [smem:$0x3FAF];
	_ =	sdelay $0x3  }
0x37: {  	[smem:$0x3FAF] =	sst s10  }
0x38: {  	s10 =	sld [smem:$0x3FB0]  }
0x39: {  	_ = 	snop;
	(pc) =	sbr.ind lr, $3  }
0x3a: {  	_ = 	snop  }
0x3b: {  	_ = 	snop  }
0x3c: {  	p2 =	seq.s32 s10, $0x1;
	s10 =	sld [smem:$0x3FAF]  }
0x3d: {  	_ =	shalt  }
0x3e: {  	_ =	shalt  }
0x3f: {  	_ =	shalt  }
0x40: {  	_ =	shalt  }
0x41: {  	_ =	shalt  }
0x42: {  	_ =	shalt  }
0x43: {  	_ =	shalt  }
0x44: {  	_ =	shalt  }
0x45: {  	_ =	shalt  }
0x46: {  	_ =	shalt  }
0x47: {  	_ =	shalt  }
0x48: {  	_ =	shalt  }
0x49: {  	_ =	shalt  }
0x4a: {  	_ =	shalt  }
0x4b: {  	_ =	shalt  }
0x4c: {  	_ =	shalt  }
0x4d: {  	_ =	shalt  }
0x4e: {  	_ =	shalt  }
0x4f: {  	_ =	shalt  }
0x50: {  	_ =	shalt  }
0x51: {  	_ =	shalt  }
0x52: {  	_ =	shalt  }
0x53: {  	_ =	shalt  }
0x54: {  	_ =	shalt  }
0x55: {  	_ =	shalt  }
0x56: {  	_ =	shalt  }
0x57: {  	_ =	shalt  }
0x58: {  	_ =	shalt  }
0x59: {  	_ =	shalt  }
0x5a: {  	_ =	shalt  }
0x5b: {  	_ =	shalt  }
0x5c: {  	_ =	shalt  }
0x5d: {  	_ =	shalt  }
0x5e: {  	_ =	shalt  }
0x5f: {  	_ =	shalt  }
0x60: {  	_ =	shalt  }
0x61: {  	_ =	shalt  }
0x62: {  	_ =	shalt  }
0x63: {  	_ =	shalt  }
0x64: {  	_ =	shalt  }
0x65: {  	_ =	shalt  }
0x66: {  	_ =	shalt  }
0x67: {  	_ =	shalt  }
0x68: {  	_ =	shalt  }
0x69: {  	_ =	shalt  }
0x6a: {  	_ =	shalt  }
0x6b: {  	_ =	shalt  }
0x6c: {  	_ =	shalt  }
0x6d: {  	_ =	shalt  }
0x6e: {  	_ =	shalt  }
0x6f: {  	_ =	shalt  }
0x70: {  	_ =	shalt  }
0x71: {  	_ =	shalt  }
0x72: {  	_ =	shalt  }
0x73: {  	_ =	shalt  }
0x74: {  	_ =	shalt  }
0x75: {  	_ =	shalt  }
0x76: {  	_ =	shalt  }
0x77: {  	_ =	shalt  }
0x78: {  	_ =	shalt  }
0x79: {  	_ =	shalt  }
0x7a: {  	_ =	shalt  }
0x7b: {  	_ =	shalt  }
0x7c: {  	_ =	shalt  }
0x7d: {  	_ =	shalt  }
0x7e: {  	_ =	shalt  }
0x7f: {  	_ =	shalt  }
0x80: {  	_ =	shalt  }
0x81: {  	_ =	shalt  }
0x82: {  	_ =	shalt  }
0x83: {  	_ =	shalt  }
0x84: {  	_ =	shalt  }
0x85: {  	_ =	shalt  }
0x86: {  	_ =	shalt  }
0x87: {  	_ =	shalt  }
.Lfunc_end0:
.L_simem_size_0:
called_computation_lowered:
.L_overlay_start_0:
0x88: {  	s2 =	sld [smem:$0x3FD9]  }
0x89: {  	s3 =	sld [smem:$0x3FFE];
	_ =	sdelay $0x1  }
0x8a: {  	s1 =	srdreg.scid  }
0x8b: {  	s0 =	sand.u32 $0x1, s1  }
0x8c: {  	s17 =	sshll.u32 s0, $0xA;
	s2 =	sadd.s32 s3, s2  }
0x8d: {  	s2 =	sadd.s32 s2, s17  }
0x8e: {  	[smem:$0x3FBB] =	sst s2  }
0x8f: {  	_ = 	snop  }
0x90: {  	s18 =	sld [smem:$0x3FD0];
	(tm) =	ssettm $0x1  }
0x91: {  	s19 =	sld [smem:$0x3FFB];
	_ =	sdelay $0x3  }
0x92: {  	_ =	strace s19  }
0x93: {  	s2 =	sld [smem:$0x3FFC];
	_ =	sdelay $0x3  }
0x94: {  	_ =	strace s2  }
0x95: {  	s2 =	sld [smem:$0x3FFD];
	_ =	sdelay $0x3  }
0x96: {  	_ =	strace s2  }
0x97: {  	_ =	strace $0x8FFFFFFF  }
0x98: {  	s20 =	sld [smem:$0x3FDB];
	_ =	sdelay $0x1  }
0x99: {  	s4 =	simm.s32 $_scs_section_size  }
0x9a: {  	s5 =	simm.s32 $_size__tile_overlayer_lowered;
	s6 =	simm.s32 $_tile_overlayer_lowered  }
0x9b: {  	s7 =	simm.s32 $0x1BFF;
	s21 =	sshll.u32 s6, $0x1;
	s4 =	sadd.s32 s4, s20  }
0x9c: {  	s22 =	simm.s32 $0x0;
	s5 =	sshll.u32 s5, $0x1;
	s6 =	sadd.s32 s21, s4  }
0x9d: {  	[timem:s22], [sflag:s7] =	dma.local [hbm:s6], s5  }
0x9e: {  	_ =	swait.ge [sflag:s7], s5  }
0x9f: {  	s5 =	ssub.s32 $0x0, s5;
	[sflag:s7] =	ssyncset.done $0x0  }
0xa0: {  	[sflag:s7] =	ssyncadd.s32 s5;
	_ =	sdelay $0x1  }
0xa1: {  	s23 =	simm.s32 $0x1B8B  }
0xa2: {  	_ =	swait.ge [sflag:s23], $0x1  }
0xa3: {  	[sflag:s23] =	ssyncset.done $0x0  }
0xa4: {  	[sflag:s23] =	ssyncadd.s32 $0xFFFFFFFF  }
0xa5: {  	s5 =	sld [smem:$0x0]  }
0xa6: {  	s6 =	sand.u32 $0xFFFFFFFE, s1  }
0xa7: {  	p0 =	sne.s32 s1, s6  }
0xa8: {  	s6 =	sshll.u32 @p0 s6, $0xE  }
0xa9: {  	s6 =	sadd.s32 @p0 $0x11B8D, s6;
	s7 =	sshll.u32 @p0 s5, $0x11  }
0xaa: {  	s6 =	sor.u32 @p0 s7, s6  }
0xab: {  	[sflag:s6] =	ssyncadd.remote.s32 @p0 $0x1;
	_ =	sdelay $0x1  }
0xac: {  	s6 =	simm.s32 @p0 $0x1B8D  }
0xad: {  	_ =	swait.eq @p0 [sflag:s6], $0x1  }
0xae: {  	[sflag:s6] =	ssyncadd.s32 @p0 $0xFFFFFFFF  }
0xaf: {  	s7 =	sshll.u32 @!p0 s1, $0xE  }
0xb0: {  	s7 =	sor.u32 @!p0 $0x4000, s7;
	s6 =	simm.s32 @!p0 $0x1B8D  }
0xb1: {  	s5 =	sshll.u32 @!p0 s5, $0x11;
	s7 =	sadd.s32 @!p0 $0x11B8D, s7;
	_ =	swait.eq @!p0 [sflag:s6], $0x1  }
0xb2: {  	s5 =	sor.u32 @!p0 s5, s7;
	[sflag:s6] =	ssyncadd.s32 @!p0 $0xFFFFFFFF  }
0xb3: {  	s25 =	simm.s32 $0x1B8E;
	s24 =	sld [smem:$0x3FFE];
	[sflag:s5] =	ssyncadd.remote.s32 @!p0 $0x1  }
0xb4: {  	s26 =	simm.s32 $execute0_lowered;
	[smem:$0x3FD2] =	sst s25  }
0xb5: {  	s6 =	sshll.u32 s26, $0x1;
	_ =	strace $0x80000052;
	[dreg:$0x1] =	wrdreg $0xFFFFFFFF  }
0xb6: {  	s28 =	simm.s32 $_size_execute0_lowered;
	s4 =	sadd.s32 s4, s6;
	[dreg:$0x0] =	wrdreg $0x0  }
0xb7: {  	s6 =	sshll.u32 s28, $0x1;
	[dreg:$0x2] =	wrdreg s4  }
0xb8: {  	[dreg:$0x3] =	wrdreg s6  }
0xb9: {  	[dreg:$0x4] =	wrdreg $0xC0  }
0xba: {  	_ =	task [dreg:s22], $0x5FFFF  }
0xbb: {  	[dreg:$0x1] =	wrdreg $0xFFFFFFFF  }
0xbc: {  	[dreg:$0x0] =	wrdreg $0x60  }
0xbd: {  	[dreg:$0x2] =	wrdreg s18  }
0xbe: {  	[dreg:$0x3] =	wrdreg s24  }
0xbf: {  	[dreg:$0x4] =	wrdreg $0x9  }
0xc0: {  	_ =	task.clear_ibuf [dreg:s22], $0x5FFFF;
	_ =	strace $0x90000052  }
0xc1: {  	s29 =	simm.s32 $0x9;
	_ =	strace $0x80000054  }
0xc2: {  	_ =	swait.ge [sflag:s29], $0x1  }
0xc3: {  	[sflag:s29] =	ssyncadd.s32 $0xFFFFFFFF  }
0xc4: {  	_ =	strace $0x90000054  }
0xc5: {  	_ =	sfence  }
0xc6: {  	s30 =	sld [smem:$0x0];
	_ =	sdelay $0x2  }
0xc7: {  	s31 =	sshll.u32 s1, $0xD;
	s1 =	sshrl.u32 s1, $0x2  }
0xc8: {  	s4 =	sand.u32 $0x4000, s31;
	s1 =	sadd.s32 s1, s30  }
0xc9: {  	s0 =	sor.u32 s4, s0;
	s1 =	sshll.u32 s1, $0x11  }
0xca: {  	s0 =	sor.u32 s1, s0  }
0xcb: {  	s0 =	sadd.s32 $0x8F2B, s0  }
0xcc: {  	[sflag:s0] =	ssyncadd.remote.s32 $0x1  }
0xcd: {  	_ =	sfence.sel $0xFFFF  }
0xce: {  	[dreg:$0x0] =	wrdreg $0xFFFFFFFF;
	(pc) =	sbr.abs _section_cstart, $3  }
0xcf: {  	[dreg:$0x1] =	wrdreg $0xFFFFFFFF  }
0xd0: {  	_ =	task.clear_ibuf [dreg:s22], $0x2FFFF;
	_ =	strace $0x9FFFFFFF  }
0xd1: {  	(tm) =	ssettm $0x7FFFFFFF  }
tec
execute0_lowered:
.L_overlay_start_1:
0x0: {  	(tag) =	ssettag $0x1  }
0x1: {  	s2 =	rddreg [dreg:$0x0];
	s0 =	srdreg.scid  }
0x2: {  	s10 =	stileid.u32;
	s1 =	rddreg [dreg:$0x1]  }
0x3: {  	s3 =	simm.s32 $0x0;
	s12 =	simm.s32 $0x9;
	s13 =	simm.s32 $0x50  }
0x4: {  	s14 =	simm.s32 $0x800;
	s15 =	simm.s32 $0x3000;
	s16 =	simm.s32 $0x1  }
0x5: {  	s18 =	simm.s32 $0x5800;
	s19 =	simm.s32 $0x2;
	s21 =	simm.s32 $0x8000  }
0x6: {  	s28 =	simm.s32 $0x190;
	s29 =	simm.s32 $0x7;
	s30 =	simm.s32 $0x8  }
0x7: {  	s0 =	sand.u32 $0x1, s0;
	s4 =	sshll.u32 s10, $0x1;
	s10 =	smul.u32 $0xFA00, s10  }
0x8: {  	s5 =	sor.u32 s0, s4;
	s7 =	ssub.s32 $0x2, s0;
	s0 =	smul.u32 $0x7D00, s0  }
0x9: {  	s31 =	simm.s32 $0x0;
	[smem:$0x7FF] =	sst s3;
	s6 =	smul.u32 $0x7D0, s5  }
0xa: {  	_ =	strace $0x80000053;
	s8 =	smul.u32 $0x3E800, s5;
	s9 =	sshrl.u32 s7, $0x1  }
0xb: {  	s25 =	smul.u32 $0x7D00, s5;
	s7 =	ssub.s32 s7, s9;
	s22 =	sshrl.u32 s6, $0x3  }
0xc: {  	s8 =	sshrl.u32 s8, $0x3;
	s23 =	sshll.u32 s6, $0x4;
	s6 =	smax.u32 s7, $0x1  }
0xd: {  	s4 =	sadd.s32 s22, s1;
	s1 =	sadd.s32 $0x450E00, s1;
	s22 =	simm.s32 $0x3  }
.Ltmp0:
0xe: {  	s4 =	sadd.s32 $0x2C00, s4;
	s24 =	sadd.s32 s1, s8;
	(pc) =	sbr.rel .LBB2_1-.Ltmp0, $4  }
0xf: {  	s7 =	sadd.s32 s1, s25;
	s26 =	sadd.s32 s1, s23;
	s1 =	sadd.s32 s10, s1  }
0x10: {  	s23 =	simm.s32 $0x5;
	s25 =	simm.s32 $0x4;
	s5 =	sadd.s32 $0x7800, s24  }
0x11: {  	s8 =	sadd.s32 $0x500, s26;
	s9 =	sadd.s32 $0xA00, s7;
	s10 =	sadd.s32 $0xF00, s7  }
0x12: {  	s11 =	sadd.s32 s0, s1;
	s24 =	simm.s32 $0x140;
	s26 =	simm.s32 $0x6  }
.LBB2_4:
0x13: {  	_ =	swait.ge [sflag:s16], $0x2800  }
0x14: {  	[sflag:s16] =	ssyncset.done $0x0  }
0x15: {  	[sflag:s16] =	ssyncadd.s32 $0xFFFFD800  }
0x16: {  	[hbm4b:s5+s3] =	stream.linear.scatter [tilespmem:s14], [sflag:$0x5], $0x2800, $0x38;
	[tilespmem:$0xA800] =	vst v63  }
0x17: {  	_ =	swait.ge [sflag:s26], $0x2800  }
0x18: {  	[sflag:s26] =	ssyncset.done $0x0  }
0x19: {  	[sflag:s26] =	ssyncadd.s32 $0xFFFFD800  }
0x1a: {  	_ =	swait.ge [sflag:s29], $0x2800  }
0x1b: {  	[sflag:s29] =	ssyncset.done $0x0  }
0x1c: {  	s31 =	sadd.s32 $0x1, s31;
	[sflag:s29] =	ssyncadd.s32 $0xFFFFD800  }
0x1d: {  	p0 =	sne.s32 s31, s6;
	_ =	swait.ge [sflag:s30], $0x2800  }
.Ltmp1:
0x1e: {  	[sflag:s30] =	ssyncset.done $0x0;
	(pc) =	sbr.rel @!p0 .LBB2_5-.Ltmp1, $4  }
0x1f: {  	[sflag:s30] =	ssyncadd.s32 $0xFFFFD800  }
0x20: {  	_ =	swait.ge [sflag:s23], $0x2800  }
0x21: {  	[sflag:s23] =	ssyncset.done $0x0  }
0x22: {  	[sflag:s23] =	ssyncadd.s32 $0xFFFFD800  }
.LBB2_1:
0x23: {  	[tilespmem:s3], [sflag:$0x9] =	stream.linear.gather [hbm4b:s4+s3], $0x7D0, $0x38;
	[tilespmem:$0xA800] =	vst v63  }
0x24: {  	_ =	swait.ge [sflag:s12], $0x7D0  }
0x25: {  	[sflag:s12] =	ssyncset.done $0x0  }
0x26: {  	[sflag:s12] =	ssyncadd.s32 $0xFFFFF830  }
0x27: {  	[tilespmem:s14], [sflag:$0x1] =	stream.indirect.gather [hbm4b:s2+s13], $0x80, s3, s13, $0xb8;
	[tilespmem:$0xA800] =	vst v63  }
0x28: {  	_ = 	snop  }
0x29: {  	[tilespmem:s15], [sflag:$0x2] =	stream.indirect.gather [hbm4b:s2+s13], $0x80, s13, s13, $0xb8;
	[tilespmem:$0xA800] =	vst v63  }
0x2a: {  	_ =	swait.ge [sflag:s16], $0x2800  }
0x2b: {  	[sflag:s16] =	ssyncset.done $0x0  }
0x2c: {  	[sflag:s16] =	ssyncadd.s32 $0xFFFFD800  }
0x2d: {  	[hbm4b:s7+s3] =	stream.linear.scatter [tilespmem:s14], [sflag:$0x5], $0x2800, $0x38;
	[tilespmem:$0xA800] =	vst v63  }
0x2e: {  	s0 =	simm.s32 $0xA0  }
0x2f: {  	[tilespmem:s18], [sflag:$0x3] =	stream.indirect.gather [hbm4b:s2+s13], $0x80, s0, s13, $0xb8;
	[tilespmem:$0xA800] =	vst v63  }
0x30: {  	_ =	swait.ge [sflag:s19], $0x2800  }
0x31: {  	[sflag:s19] =	ssyncset.done $0x0  }
0x32: {  	[sflag:s19] =	ssyncadd.s32 $0xFFFFD800  }
0x33: {  	[hbm4b:s8+s3] =	stream.linear.scatter [tilespmem:s15], [sflag:$0x6], $0x2800, $0x38;
	[tilespmem:$0xA800] =	vst v63  }
0x34: {  	s20 =	simm.s32 $0xF0  }
0x35: {  	[tilespmem:s21], [sflag:$0x4] =	stream.indirect.gather [hbm4b:s2+s13], $0x80, s20, s13, $0xb8;
	[tilespmem:$0xA800] =	vst v63  }
0x36: {  	_ =	swait.ge [sflag:s22], $0x2800  }
0x37: {  	[sflag:s22] =	ssyncset.done $0x0  }
0x38: {  	[sflag:s22] =	ssyncadd.s32 $0xFFFFD800  }
0x39: {  	[hbm4b:s9+s3] =	stream.linear.scatter [tilespmem:s18], [sflag:$0x7], $0x2800, $0x38;
	[tilespmem:$0xA800] =	vst v63  }
0x3a: {  	_ =	swait.ge [sflag:s23], $0x2800  }
0x3b: {  	[sflag:s23] =	ssyncset.done $0x0  }
0x3c: {  	[sflag:s23] =	ssyncadd.s32 $0xFFFFD800  }
0x3d: {  	[tilespmem:s14], [sflag:$0x1] =	stream.indirect.gather [hbm4b:s2+s13], $0x80, s24, s13, $0xb8;
	[tilespmem:$0xA800] =	vst v63  }
0x3e: {  	_ =	swait.ge [sflag:s25], $0x2800  }
0x3f: {  	[sflag:s25] =	ssyncset.done $0x0  }
0x40: {  	[sflag:s25] =	ssyncadd.s32 $0xFFFFD800  }
0x41: {  	[hbm4b:s10+s3] =	stream.linear.scatter [tilespmem:s21], [sflag:$0x8], $0x2800, $0x38;
	[tilespmem:$0xA800] =	vst v63  }
0x42: {  	_ =	swait.ge [sflag:s26], $0x2800  }
0x43: {  	[sflag:s26] =	ssyncset.done $0x0  }
0x44: {  	s1 =	simm.s32 $0x2D0;
	s0 =	simm.s32 $0x0;
	[sflag:s26] =	ssyncadd.s32 $0xFFFFD800  }
0x45: {  	[tilespmem:s15], [sflag:$0x2] =	stream.indirect.gather [hbm4b:s2+s13], $0x80, s28, s13, $0xb8;
	[tilespmem:$0xA800] =	vst v63  }
.LBB2_2:
0x46: {  	_ =	swait.ge [sflag:s16], $0x2800  }
0x47: {  	s17 =	sadd.s32 s0, s11;
	[sflag:s16] =	ssyncset.done $0x0  }
0x48: {  	s20 =	sadd.s32 $0x1400, s17;
	[sflag:s16] =	ssyncadd.s32 $0xFFFFD800  }
0x49: {  	[hbm4b:s20+s3] =	stream.linear.scatter [tilespmem:s14], [sflag:$0x5], $0x2800, $0x38;
	[tilespmem:$0xA800] =	vst v63  }
0x4a: {  	_ =	swait.ge [sflag:s29], $0x2800  }
0x4b: {  	[sflag:s29] =	ssyncset.done $0x0  }
0x4c: {  	s20 =	sadd.s32 $0xFFFFFF10, s1;
	[sflag:s29] =	ssyncadd.s32 $0xFFFFD800  }
0x4d: {  	[tilespmem:s18], [sflag:$0x3] =	stream.indirect.gather [hbm4b:s2+s13], $0x80, s20, s13, $0xb8;
	[tilespmem:$0xA800] =	vst v63  }
0x4e: {  	_ =	swait.ge [sflag:s19], $0x2800  }
0x4f: {  	[sflag:s19] =	ssyncset.done $0x0  }
0x50: {  	s20 =	sadd.s32 $0x1900, s17;
	[sflag:s19] =	ssyncadd.s32 $0xFFFFD800  }
0x51: {  	[hbm4b:s20+s3] =	stream.linear.scatter [tilespmem:s15], [sflag:$0x6], $0x2800, $0x38;
	[tilespmem:$0xA800] =	vst v63  }
0x52: {  	_ =	swait.ge [sflag:s30], $0x2800  }
0x53: {  	[sflag:s30] =	ssyncset.done $0x0  }
0x54: {  	s20 =	sadd.s32 $0xFFFFFF60, s1;
	[sflag:s30] =	ssyncadd.s32 $0xFFFFD800  }
0x55: {  	[tilespmem:s21], [sflag:$0x4] =	stream.indirect.gather [hbm4b:s2+s13], $0x80, s20, s13, $0xb8;
	[tilespmem:$0xA800] =	vst v63  }
0x56: {  	_ =	swait.ge [sflag:s22], $0x2800  }
0x57: {  	[sflag:s22] =	ssyncset.done $0x0  }
0x58: {  	s20 =	sadd.s32 $0x1E00, s17;
	[sflag:s22] =	ssyncadd.s32 $0xFFFFD800  }
0x59: {  	[hbm4b:s20+s3] =	stream.linear.scatter [tilespmem:s18], [sflag:$0x7], $0x2800, $0x38;
	[tilespmem:$0xA800] =	vst v63  }
0x5a: {  	_ =	swait.ge [sflag:s23], $0x2800  }
0x5b: {  	[sflag:s23] =	ssyncset.done $0x0  }
0x5c: {  	p0 =	seq.s32 s0, $0x5000;
	s20 =	sadd.s32 $0xFFFFFFB0, s1;
	[sflag:s23] =	ssyncadd.s32 $0xFFFFD800  }
0x5d: {  	[tilespmem:s14], [sflag:$0x1] =	stream.indirect.gather [hbm4b:s2+s13], $0x80, s20, s13, $0xb8;
	[tilespmem:$0xA800] =	vst v63  }
.Ltmp2:
0x5e: {  	_ = 	snop;
	(pc) =	sbr.rel @p0 .LBB2_4-.Ltmp2, $4  }
0x5f: {  	_ =	swait.ge [sflag:s25], $0x2800  }
0x60: {  	[sflag:s25] =	ssyncset.done $0x0  }
0x61: {  	s17 =	sadd.s32 $0x2300, s17;
	[sflag:s25] =	ssyncadd.s32 $0xFFFFD800  }
0x62: {  	[hbm4b:s17+s3] =	stream.linear.scatter [tilespmem:s21], [sflag:$0x8], $0x2800, $0x38;
	[tilespmem:$0xA800] =	vst v63  }
.Ltmp3:
0x63: {  	_ =	swait.ge [sflag:s26], $0x2800;
	(pc) =	sbr.rel .LBB2_2-.Ltmp3, $4  }
0x64: {  	[sflag:s26] =	ssyncset.done $0x0  }
0x65: {  	[sflag:s26] =	ssyncadd.s32 $0xFFFFD800  }
0x66: {  	[tilespmem:s15], [sflag:$0x2] =	stream.indirect.gather [hbm4b:s2+s13], $0x80, s1, s13, $0xb8;
	[tilespmem:$0xA800] =	vst v63  }
0x67: {  	s0 =	sadd.s32 $0x1400, s0;
	s1 =	sadd.s32 $0x140, s1  }
.LBB2_5:
0x68: {  	_ =	sfence.sel $0x180000  }
0x69: {  	[bflag:$0x0] =	sbarrier.arrive $0xFFFF  }
0x6a: {  	_ =	strace $0x90000053  }
0x6b: {  	s0 =	stileid.u32;
	[bflag:$0x2] =	sbarrier.arrive $0xFFFF  }
0x6c: {  	p0 =	sne.s32 s0, $0x0;
	s0 =	rddreg [dreg:$0x2]  }
0x6d: {  	s0 =	sadd.s32 @!p0 $0x100000, s0  }
0x6e: {  	[sflag:s0] =	ssyncadd.tile.s32 @!p0 $0x1;
	_ =	shalt  }
.Lfunc_end2:
_tile_overlayer_lowered:
.L_overlay_start_2:
0x6f: {  	(tag) =	ssettag $0x2  }
0x70: {  	s0 =	rddreg [dreg:$0x0];
	s2 =	stileid.u32  }
0x71: {  	s1 =	rddreg [dreg:$0x1];
	p0 =	sne.s32 s2, $0x0  }
0x72: {  	s3 =	rddreg [dreg:$0x2];
	[bflag:$0x3] =	sbarrier.arrive $0xFFFF;
	s2 =	simm.s32 @!p0 $0x1C09  }
0x73: {  	[timem:s3], [sflag:s2] =	dma.local @!p0 [hbm:s0], s1  }
0x74: {  	s0 =	simm.s32 @!p0 $0x9  }
0x75: {  	_ =	swait.ge @!p0 [sflag:s0], s1  }
0x76: {  	s1 =	ssub.s32 @!p0 $0x0, s1;
	[sflag:s0] =	ssyncset.done @!p0 $0x0  }
0x77: {  	[sflag:s0] =	ssyncadd.s32 @!p0 s1  }
0x78: {  	[bflag:$0x3] =	sbarrier.arrive $0xFFFF  }
0x79: {  	_ =	shalt  }

// kernel: kernel.17.cloned.1.call-start
scs
__scs_entry_jumppad:
0x0: {  	(pc) =	sbr.rel $0x88, $3  }
0x1: {  	(tag) =	ssettag $0x0;
	lr =	simm.s32 $0x1  }
0x2: {  	[smem:$0x3F94] =	sst lr;
	_ =	strace $0xD0000000  }
0x3: {  	_ = 	snop  }
0x4: {  	_ = 	snop  }
0x5: {  	_ = 	snop  }
0x6: {  	_ = 	snop  }
0x7: {  	_ = 	snop  }
__scs_overlays_trampoline_lowered:
0x8: {  	[smem:$0x3FA3] =	sst s0  }
0x9: {  	[smem:$0x3FA4] =	sst s1  }
0xa: {  	[smem:$0x3FA5] =	sst s2  }
0xb: {  	[smem:$0x3FA6] =	sst s3  }
0xc: {  	[smem:$0x3FA7] =	sst s4  }
0xd: {  	[smem:$0x3FA8] =	sst s5  }
0xe: {  	[smem:$0x3FA9] =	sst s6  }
0xf: {  	[smem:$0x3FAA] =	sst s7  }
0x10: {  	[smem:$0x3FAB] =	sst s8  }
0x11: {  	[smem:$0x3FAC] =	sst s9;
	s0 =	simm.s32 @!p0 $0x0  }
0x12: {  	s1 =	sld [smem:$0x3F92];
	s0 =	simm.s32 @p0 $0x1  }
0x13: {  	[smem:$0x3FAD] =	sst s0;
	s0 =	simm.s32 @!p1 $0x0  }
0x14: {  	s2 =	sld [smem:$0x3F91];
	s0 =	simm.s32 @p1 $0x1  }
0x15: {  	[smem:$0x3FAE] =	sst s0;
	s0 =	simm.s32 @!p2 $0x0  }
0x16: {  	s3 =	sld [smem:$0x3FDB];
	s0 =	simm.s32 @p2 $0x1  }
0x17: {  	s4 =	simm.s32 $0x1BF5;
	[smem:$0x3FB0] =	sst s0  }
0x18: {  	s0 =	sld [smem:$0x3F93];
	_ =	swait.ge [sflag:s4], $0x0  }
0x19: {  	s7 =	sld [smem:$0x3F94]  }
0x1a: {  	s8 =	sadd.s32 $0xFFFFE003, lr  }
0x1b: {  	s9 =	sadd.s32 $0xFFFFFEF7, lr;
	s5 =	simm.s32 $0xFFFFFFFF;
	p2 =	slt.u32 s8, $0xFFFFF086  }
0x1c: {  	p1 =	slt.u32 s9, $0xF7A;
	s5 =	simm.s32 @!p2 $0x0  }
0x1d: {  	s5 =	simm.s32 @p1 $0x1;
	p0 =	seq.s32 s7, s2  }
0x1e: {  	s7 =	smul.u32 @!p0 $0xF7A, s2;
	p2 =	seq.s32 @!p0 s5, $0x0  }
0x1f: {  	s9 =	smul.u32 $0xF7A, s1;
	s8 =	simm.s32 @!p0 $0x1BF5;
	p2 =	por !p2, p0  }
0x20: {  	[sflag:s8] =	ssyncset.s32 @!p0 $0xFFFFF086;
	s6 =	sadd.s32 @!p0 s3, s7;
	s7 =	simm.s32 @!p0 $0x108  }
0x21: {  	s3 =	sadd.s32 s3, s9;
	s6 =	sadd.s32 @!p0 $0x88, s6;
	s7 =	simm.s32 @p2 $0x1082  }
0x22: {  	[simem:s7], [sflag:s8] =	dma.local @!p0 [hbm:s6], $0xF7A  }
0x23: {  	s9 =	sor.u32 $0xD0000000, s2;
	s6 =	simm.s32 $0x108;
	_ =	swait.ge @!p0 [sflag:s8], $0x0  }
0x24: {  	s3 =	sadd.s32 $0x88, s3;
	s6 =	simm.s32 @!p1 $0x1082;
	[sflag:s4] =	ssyncset.s32 $0xFFFFF086  }
0x25: {  	[simem:s6], [sflag:s4] =	dma.local [hbm:s3], $0xF7A  }
0x26: {  	[smem:$0x3F94] =	sst s1;
	(tag) =	ssettag s2;
	_ =	strace s9  }
0x27: {  	s1 =	sld [smem:$0x3FA4]  }
0x28: {  	s2 =	sld [smem:$0x3FA5]  }
0x29: {  	s4 =	sld [smem:$0x3FA7]  }
0x2a: {  	p0 =	seq.s32 s5, $0x0;
	s5 =	sld [smem:$0x3FA8]  }
0x2b: {  	s6 =	sld [smem:$0x3FA9]  }
0x2c: {  	s7 =	sld [smem:$0x3FAA]  }
0x2d: {  	s3 =	simm.s32 $0x108;
	s8 =	sld [smem:$0x3FAB]  }
0x2e: {  	s3 =	simm.s32 @!p0 $0x1082;
	s9 =	sld [smem:$0x3FAC]  }
0x2f: {  	lr =	sadd.s32 s0, s3;
	s0 =	sld [smem:$0x3FA3]  }
0x30: {  	s3 =	sld [smem:$0x3FA6]  }
0x31: {  	[smem:$0x3FAF] =	sst s10  }
0x32: {  	s10 =	sld [smem:$0x3FAD];
	_ =	sdelay $0x3  }
0x33: {  	p0 =	seq.s32 s10, $0x1;
	s10 =	sld [smem:$0x3FAF];
	_ =	sdelay $0x3  }
0x34: {  	[smem:$0x3FAF] =	sst s10  }
0x35: {  	s10 =	sld [smem:$0x3FAE];
	_ =	sdelay $0x3  }
0x36: {  	p1 =	seq.s32 s10, $0x1;
	s10 =	sld [smem:$0x3FAF];
	_ =	sdelay $0x3  }
0x37: {  	[smem:$0x3FAF] =	sst s10  }
0x38: {  	s10 =	sld [smem:$0x3FB0]  }
0x39: {  	_ = 	snop;
	(pc) =	sbr.ind lr, $3  }
0x3a: {  	_ = 	snop  }
0x3b: {  	_ = 	snop  }
0x3c: {  	p2 =	seq.s32 s10, $0x1;
	s10 =	sld [smem:$0x3FAF]  }
0x3d: {  	_ =	shalt  }
0x3e: {  	_ =	shalt  }
0x3f: {  	_ =	shalt  }
0x40: {  	_ =	shalt  }
0x41: {  	_ =	shalt  }
0x42: {  	_ =	shalt  }
0x43: {  	_ =	shalt  }
0x44: {  	_ =	shalt  }
0x45: {  	_ =	shalt  }
0x46: {  	_ =	shalt  }
0x47: {  	_ =	shalt  }
0x48: {  	_ =	shalt  }
0x49: {  	_ =	shalt  }
0x4a: {  	_ =	shalt  }
0x4b: {  	_ =	shalt  }
0x4c: {  	_ =	shalt  }
0x4d: {  	_ =	shalt  }
0x4e: {  	_ =	shalt  }
0x4f: {  	_ =	shalt  }
0x50: {  	_ =	shalt  }
0x51: {  	_ =	shalt  }
0x52: {  	_ =	shalt  }
0x53: {  	_ =	shalt  }
0x54: {  	_ =	shalt  }
0x55: {  	_ =	shalt  }
0x56: {  	_ =	shalt  }
0x57: {  	_ =	shalt  }
0x58: {  	_ =	shalt  }
0x59: {  	_ =	shalt  }
0x5a: {  	_ =	shalt  }
0x5b: {  	_ =	shalt  }
0x5c: {  	_ =	shalt  }
0x5d: {  	_ =	shalt  }
0x5e: {  	_ =	shalt  }
0x5f: {  	_ =	shalt  }
0x60: {  	_ =	shalt  }
0x61: {  	_ =	shalt  }
0x62: {  	_ =	shalt  }
0x63: {  	_ =	shalt  }
0x64: {  	_ =	shalt  }
0x65: {  	_ =	shalt  }
0x66: {  	_ =	shalt  }
0x67: {  	_ =	shalt  }
0x68: {  	_ =	shalt  }
0x69: {  	_ =	shalt  }
0x6a: {  	_ =	shalt  }
0x6b: {  	_ =	shalt  }
0x6c: {  	_ =	shalt  }
0x6d: {  	_ =	shalt  }
0x6e: {  	_ =	shalt  }
0x6f: {  	_ =	shalt  }
0x70: {  	_ =	shalt  }
0x71: {  	_ =	shalt  }
0x72: {  	_ =	shalt  }
0x73: {  	_ =	shalt  }
0x74: {  	_ =	shalt  }
0x75: {  	_ =	shalt  }
0x76: {  	_ =	shalt  }
0x77: {  	_ =	shalt  }
0x78: {  	_ =	shalt  }
0x79: {  	_ =	shalt  }
0x7a: {  	_ =	shalt  }
0x7b: {  	_ =	shalt  }
0x7c: {  	_ =	shalt  }
0x7d: {  	_ =	shalt  }
0x7e: {  	_ =	shalt  }
0x7f: {  	_ =	shalt  }
0x80: {  	_ =	shalt  }
0x81: {  	_ =	shalt  }
0x82: {  	_ =	shalt  }
0x83: {  	_ =	shalt  }
0x84: {  	_ =	shalt  }
0x85: {  	_ =	shalt  }
0x86: {  	_ =	shalt  }
0x87: {  	_ =	shalt  }
.Lfunc_end0:
.L_simem_size_0:
called_computation.1_lowered:
.L_overlay_start_0:
0x88: {  	s2 =	sld [smem:$0x3FD9]  }
0x89: {  	s3 =	sld [smem:$0x3FFE];
	_ =	sdelay $0x1  }
0x8a: {  	s1 =	srdreg.scid  }
0x8b: {  	s0 =	sand.u32 $0x1, s1  }
0x8c: {  	s17 =	sshll.u32 s0, $0xA;
	s2 =	sadd.s32 s3, s2  }
0x8d: {  	s2 =	sadd.s32 s2, s17  }
0x8e: {  	[smem:$0x3FBB] =	sst s2  }
0x8f: {  	_ = 	snop  }
0x90: {  	s18 =	sld [smem:$0x3FD0];
	(tm) =	ssettm $0x1  }
0x91: {  	s19 =	sld [smem:$0x3FFB];
	_ =	sdelay $0x3  }
0x92: {  	_ =	strace s19  }
0x93: {  	s2 =	sld [smem:$0x3FFC];
	_ =	sdelay $0x3  }
0x94: {  	_ =	strace s2  }
0x95: {  	s2 =	sld [smem:$0x3FFD];
	_ =	sdelay $0x3  }
0x96: {  	_ =	strace s2  }
0x97: {  	_ =	strace $0x8FFFFFFF  }
0x98: {  	s20 =	sld [smem:$0x3FDB];
	_ =	sdelay $0x1  }
0x99: {  	s4 =	simm.s32 $_scs_section_size  }
0x9a: {  	s5 =	simm.s32 $_size__tile_overlayer_lowered;
	s6 =	simm.s32 $_tile_overlayer_lowered  }
0x9b: {  	s7 =	simm.s32 $0x1BFF;
	s21 =	sshll.u32 s6, $0x1;
	s4 =	sadd.s32 s4, s20  }
0x9c: {  	s22 =	simm.s32 $0x0;
	s5 =	sshll.u32 s5, $0x1;
	s6 =	sadd.s32 s21, s4  }
0x9d: {  	[timem:s22], [sflag:s7] =	dma.local [hbm:s6], s5  }
0x9e: {  	_ =	swait.ge [sflag:s7], s5  }
0x9f: {  	s5 =	ssub.s32 $0x0, s5;
	[sflag:s7] =	ssyncset.done $0x0  }
0xa0: {  	[sflag:s7] =	ssyncadd.s32 s5;
	_ =	sdelay $0x1  }
0xa1: {  	s23 =	simm.s32 $0x1B8B  }
0xa2: {  	_ =	swait.ge [sflag:s23], $0x1  }
0xa3: {  	[sflag:s23] =	ssyncset.done $0x0  }
0xa4: {  	[sflag:s23] =	ssyncadd.s32 $0xFFFFFFFF  }
0xa5: {  	s5 =	sld [smem:$0x0]  }
0xa6: {  	s6 =	sand.u32 $0xFFFFFFFE, s1  }
0xa7: {  	p0 =	sne.s32 s1, s6  }
0xa8: {  	s6 =	sshll.u32 @p0 s6, $0xE  }
0xa9: {  	s6 =	sadd.s32 @p0 $0x11B8D, s6;
	s7 =	sshll.u32 @p0 s5, $0x11  }
0xaa: {  	s6 =	sor.u32 @p0 s7, s6  }
0xab: {  	[sflag:s6] =	ssyncadd.remote.s32 @p0 $0x1;
	_ =	sdelay $0x1  }
0xac: {  	s6 =	simm.s32 @p0 $0x1B8D  }
0xad: {  	_ =	swait.eq @p0 [sflag:s6], $0x1  }
0xae: {  	[sflag:s6] =	ssyncadd.s32 @p0 $0xFFFFFFFF  }
0xaf: {  	s7 =	sshll.u32 @!p0 s1, $0xE  }
0xb0: {  	s7 =	sor.u32 @!p0 $0x4000, s7;
	s6 =	simm.s32 @!p0 $0x1B8D  }
0xb1: {  	s5 =	sshll.u32 @!p0 s5, $0x11;
	s7 =	sadd.s32 @!p0 $0x11B8D, s7;
	_ =	swait.eq @!p0 [sflag:s6], $0x1  }
0xb2: {  	s5 =	sor.u32 @!p0 s5, s7;
	[sflag:s6] =	ssyncadd.s32 @!p0 $0xFFFFFFFF  }
0xb3: {  	s25 =	simm.s32 $0x1B8E;
	s24 =	sld [smem:$0x3FFE];
	[sflag:s5] =	ssyncadd.remote.s32 @!p0 $0x1  }
0xb4: {  	s26 =	simm.s32 $execute0_lowered;
	[smem:$0x3FD2] =	sst s25  }
0xb5: {  	s6 =	sshll.u32 s26, $0x1;
	_ =	strace $0x8000004F;
	[dreg:$0x1] =	wrdreg $0xFFFFFFFF  }
0xb6: {  	s28 =	simm.s32 $_size_execute0_lowered;
	s4 =	sadd.s32 s4, s6;
	[dreg:$0x0] =	wrdreg $0x0  }
0xb7: {  	s6 =	sshll.u32 s28, $0x1;
	[dreg:$0x2] =	wrdreg s4  }
0xb8: {  	[dreg:$0x3] =	wrdreg s6  }
0xb9: {  	[dreg:$0x4] =	wrdreg $0xC0  }
0xba: {  	_ =	task [dreg:s22], $0x5FFFF  }
0xbb: {  	[dreg:$0x1] =	wrdreg $0xFFFFFFFF  }
0xbc: {  	[dreg:$0x0] =	wrdreg $0x60  }
0xbd: {  	[dreg:$0x2] =	wrdreg s18  }
0xbe: {  	[dreg:$0x3] =	wrdreg s24  }
0xbf: {  	[dreg:$0x4] =	wrdreg $0xA  }
0xc0: {  	_ =	task.clear_ibuf [dreg:s22], $0x5FFFF;
	_ =	strace $0x9000004F  }
0xc1: {  	s29 =	simm.s32 $0xA;
	_ =	strace $0x80000051  }
0xc2: {  	_ =	swait.ge [sflag:s29], $0x1  }
0xc3: {  	[sflag:s29] =	ssyncadd.s32 $0xFFFFFFFF  }
0xc4: {  	_ =	strace $0x90000051  }
0xc5: {  	_ =	sfence  }
0xc6: {  	s30 =	sld [smem:$0x0];
	_ =	sdelay $0x2  }
0xc7: {  	s31 =	sshll.u32 s1, $0xD;
	s1 =	sshrl.u32 s1, $0x2  }
0xc8: {  	s4 =	sand.u32 $0x4000, s31;
	s1 =	sadd.s32 s1, s30  }
0xc9: {  	s0 =	sor.u32 s4, s0;
	s1 =	sshll.u32 s1, $0x11  }
0xca: {  	s0 =	sor.u32 s1, s0  }
0xcb: {  	s0 =	sadd.s32 $0x8F2B, s0  }
0xcc: {  	[sflag:s0] =	ssyncadd.remote.s32 $0x1  }
0xcd: {  	_ =	sfence.sel $0xFFFF  }
0xce: {  	[dreg:$0x0] =	wrdreg $0xFFFFFFFF;
	(pc) =	sbr.abs _section_cstart, $3  }
0xcf: {  	[dreg:$0x1] =	wrdreg $0xFFFFFFFF  }
0xd0: {  	_ =	task.clear_ibuf [dreg:s22], $0x2FFFF;
	_ =	strace $0x9FFFFFFF  }
0xd1: {  	(tm) =	ssettm $0x7FFFFFFF  }
tec
execute0_lowered:
.L_overlay_start_1:
0x0: {  	(tag) =	ssettag $0x1  }
0x1: {  	s2 =	rddreg [dreg:$0x0];
	s0 =	srdreg.scid  }
0x2: {  	s10 =	stileid.u32;
	s1 =	rddreg [dreg:$0x1]  }
0x3: {  	s3 =	simm.s32 $0x0;
	s12 =	simm.s32 $0x9;
	s13 =	simm.s32 $0x50  }
0x4: {  	s14 =	simm.s32 $0x800;
	s15 =	simm.s32 $0x3000;
	s16 =	simm.s32 $0x1  }
0x5: {  	s18 =	simm.s32 $0x5800;
	s19 =	simm.s32 $0x2;
	s21 =	simm.s32 $0x8000  }
0x6: {  	s28 =	simm.s32 $0x190;
	s29 =	simm.s32 $0x7;
	s30 =	simm.s32 $0x8  }
0x7: {  	s0 =	sand.u32 $0x1, s0;
	s4 =	sshll.u32 s10, $0x1;
	s10 =	smul.u32 $0xFA00, s10  }
0x8: {  	s5 =	sor.u32 s0, s4;
	s7 =	ssub.s32 $0x2, s0;
	s0 =	smul.u32 $0x7D00, s0  }
0x9: {  	s31 =	simm.s32 $0x0;
	[smem:$0x7FF] =	sst s3;
	s6 =	smul.u32 $0x7D0, s5  }
0xa: {  	_ =	strace $0x80000050;
	s8 =	smul.u32 $0x3E800, s5;
	s9 =	sshrl.u32 s7, $0x1  }
0xb: {  	s25 =	smul.u32 $0x7D00, s5;
	s7 =	ssub.s32 s7, s9;
	s22 =	sshrl.u32 s6, $0x3  }
0xc: {  	s8 =	sshrl.u32 s8, $0x3;
	s23 =	sshll.u32 s6, $0x4;
	s6 =	smax.u32 s7, $0x1  }
0xd: {  	s4 =	sadd.s32 s22, s1;
	s1 =	sadd.s32 $0x356E00, s1;
	s22 =	simm.s32 $0x3  }
.Ltmp0:
0xe: {  	s4 =	sadd.s32 $0x18C00, s4;
	s24 =	sadd.s32 s1, s8;
	(pc) =	sbr.rel .LBB2_1-.Ltmp0, $4  }
0xf: {  	s7 =	sadd.s32 s1, s25;
	s26 =	sadd.s32 s1, s23;
	s1 =	sadd.s32 s10, s1  }
0x10: {  	s23 =	simm.s32 $0x5;
	s25 =	simm.s32 $0x4;
	s5 =	sadd.s32 $0x7800, s24  }
0x11: {  	s8 =	sadd.s32 $0x500, s26;
	s9 =	sadd.s32 $0xA00, s7;
	s10 =	sadd.s32 $0xF00, s7  }
0x12: {  	s11 =	sadd.s32 s0, s1;
	s24 =	simm.s32 $0x140;
	s26 =	simm.s32 $0x6  }
.LBB2_4:
0x13: {  	_ =	swait.ge [sflag:s16], $0x2800  }
0x14: {  	[sflag:s16] =	ssyncset.done $0x0  }
0x15: {  	[sflag:s16] =	ssyncadd.s32 $0xFFFFD800  }
0x16: {  	[hbm4b:s5+s3] =	stream.linear.scatter [tilespmem:s14], [sflag:$0x5], $0x2800, $0x38;
	[tilespmem:$0xA800] =	vst v63  }
0x17: {  	_ =	swait.ge [sflag:s26], $0x2800  }
0x18: {  	[sflag:s26] =	ssyncset.done $0x0  }
0x19: {  	[sflag:s26] =	ssyncadd.s32 $0xFFFFD800  }
0x1a: {  	_ =	swait.ge [sflag:s29], $0x2800  }
0x1b: {  	[sflag:s29] =	ssyncset.done $0x0  }
0x1c: {  	s31 =	sadd.s32 $0x1, s31;
	[sflag:s29] =	ssyncadd.s32 $0xFFFFD800  }
0x1d: {  	p0 =	sne.s32 s31, s6;
	_ =	swait.ge [sflag:s30], $0x2800  }
.Ltmp1:
0x1e: {  	[sflag:s30] =	ssyncset.done $0x0;
	(pc) =	sbr.rel @!p0 .LBB2_5-.Ltmp1, $4  }
0x1f: {  	[sflag:s30] =	ssyncadd.s32 $0xFFFFD800  }
0x20: {  	_ =	swait.ge [sflag:s23], $0x2800  }
0x21: {  	[sflag:s23] =	ssyncset.done $0x0  }
0x22: {  	[sflag:s23] =	ssyncadd.s32 $0xFFFFD800  }
.LBB2_1:
0x23: {  	[tilespmem:s3], [sflag:$0x9] =	stream.linear.gather [hbm4b:s4+s3], $0x7D0, $0x38;
	[tilespmem:$0xA800] =	vst v63  }
0x24: {  	_ =	swait.ge [sflag:s12], $0x7D0  }
0x25: {  	[sflag:s12] =	ssyncset.done $0x0  }
0x26: {  	[sflag:s12] =	ssyncadd.s32 $0xFFFFF830  }
0x27: {  	[tilespmem:s14], [sflag:$0x1] =	stream.indirect.gather [hbm4b:s2+s13], $0x80, s3, s13, $0xb8;
	[tilespmem:$0xA800] =	vst v63  }
0x28: {  	_ = 	snop  }
0x29: {  	[tilespmem:s15], [sflag:$0x2] =	stream.indirect.gather [hbm4b:s2+s13], $0x80, s13, s13, $0xb8;
	[tilespmem:$0xA800] =	vst v63  }
0x2a: {  	_ =	swait.ge [sflag:s16], $0x2800  }
0x2b: {  	[sflag:s16] =	ssyncset.done $0x0  }
0x2c: {  	[sflag:s16] =	ssyncadd.s32 $0xFFFFD800  }
0x2d: {  	[hbm4b:s7+s3] =	stream.linear.scatter [tilespmem:s14], [sflag:$0x5], $0x2800, $0x38;
	[tilespmem:$0xA800] =	vst v63  }
0x2e: {  	s0 =	simm.s32 $0xA0  }
0x2f: {  	[tilespmem:s18], [sflag:$0x3] =	stream.indirect.gather [hbm4b:s2+s13], $0x80, s0, s13, $0xb8;
	[tilespmem:$0xA800] =	vst v63  }
0x30: {  	_ =	swait.ge [sflag:s19], $0x2800  }
0x31: {  	[sflag:s19] =	ssyncset.done $0x0  }
0x32: {  	[sflag:s19] =	ssyncadd.s32 $0xFFFFD800  }
0x33: {  	[hbm4b:s8+s3] =	stream.linear.scatter [tilespmem:s15], [sflag:$0x6], $0x2800, $0x38;
	[tilespmem:$0xA800] =	vst v63  }
0x34: {  	s20 =	simm.s32 $0xF0  }
0x35: {  	[tilespmem:s21], [sflag:$0x4] =	stream.indirect.gather [hbm4b:s2+s13], $0x80, s20, s13, $0xb8;
	[tilespmem:$0xA800] =	vst v63  }
0x36: {  	_ =	swait.ge [sflag:s22], $0x2800  }
0x37: {  	[sflag:s22] =	ssyncset.done $0x0  }
0x38: {  	[sflag:s22] =	ssyncadd.s32 $0xFFFFD800  }
0x39: {  	[hbm4b:s9+s3] =	stream.linear.scatter [tilespmem:s18], [sflag:$0x7], $0x2800, $0x38;
	[tilespmem:$0xA800] =	vst v63  }
0x3a: {  	_ =	swait.ge [sflag:s23], $0x2800  }
0x3b: {  	[sflag:s23] =	ssyncset.done $0x0  }
0x3c: {  	[sflag:s23] =	ssyncadd.s32 $0xFFFFD800  }
0x3d: {  	[tilespmem:s14], [sflag:$0x1] =	stream.indirect.gather [hbm4b:s2+s13], $0x80, s24, s13, $0xb8;
	[tilespmem:$0xA800] =	vst v63  }
0x3e: {  	_ =	swait.ge [sflag:s25], $0x2800  }
0x3f: {  	[sflag:s25] =	ssyncset.done $0x0  }
0x40: {  	[sflag:s25] =	ssyncadd.s32 $0xFFFFD800  }
0x41: {  	[hbm4b:s10+s3] =	stream.linear.scatter [tilespmem:s21], [sflag:$0x8], $0x2800, $0x38;
	[tilespmem:$0xA800] =	vst v63  }
0x42: {  	_ =	swait.ge [sflag:s26], $0x2800  }
0x43: {  	[sflag:s26] =	ssyncset.done $0x0  }
0x44: {  	s1 =	simm.s32 $0x2D0;
	s0 =	simm.s32 $0x0;
	[sflag:s26] =	ssyncadd.s32 $0xFFFFD800  }
0x45: {  	[tilespmem:s15], [sflag:$0x2] =	stream.indirect.gather [hbm4b:s2+s13], $0x80, s28, s13, $0xb8;
	[tilespmem:$0xA800] =	vst v63  }
.LBB2_2:
0x46: {  	_ =	swait.ge [sflag:s16], $0x2800  }
0x47: {  	s17 =	sadd.s32 s0, s11;
	[sflag:s16] =	ssyncset.done $0x0  }
0x48: {  	s20 =	sadd.s32 $0x1400, s17;
	[sflag:s16] =	ssyncadd.s32 $0xFFFFD800  }
0x49: {  	[hbm4b:s20+s3] =	stream.linear.scatter [tilespmem:s14], [sflag:$0x5], $0x2800, $0x38;
	[tilespmem:$0xA800] =	vst v63  }
0x4a: {  	_ =	swait.ge [sflag:s29], $0x2800  }
0x4b: {  	[sflag:s29] =	ssyncset.done $0x0  }
0x4c: {  	s20 =	sadd.s32 $0xFFFFFF10, s1;
	[sflag:s29] =	ssyncadd.s32 $0xFFFFD800  }
0x4d: {  	[tilespmem:s18], [sflag:$0x3] =	stream.indirect.gather [hbm4b:s2+s13], $0x80, s20, s13, $0xb8;
	[tilespmem:$0xA800] =	vst v63  }
0x4e: {  	_ =	swait.ge [sflag:s19], $0x2800  }
0x4f: {  	[sflag:s19] =	ssyncset.done $0x0  }
0x50: {  	s20 =	sadd.s32 $0x1900, s17;
	[sflag:s19] =	ssyncadd.s32 $0xFFFFD800  }
0x51: {  	[hbm4b:s20+s3] =	stream.linear.scatter [tilespmem:s15], [sflag:$0x6], $0x2800, $0x38;
	[tilespmem:$0xA800] =	vst v63  }
0x52: {  	_ =	swait.ge [sflag:s30], $0x2800  }
0x53: {  	[sflag:s30] =	ssyncset.done $0x0  }
0x54: {  	s20 =	sadd.s32 $0xFFFFFF60, s1;
	[sflag:s30] =	ssyncadd.s32 $0xFFFFD800  }
0x55: {  	[tilespmem:s21], [sflag:$0x4] =	stream.indirect.gather [hbm4b:s2+s13], $0x80, s20, s13, $0xb8;
	[tilespmem:$0xA800] =	vst v63  }
0x56: {  	_ =	swait.ge [sflag:s22], $0x2800  }
0x57: {  	[sflag:s22] =	ssyncset.done $0x0  }
0x58: {  	s20 =	sadd.s32 $0x1E00, s17;
	[sflag:s22] =	ssyncadd.s32 $0xFFFFD800  }
0x59: {  	[hbm4b:s20+s3] =	stream.linear.scatter [tilespmem:s18], [sflag:$0x7], $0x2800, $0x38;
	[tilespmem:$0xA800] =	vst v63  }
0x5a: {  	_ =	swait.ge [sflag:s23], $0x2800  }
0x5b: {  	[sflag:s23] =	ssyncset.done $0x0  }
0x5c: {  	p0 =	seq.s32 s0, $0x5000;
	s20 =	sadd.s32 $0xFFFFFFB0, s1;
	[sflag:s23] =	ssyncadd.s32 $0xFFFFD800  }
0x5d: {  	[tilespmem:s14], [sflag:$0x1] =	stream.indirect.gather [hbm4b:s2+s13], $0x80, s20, s13, $0xb8;
	[tilespmem:$0xA800] =	vst v63  }
.Ltmp2:
0x5e: {  	_ = 	snop;
	(pc) =	sbr.rel @p0 .LBB2_4-.Ltmp2, $4  }
0x5f: {  	_ =	swait.ge [sflag:s25], $0x2800  }
0x60: {  	[sflag:s25] =	ssyncset.done $0x0  }
0x61: {  	s17 =	sadd.s32 $0x2300, s17;
	[sflag:s25] =	ssyncadd.s32 $0xFFFFD800  }
0x62: {  	[hbm4b:s17+s3] =	stream.linear.scatter [tilespmem:s21], [sflag:$0x8], $0x2800, $0x38;
	[tilespmem:$0xA800] =	vst v63  }
.Ltmp3:
0x63: {  	_ =	swait.ge [sflag:s26], $0x2800;
	(pc) =	sbr.rel .LBB2_2-.Ltmp3, $4  }
0x64: {  	[sflag:s26] =	ssyncset.done $0x0  }
0x65: {  	[sflag:s26] =	ssyncadd.s32 $0xFFFFD800  }
0x66: {  	[tilespmem:s15], [sflag:$0x2] =	stream.indirect.gather [hbm4b:s2+s13], $0x80, s1, s13, $0xb8;
	[tilespmem:$0xA800] =	vst v63  }
0x67: {  	s0 =	sadd.s32 $0x1400, s0;
	s1 =	sadd.s32 $0x140, s1  }
.LBB2_5:
0x68: {  	_ =	sfence.sel $0x180000  }
0x69: {  	[bflag:$0x0] =	sbarrier.arrive $0xFFFF  }
0x6a: {  	_ =	strace $0x90000050  }
0x6b: {  	s0 =	stileid.u32;
	[bflag:$0x2] =	sbarrier.arrive $0xFFFF  }
0x6c: {  	p0 =	sne.s32 s0, $0x0;
	s0 =	rddreg [dreg:$0x2]  }
0x6d: {  	s0 =	sadd.s32 @!p0 $0x100000, s0  }
0x6e: {  	[sflag:s0] =	ssyncadd.tile.s32 @!p0 $0x1;
	_ =	shalt  }
.Lfunc_end2:
_tile_overlayer_lowered:
.L_overlay_start_2:
0x6f: {  	(tag) =	ssettag $0x2  }
0x70: {  	s0 =	rddreg [dreg:$0x0];
	s2 =	stileid.u32  }
0x71: {  	s1 =	rddreg [dreg:$0x1];
	p0 =	sne.s32 s2, $0x0  }
0x72: {  	s3 =	rddreg [dreg:$0x2];
	[bflag:$0x3] =	sbarrier.arrive $0xFFFF;
	s2 =	simm.s32 @!p0 $0x1C09  }
0x73: {  	[timem:s3], [sflag:s2] =	dma.local @!p0 [hbm:s0], s1  }
0x74: {  	s0 =	simm.s32 @!p0 $0x9  }
0x75: {  	_ =	swait.ge @!p0 [sflag:s0], s1  }
0x76: {  	s1 =	ssub.s32 @!p0 $0x0, s1;
	[sflag:s0] =	ssyncset.done @!p0 $0x0  }
0x77: {  	[sflag:s0] =	ssyncadd.s32 @!p0 s1  }
0x78: {  	[bflag:$0x3] =	sbarrier.arrive $0xFFFF  }
0x79: {  	_ =	shalt  }

// kernel: kernel.20.cloned.1.call-start
scs
__scs_entry_jumppad:
0x0: {  	(pc) =	sbr.rel $0x88, $3  }
0x1: {  	(tag) =	ssettag $0x0;
	lr =	simm.s32 $0x1  }
0x2: {  	[smem:$0x3F94] =	sst lr;
	_ =	strace $0xD0000000  }
0x3: {  	_ = 	snop  }
0x4: {  	_ = 	snop  }
0x5: {  	_ = 	snop  }
0x6: {  	_ = 	snop  }
0x7: {  	_ = 	snop  }
__scs_overlays_trampoline_lowered:
0x8: {  	[smem:$0x3FA3] =	sst s0  }
0x9: {  	[smem:$0x3FA4] =	sst s1  }
0xa: {  	[smem:$0x3FA5] =	sst s2  }
0xb: {  	[smem:$0x3FA6] =	sst s3  }
0xc: {  	[smem:$0x3FA7] =	sst s4  }
0xd: {  	[smem:$0x3FA8] =	sst s5  }
0xe: {  	[smem:$0x3FA9] =	sst s6  }
0xf: {  	[smem:$0x3FAA] =	sst s7  }
0x10: {  	[smem:$0x3FAB] =	sst s8  }
0x11: {  	[smem:$0x3FAC] =	sst s9;
	s0 =	simm.s32 @!p0 $0x0  }
0x12: {  	s1 =	sld [smem:$0x3F92];
	s0 =	simm.s32 @p0 $0x1  }
0x13: {  	[smem:$0x3FAD] =	sst s0;
	s0 =	simm.s32 @!p1 $0x0  }
0x14: {  	s2 =	sld [smem:$0x3F91];
	s0 =	simm.s32 @p1 $0x1  }
0x15: {  	[smem:$0x3FAE] =	sst s0;
	s0 =	simm.s32 @!p2 $0x0  }
0x16: {  	s3 =	sld [smem:$0x3FDB];
	s0 =	simm.s32 @p2 $0x1  }
0x17: {  	s4 =	simm.s32 $0x1BF5;
	[smem:$0x3FB0] =	sst s0  }
0x18: {  	s0 =	sld [smem:$0x3F93];
	_ =	swait.ge [sflag:s4], $0x0  }
0x19: {  	s7 =	sld [smem:$0x3F94]  }
0x1a: {  	s8 =	sadd.s32 $0xFFFFE003, lr  }
0x1b: {  	s9 =	sadd.s32 $0xFFFFFEF7, lr;
	s5 =	simm.s32 $0xFFFFFFFF;
	p2 =	slt.u32 s8, $0xFFFFF086  }
0x1c: {  	p1 =	slt.u32 s9, $0xF7A;
	s5 =	simm.s32 @!p2 $0x0  }
0x1d: {  	s5 =	simm.s32 @p1 $0x1;
	p0 =	seq.s32 s7, s2  }
0x1e: {  	s7 =	smul.u32 @!p0 $0xF7A, s2;
	p2 =	seq.s32 @!p0 s5, $0x0  }
0x1f: {  	s9 =	smul.u32 $0xF7A, s1;
	s8 =	simm.s32 @!p0 $0x1BF5;
	p2 =	por !p2, p0  }
0x20: {  	[sflag:s8] =	ssyncset.s32 @!p0 $0xFFFFF086;
	s6 =	sadd.s32 @!p0 s3, s7;
	s7 =	simm.s32 @!p0 $0x108  }
0x21: {  	s3 =	sadd.s32 s3, s9;
	s6 =	sadd.s32 @!p0 $0x88, s6;
	s7 =	simm.s32 @p2 $0x1082  }
0x22: {  	[simem:s7], [sflag:s8] =	dma.local @!p0 [hbm:s6], $0xF7A  }
0x23: {  	s9 =	sor.u32 $0xD0000000, s2;
	s6 =	simm.s32 $0x108;
	_ =	swait.ge @!p0 [sflag:s8], $0x0  }
0x24: {  	s3 =	sadd.s32 $0x88, s3;
	s6 =	simm.s32 @!p1 $0x1082;
	[sflag:s4] =	ssyncset.s32 $0xFFFFF086  }
0x25: {  	[simem:s6], [sflag:s4] =	dma.local [hbm:s3], $0xF7A  }
0x26: {  	[smem:$0x3F94] =	sst s1;
	(tag) =	ssettag s2;
	_ =	strace s9  }
0x27: {  	s1 =	sld [smem:$0x3FA4]  }
0x28: {  	s2 =	sld [smem:$0x3FA5]  }
0x29: {  	s4 =	sld [smem:$0x3FA7]  }
0x2a: {  	p0 =	seq.s32 s5, $0x0;
	s5 =	sld [smem:$0x3FA8]  }
0x2b: {  	s6 =	sld [smem:$0x3FA9]  }
0x2c: {  	s7 =	sld [smem:$0x3FAA]  }
0x2d: {  	s3 =	simm.s32 $0x108;
	s8 =	sld [smem:$0x3FAB]  }
0x2e: {  	s3 =	simm.s32 @!p0 $0x1082;
	s9 =	sld [smem:$0x3FAC]  }
0x2f: {  	lr =	sadd.s32 s0, s3;
	s0 =	sld [smem:$0x3FA3]  }
0x30: {  	s3 =	sld [smem:$0x3FA6]  }
0x31: {  	[smem:$0x3FAF] =	sst s10  }
0x32: {  	s10 =	sld [smem:$0x3FAD];
	_ =	sdelay $0x3  }
0x33: {  	p0 =	seq.s32 s10, $0x1;
	s10 =	sld [smem:$0x3FAF];
	_ =	sdelay $0x3  }
0x34: {  	[smem:$0x3FAF] =	sst s10  }
0x35: {  	s10 =	sld [smem:$0x3FAE];
	_ =	sdelay $0x3  }
0x36: {  	p1 =	seq.s32 s10, $0x1;
	s10 =	sld [smem:$0x3FAF];
	_ =	sdelay $0x3  }
0x37: {  	[smem:$0x3FAF] =	sst s10  }
0x38: {  	s10 =	sld [smem:$0x3FB0]  }
0x39: {  	_ = 	snop;
	(pc) =	sbr.ind lr, $3  }
0x3a: {  	_ = 	snop  }
0x3b: {  	_ = 	snop  }
0x3c: {  	p2 =	seq.s32 s10, $0x1;
	s10 =	sld [smem:$0x3FAF]  }
0x3d: {  	_ =	shalt  }
0x3e: {  	_ =	shalt  }
0x3f: {  	_ =	shalt  }
0x40: {  	_ =	shalt  }
0x41: {  	_ =	shalt  }
0x42: {  	_ =	shalt  }
0x43: {  	_ =	shalt  }
0x44: {  	_ =	shalt  }
0x45: {  	_ =	shalt  }
0x46: {  	_ =	shalt  }
0x47: {  	_ =	shalt  }
0x48: {  	_ =	shalt  }
0x49: {  	_ =	shalt  }
0x4a: {  	_ =	shalt  }
0x4b: {  	_ =	shalt  }
0x4c: {  	_ =	shalt  }
0x4d: {  	_ =	shalt  }
0x4e: {  	_ =	shalt  }
0x4f: {  	_ =	shalt  }
0x50: {  	_ =	shalt  }
0x51: {  	_ =	shalt  }
0x52: {  	_ =	shalt  }
0x53: {  	_ =	shalt  }
0x54: {  	_ =	shalt  }
0x55: {  	_ =	shalt  }
0x56: {  	_ =	shalt  }
0x57: {  	_ =	shalt  }
0x58: {  	_ =	shalt  }
0x59: {  	_ =	shalt  }
0x5a: {  	_ =	shalt  }
0x5b: {  	_ =	shalt  }
0x5c: {  	_ =	shalt  }
0x5d: {  	_ =	shalt  }
0x5e: {  	_ =	shalt  }
0x5f: {  	_ =	shalt  }
0x60: {  	_ =	shalt  }
0x61: {  	_ =	shalt  }
0x62: {  	_ =	shalt  }
0x63: {  	_ =	shalt  }
0x64: {  	_ =	shalt  }
0x65: {  	_ =	shalt  }
0x66: {  	_ =	shalt  }
0x67: {  	_ =	shalt  }
0x68: {  	_ =	shalt  }
0x69: {  	_ =	shalt  }
0x6a: {  	_ =	shalt  }
0x6b: {  	_ =	shalt  }
0x6c: {  	_ =	shalt  }
0x6d: {  	_ =	shalt  }
0x6e: {  	_ =	shalt  }
0x6f: {  	_ =	shalt  }
0x70: {  	_ =	shalt  }
0x71: {  	_ =	shalt  }
0x72: {  	_ =	shalt  }
0x73: {  	_ =	shalt  }
0x74: {  	_ =	shalt  }
0x75: {  	_ =	shalt  }
0x76: {  	_ =	shalt  }
0x77: {  	_ =	shalt  }
0x78: {  	_ =	shalt  }
0x79: {  	_ =	shalt  }
0x7a: {  	_ =	shalt  }
0x7b: {  	_ =	shalt  }
0x7c: {  	_ =	shalt  }
0x7d: {  	_ =	shalt  }
0x7e: {  	_ =	shalt  }
0x7f: {  	_ =	shalt  }
0x80: {  	_ =	shalt  }
0x81: {  	_ =	shalt  }
0x82: {  	_ =	shalt  }
0x83: {  	_ =	shalt  }
0x84: {  	_ =	shalt  }
0x85: {  	_ =	shalt  }
0x86: {  	_ =	shalt  }
0x87: {  	_ =	shalt  }
.Lfunc_end0:
.L_simem_size_0:
called_computation.2_lowered:
.L_overlay_start_0:
0x88: {  	s2 =	sld [smem:$0x3FD9]  }
0x89: {  	s3 =	sld [smem:$0x3FFE];
	_ =	sdelay $0x1  }
0x8a: {  	s1 =	srdreg.scid  }
0x8b: {  	s0 =	sand.u32 $0x1, s1  }
0x8c: {  	s17 =	sshll.u32 s0, $0xA;
	s2 =	sadd.s32 s3, s2  }
0x8d: {  	s2 =	sadd.s32 s2, s17  }
0x8e: {  	[smem:$0x3FBB] =	sst s2  }
0x8f: {  	_ = 	snop  }
0x90: {  	s18 =	sld [smem:$0x3FD0];
	(tm) =	ssettm $0x1  }
0x91: {  	s19 =	sld [smem:$0x3FFB];
	_ =	sdelay $0x3  }
0x92: {  	_ =	strace s19  }
0x93: {  	s2 =	sld [smem:$0x3FFC];
	_ =	sdelay $0x3  }
0x94: {  	_ =	strace s2  }
0x95: {  	s2 =	sld [smem:$0x3FFD];
	_ =	sdelay $0x3  }
0x96: {  	_ =	strace s2  }
0x97: {  	_ =	strace $0x8FFFFFFF  }
0x98: {  	s20 =	sld [smem:$0x3FDB];
	_ =	sdelay $0x1  }
0x99: {  	s4 =	simm.s32 $_scs_section_size  }
0x9a: {  	s5 =	simm.s32 $_size__tile_overlayer_lowered;
	s6 =	simm.s32 $_tile_overlayer_lowered  }
0x9b: {  	s7 =	simm.s32 $0x1BFF;
	s21 =	sshll.u32 s6, $0x1;
	s4 =	sadd.s32 s4, s20  }
0x9c: {  	s22 =	simm.s32 $0x0;
	s5 =	sshll.u32 s5, $0x1;
	s6 =	sadd.s32 s21, s4  }
0x9d: {  	[timem:s22], [sflag:s7] =	dma.local [hbm:s6], s5  }
0x9e: {  	_ =	swait.ge [sflag:s7], s5  }
0x9f: {  	s5 =	ssub.s32 $0x0, s5;
	[sflag:s7] =	ssyncset.done $0x0  }
0xa0: {  	[sflag:s7] =	ssyncadd.s32 s5;
	_ =	sdelay $0x1  }
0xa1: {  	s23 =	simm.s32 $0x1B8B  }
0xa2: {  	_ =	swait.ge [sflag:s23], $0x1  }
0xa3: {  	[sflag:s23] =	ssyncset.done $0x0  }
0xa4: {  	[sflag:s23] =	ssyncadd.s32 $0xFFFFFFFF  }
0xa5: {  	s5 =	sld [smem:$0x0]  }
0xa6: {  	s6 =	sand.u32 $0xFFFFFFFE, s1  }
0xa7: {  	p0 =	sne.s32 s1, s6  }
0xa8: {  	s6 =	sshll.u32 @p0 s6, $0xE  }
0xa9: {  	s6 =	sadd.s32 @p0 $0x11B8D, s6;
	s7 =	sshll.u32 @p0 s5, $0x11  }
0xaa: {  	s6 =	sor.u32 @p0 s7, s6  }
0xab: {  	[sflag:s6] =	ssyncadd.remote.s32 @p0 $0x1;
	_ =	sdelay $0x1  }
0xac: {  	s6 =	simm.s32 @p0 $0x1B8D  }
0xad: {  	_ =	swait.eq @p0 [sflag:s6], $0x1  }
0xae: {  	[sflag:s6] =	ssyncadd.s32 @p0 $0xFFFFFFFF  }
0xaf: {  	s7 =	sshll.u32 @!p0 s1, $0xE  }
0xb0: {  	s7 =	sor.u32 @!p0 $0x4000, s7;
	s6 =	simm.s32 @!p0 $0x1B8D  }
0xb1: {  	s5 =	sshll.u32 @!p0 s5, $0x11;
	s7 =	sadd.s32 @!p0 $0x11B8D, s7;
	_ =	swait.eq @!p0 [sflag:s6], $0x1  }
0xb2: {  	s5 =	sor.u32 @!p0 s5, s7;
	[sflag:s6] =	ssyncadd.s32 @!p0 $0xFFFFFFFF  }
0xb3: {  	s25 =	simm.s32 $0x1B8E;
	s24 =	sld [smem:$0x3FFE];
	[sflag:s5] =	ssyncadd.remote.s32 @!p0 $0x1  }
0xb4: {  	s26 =	simm.s32 $execute0_lowered;
	[smem:$0x3FD2] =	sst s25  }
0xb5: {  	s6 =	sshll.u32 s26, $0x1;
	_ =	strace $0x8000004C;
	[dreg:$0x1] =	wrdreg $0xFFFFFFFF  }
0xb6: {  	s28 =	simm.s32 $_size_execute0_lowered;
	s4 =	sadd.s32 s4, s6;
	[dreg:$0x0] =	wrdreg $0x0  }
0xb7: {  	s6 =	sshll.u32 s28, $0x1;
	[dreg:$0x2] =	wrdreg s4  }
0xb8: {  	[dreg:$0x3] =	wrdreg s6  }
0xb9: {  	[dreg:$0x4] =	wrdreg $0xC0  }
0xba: {  	_ =	task [dreg:s22], $0x5FFFF  }
0xbb: {  	[dreg:$0x1] =	wrdreg $0xFFFFFFFF  }
0xbc: {  	[dreg:$0x0] =	wrdreg $0x60  }
0xbd: {  	[dreg:$0x2] =	wrdreg s18  }
0xbe: {  	[dreg:$0x3] =	wrdreg s24  }
0xbf: {  	[dreg:$0x4] =	wrdreg $0xB  }
0xc0: {  	_ =	task.clear_ibuf [dreg:s22], $0x5FFFF;
	_ =	strace $0x9000004C  }
0xc1: {  	s29 =	simm.s32 $0xB;
	_ =	strace $0x8000004E  }
0xc2: {  	_ =	swait.ge [sflag:s29], $0x1  }
0xc3: {  	[sflag:s29] =	ssyncadd.s32 $0xFFFFFFFF  }
0xc4: {  	_ =	strace $0x9000004E  }
0xc5: {  	_ =	sfence  }
0xc6: {  	s30 =	sld [smem:$0x0];
	_ =	sdelay $0x2  }
0xc7: {  	s31 =	sshll.u32 s1, $0xD;
	s1 =	sshrl.u32 s1, $0x2  }
0xc8: {  	s4 =	sand.u32 $0x4000, s31;
	s1 =	sadd.s32 s1, s30  }
0xc9: {  	s0 =	sor.u32 s4, s0;
	s1 =	sshll.u32 s1, $0x11  }
0xca: {  	s0 =	sor.u32 s1, s0  }
0xcb: {  	s0 =	sadd.s32 $0x8F2B, s0  }
0xcc: {  	[sflag:s0] =	ssyncadd.remote.s32 $0x1  }
0xcd: {  	_ =	sfence.sel $0xFFFF  }
0xce: {  	[dreg:$0x0] =	wrdreg $0xFFFFFFFF;
	(pc) =	sbr.abs _section_cstart, $3  }
0xcf: {  	[dreg:$0x1] =	wrdreg $0xFFFFFFFF  }
0xd0: {  	_ =	task.clear_ibuf [dreg:s22], $0x2FFFF;
	_ =	strace $0x9FFFFFFF  }
0xd1: {  	(tm) =	ssettm $0x7FFFFFFF  }
tec
execute0_lowered:
.L_overlay_start_1:
0x0: {  	(tag) =	ssettag $0x1  }
0x1: {  	s2 =	rddreg [dreg:$0x0];
	s0 =	srdreg.scid  }
0x2: {  	s10 =	stileid.u32;
	s1 =	rddreg [dreg:$0x1]  }
0x3: {  	s3 =	simm.s32 $0x0;
	s12 =	simm.s32 $0x9;
	s13 =	simm.s32 $0x50  }
0x4: {  	s14 =	simm.s32 $0x800;
	s15 =	simm.s32 $0x3000;
	s16 =	simm.s32 $0x1  }
0x5: {  	s18 =	simm.s32 $0x5800;
	s19 =	simm.s32 $0x2;
	s21 =	simm.s32 $0x8000  }
0x6: {  	s28 =	simm.s32 $0x190;
	s29 =	simm.s32 $0x7;
	s30 =	simm.s32 $0x8  }
0x7: {  	s0 =	sand.u32 $0x1, s0;
	s4 =	sshll.u32 s10, $0x1;
	s10 =	smul.u32 $0xFA00, s10  }
0x8: {  	s5 =	sor.u32 s0, s4;
	s7 =	ssub.s32 $0x2, s0;
	s0 =	smul.u32 $0x7D00, s0  }
0x9: {  	s31 =	simm.s32 $0x0;
	[smem:$0x7FF] =	sst s3;
	s6 =	smul.u32 $0x7D0, s5  }
0xa: {  	_ =	strace $0x8000004D;
	s8 =	smul.u32 $0x3E800, s5;
	s9 =	sshrl.u32 s7, $0x1  }
0xb: {  	s25 =	smul.u32 $0x7D00, s5;
	s7 =	ssub.s32 s7, s9;
	s22 =	sshrl.u32 s6, $0x3  }
0xc: {  	s8 =	sshrl.u32 s8, $0x3;
	s23 =	sshll.u32 s6, $0x4;
	s6 =	smax.u32 s7, $0x1  }
0xd: {  	s4 =	sadd.s32 s22, s1;
	s1 =	sadd.s32 $0x25CE00, s1;
	s22 =	simm.s32 $0x3  }
.Ltmp0:
0xe: {  	s4 =	sadd.s32 $0x16C00, s4;
	s24 =	sadd.s32 s1, s8;
	(pc) =	sbr.rel .LBB2_1-.Ltmp0, $4  }
0xf: {  	s7 =	sadd.s32 s1, s25;
	s26 =	sadd.s32 s1, s23;
	s1 =	sadd.s32 s10, s1  }
0x10: {  	s23 =	simm.s32 $0x5;
	s25 =	simm.s32 $0x4;
	s5 =	sadd.s32 $0x7800, s24  }
0x11: {  	s8 =	sadd.s32 $0x500, s26;
	s9 =	sadd.s32 $0xA00, s7;
	s10 =	sadd.s32 $0xF00, s7  }
0x12: {  	s11 =	sadd.s32 s0, s1;
	s24 =	simm.s32 $0x140;
	s26 =	simm.s32 $0x6  }
.LBB2_4:
0x13: {  	_ =	swait.ge [sflag:s16], $0x2800  }
0x14: {  	[sflag:s16] =	ssyncset.done $0x0  }
0x15: {  	[sflag:s16] =	ssyncadd.s32 $0xFFFFD800  }
0x16: {  	[hbm4b:s5+s3] =	stream.linear.scatter [tilespmem:s14], [sflag:$0x5], $0x2800, $0x38;
	[tilespmem:$0xA800] =	vst v63  }
0x17: {  	_ =	swait.ge [sflag:s26], $0x2800  }
0x18: {  	[sflag:s26] =	ssyncset.done $0x0  }
0x19: {  	[sflag:s26] =	ssyncadd.s32 $0xFFFFD800  }
0x1a: {  	_ =	swait.ge [sflag:s29], $0x2800  }
0x1b: {  	[sflag:s29] =	ssyncset.done $0x0  }
0x1c: {  	s31 =	sadd.s32 $0x1, s31;
	[sflag:s29] =	ssyncadd.s32 $0xFFFFD800  }
0x1d: {  	p0 =	sne.s32 s31, s6;
	_ =	swait.ge [sflag:s30], $0x2800  }
.Ltmp1:
0x1e: {  	[sflag:s30] =	ssyncset.done $0x0;
	(pc) =	sbr.rel @!p0 .LBB2_5-.Ltmp1, $4  }
0x1f: {  	[sflag:s30] =	ssyncadd.s32 $0xFFFFD800  }
0x20: {  	_ =	swait.ge [sflag:s23], $0x2800  }
0x21: {  	[sflag:s23] =	ssyncset.done $0x0  }
0x22: {  	[sflag:s23] =	ssyncadd.s32 $0xFFFFD800  }
.LBB2_1:
0x23: {  	[tilespmem:s3], [sflag:$0x9] =	stream.linear.gather [hbm4b:s4+s3], $0x7D0, $0x38;
	[tilespmem:$0xA800] =	vst v63  }
0x24: {  	_ =	swait.ge [sflag:s12], $0x7D0  }
0x25: {  	[sflag:s12] =	ssyncset.done $0x0  }
0x26: {  	[sflag:s12] =	ssyncadd.s32 $0xFFFFF830  }
0x27: {  	[tilespmem:s14], [sflag:$0x1] =	stream.indirect.gather [hbm4b:s2+s13], $0x80, s3, s13, $0xb8;
	[tilespmem:$0xA800] =	vst v63  }
0x28: {  	_ = 	snop  }
0x29: {  	[tilespmem:s15], [sflag:$0x2] =	stream.indirect.gather [hbm4b:s2+s13], $0x80, s13, s13, $0xb8;
	[tilespmem:$0xA800] =	vst v63  }
0x2a: {  	_ =	swait.ge [sflag:s16], $0x2800  }
0x2b: {  	[sflag:s16] =	ssyncset.done $0x0  }
0x2c: {  	[sflag:s16] =	ssyncadd.s32 $0xFFFFD800  }
0x2d: {  	[hbm4b:s7+s3] =	stream.linear.scatter [tilespmem:s14], [sflag:$0x5], $0x2800, $0x38;
	[tilespmem:$0xA800] =	vst v63  }
0x2e: {  	s0 =	simm.s32 $0xA0  }
0x2f: {  	[tilespmem:s18], [sflag:$0x3] =	stream.indirect.gather [hbm4b:s2+s13], $0x80, s0, s13, $0xb8;
	[tilespmem:$0xA800] =	vst v63  }
0x30: {  	_ =	swait.ge [sflag:s19], $0x2800  }
0x31: {  	[sflag:s19] =	ssyncset.done $0x0  }
0x32: {  	[sflag:s19] =	ssyncadd.s32 $0xFFFFD800  }
0x33: {  	[hbm4b:s8+s3] =	stream.linear.scatter [tilespmem:s15], [sflag:$0x6], $0x2800, $0x38;
	[tilespmem:$0xA800] =	vst v63  }
0x34: {  	s20 =	simm.s32 $0xF0  }
0x35: {  	[tilespmem:s21], [sflag:$0x4] =	stream.indirect.gather [hbm4b:s2+s13], $0x80, s20, s13, $0xb8;
	[tilespmem:$0xA800] =	vst v63  }
0x36: {  	_ =	swait.ge [sflag:s22], $0x2800  }
0x37: {  	[sflag:s22] =	ssyncset.done $0x0  }
0x38: {  	[sflag:s22] =	ssyncadd.s32 $0xFFFFD800  }
0x39: {  	[hbm4b:s9+s3] =	stream.linear.scatter [tilespmem:s18], [sflag:$0x7], $0x2800, $0x38;
	[tilespmem:$0xA800] =	vst v63  }
0x3a: {  	_ =	swait.ge [sflag:s23], $0x2800  }
0x3b: {  	[sflag:s23] =	ssyncset.done $0x0  }
0x3c: {  	[sflag:s23] =	ssyncadd.s32 $0xFFFFD800  }
0x3d: {  	[tilespmem:s14], [sflag:$0x1] =	stream.indirect.gather [hbm4b:s2+s13], $0x80, s24, s13, $0xb8;
	[tilespmem:$0xA800] =	vst v63  }
0x3e: {  	_ =	swait.ge [sflag:s25], $0x2800  }
0x3f: {  	[sflag:s25] =	ssyncset.done $0x0  }
0x40: {  	[sflag:s25] =	ssyncadd.s32 $0xFFFFD800  }
0x41: {  	[hbm4b:s10+s3] =	stream.linear.scatter [tilespmem:s21], [sflag:$0x8], $0x2800, $0x38;
	[tilespmem:$0xA800] =	vst v63  }
0x42: {  	_ =	swait.ge [sflag:s26], $0x2800  }
0x43: {  	[sflag:s26] =	ssyncset.done $0x0  }
0x44: {  	s1 =	simm.s32 $0x2D0;
	s0 =	simm.s32 $0x0;
	[sflag:s26] =	ssyncadd.s32 $0xFFFFD800  }
0x45: {  	[tilespmem:s15], [sflag:$0x2] =	stream.indirect.gather [hbm4b:s2+s13], $0x80, s28, s13, $0xb8;
	[tilespmem:$0xA800] =	vst v63  }
.LBB2_2:
0x46: {  	_ =	swait.ge [sflag:s16], $0x2800  }
0x47: {  	s17 =	sadd.s32 s0, s11;
	[sflag:s16] =	ssyncset.done $0x0  }
0x48: {  	s20 =	sadd.s32 $0x1400, s17;
	[sflag:s16] =	ssyncadd.s32 $0xFFFFD800  }
0x49: {  	[hbm4b:s20+s3] =	stream.linear.scatter [tilespmem:s14], [sflag:$0x5], $0x2800, $0x38;
	[tilespmem:$0xA800] =	vst v63  }
0x4a: {  	_ =	swait.ge [sflag:s29], $0x2800  }
0x4b: {  	[sflag:s29] =	ssyncset.done $0x0  }
0x4c: {  	s20 =	sadd.s32 $0xFFFFFF10, s1;
	[sflag:s29] =	ssyncadd.s32 $0xFFFFD800  }
0x4d: {  	[tilespmem:s18], [sflag:$0x3] =	stream.indirect.gather [hbm4b:s2+s13], $0x80, s20, s13, $0xb8;
	[tilespmem:$0xA800] =	vst v63  }
0x4e: {  	_ =	swait.ge [sflag:s19], $0x2800  }
0x4f: {  	[sflag:s19] =	ssyncset.done $0x0  }
0x50: {  	s20 =	sadd.s32 $0x1900, s17;
	[sflag:s19] =	ssyncadd.s32 $0xFFFFD800  }
0x51: {  	[hbm4b:s20+s3] =	stream.linear.scatter [tilespmem:s15], [sflag:$0x6], $0x2800, $0x38;
	[tilespmem:$0xA800] =	vst v63  }
0x52: {  	_ =	swait.ge [sflag:s30], $0x2800  }
0x53: {  	[sflag:s30] =	ssyncset.done $0x0  }
0x54: {  	s20 =	sadd.s32 $0xFFFFFF60, s1;
	[sflag:s30] =	ssyncadd.s32 $0xFFFFD800  }
0x55: {  	[tilespmem:s21], [sflag:$0x4] =	stream.indirect.gather [hbm4b:s2+s13], $0x80, s20, s13, $0xb8;
	[tilespmem:$0xA800] =	vst v63  }
0x56: {  	_ =	swait.ge [sflag:s22], $0x2800  }
0x57: {  	[sflag:s22] =	ssyncset.done $0x0  }
0x58: {  	s20 =	sadd.s32 $0x1E00, s17;
	[sflag:s22] =	ssyncadd.s32 $0xFFFFD800  }
0x59: {  	[hbm4b:s20+s3] =	stream.linear.scatter [tilespmem:s18], [sflag:$0x7], $0x2800, $0x38;
	[tilespmem:$0xA800] =	vst v63  }
0x5a: {  	_ =	swait.ge [sflag:s23], $0x2800  }
0x5b: {  	[sflag:s23] =	ssyncset.done $0x0  }
0x5c: {  	p0 =	seq.s32 s0, $0x5000;
	s20 =	sadd.s32 $0xFFFFFFB0, s1;
	[sflag:s23] =	ssyncadd.s32 $0xFFFFD800  }
0x5d: {  	[tilespmem:s14], [sflag:$0x1] =	stream.indirect.gather [hbm4b:s2+s13], $0x80, s20, s13, $0xb8;
	[tilespmem:$0xA800] =	vst v63  }
.Ltmp2:
0x5e: {  	_ = 	snop;
	(pc) =	sbr.rel @p0 .LBB2_4-.Ltmp2, $4  }
0x5f: {  	_ =	swait.ge [sflag:s25], $0x2800  }
0x60: {  	[sflag:s25] =	ssyncset.done $0x0  }
0x61: {  	s17 =	sadd.s32 $0x2300, s17;
	[sflag:s25] =	ssyncadd.s32 $0xFFFFD800  }
0x62: {  	[hbm4b:s17+s3] =	stream.linear.scatter [tilespmem:s21], [sflag:$0x8], $0x2800, $0x38;
	[tilespmem:$0xA800] =	vst v63  }
.Ltmp3:
0x63: {  	_ =	swait.ge [sflag:s26], $0x2800;
	(pc) =	sbr.rel .LBB2_2-.Ltmp3, $4  }
0x64: {  	[sflag:s26] =	ssyncset.done $0x0  }
0x65: {  	[sflag:s26] =	ssyncadd.s32 $0xFFFFD800  }
0x66: {  	[tilespmem:s15], [sflag:$0x2] =	stream.indirect.gather [hbm4b:s2+s13], $0x80, s1, s13, $0xb8;
	[tilespmem:$0xA800] =	vst v63  }
0x67: {  	s0 =	sadd.s32 $0x1400, s0;
	s1 =	sadd.s32 $0x140, s1  }
.LBB2_5:
0x68: {  	_ =	sfence.sel $0x180000  }
0x69: {  	[bflag:$0x0] =	sbarrier.arrive $0xFFFF  }
0x6a: {  	_ =	strace $0x9000004D  }
0x6b: {  	s0 =	stileid.u32;
	[bflag:$0x2] =	sbarrier.arrive $0xFFFF  }
0x6c: {  	p0 =	sne.s32 s0, $0x0;
	s0 =	rddreg [dreg:$0x2]  }
0x6d: {  	s0 =	sadd.s32 @!p0 $0x100000, s0  }
0x6e: {  	[sflag:s0] =	ssyncadd.tile.s32 @!p0 $0x1;
	_ =	shalt  }
.Lfunc_end2:
_tile_overlayer_lowered:
.L_overlay_start_2:
0x6f: {  	(tag) =	ssettag $0x2  }
0x70: {  	s0 =	rddreg [dreg:$0x0];
	s2 =	stileid.u32  }
0x71: {  	s1 =	rddreg [dreg:$0x1];
	p0 =	sne.s32 s2, $0x0  }
0x72: {  	s3 =	rddreg [dreg:$0x2];
	[bflag:$0x3] =	sbarrier.arrive $0xFFFF;
	s2 =	simm.s32 @!p0 $0x1C09  }
0x73: {  	[timem:s3], [sflag:s2] =	dma.local @!p0 [hbm:s0], s1  }
0x74: {  	s0 =	simm.s32 @!p0 $0x9  }
0x75: {  	_ =	swait.ge @!p0 [sflag:s0], s1  }
0x76: {  	s1 =	ssub.s32 @!p0 $0x0, s1;
	[sflag:s0] =	ssyncset.done @!p0 $0x0  }
0x77: {  	[sflag:s0] =	ssyncadd.s32 @!p0 s1  }
0x78: {  	[bflag:$0x3] =	sbarrier.arrive $0xFFFF  }
0x79: {  	_ =	shalt  }

// kernel: kernel.23.cloned.1.call-start
scs
__scs_entry_jumppad:
0x0: {  	(pc) =	sbr.rel $0x88, $3  }
0x1: {  	(tag) =	ssettag $0x0;
	lr =	simm.s32 $0x1  }
0x2: {  	[smem:$0x3F94] =	sst lr;
	_ =	strace $0xD0000000  }
0x3: {  	_ = 	snop  }
0x4: {  	_ = 	snop  }
0x5: {  	_ = 	snop  }
0x6: {  	_ = 	snop  }
0x7: {  	_ = 	snop  }
__scs_overlays_trampoline_lowered:
0x8: {  	[smem:$0x3FA3] =	sst s0  }
0x9: {  	[smem:$0x3FA4] =	sst s1  }
0xa: {  	[smem:$0x3FA5] =	sst s2  }
0xb: {  	[smem:$0x3FA6] =	sst s3  }
0xc: {  	[smem:$0x3FA7] =	sst s4  }
0xd: {  	[smem:$0x3FA8] =	sst s5  }
0xe: {  	[smem:$0x3FA9] =	sst s6  }
0xf: {  	[smem:$0x3FAA] =	sst s7  }
0x10: {  	[smem:$0x3FAB] =	sst s8  }
0x11: {  	[smem:$0x3FAC] =	sst s9;
	s0 =	simm.s32 @!p0 $0x0  }
0x12: {  	s1 =	sld [smem:$0x3F92];
	s0 =	simm.s32 @p0 $0x1  }
0x13: {  	[smem:$0x3FAD] =	sst s0;
	s0 =	simm.s32 @!p1 $0x0  }
0x14: {  	s2 =	sld [smem:$0x3F91];
	s0 =	simm.s32 @p1 $0x1  }
0x15: {  	[smem:$0x3FAE] =	sst s0;
	s0 =	simm.s32 @!p2 $0x0  }
0x16: {  	s3 =	sld [smem:$0x3FDB];
	s0 =	simm.s32 @p2 $0x1  }
0x17: {  	s4 =	simm.s32 $0x1BF5;
	[smem:$0x3FB0] =	sst s0  }
0x18: {  	s0 =	sld [smem:$0x3F93];
	_ =	swait.ge [sflag:s4], $0x0  }
0x19: {  	s7 =	sld [smem:$0x3F94]  }
0x1a: {  	s8 =	sadd.s32 $0xFFFFE003, lr  }
0x1b: {  	s9 =	sadd.s32 $0xFFFFFEF7, lr;
	s5 =	simm.s32 $0xFFFFFFFF;
	p2 =	slt.u32 s8, $0xFFFFF086  }
0x1c: {  	p1 =	slt.u32 s9, $0xF7A;
	s5 =	simm.s32 @!p2 $0x0  }
0x1d: {  	s5 =	simm.s32 @p1 $0x1;
	p0 =	seq.s32 s7, s2  }
0x1e: {  	s7 =	smul.u32 @!p0 $0xF7A, s2;
	p2 =	seq.s32 @!p0 s5, $0x0  }
0x1f: {  	s9 =	smul.u32 $0xF7A, s1;
	s8 =	simm.s32 @!p0 $0x1BF5;
	p2 =	por !p2, p0  }
0x20: {  	[sflag:s8] =	ssyncset.s32 @!p0 $0xFFFFF086;
	s6 =	sadd.s32 @!p0 s3, s7;
	s7 =	simm.s32 @!p0 $0x108  }
0x21: {  	s3 =	sadd.s32 s3, s9;
	s6 =	sadd.s32 @!p0 $0x88, s6;
	s7 =	simm.s32 @p2 $0x1082  }
0x22: {  	[simem:s7], [sflag:s8] =	dma.local @!p0 [hbm:s6], $0xF7A  }
0x23: {  	s9 =	sor.u32 $0xD0000000, s2;
	s6 =	simm.s32 $0x108;
	_ =	swait.ge @!p0 [sflag:s8], $0x0  }
0x24: {  	s3 =	sadd.s32 $0x88, s3;
	s6 =	simm.s32 @!p1 $0x1082;
	[sflag:s4] =	ssyncset.s32 $0xFFFFF086  }
0x25: {  	[simem:s6], [sflag:s4] =	dma.local [hbm:s3], $0xF7A  }
0x26: {  	[smem:$0x3F94] =	sst s1;
	(tag) =	ssettag s2;
	_ =	strace s9  }
0x27: {  	s1 =	sld [smem:$0x3FA4]  }
0x28: {  	s2 =	sld [smem:$0x3FA5]  }
0x29: {  	s4 =	sld [smem:$0x3FA7]  }
0x2a: {  	p0 =	seq.s32 s5, $0x0;
	s5 =	sld [smem:$0x3FA8]  }
0x2b: {  	s6 =	sld [smem:$0x3FA9]  }
0x2c: {  	s7 =	sld [smem:$0x3FAA]  }
0x2d: {  	s3 =	simm.s32 $0x108;
	s8 =	sld [smem:$0x3FAB]  }
0x2e: {  	s3 =	simm.s32 @!p0 $0x1082;
	s9 =	sld [smem:$0x3FAC]  }
0x2f: {  	lr =	sadd.s32 s0, s3;
	s0 =	sld [smem:$0x3FA3]  }
0x30: {  	s3 =	sld [smem:$0x3FA6]  }
0x31: {  	[smem:$0x3FAF] =	sst s10  }
0x32: {  	s10 =	sld [smem:$0x3FAD];
	_ =	sdelay $0x3  }
0x33: {  	p0 =	seq.s32 s10, $0x1;
	s10 =	sld [smem:$0x3FAF];
	_ =	sdelay $0x3  }
0x34: {  	[smem:$0x3FAF] =	sst s10  }
0x35: {  	s10 =	sld [smem:$0x3FAE];
	_ =	sdelay $0x3  }
0x36: {  	p1 =	seq.s32 s10, $0x1;
	s10 =	sld [smem:$0x3FAF];
	_ =	sdelay $0x3  }
0x37: {  	[smem:$0x3FAF] =	sst s10  }
0x38: {  	s10 =	sld [smem:$0x3FB0]  }
0x39: {  	_ = 	snop;
	(pc) =	sbr.ind lr, $3  }
0x3a: {  	_ = 	snop  }
0x3b: {  	_ = 	snop  }
0x3c: {  	p2 =	seq.s32 s10, $0x1;
	s10 =	sld [smem:$0x3FAF]  }
0x3d: {  	_ =	shalt  }
0x3e: {  	_ =	shalt  }
0x3f: {  	_ =	shalt  }
0x40: {  	_ =	shalt  }
0x41: {  	_ =	shalt  }
0x42: {  	_ =	shalt  }
0x43: {  	_ =	shalt  }
0x44: {  	_ =	shalt  }
0x45: {  	_ =	shalt  }
0x46: {  	_ =	shalt  }
0x47: {  	_ =	shalt  }
0x48: {  	_ =	shalt  }
0x49: {  	_ =	shalt  }
0x4a: {  	_ =	shalt  }
0x4b: {  	_ =	shalt  }
0x4c: {  	_ =	shalt  }
0x4d: {  	_ =	shalt  }
0x4e: {  	_ =	shalt  }
0x4f: {  	_ =	shalt  }
0x50: {  	_ =	shalt  }
0x51: {  	_ =	shalt  }
0x52: {  	_ =	shalt  }
0x53: {  	_ =	shalt  }
0x54: {  	_ =	shalt  }
0x55: {  	_ =	shalt  }
0x56: {  	_ =	shalt  }
0x57: {  	_ =	shalt  }
0x58: {  	_ =	shalt  }
0x59: {  	_ =	shalt  }
0x5a: {  	_ =	shalt  }
0x5b: {  	_ =	shalt  }
0x5c: {  	_ =	shalt  }
0x5d: {  	_ =	shalt  }
0x5e: {  	_ =	shalt  }
0x5f: {  	_ =	shalt  }
0x60: {  	_ =	shalt  }
0x61: {  	_ =	shalt  }
0x62: {  	_ =	shalt  }
0x63: {  	_ =	shalt  }
0x64: {  	_ =	shalt  }
0x65: {  	_ =	shalt  }
0x66: {  	_ =	shalt  }
0x67: {  	_ =	shalt  }
0x68: {  	_ =	shalt  }
0x69: {  	_ =	shalt  }
0x6a: {  	_ =	shalt  }
0x6b: {  	_ =	shalt  }
0x6c: {  	_ =	shalt  }
0x6d: {  	_ =	shalt  }
0x6e: {  	_ =	shalt  }
0x6f: {  	_ =	shalt  }
0x70: {  	_ =	shalt  }
0x71: {  	_ =	shalt  }
0x72: {  	_ =	shalt  }
0x73: {  	_ =	shalt  }
0x74: {  	_ =	shalt  }
0x75: {  	_ =	shalt  }
0x76: {  	_ =	shalt  }
0x77: {  	_ =	shalt  }
0x78: {  	_ =	shalt  }
0x79: {  	_ =	shalt  }
0x7a: {  	_ =	shalt  }
0x7b: {  	_ =	shalt  }
0x7c: {  	_ =	shalt  }
0x7d: {  	_ =	shalt  }
0x7e: {  	_ =	shalt  }
0x7f: {  	_ =	shalt  }
0x80: {  	_ =	shalt  }
0x81: {  	_ =	shalt  }
0x82: {  	_ =	shalt  }
0x83: {  	_ =	shalt  }
0x84: {  	_ =	shalt  }
0x85: {  	_ =	shalt  }
0x86: {  	_ =	shalt  }
0x87: {  	_ =	shalt  }
.Lfunc_end0:
.L_simem_size_0:
called_computation.3_lowered:
.L_overlay_start_0:
0x88: {  	s2 =	sld [smem:$0x3FD9]  }
0x89: {  	s3 =	sld [smem:$0x3FFE];
	_ =	sdelay $0x1  }
0x8a: {  	s1 =	srdreg.scid  }
0x8b: {  	s0 =	sand.u32 $0x1, s1  }
0x8c: {  	s17 =	sshll.u32 s0, $0xA;
	s2 =	sadd.s32 s3, s2  }
0x8d: {  	s2 =	sadd.s32 s2, s17  }
0x8e: {  	[smem:$0x3FBB] =	sst s2  }
0x8f: {  	_ = 	snop  }
0x90: {  	s18 =	sld [smem:$0x3FD0];
	(tm) =	ssettm $0x1  }
0x91: {  	s19 =	sld [smem:$0x3FFB];
	_ =	sdelay $0x3  }
0x92: {  	_ =	strace s19  }
0x93: {  	s2 =	sld [smem:$0x3FFC];
	_ =	sdelay $0x3  }
0x94: {  	_ =	strace s2  }
0x95: {  	s2 =	sld [smem:$0x3FFD];
	_ =	sdelay $0x3  }
0x96: {  	_ =	strace s2  }
0x97: {  	_ =	strace $0x8FFFFFFF  }
0x98: {  	s20 =	sld [smem:$0x3FDB];
	_ =	sdelay $0x1  }
0x99: {  	s4 =	simm.s32 $_scs_section_size  }
0x9a: {  	s5 =	simm.s32 $_size__tile_overlayer_lowered;
	s6 =	simm.s32 $_tile_overlayer_lowered  }
0x9b: {  	s7 =	simm.s32 $0x1BFF;
	s21 =	sshll.u32 s6, $0x1;
	s4 =	sadd.s32 s4, s20  }
0x9c: {  	s22 =	simm.s32 $0x0;
	s5 =	sshll.u32 s5, $0x1;
	s6 =	sadd.s32 s21, s4  }
0x9d: {  	[timem:s22], [sflag:s7] =	dma.local [hbm:s6], s5  }
0x9e: {  	_ =	swait.ge [sflag:s7], s5  }
0x9f: {  	s5 =	ssub.s32 $0x0, s5;
	[sflag:s7] =	ssyncset.done $0x0  }
0xa0: {  	[sflag:s7] =	ssyncadd.s32 s5;
	_ =	sdelay $0x1  }
0xa1: {  	s23 =	simm.s32 $0x1B8B  }
0xa2: {  	_ =	swait.ge [sflag:s23], $0x1  }
0xa3: {  	[sflag:s23] =	ssyncset.done $0x0  }
0xa4: {  	[sflag:s23] =	ssyncadd.s32 $0xFFFFFFFF  }
0xa5: {  	s5 =	sld [smem:$0x0]  }
0xa6: {  	s6 =	sand.u32 $0xFFFFFFFE, s1  }
0xa7: {  	p0 =	sne.s32 s1, s6  }
0xa8: {  	s6 =	sshll.u32 @p0 s6, $0xE  }
0xa9: {  	s6 =	sadd.s32 @p0 $0x11B8D, s6;
	s7 =	sshll.u32 @p0 s5, $0x11  }
0xaa: {  	s6 =	sor.u32 @p0 s7, s6  }
0xab: {  	[sflag:s6] =	ssyncadd.remote.s32 @p0 $0x1;
	_ =	sdelay $0x1  }
0xac: {  	s6 =	simm.s32 @p0 $0x1B8D  }
0xad: {  	_ =	swait.eq @p0 [sflag:s6], $0x1  }
0xae: {  	[sflag:s6] =	ssyncadd.s32 @p0 $0xFFFFFFFF  }
0xaf: {  	s7 =	sshll.u32 @!p0 s1, $0xE  }
0xb0: {  	s7 =	sor.u32 @!p0 $0x4000, s7;
	s6 =	simm.s32 @!p0 $0x1B8D  }
0xb1: {  	s5 =	sshll.u32 @!p0 s5, $0x11;
	s7 =	sadd.s32 @!p0 $0x11B8D, s7;
	_ =	swait.eq @!p0 [sflag:s6], $0x1  }
0xb2: {  	s5 =	sor.u32 @!p0 s5, s7;
	[sflag:s6] =	ssyncadd.s32 @!p0 $0xFFFFFFFF  }
0xb3: {  	s25 =	simm.s32 $0x1B8E;
	s24 =	sld [smem:$0x3FFE];
	[sflag:s5] =	ssyncadd.remote.s32 @!p0 $0x1  }
0xb4: {  	s26 =	simm.s32 $execute0_lowered;
	[smem:$0x3FD2] =	sst s25  }
0xb5: {  	s6 =	sshll.u32 s26, $0x1;
	_ =	strace $0x80000049;
	[dreg:$0x1] =	wrdreg $0xFFFFFFFF  }
0xb6: {  	s28 =	simm.s32 $_size_execute0_lowered;
	s4 =	sadd.s32 s4, s6;
	[dreg:$0x0] =	wrdreg $0x0  }
0xb7: {  	s6 =	sshll.u32 s28, $0x1;
	[dreg:$0x2] =	wrdreg s4  }
0xb8: {  	[dreg:$0x3] =	wrdreg s6  }
0xb9: {  	[dreg:$0x4] =	wrdreg $0xC0  }
0xba: {  	_ =	task [dreg:s22], $0x5FFFF  }
0xbb: {  	[dreg:$0x1] =	wrdreg $0xFFFFFFFF  }
0xbc: {  	[dreg:$0x0] =	wrdreg $0x60  }
0xbd: {  	[dreg:$0x2] =	wrdreg s18  }
0xbe: {  	[dreg:$0x3] =	wrdreg s24  }
0xbf: {  	[dreg:$0x4] =	wrdreg $0xC  }
0xc0: {  	_ =	task.clear_ibuf [dreg:s22], $0x5FFFF;
	_ =	strace $0x90000049  }
0xc1: {  	s29 =	simm.s32 $0xC;
	_ =	strace $0x8000004B  }
0xc2: {  	_ =	swait.ge [sflag:s29], $0x1  }
0xc3: {  	[sflag:s29] =	ssyncadd.s32 $0xFFFFFFFF  }
0xc4: {  	_ =	strace $0x9000004B  }
0xc5: {  	_ =	sfence  }
0xc6: {  	s30 =	sld [smem:$0x0];
	_ =	sdelay $0x2  }
0xc7: {  	s31 =	sshll.u32 s1, $0xD;
	s1 =	sshrl.u32 s1, $0x2  }
0xc8: {  	s4 =	sand.u32 $0x4000, s31;
	s1 =	sadd.s32 s1, s30  }
0xc9: {  	s0 =	sor.u32 s4, s0;
	s1 =	sshll.u32 s1, $0x11  }
0xca: {  	s0 =	sor.u32 s1, s0  }
0xcb: {  	s0 =	sadd.s32 $0x8F2B, s0  }
0xcc: {  	[sflag:s0] =	ssyncadd.remote.s32 $0x1  }
0xcd: {  	_ =	sfence.sel $0xFFFF  }
0xce: {  	[dreg:$0x0] =	wrdreg $0xFFFFFFFF;
	(pc) =	sbr.abs _section_cstart, $3  }
0xcf: {  	[dreg:$0x1] =	wrdreg $0xFFFFFFFF  }
0xd0: {  	_ =	task.clear_ibuf [dreg:s22], $0x2FFFF;
	_ =	strace $0x9FFFFFFF  }
0xd1: {  	(tm) =	ssettm $0x7FFFFFFF  }
tec
execute0_lowered:
.L_overlay_start_1:
0x0: {  	(tag) =	ssettag $0x1  }
0x1: {  	s2 =	rddreg [dreg:$0x0];
	s0 =	srdreg.scid  }
0x2: {  	s10 =	stileid.u32;
	s1 =	rddreg [dreg:$0x1]  }
0x3: {  	s3 =	simm.s32 $0x0;
	s12 =	simm.s32 $0x9;
	s13 =	simm.s32 $0x50  }
0x4: {  	s14 =	simm.s32 $0x800;
	s15 =	simm.s32 $0x3000;
	s16 =	simm.s32 $0x1  }
0x5: {  	s18 =	simm.s32 $0x5800;
	s19 =	simm.s32 $0x2;
	s21 =	simm.s32 $0x8000  }
0x6: {  	s28 =	simm.s32 $0x190;
	s29 =	simm.s32 $0x7;
	s30 =	simm.s32 $0x8  }
0x7: {  	s0 =	sand.u32 $0x1, s0;
	s4 =	sshll.u32 s10, $0x1;
	s10 =	smul.u32 $0xFA00, s10  }
0x8: {  	s5 =	sor.u32 s0, s4;
	s7 =	ssub.s32 $0x2, s0;
	s0 =	smul.u32 $0x7D00, s0  }
0x9: {  	s31 =	simm.s32 $0x0;
	[smem:$0x7FF] =	sst s3;
	s6 =	smul.u32 $0x7D0, s5  }
0xa: {  	_ =	strace $0x8000004A;
	s8 =	smul.u32 $0x3E800, s5;
	s9 =	sshrl.u32 s7, $0x1  }
0xb: {  	s25 =	smul.u32 $0x7D00, s5;
	s7 =	ssub.s32 s7, s9;
	s22 =	sshrl.u32 s6, $0x3  }
0xc: {  	s8 =	sshrl.u32 s8, $0x3;
	s23 =	sshll.u32 s6, $0x4;
	s6 =	smax.u32 s7, $0x1  }
0xd: {  	s4 =	sadd.s32 s22, s1;
	s1 =	sadd.s32 $0x162E00, s1;
	s22 =	simm.s32 $0x3  }
.Ltmp0:
0xe: {  	s4 =	sadd.s32 $0x14C00, s4;
	s24 =	sadd.s32 s1, s8;
	(pc) =	sbr.rel .LBB2_1-.Ltmp0, $4  }
0xf: {  	s7 =	sadd.s32 s1, s25;
	s26 =	sadd.s32 s1, s23;
	s1 =	sadd.s32 s10, s1  }
0x10: {  	s23 =	simm.s32 $0x5;
	s25 =	simm.s32 $0x4;
	s5 =	sadd.s32 $0x7800, s24  }
0x11: {  	s8 =	sadd.s32 $0x500, s26;
	s9 =	sadd.s32 $0xA00, s7;
	s10 =	sadd.s32 $0xF00, s7  }
0x12: {  	s11 =	sadd.s32 s0, s1;
	s24 =	simm.s32 $0x140;
	s26 =	simm.s32 $0x6  }
.LBB2_4:
0x13: {  	_ =	swait.ge [sflag:s16], $0x2800  }
0x14: {  	[sflag:s16] =	ssyncset.done $0x0  }
0x15: {  	[sflag:s16] =	ssyncadd.s32 $0xFFFFD800  }
0x16: {  	[hbm4b:s5+s3] =	stream.linear.scatter [tilespmem:s14], [sflag:$0x5], $0x2800, $0x38;
	[tilespmem:$0xA800] =	vst v63  }
0x17: {  	_ =	swait.ge [sflag:s26], $0x2800  }
0x18: {  	[sflag:s26] =	ssyncset.done $0x0  }
0x19: {  	[sflag:s26] =	ssyncadd.s32 $0xFFFFD800  }
0x1a: {  	_ =	swait.ge [sflag:s29], $0x2800  }
0x1b: {  	[sflag:s29] =	ssyncset.done $0x0  }
0x1c: {  	s31 =	sadd.s32 $0x1, s31;
	[sflag:s29] =	ssyncadd.s32 $0xFFFFD800  }
0x1d: {  	p0 =	sne.s32 s31, s6;
	_ =	swait.ge [sflag:s30], $0x2800  }
.Ltmp1:
0x1e: {  	[sflag:s30] =	ssyncset.done $0x0;
	(pc) =	sbr.rel @!p0 .LBB2_5-.Ltmp1, $4  }
0x1f: {  	[sflag:s30] =	ssyncadd.s32 $0xFFFFD800  }
0x20: {  	_ =	swait.ge [sflag:s23], $0x2800  }
0x21: {  	[sflag:s23] =	ssyncset.done $0x0  }
0x22: {  	[sflag:s23] =	ssyncadd.s32 $0xFFFFD800  }
.LBB2_1:
0x23: {  	[tilespmem:s3], [sflag:$0x9] =	stream.linear.gather [hbm4b:s4+s3], $0x7D0, $0x38;
	[tilespmem:$0xA800] =	vst v63  }
0x24: {  	_ =	swait.ge [sflag:s12], $0x7D0  }
0x25: {  	[sflag:s12] =	ssyncset.done $0x0  }
0x26: {  	[sflag:s12] =	ssyncadd.s32 $0xFFFFF830  }
0x27: {  	[tilespmem:s14], [sflag:$0x1] =	stream.indirect.gather [hbm4b:s2+s13], $0x80, s3, s13, $0xb8;
	[tilespmem:$0xA800] =	vst v63  }
0x28: {  	_ = 	snop  }
0x29: {  	[tilespmem:s15], [sflag:$0x2] =	stream.indirect.gather [hbm4b:s2+s13], $0x80, s13, s13, $0xb8;
	[tilespmem:$0xA800] =	vst v63  }
0x2a: {  	_ =	swait.ge [sflag:s16], $0x2800  }
0x2b: {  	[sflag:s16] =	ssyncset.done $0x0  }
0x2c: {  	[sflag:s16] =	ssyncadd.s32 $0xFFFFD800  }
0x2d: {  	[hbm4b:s7+s3] =	stream.linear.scatter [tilespmem:s14], [sflag:$0x5], $0x2800, $0x38;
	[tilespmem:$0xA800] =	vst v63  }
0x2e: {  	s0 =	simm.s32 $0xA0  }
0x2f: {  	[tilespmem:s18], [sflag:$0x3] =	stream.indirect.gather [hbm4b:s2+s13], $0x80, s0, s13, $0xb8;
	[tilespmem:$0xA800] =	vst v63  }
0x30: {  	_ =	swait.ge [sflag:s19], $0x2800  }
0x31: {  	[sflag:s19] =	ssyncset.done $0x0  }
0x32: {  	[sflag:s19] =	ssyncadd.s32 $0xFFFFD800  }
0x33: {  	[hbm4b:s8+s3] =	stream.linear.scatter [tilespmem:s15], [sflag:$0x6], $0x2800, $0x38;
	[tilespmem:$0xA800] =	vst v63  }
0x34: {  	s20 =	simm.s32 $0xF0  }
0x35: {  	[tilespmem:s21], [sflag:$0x4] =	stream.indirect.gather [hbm4b:s2+s13], $0x80, s20, s13, $0xb8;
	[tilespmem:$0xA800] =	vst v63  }
0x36: {  	_ =	swait.ge [sflag:s22], $0x2800  }
0x37: {  	[sflag:s22] =	ssyncset.done $0x0  }
0x38: {  	[sflag:s22] =	ssyncadd.s32 $0xFFFFD800  }
0x39: {  	[hbm4b:s9+s3] =	stream.linear.scatter [tilespmem:s18], [sflag:$0x7], $0x2800, $0x38;
	[tilespmem:$0xA800] =	vst v63  }
0x3a: {  	_ =	swait.ge [sflag:s23], $0x2800  }
0x3b: {  	[sflag:s23] =	ssyncset.done $0x0  }
0x3c: {  	[sflag:s23] =	ssyncadd.s32 $0xFFFFD800  }
0x3d: {  	[tilespmem:s14], [sflag:$0x1] =	stream.indirect.gather [hbm4b:s2+s13], $0x80, s24, s13, $0xb8;
	[tilespmem:$0xA800] =	vst v63  }
0x3e: {  	_ =	swait.ge [sflag:s25], $0x2800  }
0x3f: {  	[sflag:s25] =	ssyncset.done $0x0  }
0x40: {  	[sflag:s25] =	ssyncadd.s32 $0xFFFFD800  }
0x41: {  	[hbm4b:s10+s3] =	stream.linear.scatter [tilespmem:s21], [sflag:$0x8], $0x2800, $0x38;
	[tilespmem:$0xA800] =	vst v63  }
0x42: {  	_ =	swait.ge [sflag:s26], $0x2800  }
0x43: {  	[sflag:s26] =	ssyncset.done $0x0  }
0x44: {  	s1 =	simm.s32 $0x2D0;
	s0 =	simm.s32 $0x0;
	[sflag:s26] =	ssyncadd.s32 $0xFFFFD800  }
0x45: {  	[tilespmem:s15], [sflag:$0x2] =	stream.indirect.gather [hbm4b:s2+s13], $0x80, s28, s13, $0xb8;
	[tilespmem:$0xA800] =	vst v63  }
.LBB2_2:
0x46: {  	_ =	swait.ge [sflag:s16], $0x2800  }
0x47: {  	s17 =	sadd.s32 s0, s11;
	[sflag:s16] =	ssyncset.done $0x0  }
0x48: {  	s20 =	sadd.s32 $0x1400, s17;
	[sflag:s16] =	ssyncadd.s32 $0xFFFFD800  }
0x49: {  	[hbm4b:s20+s3] =	stream.linear.scatter [tilespmem:s14], [sflag:$0x5], $0x2800, $0x38;
	[tilespmem:$0xA800] =	vst v63  }
0x4a: {  	_ =	swait.ge [sflag:s29], $0x2800  }
0x4b: {  	[sflag:s29] =	ssyncset.done $0x0  }
0x4c: {  	s20 =	sadd.s32 $0xFFFFFF10, s1;
	[sflag:s29] =	ssyncadd.s32 $0xFFFFD800  }
0x4d: {  	[tilespmem:s18], [sflag:$0x3] =	stream.indirect.gather [hbm4b:s2+s13], $0x80, s20, s13, $0xb8;
	[tilespmem:$0xA800] =	vst v63  }
0x4e: {  	_ =	swait.ge [sflag:s19], $0x2800  }
0x4f: {  	[sflag:s19] =	ssyncset.done $0x0  }
0x50: {  	s20 =	sadd.s32 $0x1900, s17;
	[sflag:s19] =	ssyncadd.s32 $0xFFFFD800  }
0x51: {  	[hbm4b:s20+s3] =	stream.linear.scatter [tilespmem:s15], [sflag:$0x6], $0x2800, $0x38;
	[tilespmem:$0xA800] =	vst v63  }
0x52: {  	_ =	swait.ge [sflag:s30], $0x2800  }
0x53: {  	[sflag:s30] =	ssyncset.done $0x0  }
0x54: {  	s20 =	sadd.s32 $0xFFFFFF60, s1;
	[sflag:s30] =	ssyncadd.s32 $0xFFFFD800  }
0x55: {  	[tilespmem:s21], [sflag:$0x4] =	stream.indirect.gather [hbm4b:s2+s13], $0x80, s20, s13, $0xb8;
	[tilespmem:$0xA800] =	vst v63  }
0x56: {  	_ =	swait.ge [sflag:s22], $0x2800  }
0x57: {  	[sflag:s22] =	ssyncset.done $0x0  }
0x58: {  	s20 =	sadd.s32 $0x1E00, s17;
	[sflag:s22] =	ssyncadd.s32 $0xFFFFD800  }
0x59: {  	[hbm4b:s20+s3] =	stream.linear.scatter [tilespmem:s18], [sflag:$0x7], $0x2800, $0x38;
	[tilespmem:$0xA800] =	vst v63  }
0x5a: {  	_ =	swait.ge [sflag:s23], $0x2800  }
0x5b: {  	[sflag:s23] =	ssyncset.done $0x0  }
0x5c: {  	p0 =	seq.s32 s0, $0x5000;
	s20 =	sadd.s32 $0xFFFFFFB0, s1;
	[sflag:s23] =	ssyncadd.s32 $0xFFFFD800  }
0x5d: {  	[tilespmem:s14], [sflag:$0x1] =	stream.indirect.gather [hbm4b:s2+s13], $0x80, s20, s13, $0xb8;
	[tilespmem:$0xA800] =	vst v63  }
.Ltmp2:
0x5e: {  	_ = 	snop;
	(pc) =	sbr.rel @p0 .LBB2_4-.Ltmp2, $4  }
0x5f: {  	_ =	swait.ge [sflag:s25], $0x2800  }
0x60: {  	[sflag:s25] =	ssyncset.done $0x0  }
0x61: {  	s17 =	sadd.s32 $0x2300, s17;
	[sflag:s25] =	ssyncadd.s32 $0xFFFFD800  }
0x62: {  	[hbm4b:s17+s3] =	stream.linear.scatter [tilespmem:s21], [sflag:$0x8], $0x2800, $0x38;
	[tilespmem:$0xA800] =	vst v63  }
.Ltmp3:
0x63: {  	_ =	swait.ge [sflag:s26], $0x2800;
	(pc) =	sbr.rel .LBB2_2-.Ltmp3, $4  }
0x64: {  	[sflag:s26] =	ssyncset.done $0x0  }
0x65: {  	[sflag:s26] =	ssyncadd.s32 $0xFFFFD800  }
0x66: {  	[tilespmem:s15], [sflag:$0x2] =	stream.indirect.gather [hbm4b:s2+s13], $0x80, s1, s13, $0xb8;
	[tilespmem:$0xA800] =	vst v63  }
0x67: {  	s0 =	sadd.s32 $0x1400, s0;
	s1 =	sadd.s32 $0x140, s1  }
.LBB2_5:
0x68: {  	_ =	sfence.sel $0x180000  }
0x69: {  	[bflag:$0x0] =	sbarrier.arrive $0xFFFF  }
0x6a: {  	_ =	strace $0x9000004A  }
0x6b: {  	s0 =	stileid.u32;
	[bflag:$0x2] =	sbarrier.arrive $0xFFFF  }
0x6c: {  	p0 =	sne.s32 s0, $0x0;
	s0 =	rddreg [dreg:$0x2]  }
0x6d: {  	s0 =	sadd.s32 @!p0 $0x100000, s0  }
0x6e: {  	[sflag:s0] =	ssyncadd.tile.s32 @!p0 $0x1;
	_ =	shalt  }
.Lfunc_end2:
_tile_overlayer_lowered:
.L_overlay_start_2:
0x6f: {  	(tag) =	ssettag $0x2  }
0x70: {  	s0 =	rddreg [dreg:$0x0];
	s2 =	stileid.u32  }
0x71: {  	s1 =	rddreg [dreg:$0x1];
	p0 =	sne.s32 s2, $0x0  }
0x72: {  	s3 =	rddreg [dreg:$0x2];
	[bflag:$0x3] =	sbarrier.arrive $0xFFFF;
	s2 =	simm.s32 @!p0 $0x1C09  }
0x73: {  	[timem:s3], [sflag:s2] =	dma.local @!p0 [hbm:s0], s1  }
0x74: {  	s0 =	simm.s32 @!p0 $0x9  }
0x75: {  	_ =	swait.ge @!p0 [sflag:s0], s1  }
0x76: {  	s1 =	ssub.s32 @!p0 $0x0, s1;
	[sflag:s0] =	ssyncset.done @!p0 $0x0  }
0x77: {  	[sflag:s0] =	ssyncadd.s32 @!p0 s1  }
0x78: {  	[bflag:$0x3] =	sbarrier.arrive $0xFFFF  }
0x79: {  	_ =	shalt  }

// kernel: kernel.26.cloned.1.call-start
scs
__scs_entry_jumppad:
0x0: {  	(pc) =	sbr.rel $0x88, $3  }
0x1: {  	(tag) =	ssettag $0x0;
	lr =	simm.s32 $0x1  }
0x2: {  	[smem:$0x3F94] =	sst lr;
	_ =	strace $0xD0000000  }
0x3: {  	_ = 	snop  }
0x4: {  	_ = 	snop  }
0x5: {  	_ = 	snop  }
0x6: {  	_ = 	snop  }
0x7: {  	_ = 	snop  }
__scs_overlays_trampoline_lowered:
0x8: {  	[smem:$0x3FA3] =	sst s0  }
0x9: {  	[smem:$0x3FA4] =	sst s1  }
0xa: {  	[smem:$0x3FA5] =	sst s2  }
0xb: {  	[smem:$0x3FA6] =	sst s3  }
0xc: {  	[smem:$0x3FA7] =	sst s4  }
0xd: {  	[smem:$0x3FA8] =	sst s5  }
0xe: {  	[smem:$0x3FA9] =	sst s6  }
0xf: {  	[smem:$0x3FAA] =	sst s7  }
0x10: {  	[smem:$0x3FAB] =	sst s8  }
0x11: {  	[smem:$0x3FAC] =	sst s9;
	s0 =	simm.s32 @!p0 $0x0  }
0x12: {  	s1 =	sld [smem:$0x3F92];
	s0 =	simm.s32 @p0 $0x1  }
0x13: {  	[smem:$0x3FAD] =	sst s0;
	s0 =	simm.s32 @!p1 $0x0  }
0x14: {  	s2 =	sld [smem:$0x3F91];
	s0 =	simm.s32 @p1 $0x1  }
0x15: {  	[smem:$0x3FAE] =	sst s0;
	s0 =	simm.s32 @!p2 $0x0  }
0x16: {  	s3 =	sld [smem:$0x3FDB];
	s0 =	simm.s32 @p2 $0x1  }
0x17: {  	s4 =	simm.s32 $0x1BF5;
	[smem:$0x3FB0] =	sst s0  }
0x18: {  	s0 =	sld [smem:$0x3F93];
	_ =	swait.ge [sflag:s4], $0x0  }
0x19: {  	s7 =	sld [smem:$0x3F94]  }
0x1a: {  	s8 =	sadd.s32 $0xFFFFE003, lr  }
0x1b: {  	s9 =	sadd.s32 $0xFFFFFEF7, lr;
	s5 =	simm.s32 $0xFFFFFFFF;
	p2 =	slt.u32 s8, $0xFFFFF086  }
0x1c: {  	p1 =	slt.u32 s9, $0xF7A;
	s5 =	simm.s32 @!p2 $0x0  }
0x1d: {  	s5 =	simm.s32 @p1 $0x1;
	p0 =	seq.s32 s7, s2  }
0x1e: {  	s7 =	smul.u32 @!p0 $0xF7A, s2;
	p2 =	seq.s32 @!p0 s5, $0x0  }
0x1f: {  	s9 =	smul.u32 $0xF7A, s1;
	s8 =	simm.s32 @!p0 $0x1BF5;
	p2 =	por !p2, p0  }
0x20: {  	[sflag:s8] =	ssyncset.s32 @!p0 $0xFFFFF086;
	s6 =	sadd.s32 @!p0 s3, s7;
	s7 =	simm.s32 @!p0 $0x108  }
0x21: {  	s3 =	sadd.s32 s3, s9;
	s6 =	sadd.s32 @!p0 $0x88, s6;
	s7 =	simm.s32 @p2 $0x1082  }
0x22: {  	[simem:s7], [sflag:s8] =	dma.local @!p0 [hbm:s6], $0xF7A  }
0x23: {  	s9 =	sor.u32 $0xD0000000, s2;
	s6 =	simm.s32 $0x108;
	_ =	swait.ge @!p0 [sflag:s8], $0x0  }
0x24: {  	s3 =	sadd.s32 $0x88, s3;
	s6 =	simm.s32 @!p1 $0x1082;
	[sflag:s4] =	ssyncset.s32 $0xFFFFF086  }
0x25: {  	[simem:s6], [sflag:s4] =	dma.local [hbm:s3], $0xF7A  }
0x26: {  	[smem:$0x3F94] =	sst s1;
	(tag) =	ssettag s2;
	_ =	strace s9  }
0x27: {  	s1 =	sld [smem:$0x3FA4]  }
0x28: {  	s2 =	sld [smem:$0x3FA5]  }
0x29: {  	s4 =	sld [smem:$0x3FA7]  }
0x2a: {  	p0 =	seq.s32 s5, $0x0;
	s5 =	sld [smem:$0x3FA8]  }
0x2b: {  	s6 =	sld [smem:$0x3FA9]  }
0x2c: {  	s7 =	sld [smem:$0x3FAA]  }
0x2d: {  	s3 =	simm.s32 $0x108;
	s8 =	sld [smem:$0x3FAB]  }
0x2e: {  	s3 =	simm.s32 @!p0 $0x1082;
	s9 =	sld [smem:$0x3FAC]  }
0x2f: {  	lr =	sadd.s32 s0, s3;
	s0 =	sld [smem:$0x3FA3]  }
0x30: {  	s3 =	sld [smem:$0x3FA6]  }
0x31: {  	[smem:$0x3FAF] =	sst s10  }
0x32: {  	s10 =	sld [smem:$0x3FAD];
	_ =	sdelay $0x3  }
0x33: {  	p0 =	seq.s32 s10, $0x1;
	s10 =	sld [smem:$0x3FAF];
	_ =	sdelay $0x3  }
0x34: {  	[smem:$0x3FAF] =	sst s10  }
0x35: {  	s10 =	sld [smem:$0x3FAE];
	_ =	sdelay $0x3  }
0x36: {  	p1 =	seq.s32 s10, $0x1;
	s10 =	sld [smem:$0x3FAF];
	_ =	sdelay $0x3  }
0x37: {  	[smem:$0x3FAF] =	sst s10  }
0x38: {  	s10 =	sld [smem:$0x3FB0]  }
0x39: {  	_ = 	snop;
	(pc) =	sbr.ind lr, $3  }
0x3a: {  	_ = 	snop  }
0x3b: {  	_ = 	snop  }
0x3c: {  	p2 =	seq.s32 s10, $0x1;
	s10 =	sld [smem:$0x3FAF]  }
0x3d: {  	_ =	shalt  }
0x3e: {  	_ =	shalt  }
0x3f: {  	_ =	shalt  }
0x40: {  	_ =	shalt  }
0x41: {  	_ =	shalt  }
0x42: {  	_ =	shalt  }
0x43: {  	_ =	shalt  }
0x44: {  	_ =	shalt  }
0x45: {  	_ =	shalt  }
0x46: {  	_ =	shalt  }
0x47: {  	_ =	shalt  }
0x48: {  	_ =	shalt  }
0x49: {  	_ =	shalt  }
0x4a: {  	_ =	shalt  }
0x4b: {  	_ =	shalt  }
0x4c: {  	_ =	shalt  }
0x4d: {  	_ =	shalt  }
0x4e: {  	_ =	shalt  }
0x4f: {  	_ =	shalt  }
0x50: {  	_ =	shalt  }
0x51: {  	_ =	shalt  }
0x52: {  	_ =	shalt  }
0x53: {  	_ =	shalt  }
0x54: {  	_ =	shalt  }
0x55: {  	_ =	shalt  }
0x56: {  	_ =	shalt  }
0x57: {  	_ =	shalt  }
0x58: {  	_ =	shalt  }
0x59: {  	_ =	shalt  }
0x5a: {  	_ =	shalt  }
0x5b: {  	_ =	shalt  }
0x5c: {  	_ =	shalt  }
0x5d: {  	_ =	shalt  }
0x5e: {  	_ =	shalt  }
0x5f: {  	_ =	shalt  }
0x60: {  	_ =	shalt  }
0x61: {  	_ =	shalt  }
0x62: {  	_ =	shalt  }
0x63: {  	_ =	shalt  }
0x64: {  	_ =	shalt  }
0x65: {  	_ =	shalt  }
0x66: {  	_ =	shalt  }
0x67: {  	_ =	shalt  }
0x68: {  	_ =	shalt  }
0x69: {  	_ =	shalt  }
0x6a: {  	_ =	shalt  }
0x6b: {  	_ =	shalt  }
0x6c: {  	_ =	shalt  }
0x6d: {  	_ =	shalt  }
0x6e: {  	_ =	shalt  }
0x6f: {  	_ =	shalt  }
0x70: {  	_ =	shalt  }
0x71: {  	_ =	shalt  }
0x72: {  	_ =	shalt  }
0x73: {  	_ =	shalt  }
0x74: {  	_ =	shalt  }
0x75: {  	_ =	shalt  }
0x76: {  	_ =	shalt  }
0x77: {  	_ =	shalt  }
0x78: {  	_ =	shalt  }
0x79: {  	_ =	shalt  }
0x7a: {  	_ =	shalt  }
0x7b: {  	_ =	shalt  }
0x7c: {  	_ =	shalt  }
0x7d: {  	_ =	shalt  }
0x7e: {  	_ =	shalt  }
0x7f: {  	_ =	shalt  }
0x80: {  	_ =	shalt  }
0x81: {  	_ =	shalt  }
0x82: {  	_ =	shalt  }
0x83: {  	_ =	shalt  }
0x84: {  	_ =	shalt  }
0x85: {  	_ =	shalt  }
0x86: {  	_ =	shalt  }
0x87: {  	_ =	shalt  }
.Lfunc_end0:
.L_simem_size_0:
called_computation.4_lowered:
.L_overlay_start_0:
0x88: {  	s2 =	sld [smem:$0x3FD9]  }
0x89: {  	s3 =	sld [smem:$0x3FFE];
	_ =	sdelay $0x1  }
0x8a: {  	s1 =	srdreg.scid  }
0x8b: {  	s0 =	sand.u32 $0x1, s1  }
0x8c: {  	s17 =	sshll.u32 s0, $0xA;
	s2 =	sadd.s32 s3, s2  }
0x8d: {  	s2 =	sadd.s32 s2, s17  }
0x8e: {  	[smem:$0x3FBB] =	sst s2  }
0x8f: {  	_ = 	snop  }
0x90: {  	s2 =	sld [smem:$0x3FD0];
	(tm) =	ssettm $0x1  }
0x91: {  	s18 =	sld [smem:$0x3FFB];
	_ =	sdelay $0x3  }
0x92: {  	_ =	strace s18  }
0x93: {  	s3 =	sld [smem:$0x3FFC];
	_ =	sdelay $0x3  }
0x94: {  	_ =	strace s3  }
0x95: {  	s3 =	sld [smem:$0x3FFD];
	_ =	sdelay $0x3  }
0x96: {  	_ =	strace s3  }
0x97: {  	_ =	strace $0x8FFFFFFF  }
0x98: {  	s19 =	sld [smem:$0x3FDB];
	_ =	sdelay $0x1  }
0x99: {  	s4 =	simm.s32 $_scs_section_size  }
0x9a: {  	s5 =	simm.s32 $_size__tile_overlayer_lowered;
	s6 =	simm.s32 $_tile_overlayer_lowered  }
0x9b: {  	s22 =	simm.s32 $0x1BFF;
	s21 =	sshll.u32 s6, $0x1;
	s3 =	sadd.s32 s4, s19  }
0x9c: {  	s7 =	simm.s32 $0x0;
	s20 =	sshll.u32 s5, $0x1;
	s5 =	sadd.s32 s21, s3  }
0x9d: {  	[timem:s7], [sflag:s22] =	dma.local [hbm:s5], s20  }
0x9e: {  	_ =	swait.ge [sflag:s22], s20  }
0x9f: {  	s4 =	ssub.s32 $0x0, s20;
	[sflag:s22] =	ssyncset.done $0x0  }
0xa0: {  	[sflag:s22] =	ssyncadd.s32 s4;
	_ =	sdelay $0x1  }
0xa1: {  	s23 =	simm.s32 $0x1B8B  }
0xa2: {  	_ =	swait.ge [sflag:s23], $0x1  }
0xa3: {  	[sflag:s23] =	ssyncset.done $0x0  }
0xa4: {  	s25 =	simm.s32 $0x1B8E;
	s24 =	sld [smem:$0x3FFE];
	[sflag:s23] =	ssyncadd.s32 $0xFFFFFFFF  }
0xa5: {  	s26 =	simm.s32 $execute0_lowered;
	[smem:$0x3FD2] =	sst s25  }
0xa6: {  	s5 =	sshll.u32 s26, $0x1;
	_ =	strace $0x80000046;
	[dreg:$0x1] =	wrdreg $0xFFFFFFFF  }
0xa7: {  	s28 =	simm.s32 $_size_execute0_lowered;
	s3 =	sadd.s32 s3, s5;
	[dreg:$0x0] =	wrdreg $0x0  }
0xa8: {  	s5 =	sshll.u32 s28, $0x1;
	[dreg:$0x2] =	wrdreg s3  }
0xa9: {  	[dreg:$0x3] =	wrdreg s5  }
0xaa: {  	[dreg:$0x4] =	wrdreg $0xC0  }
0xab: {  	_ =	task [dreg:s7], $0x5FFFF  }
0xac: {  	[dreg:$0x1] =	wrdreg $0xFFFFFFFF  }
0xad: {  	[dreg:$0x0] =	wrdreg $0x60  }
0xae: {  	[dreg:$0x2] =	wrdreg s2  }
0xaf: {  	[dreg:$0x3] =	wrdreg s24  }
0xb0: {  	[dreg:$0x4] =	wrdreg $0xD  }
0xb1: {  	_ =	task.clear_ibuf [dreg:s7], $0x5FFFF;
	_ =	strace $0x90000046  }
0xb2: {  	s29 =	simm.s32 $0xD;
	_ =	strace $0x80000048  }
0xb3: {  	_ =	swait.ge [sflag:s29], $0x1  }
0xb4: {  	[sflag:s29] =	ssyncadd.s32 $0xFFFFFFFF  }
0xb5: {  	_ =	strace $0x90000048  }
0xb6: {  	_ =	sfence  }
0xb7: {  	s30 =	sld [smem:$0x0];
	_ =	sdelay $0x2  }
0xb8: {  	s31 =	sshll.u32 s1, $0xD;
	s1 =	sshrl.u32 s1, $0x2  }
0xb9: {  	s3 =	sand.u32 $0x4000, s31;
	s1 =	sadd.s32 s1, s30  }
0xba: {  	s0 =	sor.u32 s3, s0;
	s1 =	sshll.u32 s1, $0x11  }
0xbb: {  	s0 =	sor.u32 s1, s0  }
0xbc: {  	s0 =	sadd.s32 $0x8F2B, s0  }
0xbd: {  	[sflag:s0] =	ssyncadd.remote.s32 $0x1  }
0xbe: {  	_ =	sfence.sel $0xFFFF  }
0xbf: {  	[dreg:$0x0] =	wrdreg $0xFFFFFFFF;
	(pc) =	sbr.abs _section_cstart, $3  }
0xc0: {  	[dreg:$0x1] =	wrdreg $0xFFFFFFFF  }
0xc1: {  	_ =	task.clear_ibuf [dreg:s7], $0x2FFFF;
	_ =	strace $0x9FFFFFFF  }
0xc2: {  	(tm) =	ssettm $0x7FFFFFFF  }
0xc3: {  	_ =	shalt  }
tec
execute0_lowered:
.L_overlay_start_1:
0x0: {  	(tag) =	ssettag $0x1  }
0x1: {  	s2 =	rddreg [dreg:$0x0];
	s0 =	srdreg.scid  }
0x2: {  	s10 =	stileid.u32;
	s1 =	rddreg [dreg:$0x1]  }
0x3: {  	s3 =	simm.s32 $0x0;
	s12 =	simm.s32 $0x9;
	s13 =	simm.s32 $0x50  }
0x4: {  	s14 =	simm.s32 $0x800;
	s15 =	simm.s32 $0x3000;
	s16 =	simm.s32 $0x1  }
0x5: {  	s18 =	simm.s32 $0x5800;
	s19 =	simm.s32 $0x2;
	s21 =	simm.s32 $0x8000  }
0x6: {  	s28 =	simm.s32 $0x190;
	s29 =	simm.s32 $0x7;
	s30 =	simm.s32 $0x8  }
0x7: {  	s0 =	sand.u32 $0x1, s0;
	s4 =	sshll.u32 s10, $0x1;
	s10 =	smul.u32 $0xFA00, s10  }
0x8: {  	s5 =	sor.u32 s0, s4;
	s7 =	ssub.s32 $0x2, s0;
	s0 =	smul.u32 $0x7D00, s0  }
0x9: {  	s31 =	simm.s32 $0x0;
	[smem:$0x7FF] =	sst s3;
	s6 =	smul.u32 $0x7D0, s5  }
0xa: {  	_ =	strace $0x80000047;
	s8 =	smul.u32 $0x3E800, s5;
	s9 =	sshrl.u32 s7, $0x1  }
0xb: {  	s25 =	smul.u32 $0x7D00, s5;
	s7 =	ssub.s32 s7, s9;
	s22 =	sshrl.u32 s6, $0x3  }
0xc: {  	s8 =	sshrl.u32 s8, $0x3;
	s23 =	sshll.u32 s6, $0x4;
	s6 =	smax.u32 s7, $0x1  }
0xd: {  	s4 =	sadd.s32 s22, s1;
	s1 =	sadd.s32 $0x68E00, s1;
	s22 =	simm.s32 $0x3  }
.Ltmp0:
0xe: {  	s4 =	sadd.s32 $0x12C00, s4;
	s24 =	sadd.s32 s1, s8;
	(pc) =	sbr.rel .LBB2_1-.Ltmp0, $4  }
0xf: {  	s7 =	sadd.s32 s1, s25;
	s26 =	sadd.s32 s1, s23;
	s1 =	sadd.s32 s10, s1  }
0x10: {  	s23 =	simm.s32 $0x5;
	s25 =	simm.s32 $0x4;
	s5 =	sadd.s32 $0x7800, s24  }
0x11: {  	s8 =	sadd.s32 $0x500, s26;
	s9 =	sadd.s32 $0xA00, s7;
	s10 =	sadd.s32 $0xF00, s7  }
0x12: {  	s11 =	sadd.s32 s0, s1;
	s24 =	simm.s32 $0x140;
	s26 =	simm.s32 $0x6  }
.LBB2_4:
0x13: {  	_ =	swait.ge [sflag:s16], $0x2800  }
0x14: {  	[sflag:s16] =	ssyncset.done $0x0  }
0x15: {  	[sflag:s16] =	ssyncadd.s32 $0xFFFFD800  }
0x16: {  	[hbm4b:s5+s3] =	stream.linear.scatter [tilespmem:s14], [sflag:$0x5], $0x2800, $0x38;
	[tilespmem:$0xA800] =	vst v63  }
0x17: {  	_ =	swait.ge [sflag:s26], $0x2800  }
0x18: {  	[sflag:s26] =	ssyncset.done $0x0  }
0x19: {  	[sflag:s26] =	ssyncadd.s32 $0xFFFFD800  }
0x1a: {  	_ =	swait.ge [sflag:s29], $0x2800  }
0x1b: {  	[sflag:s29] =	ssyncset.done $0x0  }
0x1c: {  	s31 =	sadd.s32 $0x1, s31;
	[sflag:s29] =	ssyncadd.s32 $0xFFFFD800  }
0x1d: {  	p0 =	sne.s32 s31, s6;
	_ =	swait.ge [sflag:s30], $0x2800  }
.Ltmp1:
0x1e: {  	[sflag:s30] =	ssyncset.done $0x0;
	(pc) =	sbr.rel @!p0 .LBB2_5-.Ltmp1, $4  }
0x1f: {  	[sflag:s30] =	ssyncadd.s32 $0xFFFFD800  }
0x20: {  	_ =	swait.ge [sflag:s23], $0x2800  }
0x21: {  	[sflag:s23] =	ssyncset.done $0x0  }
0x22: {  	[sflag:s23] =	ssyncadd.s32 $0xFFFFD800  }
.LBB2_1:
0x23: {  	[tilespmem:s3], [sflag:$0x9] =	stream.linear.gather [hbm4b:s4+s3], $0x7D0, $0x38;
	[tilespmem:$0xA800] =	vst v63  }
0x24: {  	_ =	swait.ge [sflag:s12], $0x7D0  }
0x25: {  	[sflag:s12] =	ssyncset.done $0x0  }
0x26: {  	[sflag:s12] =	ssyncadd.s32 $0xFFFFF830  }
0x27: {  	[tilespmem:s14], [sflag:$0x1] =	stream.indirect.gather [hbm4b:s2+s13], $0x80, s3, s13, $0xb8;
	[tilespmem:$0xA800] =	vst v63  }
0x28: {  	_ = 	snop  }
0x29: {  	[tilespmem:s15], [sflag:$0x2] =	stream.indirect.gather [hbm4b:s2+s13], $0x80, s13, s13, $0xb8;
	[tilespmem:$0xA800] =	vst v63  }
0x2a: {  	_ =	swait.ge [sflag:s16], $0x2800  }
0x2b: {  	[sflag:s16] =	ssyncset.done $0x0  }
0x2c: {  	[sflag:s16] =	ssyncadd.s32 $0xFFFFD800  }
0x2d: {  	[hbm4b:s7+s3] =	stream.linear.scatter [tilespmem:s14], [sflag:$0x5], $0x2800, $0x38;
	[tilespmem:$0xA800] =	vst v63  }
0x2e: {  	s0 =	simm.s32 $0xA0  }
0x2f: {  	[tilespmem:s18], [sflag:$0x3] =	stream.indirect.gather [hbm4b:s2+s13], $0x80, s0, s13, $0xb8;
	[tilespmem:$0xA800] =	vst v63  }
0x30: {  	_ =	swait.ge [sflag:s19], $0x2800  }
0x31: {  	[sflag:s19] =	ssyncset.done $0x0  }
0x32: {  	[sflag:s19] =	ssyncadd.s32 $0xFFFFD800  }
0x33: {  	[hbm4b:s8+s3] =	stream.linear.scatter [tilespmem:s15], [sflag:$0x6], $0x2800, $0x38;
	[tilespmem:$0xA800] =	vst v63  }
0x34: {  	s20 =	simm.s32 $0xF0  }
0x35: {  	[tilespmem:s21], [sflag:$0x4] =	stream.indirect.gather [hbm4b:s2+s13], $0x80, s20, s13, $0xb8;
	[tilespmem:$0xA800] =	vst v63  }
0x36: {  	_ =	swait.ge [sflag:s22], $0x2800  }
0x37: {  	[sflag:s22] =	ssyncset.done $0x0  }
0x38: {  	[sflag:s22] =	ssyncadd.s32 $0xFFFFD800  }
0x39: {  	[hbm4b:s9+s3] =	stream.linear.scatter [tilespmem:s18], [sflag:$0x7], $0x2800, $0x38;
	[tilespmem:$0xA800] =	vst v63  }
0x3a: {  	_ =	swait.ge [sflag:s23], $0x2800  }
0x3b: {  	[sflag:s23] =	ssyncset.done $0x0  }
0x3c: {  	[sflag:s23] =	ssyncadd.s32 $0xFFFFD800  }
0x3d: {  	[tilespmem:s14], [sflag:$0x1] =	stream.indirect.gather [hbm4b:s2+s13], $0x80, s24, s13, $0xb8;
	[tilespmem:$0xA800] =	vst v63  }
0x3e: {  	_ =	swait.ge [sflag:s25], $0x2800  }
0x3f: {  	[sflag:s25] =	ssyncset.done $0x0  }
0x40: {  	[sflag:s25] =	ssyncadd.s32 $0xFFFFD800  }
0x41: {  	[hbm4b:s10+s3] =	stream.linear.scatter [tilespmem:s21], [sflag:$0x8], $0x2800, $0x38;
	[tilespmem:$0xA800] =	vst v63  }
0x42: {  	_ =	swait.ge [sflag:s26], $0x2800  }
0x43: {  	[sflag:s26] =	ssyncset.done $0x0  }
0x44: {  	s1 =	simm.s32 $0x2D0;
	s0 =	simm.s32 $0x0;
	[sflag:s26] =	ssyncadd.s32 $0xFFFFD800  }
0x45: {  	[tilespmem:s15], [sflag:$0x2] =	stream.indirect.gather [hbm4b:s2+s13], $0x80, s28, s13, $0xb8;
	[tilespmem:$0xA800] =	vst v63  }
.LBB2_2:
0x46: {  	_ =	swait.ge [sflag:s16], $0x2800  }
0x47: {  	s17 =	sadd.s32 s0, s11;
	[sflag:s16] =	ssyncset.done $0x0  }
0x48: {  	s20 =	sadd.s32 $0x1400, s17;
	[sflag:s16] =	ssyncadd.s32 $0xFFFFD800  }
0x49: {  	[hbm4b:s20+s3] =	stream.linear.scatter [tilespmem:s14], [sflag:$0x5], $0x2800, $0x38;
	[tilespmem:$0xA800] =	vst v63  }
0x4a: {  	_ =	swait.ge [sflag:s29], $0x2800  }
0x4b: {  	[sflag:s29] =	ssyncset.done $0x0  }
0x4c: {  	s20 =	sadd.s32 $0xFFFFFF10, s1;
	[sflag:s29] =	ssyncadd.s32 $0xFFFFD800  }
0x4d: {  	[tilespmem:s18], [sflag:$0x3] =	stream.indirect.gather [hbm4b:s2+s13], $0x80, s20, s13, $0xb8;
	[tilespmem:$0xA800] =	vst v63  }
0x4e: {  	_ =	swait.ge [sflag:s19], $0x2800  }
0x4f: {  	[sflag:s19] =	ssyncset.done $0x0  }
0x50: {  	s20 =	sadd.s32 $0x1900, s17;
	[sflag:s19] =	ssyncadd.s32 $0xFFFFD800  }
0x51: {  	[hbm4b:s20+s3] =	stream.linear.scatter [tilespmem:s15], [sflag:$0x6], $0x2800, $0x38;
	[tilespmem:$0xA800] =	vst v63  }
0x52: {  	_ =	swait.ge [sflag:s30], $0x2800  }
0x53: {  	[sflag:s30] =	ssyncset.done $0x0  }
0x54: {  	s20 =	sadd.s32 $0xFFFFFF60, s1;
	[sflag:s30] =	ssyncadd.s32 $0xFFFFD800  }
0x55: {  	[tilespmem:s21], [sflag:$0x4] =	stream.indirect.gather [hbm4b:s2+s13], $0x80, s20, s13, $0xb8;
	[tilespmem:$0xA800] =	vst v63  }
0x56: {  	_ =	swait.ge [sflag:s22], $0x2800  }
0x57: {  	[sflag:s22] =	ssyncset.done $0x0  }
0x58: {  	s20 =	sadd.s32 $0x1E00, s17;
	[sflag:s22] =	ssyncadd.s32 $0xFFFFD800  }
0x59: {  	[hbm4b:s20+s3] =	stream.linear.scatter [tilespmem:s18], [sflag:$0x7], $0x2800, $0x38;
	[tilespmem:$0xA800] =	vst v63  }
0x5a: {  	_ =	swait.ge [sflag:s23], $0x2800  }
0x5b: {  	[sflag:s23] =	ssyncset.done $0x0  }
0x5c: {  	p0 =	seq.s32 s0, $0x5000;
	s20 =	sadd.s32 $0xFFFFFFB0, s1;
	[sflag:s23] =	ssyncadd.s32 $0xFFFFD800  }
0x5d: {  	[tilespmem:s14], [sflag:$0x1] =	stream.indirect.gather [hbm4b:s2+s13], $0x80, s20, s13, $0xb8;
	[tilespmem:$0xA800] =	vst v63  }
.Ltmp2:
0x5e: {  	_ = 	snop;
	(pc) =	sbr.rel @p0 .LBB2_4-.Ltmp2, $4  }
0x5f: {  	_ =	swait.ge [sflag:s25], $0x2800  }
0x60: {  	[sflag:s25] =	ssyncset.done $0x0  }
0x61: {  	s17 =	sadd.s32 $0x2300, s17;
	[sflag:s25] =	ssyncadd.s32 $0xFFFFD800  }
0x62: {  	[hbm4b:s17+s3] =	stream.linear.scatter [tilespmem:s21], [sflag:$0x8], $0x2800, $0x38;
	[tilespmem:$0xA800] =	vst v63  }
.Ltmp3:
0x63: {  	_ =	swait.ge [sflag:s26], $0x2800;
	(pc) =	sbr.rel .LBB2_2-.Ltmp3, $4  }
0x64: {  	[sflag:s26] =	ssyncset.done $0x0  }
0x65: {  	[sflag:s26] =	ssyncadd.s32 $0xFFFFD800  }
0x66: {  	[tilespmem:s15], [sflag:$0x2] =	stream.indirect.gather [hbm4b:s2+s13], $0x80, s1, s13, $0xb8;
	[tilespmem:$0xA800] =	vst v63  }
0x67: {  	s0 =	sadd.s32 $0x1400, s0;
	s1 =	sadd.s32 $0x140, s1  }
.LBB2_5:
0x68: {  	_ =	sfence.sel $0x180000  }
0x69: {  	[bflag:$0x0] =	sbarrier.arrive $0xFFFF  }
0x6a: {  	_ =	strace $0x90000047  }
0x6b: {  	s0 =	stileid.u32;
	[bflag:$0x2] =	sbarrier.arrive $0xFFFF  }
0x6c: {  	p0 =	sne.s32 s0, $0x0;
	s0 =	rddreg [dreg:$0x2]  }
0x6d: {  	s0 =	sadd.s32 @!p0 $0x100000, s0  }
0x6e: {  	[sflag:s0] =	ssyncadd.tile.s32 @!p0 $0x1;
	_ =	shalt  }
.Lfunc_end2:
_tile_overlayer_lowered:
.L_overlay_start_2:
0x6f: {  	(tag) =	ssettag $0x2  }
0x70: {  	s0 =	rddreg [dreg:$0x0];
	s2 =	stileid.u32  }
0x71: {  	s1 =	rddreg [dreg:$0x1];
	p0 =	sne.s32 s2, $0x0  }
0x72: {  	s3 =	rddreg [dreg:$0x2];
	[bflag:$0x3] =	sbarrier.arrive $0xFFFF;
	s2 =	simm.s32 @!p0 $0x1C09  }
0x73: {  	[timem:s3], [sflag:s2] =	dma.local @!p0 [hbm:s0], s1  }
0x74: {  	s0 =	simm.s32 @!p0 $0x9  }
0x75: {  	_ =	swait.ge @!p0 [sflag:s0], s1  }
0x76: {  	s1 =	ssub.s32 @!p0 $0x0, s1;
	[sflag:s0] =	ssyncset.done @!p0 $0x0  }
0x77: {  	[sflag:s0] =	ssyncadd.s32 @!p0 s1  }
0x78: {  	[bflag:$0x3] =	sbarrier.arrive $0xFFFF  }
0x79: {  	_ =	shalt  }

</sc_bundles>
